<compile_context>
chip_gen: v7x
topology: tpu7x:2x2x1
jax: 0.10.2.dev20260603
libtpu: 0.0.44.dev20260713+nightly
codegen_flags: <defaults>
</compile_context>

<pallas_src>
import jax
import jax.numpy as jnp
from jax import lax
from jax.experimental import pallas as pl
from jax.experimental.pallas import tpu as pltpu
from jax.experimental.pallas import tpu_sc as plsc

NN = 10000
EE = 320000
DD = 128
HH = 128
LL = 6
NC = 2
NS = 16
NW = NC * NS
EPT = EE // NW
CH = 80
NCH = EPT // CH
NP = 10240
F32 = jnp.float32

_MESH = plsc.VectorSubcoreMesh(core_axis_name="c", subcore_axis_name="s")


def _deg_body(dst3_hbm, zeros_hbm, deg_out, idx_v, ones_v, sem0, sem1,
              deg_sh):
    c = lax.axis_index("c")
    s = lax.axis_index("s")
    w = c * NS + s
    z16 = jnp.zeros((16,), F32)
    one_hot = jnp.where(lax.iota(jnp.int32, 16) == 0, 1.0, 0.0).astype(F32)

    @pl.when(s == 0)
    def _():
        pltpu.sync_copy(zeros_hbm, deg_sh)

    @pl.loop(0, CH)
    def _(r):
        for cc in range(1, 8):
            ones_v[r, pl.ds(cc * 16, 16)] = z16
        ones_v[r, pl.ds(0, 16)] = one_hot

    pltpu.sync_copy(dst3_hbm.at[w], idx_v)
    plsc.subcore_barrier()

    pltpu.async_copy(ones_v, deg_sh.at[idx_v.at[0]], sem0, add=True)
    pltpu.async_copy(ones_v, deg_sh.at[idx_v.at[1]], sem1, add=True)

    @pl.loop(2, NCH - 1, step=2)
    def _(j):
        pltpu.make_async_copy(ones_v, deg_sh.at[idx_v.at[j]], sem0).wait()
        pltpu.async_copy(ones_v, deg_sh.at[idx_v.at[j]], sem0, add=True)
        pltpu.make_async_copy(ones_v, deg_sh.at[idx_v.at[j + 1]], sem1).wait()
        pltpu.async_copy(ones_v, deg_sh.at[idx_v.at[j + 1]], sem1, add=True)

    pltpu.make_async_copy(ones_v, deg_sh.at[idx_v.at[0]], sem0).wait()
    pltpu.make_async_copy(ones_v, deg_sh.at[idx_v.at[1]], sem1).wait()
    pltpu.sync_copy(ones_v, deg_sh.at[idx_v.at[NCH - 1]], add=True)

    @pl.when(s == 0)
    def _():
        pltpu.sync_copy(deg_sh, deg_out.at[pl.ds(c * NP, NP)])


_deg_call = pl.kernel(
    _deg_body,
    out_type=jax.ShapeDtypeStruct((NC * NP, 128), F32),
    mesh=_MESH,
    scratch_types=[
        pltpu.VMEM((NCH, CH), jnp.int32),
        pltpu.VMEM((CH, 128), F32),
        pltpu.SemaphoreType.DMA,
        pltpu.SemaphoreType.DMA,
        pltpu.VMEM_SHARED((NP, 128), F32),
    ],
)


def _agg_body(g_hbm, srcf_hbm, dst3_hbm, zeros_hbm, agg_out, src_v, dst_v,
              buf0, buf1, semg0, semg1, sems0, sems1, agg_sh):
    c = lax.axis_index("c")
    s = lax.axis_index("s")
    w = c * NS + s

    @pl.when(s == 0)
    def _():
        pltpu.sync_copy(zeros_hbm, agg_sh)

    pltpu.sync_copy(srcf_hbm.at[pl.ds(w * EPT, EPT)], src_v)
    pltpu.sync_copy(dst3_hbm.at[w], dst_v)
    plsc.subcore_barrier()

    def _gat(j, buf, sem):
        return pltpu.async_copy(g_hbm.at[src_v.at[pl.ds(j * CH, CH)]], buf,
                                sem)

    _gat(0, buf0, semg0)
    _gat(1, buf1, semg1)

    @pl.loop(0, NCH - 3, step=2)
    def _(j):
        pltpu.make_async_copy(g_hbm.at[src_v.at[pl.ds(j * CH, CH)]], buf0,
                              semg0).wait()
        sa = pltpu.async_copy(buf0, agg_sh.at[dst_v.at[j]], sems0, add=True)
        pltpu.make_async_copy(g_hbm.at[src_v.at[pl.ds(j * CH, CH)]], buf1,
                              semg1).wait()
        sb = pltpu.async_copy(buf1, agg_sh.at[dst_v.at[j + 1]], sems1,
                              add=True)
        sa.wait()
        _gat(j + 2, buf0, semg0)
        sb.wait()
        _gat(j + 3, buf1, semg1)

    pltpu.make_async_copy(g_hbm.at[src_v.at[pl.ds(0, CH)]], buf0,
                          semg0).wait()
    pltpu.sync_copy(buf0, agg_sh.at[dst_v.at[NCH - 3]], add=True)
    pltpu.make_async_copy(g_hbm.at[src_v.at[pl.ds(0, CH)]], buf1,
                          semg1).wait()
    pltpu.sync_copy(buf1, agg_sh.at[dst_v.at[NCH - 2]], add=True)
    pltpu.async_copy(g_hbm.at[src_v.at[pl.ds((NCH - 1) * CH, CH)]], buf0,
                     semg0).wait()
    pltpu.sync_copy(buf0, agg_sh.at[dst_v.at[NCH - 1]], add=True)
    plsc.subcore_barrier()

    @pl.when(s == 0)
    def _():
        pltpu.sync_copy(agg_sh, agg_out.at[pl.ds(c * NP, NP)])


_agg_call = pl.kernel(
    _agg_body,
    out_type=jax.ShapeDtypeStruct((NC * NP, HH), F32),
    mesh=_MESH,
    scratch_types=[
        pltpu.VMEM((EPT,), jnp.int32),
        pltpu.VMEM((NCH, CH), jnp.int32),
        pltpu.VMEM((CH, HH), F32),
        pltpu.VMEM((CH, HH), F32),
        pltpu.SemaphoreType.DMA,
        pltpu.SemaphoreType.DMA,
        pltpu.SemaphoreType.DMA,
        pltpu.SemaphoreType.DMA,
        pltpu.VMEM_SHARED((NP, HH), F32),
    ],
)


def _fin_body(ya_hbm, yb_hbm, s2_hbm, d2_hbm, out_hbm, s2_v, d2_v, bufA0,
              bufB0, bufA1, bufB1, obuf0, obuf1, semA0, semB0, semA1, semB1):
    c = lax.axis_index("c")
    s = lax.axis_index("s")
    w = c * NS + s
    pltpu.sync_copy(s2_hbm.at[w], s2_v)
    pltpu.sync_copy(d2_hbm.at[w], d2_v)

    def _chunk(j, bufA, bufB, obuf):
        @pl.loop(0, CH, unroll=8)
        def _(r):
            obuf[r, :] = bufA[r, pl.ds(0, 16)] + bufB[r, pl.ds(0, 16)]

        pltpu.sync_copy(obuf, out_hbm.at[pl.ds(w * EPT + j * CH, CH)])

    def _gab(j, bufA, semA, bufB, semB):
        pltpu.async_copy(ya_hbm.at[s2_v.at[j]], bufA, semA)
        pltpu.async_copy(yb_hbm.at[d2_v.at[j]], bufB, semB)

    def _dab(bufA, semA, bufB, semB):
        pltpu.make_async_copy(ya_hbm.at[s2_v.at[0]], bufA, semA).wait()
        pltpu.make_async_copy(yb_hbm.at[d2_v.at[0]], bufB, semB).wait()

    _gab(0, bufA0, semA0, bufB0, semB0)
    _gab(1, bufA1, semA1, bufB1, semB1)

    @pl.loop(0, NCH - 3, step=2)
    def _(j):
        _dab(bufA0, semA0, bufB0, semB0)
        _chunk(j, bufA0, bufB0, obuf0)
        _gab(j + 2, bufA0, semA0, bufB0, semB0)
        _dab(bufA1, semA1, bufB1, semB1)
        _chunk(j + 1, bufA1, bufB1, obuf1)
        _gab(j + 3, bufA1, semA1, bufB1, semB1)

    _dab(bufA0, semA0, bufB0, semB0)
    _chunk(NCH - 3, bufA0, bufB0, obuf0)
    _gab(NCH - 1, bufA0, semA0, bufB0, semB0)
    _dab(bufA1, semA1, bufB1, semB1)
    _chunk(NCH - 2, bufA1, bufB1, obuf1)
    _dab(bufA0, semA0, bufB0, semB0)
    _chunk(NCH - 1, bufA0, bufB0, obuf0)


_fin_call = pl.kernel(
    _fin_body,
    out_type=jax.ShapeDtypeStruct((EE, 16), F32),
    mesh=_MESH,
    scratch_types=[
        pltpu.VMEM((NCH, CH), jnp.int32),
        pltpu.VMEM((NCH, CH), jnp.int32),
        pltpu.VMEM((CH, 128), F32),
        pltpu.VMEM((CH, 128), F32),
        pltpu.VMEM((CH, 128), F32),
        pltpu.VMEM((CH, 128), F32),
        pltpu.VMEM((CH, 16), F32),
        pltpu.VMEM((CH, 16), F32),
        pltpu.SemaphoreType.DMA,
        pltpu.SemaphoreType.DMA,
        pltpu.SemaphoreType.DMA,
        pltpu.SemaphoreType.DMA,
    ],
)


def _matT(a, b):
    return lax.dot_general(a, b, (((1,), (1,)), ((), ())),
                           preferred_element_type=F32)


def _prep_body(x_ref, we_ref, be_ref, w1_ref, deg_ref, xe_out, dinv_out,
               g_out):
    deg = deg_ref[0:NN, 0:1] + deg_ref[NP:NP + NN, 0:1] + 1.0
    dinv = lax.rsqrt(deg)
    xe = _matT(x_ref[...], we_ref[...]) + be_ref[...][None, :]
    xe_out[...] = xe
    dinv_out[...] = dinv
    g_out[...] = _matT(xe, w1_ref[...]) * dinv


_prep_call = pl.pallas_call(
    _prep_body,
    out_shape=(
        jax.ShapeDtypeStruct((NN, HH), F32),
        jax.ShapeDtypeStruct((NN, 1), F32),
        jax.ShapeDtypeStruct((NN, HH), F32),
    ),
)


def _layer_core(agg_ref, g_ref, dinv, b_ref, gam_ref, bet_ref, xe_ref):
    out = ((agg_ref[0:NN] + agg_ref[NP:NP + NN] + g_ref[...]) * dinv
           + b_ref[...][None, :])
    m = jnp.mean(out, axis=0, keepdims=True)
    d0 = out - m
    v = jnp.mean(d0 * d0, axis=0, keepdims=True)
    hh = d0 * lax.rsqrt(v + 1e-5) * gam_ref[...][None, :] + bet_ref[...][None, :]
    return xe_ref[...] + jnp.maximum(hh, 0.0)


def _layer_body(agg_ref, g_ref, dinv_ref, b_ref, gam_ref, bet_ref, xe_ref,
                wn_ref, xe_out, g_out):
    dinv = dinv_ref[...]
    xe = _layer_core(agg_ref, g_ref, dinv, b_ref, gam_ref, bet_ref, xe_ref)
    xe_out[...] = xe
    g_out[...] = _matT(xe, wn_ref[...]) * dinv


_layer_call = pl.pallas_call(
    _layer_body,
    out_shape=(
        jax.ShapeDtypeStruct((NN, HH), F32),
        jax.ShapeDtypeStruct((NN, HH), F32),
    ),
)


def _last_body(agg_ref, g_ref, dinv_ref, b_ref, gam_ref, bet_ref, xe_ref,
               wfa_ref, wfb_ref, bfc_ref, ya_out, yb_out):
    dinv = dinv_ref[...]
    xe = _layer_core(agg_ref, g_ref, dinv, b_ref, gam_ref, bet_ref, xe_ref)
    ya = _matT(xe, wfa_ref[...]) + bfc_ref[...][None, :]
    yb = _matT(xe, wfb_ref[...])
    cpad = jnp.zeros((NN, 126), F32)
    rpad = jnp.zeros((NP - NN, 128), F32)
    ya_out[...] = jnp.concatenate(
        [jnp.concatenate([ya, cpad], axis=1), rpad], axis=0)
    yb_out[...] = jnp.concatenate(
        [jnp.concatenate([yb, cpad], axis=1), rpad], axis=0)


_last_call = pl.pallas_call(
    _last_body,
    out_shape=(
        jax.ShapeDtypeStruct((NP, 128), F32),
        jax.ShapeDtypeStruct((NP, 128), F32),
    ),
)


def kernel(x, edge_index, edge_index_out, W_embed, b_embed, W_convs, b_convs,
           gammas, betas, W_fc, b_fc):
    srcf = edge_index[0]
    dst3 = edge_index[1].reshape(NW, NCH, CH)
    s2 = edge_index_out[0].reshape(NW, NCH, CH)
    d2 = edge_index_out[1].reshape(NW, NCH, CH)
    zz = jnp.zeros((NP, HH), F32)

    deg2 = _deg_call(dst3, zz)
    xe, dinv, g = _prep_call(x, W_embed, b_embed, W_convs[0], deg2)
    for i in range(LL):
        agg = _agg_call(g, srcf, dst3, zz)
        if i < LL - 1:
            xe, g = _layer_call(agg, g, dinv, b_convs[i], gammas[i], betas[i],
                                xe, W_convs[i + 1])
        else:
            ya128, yb128 = _last_call(agg, g, dinv, b_convs[i], gammas[i],
                                      betas[i], xe, W_fc[:, :HH], W_fc[:, HH:],
                                      b_fc)
    return _fin_call(ya128, yb128, s2, d2)[:, :2]

# --- scband reference (transcript-rebuilt; emitter-appended) ---
"""Pipeline reference for scband-multi-edge-classifier-20899310862953 (READ-ONLY COPY).

The authoritative reference and input builder live on the scoring server;
editing this copy changes nothing except your own understanding.
"""

import jax, jax.numpy as jnp
import numpy as np

N = 10000
E = 320000
D = 128
H = 128
L = 6
OUT = 2


def setup_inputs(seed: int = 0) -> dict:
    key = jax.random.key(seed)
    ks = jax.random.split(key, 12)
    x = jax.random.normal(ks[0], (N, D), dtype=jnp.float32)
    edge_index = jax.random.randint(ks[1], (2, E), 0, N, dtype=jnp.int32)
    edge_index_out = jax.random.randint(ks[2], (2, E), 0, N, dtype=jnp.int32)
    # learned parameters
    W_embed = jax.random.normal(ks[3], (H, D), dtype=jnp.float32) * (1.0 / np.sqrt(D))
    b_embed = jnp.zeros((H,), dtype=jnp.float32)
    W_convs = jax.random.normal(ks[4], (L, H, H), dtype=jnp.float32) * (1.0 / np.sqrt(H))
    b_convs = jnp.zeros((L, H), dtype=jnp.float32)
    gammas = jnp.ones((L, H), dtype=jnp.float32)
    betas = jnp.zeros((L, H), dtype=jnp.float32)
    W_fc = jax.random.normal(ks[5], (OUT, 2 * H), dtype=jnp.float32) * (1.0 / np.sqrt(2 * H))
    b_fc = jnp.zeros((OUT,), dtype=jnp.float32)
    return {"x": x, "edge_index": edge_index, "edge_index_out": edge_index_out,
            "W_embed": W_embed, "b_embed": b_embed, "W_convs": W_convs, "b_convs": b_convs,
            "gammas": gammas, "betas": betas, "W_fc": W_fc, "b_fc": b_fc}


def _gcn_conv(x, src, dst, W, b):
    # PyG GCNConv: x' = D^{-1/2} (A + I) D^{-1/2} (x W^T) + b
    n = x.shape[0]
    loop = jnp.arange(n, dtype=src.dtype)
    s = jnp.concatenate([src, loop])
    d = jnp.concatenate([dst, loop])
    deg = jnp.zeros((n,), dtype=x.dtype).at[d].add(1.0)
    dinv = jnp.where(deg > 0, 1.0 / jnp.sqrt(deg), 0.0)
    norm = dinv[s] * dinv[d]
    h = x @ W.T
    msg = h[s] * norm[:, None]
    out = jnp.zeros_like(h).at[d].add(msg)
    return out + b


def _batch_norm(h, gamma, beta, eps=1e-5):
    m = jnp.mean(h, axis=0)
    v = jnp.var(h, axis=0)
    return (h - m) / jnp.sqrt(v + eps) * gamma + beta


def reference(x, edge_index, edge_index_out, W_embed, b_embed, W_convs, b_convs, gammas, betas, W_fc, b_fc):
    src, dst = edge_index[0], edge_index[1]
    x_embed = x @ W_embed.T + b_embed
    for i in range(L):
        h = _gcn_conv(x_embed, src, dst, W_convs[i], b_convs[i])
        h = jax.nn.relu(_batch_norm(h, gammas[i], betas[i]))
        x_embed = x_embed + h
    s2, d2 = edge_index_out[0], edge_index_out[1]
    edge_repr = jnp.concatenate([x_embed[s2], x_embed[d2]], axis=-1)
    return edge_repr @ W_fc.T + b_fc

if __name__ == "__main__":
    import jax
    _d = setup_inputs()
    print(jax.jit(kernel)(*tuple(_d.values())))

</pallas_src>

<mosaic_0001>
#map = affine_map<(d0, d1) -> (0, 0)>
#map1 = affine_map<(d0, d1) -> (0)>
#map2 = affine_map<(d0, d1) -> (0, 0, 0)>
module attributes {stable_mosaic.version = 14 : i64} {
  func.func @_agg_body(%arg0: i32, %arg1: i32, %arg2: memref<10000x128xf32, #tpu.memory_space<hbm>>, %arg3: memref<320000xi32, #tpu.memory_space<hbm>>, %arg4: memref<32x125x80xi32, #tpu.memory_space<hbm>>, %arg5: memref<10240x128xf32, #tpu.memory_space<hbm>>, %arg6: memref<20480x128xf32, #tpu.memory_space<hbm>>, %arg7: memref<10000xi32, #tpu.memory_space<vmem>>, %arg8: memref<125x80xi32, #tpu.memory_space<vmem>>, %arg9: memref<80x128xf32, #tpu.memory_space<vmem>>, %arg10: memref<80x128xf32, #tpu.memory_space<vmem>>, %arg11: memref<!tpu.dma_semaphore, #tpu.memory_space<semaphore_mem>>, %arg12: memref<!tpu.dma_semaphore, #tpu.memory_space<semaphore_mem>>, %arg13: memref<!tpu.dma_semaphore, #tpu.memory_space<semaphore_mem>>, %arg14: memref<!tpu.dma_semaphore, #tpu.memory_space<semaphore_mem>>, %arg15: memref<10240x128xf32, #tpu.memory_space<vmem_shared>>) attributes {dimension_semantics = [#tpu.dimension_semantics<core_parallel>, #tpu.dimension_semantics<subcore_parallel>], iteration_bounds = array<i64: 2, 16>, scalar_prefetch = 0 : i64, scratch_operands = 9 : i64, tpu.core_type = #tpu.core_type<sc_vector_subcore>, window_params = [{transform_indices = #map}, {transform_indices = #map1}, {transform_indices = #map2}, {transform_indices = #map}, {transform_indices = #map}]} {
    %mul3A = arith.constant 16 : i32
    %mul3A_0 = arith.muli %arg0, %mul3A : i32
    %add3A = arith.addi %mul3A_0, %arg1 : i32
    %eq3A = arith.constant 0 : i32
    %eq3A_1 = arith.cmpi eq, %arg1, %eq3A : i32
    %convert_element_type3A = arith.extui %eq3A_1 : i1 to i32
    %cond3A = arith.constant 0 : i32
    %cond3A_2 = arith.cmpi ne, %convert_element_type3A, %cond3A : i32
    scf.if %cond3A_2 {
      "tpu.region"() ({
        %run_scoped3A_45 = tpu.sem_alloc : memref<!tpu.dma_semaphore, #tpu.memory_space<semaphore_mem>>
        tpu.enqueue_dma source(%arg5 : memref<10240x128xf32, #tpu.memory_space<hbm>>) target(%arg15 : memref<10240x128xf32, #tpu.memory_space<vmem_shared>>) target_semaphore(%run_scoped3A_45 : memref<!tpu.dma_semaphore, #tpu.memory_space<semaphore_mem>>)
        tpu.wait_dma2 semaphore(%run_scoped3A_45 : memref<!tpu.dma_semaphore, #tpu.memory_space<semaphore_mem>>) src(%arg5 : memref<10240x128xf32, #tpu.memory_space<hbm>>) dst(%arg15 : memref<10240x128xf32, #tpu.memory_space<vmem_shared>>)
        tpu.yield
      }) : () -> ()
    } else {
    }
    %mul3A_3 = arith.constant 10000 : i32
    %mul3A_4 = arith.muli %add3A, %mul3A_3 : i32
    "tpu.region"() ({
      %run_scoped3A_45 = tpu.sem_alloc : memref<!tpu.dma_semaphore, #tpu.memory_space<semaphore_mem>>
      %dma_start3A_46 = tpu.memref_slice %arg3[%mul3A_4] : memref<320000xi32, #tpu.memory_space<hbm>> -> memref<10000xi32, #tpu.memory_space<hbm>>
      %dma_start3A_47 = tpu.memref_slice %arg3[%mul3A_4] : memref<320000xi32, #tpu.memory_space<hbm>> -> memref<10000xi32, #tpu.memory_space<hbm>>
      tpu.enqueue_dma source(%dma_start3A_47 : memref<10000xi32, #tpu.memory_space<hbm>>) target(%arg7 : memref<10000xi32, #tpu.memory_space<vmem>>) target_semaphore(%run_scoped3A_45 : memref<!tpu.dma_semaphore, #tpu.memory_space<semaphore_mem>>)
      %dma_wait3A_48 = tpu.memref_slice %arg3[%mul3A_4] : memref<320000xi32, #tpu.memory_space<hbm>> -> memref<10000xi32, #tpu.memory_space<hbm>>
      %dma_wait3A_49 = tpu.memref_slice %arg3[%mul3A_4] : memref<320000xi32, #tpu.memory_space<hbm>> -> memref<10000xi32, #tpu.memory_space<hbm>>
      tpu.wait_dma2 semaphore(%run_scoped3A_45 : memref<!tpu.dma_semaphore, #tpu.memory_space<semaphore_mem>>) src(%dma_wait3A_49 : memref<10000xi32, #tpu.memory_space<hbm>>) dst(%arg7 : memref<10000xi32, #tpu.memory_space<vmem>>)
      tpu.yield
    }) : () -> ()
    "tpu.region"() ({
      %run_scoped3A_45 = tpu.sem_alloc : memref<!tpu.dma_semaphore, #tpu.memory_space<semaphore_mem>>
      %dma_start3A_46 = arith.constant 0 : i32
      %dma_start3A_47 = arith.constant 0 : i32
      %dma_start3A_48 = tpu.memref_slice %arg4[%add3A, %dma_start3A_46, %dma_start3A_47] : memref<32x125x80xi32, #tpu.memory_space<hbm>> -> memref<1x125x80xi32, #tpu.memory_space<hbm>>
      %dma_start3A_49 = tpu.memref_squeeze %dma_start3A_48 : memref<1x125x80xi32, #tpu.memory_space<hbm>> -> memref<125x80xi32, #tpu.memory_space<hbm>>
      %dma_start3A_50 = arith.constant 0 : i32
      %dma_start3A_51 = arith.constant 0 : i32
      %dma_start3A_52 = tpu.memref_slice %arg4[%add3A, %dma_start3A_50, %dma_start3A_51] : memref<32x125x80xi32, #tpu.memory_space<hbm>> -> memref<1x125x80xi32, #tpu.memory_space<hbm>>
      %dma_start3A_53 = tpu.memref_squeeze %dma_start3A_52 : memref<1x125x80xi32, #tpu.memory_space<hbm>> -> memref<125x80xi32, #tpu.memory_space<hbm>>
      tpu.enqueue_dma source(%dma_start3A_53 : memref<125x80xi32, #tpu.memory_space<hbm>>) target(%arg8 : memref<125x80xi32, #tpu.memory_space<vmem>>) target_semaphore(%run_scoped3A_45 : memref<!tpu.dma_semaphore, #tpu.memory_space<semaphore_mem>>)
      %dma_wait3A_54 = arith.constant 0 : i32
      %dma_wait3A_55 = arith.constant 0 : i32
      %dma_wait3A_56 = tpu.memref_slice %arg4[%add3A, %dma_wait3A_54, %dma_wait3A_55] : memref<32x125x80xi32, #tpu.memory_space<hbm>> -> memref<1x125x80xi32, #tpu.memory_space<hbm>>
      %dma_wait3A_57 = tpu.memref_squeeze %dma_wait3A_56 : memref<1x125x80xi32, #tpu.memory_space<hbm>> -> memref<125x80xi32, #tpu.memory_space<hbm>>
      %dma_wait3A_58 = arith.constant 0 : i32
      %dma_wait3A_59 = arith.constant 0 : i32
      %dma_wait3A_60 = tpu.memref_slice %arg4[%add3A, %dma_wait3A_58, %dma_wait3A_59] : memref<32x125x80xi32, #tpu.memory_space<hbm>> -> memref<1x125x80xi32, #tpu.memory_space<hbm>>
      %dma_wait3A_61 = tpu.memref_squeeze %dma_wait3A_60 : memref<1x125x80xi32, #tpu.memory_space<hbm>> -> memref<125x80xi32, #tpu.memory_space<hbm>>
      tpu.wait_dma2 semaphore(%run_scoped3A_45 : memref<!tpu.dma_semaphore, #tpu.memory_space<semaphore_mem>>) src(%dma_wait3A_61 : memref<125x80xi32, #tpu.memory_space<hbm>>) dst(%arg8 : memref<125x80xi32, #tpu.memory_space<vmem>>)
      tpu.yield
    }) : () -> ()
    %barrier3A = arith.constant 0 : index
    tpu.barrier barrier_id(%barrier3A)
    %dma_start3A = arith.constant 0 : i32
    %dma_start3A_5 = tpu.memref_slice %arg7[%dma_start3A] : memref<10000xi32, #tpu.memory_space<vmem>> -> memref<80xi32, #tpu.memory_space<vmem>>
    %dma_start3A_6 = arith.constant 0 : i32
    %dma_start3A_7 = arith.constant 0 : i32
    %dma_start3A_8 = tpu.memref_slice %arg2[%dma_start3A_6, %dma_start3A_7] : memref<10000x128xf32, #tpu.memory_space<hbm>> -> memref<10000x128xf32, #tpu.memory_space<hbm>>
    tpu.enqueue_indirect_dma source(%dma_start3A_8 : memref<10000x128xf32, #tpu.memory_space<hbm>>) target(%arg9 : memref<80x128xf32, #tpu.memory_space<vmem>>) offsets(%dma_start3A_5 : memref<80xi32, #tpu.memory_space<vmem>>) semaphore(%arg11 : memref<!tpu.dma_semaphore, #tpu.memory_space<semaphore_mem>>)
    %dma_start3A_9 = arith.constant 80 : i32
    %dma_start3A_10 = tpu.memref_slice %arg7[%dma_start3A_9] : memref<10000xi32, #tpu.memory_space<vmem>> -> memref<80xi32, #tpu.memory_space<vmem>>
    %dma_start3A_11 = arith.constant 0 : i32
    %dma_start3A_12 = arith.constant 0 : i32
    %dma_start3A_13 = tpu.memref_slice %arg2[%dma_start3A_11, %dma_start3A_12] : memref<10000x128xf32, #tpu.memory_space<hbm>> -> memref<10000x128xf32, #tpu.memory_space<hbm>>
    tpu.enqueue_indirect_dma source(%dma_start3A_13 : memref<10000x128xf32, #tpu.memory_space<hbm>>) target(%arg10 : memref<80x128xf32, #tpu.memory_space<vmem>>) offsets(%dma_start3A_10 : memref<80xi32, #tpu.memory_space<vmem>>) semaphore(%arg12 : memref<!tpu.dma_semaphore, #tpu.memory_space<semaphore_mem>>)
    %scan3A = arith.constant 0 : i32
    %scan3A_14 = arith.constant 61 : i32
    %scan3A_15 = arith.addi %scan3A, %scan3A_14 : i32
    %scan3A_16 = arith.constant 1 : i32
    scf.for %scan3A_45 = %scan3A to %scan3A_15 step %scan3A_16  : i32 {
      %mul3A_46 = arith.constant 2 : i32
      %mul3A_47 = arith.muli %scan3A_45, %mul3A_46 : i32
      %add3A_48 = arith.constant 0 : i32
      %add3A_49 = arith.addi %add3A_48, %mul3A_47 : i32
      %mul3A_50 = arith.constant 80 : i32
      %mul3A_51 = arith.muli %add3A_49, %mul3A_50 : i32
      %dma_wait3A_52 = tpu.memref_slice %arg7[%mul3A_51] : memref<10000xi32, #tpu.memory_space<vmem>> -> memref<80xi32, #tpu.memory_space<vmem>>
      %dma_wait3A_53 = arith.constant 0 : i32
      %dma_wait3A_54 = arith.constant 0 : i32
      %dma_wait3A_55 = tpu.memref_slice %arg2[%dma_wait3A_53, %dma_wait3A_54] : memref<10000x128xf32, #tpu.memory_space<hbm>> -> memref<10000x128xf32, #tpu.memory_space<hbm>>
      tpu.wait_indirect_dma semaphore(%arg11 : memref<!tpu.dma_semaphore, #tpu.memory_space<semaphore_mem>>) src(%dma_wait3A_55 : memref<10000x128xf32, #tpu.memory_space<hbm>>) dst(%arg9 : memref<80x128xf32, #tpu.memory_space<vmem>>)
      %dma_start3A_56 = arith.constant 0 : i32
      %dma_start3A_57 = tpu.memref_slice %arg8[%add3A_49, %dma_start3A_56] : memref<125x80xi32, #tpu.memory_space<vmem>> -> memref<1x80xi32, #tpu.memory_space<vmem>>
      %dma_start3A_58 = tpu.memref_squeeze %dma_start3A_57 : memref<1x80xi32, #tpu.memory_space<vmem>> -> memref<80xi32, #tpu.memory_space<vmem>>
      %dma_start3A_59 = arith.constant 0 : i32
      %dma_start3A_60 = arith.constant 0 : i32
      %dma_start3A_61 = tpu.memref_slice %arg15[%dma_start3A_59, %dma_start3A_60] : memref<10240x128xf32, #tpu.memory_space<vmem_shared>> -> memref<10240x128xf32, #tpu.memory_space<vmem_shared>>
      tpu.enqueue_indirect_dma source(%arg9 : memref<80x128xf32, #tpu.memory_space<vmem>>) target(%dma_start3A_61 : memref<10240x128xf32, #tpu.memory_space<vmem_shared>>) offsets(%dma_start3A_58 : memref<80xi32, #tpu.memory_space<vmem>>) semaphore(%arg13 : memref<!tpu.dma_semaphore, #tpu.memory_space<semaphore_mem>>) {add = true}
      %mul3A_62 = arith.constant 80 : i32
      %mul3A_63 = arith.muli %add3A_49, %mul3A_62 : i32
      %dma_wait3A_64 = tpu.memref_slice %arg7[%mul3A_63] : memref<10000xi32, #tpu.memory_space<vmem>> -> memref<80xi32, #tpu.memory_space<vmem>>
      %dma_wait3A_65 = arith.constant 0 : i32
      %dma_wait3A_66 = arith.constant 0 : i32
      %dma_wait3A_67 = tpu.memref_slice %arg2[%dma_wait3A_65, %dma_wait3A_66] : memref<10000x128xf32, #tpu.memory_space<hbm>> -> memref<10000x128xf32, #tpu.memory_space<hbm>>
      tpu.wait_indirect_dma semaphore(%arg12 : memref<!tpu.dma_semaphore, #tpu.memory_space<semaphore_mem>>) src(%dma_wait3A_67 : memref<10000x128xf32, #tpu.memory_space<hbm>>) dst(%arg10 : memref<80x128xf32, #tpu.memory_space<vmem>>)
      %add3A_68 = arith.constant 1 : i32
      %add3A_69 = arith.addi %add3A_49, %add3A_68 : i32
      %dma_start3A_70 = arith.constant 0 : i32
      %dma_start3A_71 = tpu.memref_slice %arg8[%add3A_69, %dma_start3A_70] : memref<125x80xi32, #tpu.memory_space<vmem>> -> memref<1x80xi32, #tpu.memory_space<vmem>>
      %dma_start3A_72 = tpu.memref_squeeze %dma_start3A_71 : memref<1x80xi32, #tpu.memory_space<vmem>> -> memref<80xi32, #tpu.memory_space<vmem>>
      %dma_start3A_73 = arith.constant 0 : i32
      %dma_start3A_74 = arith.constant 0 : i32
      %dma_start3A_75 = tpu.memref_slice %arg15[%dma_start3A_73, %dma_start3A_74] : memref<10240x128xf32, #tpu.memory_space<vmem_shared>> -> memref<10240x128xf32, #tpu.memory_space<vmem_shared>>
      tpu.enqueue_indirect_dma source(%arg10 : memref<80x128xf32, #tpu.memory_space<vmem>>) target(%dma_start3A_75 : memref<10240x128xf32, #tpu.memory_space<vmem_shared>>) offsets(%dma_start3A_72 : memref<80xi32, #tpu.memory_space<vmem>>) semaphore(%arg14 : memref<!tpu.dma_semaphore, #tpu.memory_space<semaphore_mem>>) {add = true}
      %dma_wait3A_76 = arith.constant 0 : i32
      %dma_wait3A_77 = tpu.memref_slice %arg8[%add3A_49, %dma_wait3A_76] : memref<125x80xi32, #tpu.memory_space<vmem>> -> memref<1x80xi32, #tpu.memory_space<vmem>>
      %dma_wait3A_78 = tpu.memref_squeeze %dma_wait3A_77 : memref<1x80xi32, #tpu.memory_space<vmem>> -> memref<80xi32, #tpu.memory_space<vmem>>
      %dma_wait3A_79 = arith.constant 0 : i32
      %dma_wait3A_80 = arith.constant 0 : i32
      %dma_wait3A_81 = tpu.memref_slice %arg15[%dma_wait3A_79, %dma_wait3A_80] : memref<10240x128xf32, #tpu.memory_space<vmem_shared>> -> memref<10240x128xf32, #tpu.memory_space<vmem_shared>>
      tpu.wait_indirect_dma semaphore(%arg13 : memref<!tpu.dma_semaphore, #tpu.memory_space<semaphore_mem>>) src(%arg9 : memref<80x128xf32, #tpu.memory_space<vmem>>) dst(%dma_wait3A_81 : memref<10240x128xf32, #tpu.memory_space<vmem_shared>>)
      %add3A_82 = arith.constant 2 : i32
      %add3A_83 = arith.addi %add3A_49, %add3A_82 : i32
      %mul3A_84 = arith.constant 80 : i32
      %mul3A_85 = arith.muli %add3A_83, %mul3A_84 : i32
      %dma_start3A_86 = tpu.memref_slice %arg7[%mul3A_85] : memref<10000xi32, #tpu.memory_space<vmem>> -> memref<80xi32, #tpu.memory_space<vmem>>
      %dma_start3A_87 = arith.constant 0 : i32
      %dma_start3A_88 = arith.constant 0 : i32
      %dma_start3A_89 = tpu.memref_slice %arg2[%dma_start3A_87, %dma_start3A_88] : memref<10000x128xf32, #tpu.memory_space<hbm>> -> memref<10000x128xf32, #tpu.memory_space<hbm>>
      tpu.enqueue_indirect_dma source(%dma_start3A_89 : memref<10000x128xf32, #tpu.memory_space<hbm>>) target(%arg9 : memref<80x128xf32, #tpu.memory_space<vmem>>) offsets(%dma_start3A_86 : memref<80xi32, #tpu.memory_space<vmem>>) semaphore(%arg11 : memref<!tpu.dma_semaphore, #tpu.memory_space<semaphore_mem>>)
      %dma_wait3A_90 = arith.constant 0 : i32
      %dma_wait3A_91 = tpu.memref_slice %arg8[%add3A_69, %dma_wait3A_90] : memref<125x80xi32, #tpu.memory_space<vmem>> -> memref<1x80xi32, #tpu.memory_space<vmem>>
      %dma_wait3A_92 = tpu.memref_squeeze %dma_wait3A_91 : memref<1x80xi32, #tpu.memory_space<vmem>> -> memref<80xi32, #tpu.memory_space<vmem>>
      %dma_wait3A_93 = arith.constant 0 : i32
      %dma_wait3A_94 = arith.constant 0 : i32
      %dma_wait3A_95 = tpu.memref_slice %arg15[%dma_wait3A_93, %dma_wait3A_94] : memref<10240x128xf32, #tpu.memory_space<vmem_shared>> -> memref<10240x128xf32, #tpu.memory_space<vmem_shared>>
      tpu.wait_indirect_dma semaphore(%arg14 : memref<!tpu.dma_semaphore, #tpu.memory_space<semaphore_mem>>) src(%arg10 : memref<80x128xf32, #tpu.memory_space<vmem>>) dst(%dma_wait3A_95 : memref<10240x128xf32, #tpu.memory_space<vmem_shared>>)
      %add3A_96 = arith.constant 3 : i32
      %add3A_97 = arith.addi %add3A_49, %add3A_96 : i32
      %mul3A_98 = arith.constant 80 : i32
      %mul3A_99 = arith.muli %add3A_97, %mul3A_98 : i32
      %dma_start3A_100 = tpu.memref_slice %arg7[%mul3A_99] : memref<10000xi32, #tpu.memory_space<vmem>> -> memref<80xi32, #tpu.memory_space<vmem>>
      %dma_start3A_101 = arith.constant 0 : i32
      %dma_start3A_102 = arith.constant 0 : i32
      %dma_start3A_103 = tpu.memref_slice %arg2[%dma_start3A_101, %dma_start3A_102] : memref<10000x128xf32, #tpu.memory_space<hbm>> -> memref<10000x128xf32, #tpu.memory_space<hbm>>
      tpu.enqueue_indirect_dma source(%dma_start3A_103 : memref<10000x128xf32, #tpu.memory_space<hbm>>) target(%arg10 : memref<80x128xf32, #tpu.memory_space<vmem>>) offsets(%dma_start3A_100 : memref<80xi32, #tpu.memory_space<vmem>>) semaphore(%arg12 : memref<!tpu.dma_semaphore, #tpu.memory_space<semaphore_mem>>)
    }
    %scan3A_17 = arith.constant 61 : i32
    %dma_wait3A = arith.constant 0 : i32
    %dma_wait3A_18 = tpu.memref_slice %arg7[%dma_wait3A] : memref<10000xi32, #tpu.memory_space<vmem>> -> memref<80xi32, #tpu.memory_space<vmem>>
    %dma_wait3A_19 = arith.constant 0 : i32
    %dma_wait3A_20 = arith.constant 0 : i32
    %dma_wait3A_21 = tpu.memref_slice %arg2[%dma_wait3A_19, %dma_wait3A_20] : memref<10000x128xf32, #tpu.memory_space<hbm>> -> memref<10000x128xf32, #tpu.memory_space<hbm>>
    tpu.wait_indirect_dma semaphore(%arg11 : memref<!tpu.dma_semaphore, #tpu.memory_space<semaphore_mem>>) src(%dma_wait3A_21 : memref<10000x128xf32, #tpu.memory_space<hbm>>) dst(%arg9 : memref<80x128xf32, #tpu.memory_space<vmem>>)
    %run_scoped3A = arith.constant 122 : i32
    "tpu.region"() ({
      %run_scoped3A_45 = tpu.sem_alloc : memref<!tpu.dma_semaphore, #tpu.memory_space<semaphore_mem>>
      %dma_start3A_46 = arith.constant 0 : i32
      %dma_start3A_47 = tpu.memref_slice %arg8[%run_scoped3A, %dma_start3A_46] : memref<125x80xi32, #tpu.memory_space<vmem>> -> memref<1x80xi32, #tpu.memory_space<vmem>>
      %dma_start3A_48 = tpu.memref_squeeze %dma_start3A_47 : memref<1x80xi32, #tpu.memory_space<vmem>> -> memref<80xi32, #tpu.memory_space<vmem>>
      %dma_start3A_49 = arith.constant 0 : i32
      %dma_start3A_50 = arith.constant 0 : i32
      %dma_start3A_51 = tpu.memref_slice %arg15[%dma_start3A_49, %dma_start3A_50] : memref<10240x128xf32, #tpu.memory_space<vmem_shared>> -> memref<10240x128xf32, #tpu.memory_space<vmem_shared>>
      tpu.enqueue_indirect_dma source(%arg9 : memref<80x128xf32, #tpu.memory_space<vmem>>) target(%dma_start3A_51 : memref<10240x128xf32, #tpu.memory_space<vmem_shared>>) offsets(%dma_start3A_48 : memref<80xi32, #tpu.memory_space<vmem>>) semaphore(%run_scoped3A_45 : memref<!tpu.dma_semaphore, #tpu.memory_space<semaphore_mem>>) {add = true}
      %dma_wait3A_52 = arith.constant 0 : i32
      %dma_wait3A_53 = tpu.memref_slice %arg8[%run_scoped3A, %dma_wait3A_52] : memref<125x80xi32, #tpu.memory_space<vmem>> -> memref<1x80xi32, #tpu.memory_space<vmem>>
      %dma_wait3A_54 = tpu.memref_squeeze %dma_wait3A_53 : memref<1x80xi32, #tpu.memory_space<vmem>> -> memref<80xi32, #tpu.memory_space<vmem>>
      %dma_wait3A_55 = arith.constant 0 : i32
      %dma_wait3A_56 = arith.constant 0 : i32
      %dma_wait3A_57 = tpu.memref_slice %arg15[%dma_wait3A_55, %dma_wait3A_56] : memref<10240x128xf32, #tpu.memory_space<vmem_shared>> -> memref<10240x128xf32, #tpu.memory_space<vmem_shared>>
      tpu.wait_indirect_dma semaphore(%run_scoped3A_45 : memref<!tpu.dma_semaphore, #tpu.memory_space<semaphore_mem>>) src(%arg9 : memref<80x128xf32, #tpu.memory_space<vmem>>) dst(%dma_wait3A_57 : memref<10240x128xf32, #tpu.memory_space<vmem_shared>>)
      tpu.yield
    }) : () -> ()
    %dma_wait3A_22 = arith.constant 0 : i32
    %dma_wait3A_23 = tpu.memref_slice %arg7[%dma_wait3A_22] : memref<10000xi32, #tpu.memory_space<vmem>> -> memref<80xi32, #tpu.memory_space<vmem>>
    %dma_wait3A_24 = arith.constant 0 : i32
    %dma_wait3A_25 = arith.constant 0 : i32
    %dma_wait3A_26 = tpu.memref_slice %arg2[%dma_wait3A_24, %dma_wait3A_25] : memref<10000x128xf32, #tpu.memory_space<hbm>> -> memref<10000x128xf32, #tpu.memory_space<hbm>>
    tpu.wait_indirect_dma semaphore(%arg12 : memref<!tpu.dma_semaphore, #tpu.memory_space<semaphore_mem>>) src(%dma_wait3A_26 : memref<10000x128xf32, #tpu.memory_space<hbm>>) dst(%arg10 : memref<80x128xf32, #tpu.memory_space<vmem>>)
    %run_scoped3A_27 = arith.constant 123 : i32
    "tpu.region"() ({
      %run_scoped3A_45 = tpu.sem_alloc : memref<!tpu.dma_semaphore, #tpu.memory_space<semaphore_mem>>
      %dma_start3A_46 = arith.constant 0 : i32
      %dma_start3A_47 = tpu.memref_slice %arg8[%run_scoped3A_27, %dma_start3A_46] : memref<125x80xi32, #tpu.memory_space<vmem>> -> memref<1x80xi32, #tpu.memory_space<vmem>>
      %dma_start3A_48 = tpu.memref_squeeze %dma_start3A_47 : memref<1x80xi32, #tpu.memory_space<vmem>> -> memref<80xi32, #tpu.memory_space<vmem>>
      %dma_start3A_49 = arith.constant 0 : i32
      %dma_start3A_50 = arith.constant 0 : i32
      %dma_start3A_51 = tpu.memref_slice %arg15[%dma_start3A_49, %dma_start3A_50] : memref<10240x128xf32, #tpu.memory_space<vmem_shared>> -> memref<10240x128xf32, #tpu.memory_space<vmem_shared>>
      tpu.enqueue_indirect_dma source(%arg10 : memref<80x128xf32, #tpu.memory_space<vmem>>) target(%dma_start3A_51 : memref<10240x128xf32, #tpu.memory_space<vmem_shared>>) offsets(%dma_start3A_48 : memref<80xi32, #tpu.memory_space<vmem>>) semaphore(%run_scoped3A_45 : memref<!tpu.dma_semaphore, #tpu.memory_space<semaphore_mem>>) {add = true}
      %dma_wait3A_52 = arith.constant 0 : i32
      %dma_wait3A_53 = tpu.memref_slice %arg8[%run_scoped3A_27, %dma_wait3A_52] : memref<125x80xi32, #tpu.memory_space<vmem>> -> memref<1x80xi32, #tpu.memory_space<vmem>>
      %dma_wait3A_54 = tpu.memref_squeeze %dma_wait3A_53 : memref<1x80xi32, #tpu.memory_space<vmem>> -> memref<80xi32, #tpu.memory_space<vmem>>
      %dma_wait3A_55 = arith.constant 0 : i32
      %dma_wait3A_56 = arith.constant 0 : i32
      %dma_wait3A_57 = tpu.memref_slice %arg15[%dma_wait3A_55, %dma_wait3A_56] : memref<10240x128xf32, #tpu.memory_space<vmem_shared>> -> memref<10240x128xf32, #tpu.memory_space<vmem_shared>>
      tpu.wait_indirect_dma semaphore(%run_scoped3A_45 : memref<!tpu.dma_semaphore, #tpu.memory_space<semaphore_mem>>) src(%arg10 : memref<80x128xf32, #tpu.memory_space<vmem>>) dst(%dma_wait3A_57 : memref<10240x128xf32, #tpu.memory_space<vmem_shared>>)
      tpu.yield
    }) : () -> ()
    %dma_start3A_28 = arith.constant 9920 : i32
    %dma_start3A_29 = tpu.memref_slice %arg7[%dma_start3A_28] : memref<10000xi32, #tpu.memory_space<vmem>> -> memref<80xi32, #tpu.memory_space<vmem>>
    %dma_start3A_30 = arith.constant 0 : i32
    %dma_start3A_31 = arith.constant 0 : i32
    %dma_start3A_32 = tpu.memref_slice %arg2[%dma_start3A_30, %dma_start3A_31] : memref<10000x128xf32, #tpu.memory_space<hbm>> -> memref<10000x128xf32, #tpu.memory_space<hbm>>
    tpu.enqueue_indirect_dma source(%dma_start3A_32 : memref<10000x128xf32, #tpu.memory_space<hbm>>) target(%arg9 : memref<80x128xf32, #tpu.memory_space<vmem>>) offsets(%dma_start3A_29 : memref<80xi32, #tpu.memory_space<vmem>>) semaphore(%arg11 : memref<!tpu.dma_semaphore, #tpu.memory_space<semaphore_mem>>)
    %dma_wait3A_33 = arith.constant 9920 : i32
    %dma_wait3A_34 = tpu.memref_slice %arg7[%dma_wait3A_33] : memref<10000xi32, #tpu.memory_space<vmem>> -> memref<80xi32, #tpu.memory_space<vmem>>
    %dma_wait3A_35 = arith.constant 0 : i32
    %dma_wait3A_36 = arith.constant 0 : i32
    %dma_wait3A_37 = tpu.memref_slice %arg2[%dma_wait3A_35, %dma_wait3A_36] : memref<10000x128xf32, #tpu.memory_space<hbm>> -> memref<10000x128xf32, #tpu.memory_space<hbm>>
    tpu.wait_indirect_dma semaphore(%arg11 : memref<!tpu.dma_semaphore, #tpu.memory_space<semaphore_mem>>) src(%dma_wait3A_37 : memref<10000x128xf32, #tpu.memory_space<hbm>>) dst(%arg9 : memref<80x128xf32, #tpu.memory_space<vmem>>)
    %run_scoped3A_38 = arith.constant 124 : i32
    "tpu.region"() ({
      %run_scoped3A_45 = tpu.sem_alloc : memref<!tpu.dma_semaphore, #tpu.memory_space<semaphore_mem>>
      %dma_start3A_46 = arith.constant 0 : i32
      %dma_start3A_47 = tpu.memref_slice %arg8[%run_scoped3A_38, %dma_start3A_46] : memref<125x80xi32, #tpu.memory_space<vmem>> -> memref<1x80xi32, #tpu.memory_space<vmem>>
      %dma_start3A_48 = tpu.memref_squeeze %dma_start3A_47 : memref<1x80xi32, #tpu.memory_space<vmem>> -> memref<80xi32, #tpu.memory_space<vmem>>
      %dma_start3A_49 = arith.constant 0 : i32
      %dma_start3A_50 = arith.constant 0 : i32
      %dma_start3A_51 = tpu.memref_slice %arg15[%dma_start3A_49, %dma_start3A_50] : memref<10240x128xf32, #tpu.memory_space<vmem_shared>> -> memref<10240x128xf32, #tpu.memory_space<vmem_shared>>
      tpu.enqueue_indirect_dma source(%arg9 : memref<80x128xf32, #tpu.memory_space<vmem>>) target(%dma_start3A_51 : memref<10240x128xf32, #tpu.memory_space<vmem_shared>>) offsets(%dma_start3A_48 : memref<80xi32, #tpu.memory_space<vmem>>) semaphore(%run_scoped3A_45 : memref<!tpu.dma_semaphore, #tpu.memory_space<semaphore_mem>>) {add = true}
      %dma_wait3A_52 = arith.constant 0 : i32
      %dma_wait3A_53 = tpu.memref_slice %arg8[%run_scoped3A_38, %dma_wait3A_52] : memref<125x80xi32, #tpu.memory_space<vmem>> -> memref<1x80xi32, #tpu.memory_space<vmem>>
      %dma_wait3A_54 = tpu.memref_squeeze %dma_wait3A_53 : memref<1x80xi32, #tpu.memory_space<vmem>> -> memref<80xi32, #tpu.memory_space<vmem>>
      %dma_wait3A_55 = arith.constant 0 : i32
      %dma_wait3A_56 = arith.constant 0 : i32
      %dma_wait3A_57 = tpu.memref_slice %arg15[%dma_wait3A_55, %dma_wait3A_56] : memref<10240x128xf32, #tpu.memory_space<vmem_shared>> -> memref<10240x128xf32, #tpu.memory_space<vmem_shared>>
      tpu.wait_indirect_dma semaphore(%run_scoped3A_45 : memref<!tpu.dma_semaphore, #tpu.memory_space<semaphore_mem>>) src(%arg9 : memref<80x128xf32, #tpu.memory_space<vmem>>) dst(%dma_wait3A_57 : memref<10240x128xf32, #tpu.memory_space<vmem_shared>>)
      tpu.yield
    }) : () -> ()
    %barrier3A_39 = arith.constant 0 : index
    tpu.barrier barrier_id(%barrier3A_39)
    %eq3A_40 = arith.constant 0 : i32
    %eq3A_41 = arith.cmpi eq, %arg1, %eq3A_40 : i32
    %convert_element_type3A_42 = arith.extui %eq3A_41 : i1 to i32
    %cond3A_43 = arith.constant 0 : i32
    %cond3A_44 = arith.cmpi ne, %convert_element_type3A_42, %cond3A_43 : i32
    scf.if %cond3A_44 {
      %mul3A_45 = arith.constant 10240 : i32
      %mul3A_46 = arith.muli %arg0, %mul3A_45 : i32
      "tpu.region"() ({
        %run_scoped3A_47 = tpu.sem_alloc : memref<!tpu.dma_semaphore, #tpu.memory_space<semaphore_mem>>
        %dma_start3A_48 = arith.constant 0 : i32
        %dma_start3A_49 = tpu.memref_slice %arg6[%mul3A_46, %dma_start3A_48] : memref<20480x128xf32, #tpu.memory_space<hbm>> -> memref<10240x128xf32, #tpu.memory_space<hbm>>
        tpu.enqueue_dma source(%arg15 : memref<10240x128xf32, #tpu.memory_space<vmem_shared>>) target(%dma_start3A_49 : memref<10240x128xf32, #tpu.memory_space<hbm>>) target_semaphore(%run_scoped3A_47 : memref<!tpu.dma_semaphore, #tpu.memory_space<semaphore_mem>>)
        %dma_wait3A_50 = arith.constant 0 : i32
        %dma_wait3A_51 = tpu.memref_slice %arg6[%mul3A_46, %dma_wait3A_50] : memref<20480x128xf32, #tpu.memory_space<hbm>> -> memref<10240x128xf32, #tpu.memory_space<hbm>>
        tpu.wait_dma2 semaphore(%run_scoped3A_47 : memref<!tpu.dma_semaphore, #tpu.memory_space<semaphore_mem>>) src(%arg15 : memref<10240x128xf32, #tpu.memory_space<vmem_shared>>) dst(%dma_wait3A_51 : memref<10240x128xf32, #tpu.memory_space<hbm>>)
        tpu.yield
      }) : () -> ()
    } else {
    }
    return
  }
}

#map = affine_map<(d0, d1) -> (0, 0, 0)>
#map1 = affine_map<(d0, d1) -> (0, 0)>
module attributes {stable_mosaic.version = 14 : i64} {
  func.func @_deg_body(%arg0: i32, %arg1: i32, %arg2: memref<32x125x80xi32, #tpu.memory_space<hbm>>, %arg3: memref<10240x128xf32, #tpu.memory_space<hbm>>, %arg4: memref<20480x128xf32, #tpu.memory_space<hbm>>, %arg5: memref<125x80xi32, #tpu.memory_space<vmem>>, %arg6: memref<80x128xf32, #tpu.memory_space<vmem>>, %arg7: memref<!tpu.dma_semaphore, #tpu.memory_space<semaphore_mem>>, %arg8: memref<!tpu.dma_semaphore, #tpu.memory_space<semaphore_mem>>, %arg9: memref<10240x128xf32, #tpu.memory_space<vmem_shared>>) attributes {dimension_semantics = [#tpu.dimension_semantics<core_parallel>, #tpu.dimension_semantics<subcore_parallel>], iteration_bounds = array<i64: 2, 16>, scalar_prefetch = 0 : i64, scratch_operands = 5 : i64, tpu.core_type = #tpu.core_type<sc_vector_subcore>, window_params = [{transform_indices = #map}, {transform_indices = #map1}, {transform_indices = #map1}]} {
    %mul3A = arith.constant 16 : i32
    %mul3A_0 = arith.muli %arg0, %mul3A : i32
    %add3A = arith.addi %mul3A_0, %arg1 : i32
    %broadcast_in_dim3A = arith.constant 0.000000e+00 : f32
    %broadcast_in_dim3A_1 = vector.broadcast %broadcast_in_dim3A : f32 to vector<16xf32>
    %iota3A = tpu.iota {dimensions = array<i32: 0>} : vector<16xi32>
    %eq3A = arith.constant 0 : i32
    %eq3A_2 = vector.broadcast %eq3A : i32 to vector<16xi32>
    %eq3A_3 = arith.cmpi eq, %iota3A, %eq3A_2 : vector<16xi32>
    %jit3A = arith.constant 1.000000e+00 : f32
    %jit3A_4 = arith.constant 0.000000e+00 : f32
    %broadcast_in_dim3A_5 = vector.broadcast %jit3A : f32 to vector<16xf32>
    %broadcast_in_dim3A_6 = vector.broadcast %jit3A_4 : f32 to vector<16xf32>
    %select_n3A = arith.select %eq3A_3, %broadcast_in_dim3A_5, %broadcast_in_dim3A_6 : vector<16xi1>, vector<16xf32>
    %eq3A_7 = arith.constant 0 : i32
    %eq3A_8 = arith.cmpi eq, %arg1, %eq3A_7 : i32
    %convert_element_type3A = arith.extui %eq3A_8 : i1 to i32
    %cond3A = arith.constant 0 : i32
    %cond3A_9 = arith.cmpi ne, %convert_element_type3A, %cond3A : i32
    scf.if %cond3A_9 {
      "tpu.region"() ({
        %run_scoped3A_50 = tpu.sem_alloc : memref<!tpu.dma_semaphore, #tpu.memory_space<semaphore_mem>>
        tpu.enqueue_dma source(%arg3 : memref<10240x128xf32, #tpu.memory_space<hbm>>) target(%arg9 : memref<10240x128xf32, #tpu.memory_space<vmem_shared>>) target_semaphore(%run_scoped3A_50 : memref<!tpu.dma_semaphore, #tpu.memory_space<semaphore_mem>>)
        tpu.wait_dma2 semaphore(%run_scoped3A_50 : memref<!tpu.dma_semaphore, #tpu.memory_space<semaphore_mem>>) src(%arg3 : memref<10240x128xf32, #tpu.memory_space<hbm>>) dst(%arg9 : memref<10240x128xf32, #tpu.memory_space<vmem_shared>>)
        tpu.yield
      }) : () -> ()
    } else {
    }
    %scan3A = arith.constant 0 : i32
    %scan3A_10 = arith.constant 80 : i32
    %scan3A_11 = arith.addi %scan3A, %scan3A_10 : i32
    %scan3A_12 = arith.constant 1 : i32
    scf.for %scan3A_50 = %scan3A to %scan3A_11 step %scan3A_12  : i32 {
      %mul3A_51 = arith.constant 1 : i32
      %mul3A_52 = arith.muli %scan3A_50, %mul3A_51 : i32
      %add3A_53 = arith.constant 0 : i32
      %add3A_54 = arith.addi %add3A_53, %mul3A_52 : i32
      %swap3A = arith.index_cast %add3A_54 : i32 to index
      %swap3A_55 = arith.constant 16 : index
      %swap3A_56 = tpu.vector_load %arg6[%swap3A, %swap3A_55] {strides = array<i32>} : memref<80x128xf32, #tpu.memory_space<vmem>>, vector<1x16xf32>,
      %swap3A_57 = vector.shape_cast %swap3A_56 : vector<1x16xf32> to vector<16xf32>
      %swap3A_58 = vector.shape_cast %broadcast_in_dim3A_1 : vector<16xf32> to vector<1x16xf32>
      tpu.vector_store %arg6[%swap3A, %swap3A_55], %swap3A_58 {strides = array<i32>} : memref<80x128xf32, #tpu.memory_space<vmem>>, vector<1x16xf32>,
      %swap3A_59 = arith.index_cast %add3A_54 : i32 to index
      %swap3A_60 = arith.constant 32 : index
      %swap3A_61 = tpu.vector_load %arg6[%swap3A_59, %swap3A_60] {strides = array<i32>} : memref<80x128xf32, #tpu.memory_space<vmem>>, vector<1x16xf32>,
      %swap3A_62 = vector.shape_cast %swap3A_61 : vector<1x16xf32> to vector<16xf32>
      %swap3A_63 = vector.shape_cast %broadcast_in_dim3A_1 : vector<16xf32> to vector<1x16xf32>
      tpu.vector_store %arg6[%swap3A_59, %swap3A_60], %swap3A_63 {strides = array<i32>} : memref<80x128xf32, #tpu.memory_space<vmem>>, vector<1x16xf32>,
      %swap3A_64 = arith.index_cast %add3A_54 : i32 to index
      %swap3A_65 = arith.constant 48 : index
      %swap3A_66 = tpu.vector_load %arg6[%swap3A_64, %swap3A_65] {strides = array<i32>} : memref<80x128xf32, #tpu.memory_space<vmem>>, vector<1x16xf32>,
      %swap3A_67 = vector.shape_cast %swap3A_66 : vector<1x16xf32> to vector<16xf32>
      %swap3A_68 = vector.shape_cast %broadcast_in_dim3A_1 : vector<16xf32> to vector<1x16xf32>
      tpu.vector_store %arg6[%swap3A_64, %swap3A_65], %swap3A_68 {strides = array<i32>} : memref<80x128xf32, #tpu.memory_space<vmem>>, vector<1x16xf32>,
      %swap3A_69 = arith.index_cast %add3A_54 : i32 to index
      %swap3A_70 = arith.constant 64 : index
      %swap3A_71 = tpu.vector_load %arg6[%swap3A_69, %swap3A_70] {strides = array<i32>} : memref<80x128xf32, #tpu.memory_space<vmem>>, vector<1x16xf32>,
      %swap3A_72 = vector.shape_cast %swap3A_71 : vector<1x16xf32> to vector<16xf32>
      %swap3A_73 = vector.shape_cast %broadcast_in_dim3A_1 : vector<16xf32> to vector<1x16xf32>
      tpu.vector_store %arg6[%swap3A_69, %swap3A_70], %swap3A_73 {strides = array<i32>} : memref<80x128xf32, #tpu.memory_space<vmem>>, vector<1x16xf32>,
      %swap3A_74 = arith.index_cast %add3A_54 : i32 to index
      %swap3A_75 = arith.constant 80 : index
      %swap3A_76 = tpu.vector_load %arg6[%swap3A_74, %swap3A_75] {strides = array<i32>} : memref<80x128xf32, #tpu.memory_space<vmem>>, vector<1x16xf32>,
      %swap3A_77 = vector.shape_cast %swap3A_76 : vector<1x16xf32> to vector<16xf32>
      %swap3A_78 = vector.shape_cast %broadcast_in_dim3A_1 : vector<16xf32> to vector<1x16xf32>
      tpu.vector_store %arg6[%swap3A_74, %swap3A_75], %swap3A_78 {strides = array<i32>} : memref<80x128xf32, #tpu.memory_space<vmem>>, vector<1x16xf32>,
      %swap3A_79 = arith.index_cast %add3A_54 : i32 to index
      %swap3A_80 = arith.constant 96 : index
      %swap3A_81 = tpu.vector_load %arg6[%swap3A_79, %swap3A_80] {strides = array<i32>} : memref<80x128xf32, #tpu.memory_space<vmem>>, vector<1x16xf32>,
      %swap3A_82 = vector.shape_cast %swap3A_81 : vector<1x16xf32> to vector<16xf32>
      %swap3A_83 = vector.shape_cast %broadcast_in_dim3A_1 : vector<16xf32> to vector<1x16xf32>
      tpu.vector_store %arg6[%swap3A_79, %swap3A_80], %swap3A_83 {strides = array<i32>} : memref<80x128xf32, #tpu.memory_space<vmem>>, vector<1x16xf32>,
      %swap3A_84 = arith.index_cast %add3A_54 : i32 to index
      %swap3A_85 = arith.constant 112 : index
      %swap3A_86 = tpu.vector_load %arg6[%swap3A_84, %swap3A_85] {strides = array<i32>} : memref<80x128xf32, #tpu.memory_space<vmem>>, vector<1x16xf32>,
      %swap3A_87 = vector.shape_cast %swap3A_86 : vector<1x16xf32> to vector<16xf32>
      %swap3A_88 = vector.shape_cast %broadcast_in_dim3A_1 : vector<16xf32> to vector<1x16xf32>
      tpu.vector_store %arg6[%swap3A_84, %swap3A_85], %swap3A_88 {strides = array<i32>} : memref<80x128xf32, #tpu.memory_space<vmem>>, vector<1x16xf32>,
      %swap3A_89 = arith.index_cast %add3A_54 : i32 to index
      %swap3A_90 = arith.constant 0 : index
      %swap3A_91 = tpu.vector_load %arg6[%swap3A_89, %swap3A_90] {strides = array<i32>} : memref<80x128xf32, #tpu.memory_space<vmem>>, vector<1x16xf32>,
      %swap3A_92 = vector.shape_cast %swap3A_91 : vector<1x16xf32> to vector<16xf32>
      %swap3A_93 = vector.shape_cast %select_n3A : vector<16xf32> to vector<1x16xf32>
      tpu.vector_store %arg6[%swap3A_89, %swap3A_90], %swap3A_93 {strides = array<i32>} : memref<80x128xf32, #tpu.memory_space<vmem>>, vector<1x16xf32>,
    }
    %scan3A_13 = arith.constant 80 : i32
    "tpu.region"() ({
      %run_scoped3A_50 = tpu.sem_alloc : memref<!tpu.dma_semaphore, #tpu.memory_space<semaphore_mem>>
      %dma_start3A_51 = arith.constant 0 : i32
      %dma_start3A_52 = arith.constant 0 : i32
      %dma_start3A_53 = tpu.memref_slice %arg2[%add3A, %dma_start3A_51, %dma_start3A_52] : memref<32x125x80xi32, #tpu.memory_space<hbm>> -> memref<1x125x80xi32, #tpu.memory_space<hbm>>
      %dma_start3A_54 = tpu.memref_squeeze %dma_start3A_53 : memref<1x125x80xi32, #tpu.memory_space<hbm>> -> memref<125x80xi32, #tpu.memory_space<hbm>>
      %dma_start3A_55 = arith.constant 0 : i32
      %dma_start3A_56 = arith.constant 0 : i32
      %dma_start3A_57 = tpu.memref_slice %arg2[%add3A, %dma_start3A_55, %dma_start3A_56] : memref<32x125x80xi32, #tpu.memory_space<hbm>> -> memref<1x125x80xi32, #tpu.memory_space<hbm>>
      %dma_start3A_58 = tpu.memref_squeeze %dma_start3A_57 : memref<1x125x80xi32, #tpu.memory_space<hbm>> -> memref<125x80xi32, #tpu.memory_space<hbm>>
      tpu.enqueue_dma source(%dma_start3A_58 : memref<125x80xi32, #tpu.memory_space<hbm>>) target(%arg5 : memref<125x80xi32, #tpu.memory_space<vmem>>) target_semaphore(%run_scoped3A_50 : memref<!tpu.dma_semaphore, #tpu.memory_space<semaphore_mem>>)
      %dma_wait3A_59 = arith.constant 0 : i32
      %dma_wait3A_60 = arith.constant 0 : i32
      %dma_wait3A_61 = tpu.memref_slice %arg2[%add3A, %dma_wait3A_59, %dma_wait3A_60] : memref<32x125x80xi32, #tpu.memory_space<hbm>> -> memref<1x125x80xi32, #tpu.memory_space<hbm>>
      %dma_wait3A_62 = tpu.memref_squeeze %dma_wait3A_61 : memref<1x125x80xi32, #tpu.memory_space<hbm>> -> memref<125x80xi32, #tpu.memory_space<hbm>>
      %dma_wait3A_63 = arith.constant 0 : i32
      %dma_wait3A_64 = arith.constant 0 : i32
      %dma_wait3A_65 = tpu.memref_slice %arg2[%add3A, %dma_wait3A_63, %dma_wait3A_64] : memref<32x125x80xi32, #tpu.memory_space<hbm>> -> memref<1x125x80xi32, #tpu.memory_space<hbm>>
      %dma_wait3A_66 = tpu.memref_squeeze %dma_wait3A_65 : memref<1x125x80xi32, #tpu.memory_space<hbm>> -> memref<125x80xi32, #tpu.memory_space<hbm>>
      tpu.wait_dma2 semaphore(%run_scoped3A_50 : memref<!tpu.dma_semaphore, #tpu.memory_space<semaphore_mem>>) src(%dma_wait3A_66 : memref<125x80xi32, #tpu.memory_space<hbm>>) dst(%arg5 : memref<125x80xi32, #tpu.memory_space<vmem>>)
      tpu.yield
    }) : () -> ()
    %barrier3A = arith.constant 0 : index
    tpu.barrier barrier_id(%barrier3A)
    %dma_start3A = arith.constant 0 : i32
    %dma_start3A_14 = arith.constant 0 : i32
    %dma_start3A_15 = tpu.memref_slice %arg5[%dma_start3A, %dma_start3A_14] : memref<125x80xi32, #tpu.memory_space<vmem>> -> memref<1x80xi32, #tpu.memory_space<vmem>>
    %dma_start3A_16 = tpu.memref_squeeze %dma_start3A_15 : memref<1x80xi32, #tpu.memory_space<vmem>> -> memref<80xi32, #tpu.memory_space<vmem>>
    %dma_start3A_17 = arith.constant 0 : i32
    %dma_start3A_18 = arith.constant 0 : i32
    %dma_start3A_19 = tpu.memref_slice %arg9[%dma_start3A_17, %dma_start3A_18] : memref<10240x128xf32, #tpu.memory_space<vmem_shared>> -> memref<10240x128xf32, #tpu.memory_space<vmem_shared>>
    tpu.enqueue_indirect_dma source(%arg6 : memref<80x128xf32, #tpu.memory_space<vmem>>) target(%dma_start3A_19 : memref<10240x128xf32, #tpu.memory_space<vmem_shared>>) offsets(%dma_start3A_16 : memref<80xi32, #tpu.memory_space<vmem>>) semaphore(%arg7 : memref<!tpu.dma_semaphore, #tpu.memory_space<semaphore_mem>>) {add = true}
    %dma_start3A_20 = arith.constant 1 : i32
    %dma_start3A_21 = arith.constant 0 : i32
    %dma_start3A_22 = tpu.memref_slice %arg5[%dma_start3A_20, %dma_start3A_21] : memref<125x80xi32, #tpu.memory_space<vmem>> -> memref<1x80xi32, #tpu.memory_space<vmem>>
    %dma_start3A_23 = tpu.memref_squeeze %dma_start3A_22 : memref<1x80xi32, #tpu.memory_space<vmem>> -> memref<80xi32, #tpu.memory_space<vmem>>
    %dma_start3A_24 = arith.constant 0 : i32
    %dma_start3A_25 = arith.constant 0 : i32
    %dma_start3A_26 = tpu.memref_slice %arg9[%dma_start3A_24, %dma_start3A_25] : memref<10240x128xf32, #tpu.memory_space<vmem_shared>> -> memref<10240x128xf32, #tpu.memory_space<vmem_shared>>
    tpu.enqueue_indirect_dma source(%arg6 : memref<80x128xf32, #tpu.memory_space<vmem>>) target(%dma_start3A_26 : memref<10240x128xf32, #tpu.memory_space<vmem_shared>>) offsets(%dma_start3A_23 : memref<80xi32, #tpu.memory_space<vmem>>) semaphore(%arg8 : memref<!tpu.dma_semaphore, #tpu.memory_space<semaphore_mem>>) {add = true}
    %scan3A_27 = arith.constant 0 : i32
    %scan3A_28 = arith.constant 61 : i32
    %scan3A_29 = arith.addi %scan3A_27, %scan3A_28 : i32
    %scan3A_30 = arith.constant 1 : i32
    scf.for %scan3A_50 = %scan3A_27 to %scan3A_29 step %scan3A_30  : i32 {
      %mul3A_51 = arith.constant 2 : i32
      %mul3A_52 = arith.muli %scan3A_50, %mul3A_51 : i32
      %add3A_53 = arith.constant 2 : i32
      %add3A_54 = arith.addi %add3A_53, %mul3A_52 : i32
      %dma_wait3A_55 = arith.constant 0 : i32
      %dma_wait3A_56 = tpu.memref_slice %arg5[%add3A_54, %dma_wait3A_55] : memref<125x80xi32, #tpu.memory_space<vmem>> -> memref<1x80xi32, #tpu.memory_space<vmem>>
      %dma_wait3A_57 = tpu.memref_squeeze %dma_wait3A_56 : memref<1x80xi32, #tpu.memory_space<vmem>> -> memref<80xi32, #tpu.memory_space<vmem>>
      %dma_wait3A_58 = arith.constant 0 : i32
      %dma_wait3A_59 = arith.constant 0 : i32
      %dma_wait3A_60 = tpu.memref_slice %arg9[%dma_wait3A_58, %dma_wait3A_59] : memref<10240x128xf32, #tpu.memory_space<vmem_shared>> -> memref<10240x128xf32, #tpu.memory_space<vmem_shared>>
      tpu.wait_indirect_dma semaphore(%arg7 : memref<!tpu.dma_semaphore, #tpu.memory_space<semaphore_mem>>) src(%arg6 : memref<80x128xf32, #tpu.memory_space<vmem>>) dst(%dma_wait3A_60 : memref<10240x128xf32, #tpu.memory_space<vmem_shared>>)
      %dma_start3A_61 = arith.constant 0 : i32
      %dma_start3A_62 = tpu.memref_slice %arg5[%add3A_54, %dma_start3A_61] : memref<125x80xi32, #tpu.memory_space<vmem>> -> memref<1x80xi32, #tpu.memory_space<vmem>>
      %dma_start3A_63 = tpu.memref_squeeze %dma_start3A_62 : memref<1x80xi32, #tpu.memory_space<vmem>> -> memref<80xi32, #tpu.memory_space<vmem>>
      %dma_start3A_64 = arith.constant 0 : i32
      %dma_start3A_65 = arith.constant 0 : i32
      %dma_start3A_66 = tpu.memref_slice %arg9[%dma_start3A_64, %dma_start3A_65] : memref<10240x128xf32, #tpu.memory_space<vmem_shared>> -> memref<10240x128xf32, #tpu.memory_space<vmem_shared>>
      tpu.enqueue_indirect_dma source(%arg6 : memref<80x128xf32, #tpu.memory_space<vmem>>) target(%dma_start3A_66 : memref<10240x128xf32, #tpu.memory_space<vmem_shared>>) offsets(%dma_start3A_63 : memref<80xi32, #tpu.memory_space<vmem>>) semaphore(%arg7 : memref<!tpu.dma_semaphore, #tpu.memory_space<semaphore_mem>>) {add = true}
      %add3A_67 = arith.constant 1 : i32
      %add3A_68 = arith.addi %add3A_54, %add3A_67 : i32
      %dma_wait3A_69 = arith.constant 0 : i32
      %dma_wait3A_70 = tpu.memref_slice %arg5[%add3A_68, %dma_wait3A_69] : memref<125x80xi32, #tpu.memory_space<vmem>> -> memref<1x80xi32, #tpu.memory_space<vmem>>
      %dma_wait3A_71 = tpu.memref_squeeze %dma_wait3A_70 : memref<1x80xi32, #tpu.memory_space<vmem>> -> memref<80xi32, #tpu.memory_space<vmem>>
      %dma_wait3A_72 = arith.constant 0 : i32
      %dma_wait3A_73 = arith.constant 0 : i32
      %dma_wait3A_74 = tpu.memref_slice %arg9[%dma_wait3A_72, %dma_wait3A_73] : memref<10240x128xf32, #tpu.memory_space<vmem_shared>> -> memref<10240x128xf32, #tpu.memory_space<vmem_shared>>
      tpu.wait_indirect_dma semaphore(%arg8 : memref<!tpu.dma_semaphore, #tpu.memory_space<semaphore_mem>>) src(%arg6 : memref<80x128xf32, #tpu.memory_space<vmem>>) dst(%dma_wait3A_74 : memref<10240x128xf32, #tpu.memory_space<vmem_shared>>)
      %add3A_75 = arith.constant 1 : i32
      %add3A_76 = arith.addi %add3A_54, %add3A_75 : i32
      %dma_start3A_77 = arith.constant 0 : i32
      %dma_start3A_78 = tpu.memref_slice %arg5[%add3A_76, %dma_start3A_77] : memref<125x80xi32, #tpu.memory_space<vmem>> -> memref<1x80xi32, #tpu.memory_space<vmem>>
      %dma_start3A_79 = tpu.memref_squeeze %dma_start3A_78 : memref<1x80xi32, #tpu.memory_space<vmem>> -> memref<80xi32, #tpu.memory_space<vmem>>
      %dma_start3A_80 = arith.constant 0 : i32
      %dma_start3A_81 = arith.constant 0 : i32
      %dma_start3A_82 = tpu.memref_slice %arg9[%dma_start3A_80, %dma_start3A_81] : memref<10240x128xf32, #tpu.memory_space<vmem_shared>> -> memref<10240x128xf32, #tpu.memory_space<vmem_shared>>
      tpu.enqueue_indirect_dma source(%arg6 : memref<80x128xf32, #tpu.memory_space<vmem>>) target(%dma_start3A_82 : memref<10240x128xf32, #tpu.memory_space<vmem_shared>>) offsets(%dma_start3A_79 : memref<80xi32, #tpu.memory_space<vmem>>) semaphore(%arg8 : memref<!tpu.dma_semaphore, #tpu.memory_space<semaphore_mem>>) {add = true}
    }
    %scan3A_31 = arith.constant 61 : i32
    %dma_wait3A = arith.constant 0 : i32
    %dma_wait3A_32 = arith.constant 0 : i32
    %dma_wait3A_33 = tpu.memref_slice %arg5[%dma_wait3A, %dma_wait3A_32] : memref<125x80xi32, #tpu.memory_space<vmem>> -> memref<1x80xi32, #tpu.memory_space<vmem>>
    %dma_wait3A_34 = tpu.memref_squeeze %dma_wait3A_33 : memref<1x80xi32, #tpu.memory_space<vmem>> -> memref<80xi32, #tpu.memory_space<vmem>>
    %dma_wait3A_35 = arith.constant 0 : i32
    %dma_wait3A_36 = arith.constant 0 : i32
    %dma_wait3A_37 = tpu.memref_slice %arg9[%dma_wait3A_35, %dma_wait3A_36] : memref<10240x128xf32, #tpu.memory_space<vmem_shared>> -> memref<10240x128xf32, #tpu.memory_space<vmem_shared>>
    tpu.wait_indirect_dma semaphore(%arg7 : memref<!tpu.dma_semaphore, #tpu.memory_space<semaphore_mem>>) src(%arg6 : memref<80x128xf32, #tpu.memory_space<vmem>>) dst(%dma_wait3A_37 : memref<10240x128xf32, #tpu.memory_space<vmem_shared>>)
    %dma_wait3A_38 = arith.constant 1 : i32
    %dma_wait3A_39 = arith.constant 0 : i32
    %dma_wait3A_40 = tpu.memref_slice %arg5[%dma_wait3A_38, %dma_wait3A_39] : memref<125x80xi32, #tpu.memory_space<vmem>> -> memref<1x80xi32, #tpu.memory_space<vmem>>
    %dma_wait3A_41 = tpu.memref_squeeze %dma_wait3A_40 : memref<1x80xi32, #tpu.memory_space<vmem>> -> memref<80xi32, #tpu.memory_space<vmem>>
    %dma_wait3A_42 = arith.constant 0 : i32
    %dma_wait3A_43 = arith.constant 0 : i32
    %dma_wait3A_44 = tpu.memref_slice %arg9[%dma_wait3A_42, %dma_wait3A_43] : memref<10240x128xf32, #tpu.memory_space<vmem_shared>> -> memref<10240x128xf32, #tpu.memory_space<vmem_shared>>
    tpu.wait_indirect_dma semaphore(%arg8 : memref<!tpu.dma_semaphore, #tpu.memory_space<semaphore_mem>>) src(%arg6 : memref<80x128xf32, #tpu.memory_space<vmem>>) dst(%dma_wait3A_44 : memref<10240x128xf32, #tpu.memory_space<vmem_shared>>)
    %run_scoped3A = arith.constant 124 : i32
    "tpu.region"() ({
      %run_scoped3A_50 = tpu.sem_alloc : memref<!tpu.dma_semaphore, #tpu.memory_space<semaphore_mem>>
      %dma_start3A_51 = arith.constant 0 : i32
      %dma_start3A_52 = tpu.memref_slice %arg5[%run_scoped3A, %dma_start3A_51] : memref<125x80xi32, #tpu.memory_space<vmem>> -> memref<1x80xi32, #tpu.memory_space<vmem>>
      %dma_start3A_53 = tpu.memref_squeeze %dma_start3A_52 : memref<1x80xi32, #tpu.memory_space<vmem>> -> memref<80xi32, #tpu.memory_space<vmem>>
      %dma_start3A_54 = arith.constant 0 : i32
      %dma_start3A_55 = arith.constant 0 : i32
      %dma_start3A_56 = tpu.memref_slice %arg9[%dma_start3A_54, %dma_start3A_55] : memref<10240x128xf32, #tpu.memory_space<vmem_shared>> -> memref<10240x128xf32, #tpu.memory_space<vmem_shared>>
      tpu.enqueue_indirect_dma source(%arg6 : memref<80x128xf32, #tpu.memory_space<vmem>>) target(%dma_start3A_56 : memref<10240x128xf32, #tpu.memory_space<vmem_shared>>) offsets(%dma_start3A_53 : memref<80xi32, #tpu.memory_space<vmem>>) semaphore(%run_scoped3A_50 : memref<!tpu.dma_semaphore, #tpu.memory_space<semaphore_mem>>) {add = true}
      %dma_wait3A_57 = arith.constant 0 : i32
      %dma_wait3A_58 = tpu.memref_slice %arg5[%run_scoped3A, %dma_wait3A_57] : memref<125x80xi32, #tpu.memory_space<vmem>> -> memref<1x80xi32, #tpu.memory_space<vmem>>
      %dma_wait3A_59 = tpu.memref_squeeze %dma_wait3A_58 : memref<1x80xi32, #tpu.memory_space<vmem>> -> memref<80xi32, #tpu.memory_space<vmem>>
      %dma_wait3A_60 = arith.constant 0 : i32
      %dma_wait3A_61 = arith.constant 0 : i32
      %dma_wait3A_62 = tpu.memref_slice %arg9[%dma_wait3A_60, %dma_wait3A_61] : memref<10240x128xf32, #tpu.memory_space<vmem_shared>> -> memref<10240x128xf32, #tpu.memory_space<vmem_shared>>
      tpu.wait_indirect_dma semaphore(%run_scoped3A_50 : memref<!tpu.dma_semaphore, #tpu.memory_space<semaphore_mem>>) src(%arg6 : memref<80x128xf32, #tpu.memory_space<vmem>>) dst(%dma_wait3A_62 : memref<10240x128xf32, #tpu.memory_space<vmem_shared>>)
      tpu.yield
    }) : () -> ()
    %eq3A_45 = arith.constant 0 : i32
    %eq3A_46 = arith.cmpi eq, %arg1, %eq3A_45 : i32
    %convert_element_type3A_47 = arith.extui %eq3A_46 : i1 to i32
    %cond3A_48 = arith.constant 0 : i32
    %cond3A_49 = arith.cmpi ne, %convert_element_type3A_47, %cond3A_48 : i32
    scf.if %cond3A_49 {
      %mul3A_50 = arith.constant 10240 : i32
      %mul3A_51 = arith.muli %arg0, %mul3A_50 : i32
      "tpu.region"() ({
        %run_scoped3A_52 = tpu.sem_alloc : memref<!tpu.dma_semaphore, #tpu.memory_space<semaphore_mem>>
        %dma_start3A_53 = arith.constant 0 : i32
        %dma_start3A_54 = tpu.memref_slice %arg4[%mul3A_51, %dma_start3A_53] : memref<20480x128xf32, #tpu.memory_space<hbm>> -> memref<10240x128xf32, #tpu.memory_space<hbm>>
        tpu.enqueue_dma source(%arg9 : memref<10240x128xf32, #tpu.memory_space<vmem_shared>>) target(%dma_start3A_54 : memref<10240x128xf32, #tpu.memory_space<hbm>>) target_semaphore(%run_scoped3A_52 : memref<!tpu.dma_semaphore, #tpu.memory_space<semaphore_mem>>)
        %dma_wait3A_55 = arith.constant 0 : i32
        %dma_wait3A_56 = tpu.memref_slice %arg4[%mul3A_51, %dma_wait3A_55] : memref<20480x128xf32, #tpu.memory_space<hbm>> -> memref<10240x128xf32, #tpu.memory_space<hbm>>
        tpu.wait_dma2 semaphore(%run_scoped3A_52 : memref<!tpu.dma_semaphore, #tpu.memory_space<semaphore_mem>>) src(%arg9 : memref<10240x128xf32, #tpu.memory_space<vmem_shared>>) dst(%dma_wait3A_56 : memref<10240x128xf32, #tpu.memory_space<hbm>>)
        tpu.yield
      }) : () -> ()
    } else {
    }
    return
  }
}

#map = affine_map<(d0, d1) -> (0, 0)>
#map1 = affine_map<(d0, d1) -> (0)>
#map2 = affine_map<(d0, d1) -> (0, 0, 0)>
module attributes {stable_mosaic.version = 14 : i64} {
  func.func @_agg_body(%arg0: i32, %arg1: i32, %arg2: memref<10000x128xf32, #tpu.memory_space<hbm>>, %arg3: memref<320000xi32, #tpu.memory_space<hbm>>, %arg4: memref<32x125x80xi32, #tpu.memory_space<hbm>>, %arg5: memref<10240x128xf32, #tpu.memory_space<hbm>>, %arg6: memref<20480x128xf32, #tpu.memory_space<hbm>>, %arg7: memref<10000xi32, #tpu.memory_space<vmem>>, %arg8: memref<125x80xi32, #tpu.memory_space<vmem>>, %arg9: memref<80x128xf32, #tpu.memory_space<vmem>>, %arg10: memref<80x128xf32, #tpu.memory_space<vmem>>, %arg11: memref<!tpu.dma_semaphore, #tpu.memory_space<semaphore_mem>>, %arg12: memref<!tpu.dma_semaphore, #tpu.memory_space<semaphore_mem>>, %arg13: memref<!tpu.dma_semaphore, #tpu.memory_space<semaphore_mem>>, %arg14: memref<!tpu.dma_semaphore, #tpu.memory_space<semaphore_mem>>, %arg15: memref<10240x128xf32, #tpu.memory_space<vmem_shared>>) attributes {dimension_semantics = [#tpu.dimension_semantics<core_parallel>, #tpu.dimension_semantics<subcore_parallel>], iteration_bounds = array<i64: 2, 16>, scalar_prefetch = 0 : i64, scratch_operands = 9 : i64, tpu.core_type = #tpu.core_type<sc_vector_subcore>, window_params = [{transform_indices = #map}, {transform_indices = #map1}, {transform_indices = #map2}, {transform_indices = #map}, {transform_indices = #map}]} {
    %mul3A = arith.constant 16 : i32
    %mul3A_0 = arith.muli %arg0, %mul3A : i32
    %add3A = arith.addi %mul3A_0, %arg1 : i32
    %eq3A = arith.constant 0 : i32
    %eq3A_1 = arith.cmpi eq, %arg1, %eq3A : i32
    %convert_element_type3A = arith.extui %eq3A_1 : i1 to i32
    %cond3A = arith.constant 0 : i32
    %cond3A_2 = arith.cmpi ne, %convert_element_type3A, %cond3A : i32
    scf.if %cond3A_2 {
      "tpu.region"() ({
        %run_scoped3A_45 = tpu.sem_alloc : memref<!tpu.dma_semaphore, #tpu.memory_space<semaphore_mem>>
        tpu.enqueue_dma source(%arg5 : memref<10240x128xf32, #tpu.memory_space<hbm>>) target(%arg15 : memref<10240x128xf32, #tpu.memory_space<vmem_shared>>) target_semaphore(%run_scoped3A_45 : memref<!tpu.dma_semaphore, #tpu.memory_space<semaphore_mem>>)
        tpu.wait_dma2 semaphore(%run_scoped3A_45 : memref<!tpu.dma_semaphore, #tpu.memory_space<semaphore_mem>>) src(%arg5 : memref<10240x128xf32, #tpu.memory_space<hbm>>) dst(%arg15 : memref<10240x128xf32, #tpu.memory_space<vmem_shared>>)
        tpu.yield
      }) : () -> ()
    } else {
    }
    %mul3A_3 = arith.constant 10000 : i32
    %mul3A_4 = arith.muli %add3A, %mul3A_3 : i32
    "tpu.region"() ({
      %run_scoped3A_45 = tpu.sem_alloc : memref<!tpu.dma_semaphore, #tpu.memory_space<semaphore_mem>>
      %dma_start3A_46 = tpu.memref_slice %arg3[%mul3A_4] : memref<320000xi32, #tpu.memory_space<hbm>> -> memref<10000xi32, #tpu.memory_space<hbm>>
      %dma_start3A_47 = tpu.memref_slice %arg3[%mul3A_4] : memref<320000xi32, #tpu.memory_space<hbm>> -> memref<10000xi32, #tpu.memory_space<hbm>>
      tpu.enqueue_dma source(%dma_start3A_47 : memref<10000xi32, #tpu.memory_space<hbm>>) target(%arg7 : memref<10000xi32, #tpu.memory_space<vmem>>) target_semaphore(%run_scoped3A_45 : memref<!tpu.dma_semaphore, #tpu.memory_space<semaphore_mem>>)
      %dma_wait3A_48 = tpu.memref_slice %arg3[%mul3A_4] : memref<320000xi32, #tpu.memory_space<hbm>> -> memref<10000xi32, #tpu.memory_space<hbm>>
      %dma_wait3A_49 = tpu.memref_slice %arg3[%mul3A_4] : memref<320000xi32, #tpu.memory_space<hbm>> -> memref<10000xi32, #tpu.memory_space<hbm>>
      tpu.wait_dma2 semaphore(%run_scoped3A_45 : memref<!tpu.dma_semaphore, #tpu.memory_space<semaphore_mem>>) src(%dma_wait3A_49 : memref<10000xi32, #tpu.memory_space<hbm>>) dst(%arg7 : memref<10000xi32, #tpu.memory_space<vmem>>)
      tpu.yield
    }) : () -> ()
    "tpu.region"() ({
      %run_scoped3A_45 = tpu.sem_alloc : memref<!tpu.dma_semaphore, #tpu.memory_space<semaphore_mem>>
      %dma_start3A_46 = arith.constant 0 : i32
      %dma_start3A_47 = arith.constant 0 : i32
      %dma_start3A_48 = tpu.memref_slice %arg4[%add3A, %dma_start3A_46, %dma_start3A_47] : memref<32x125x80xi32, #tpu.memory_space<hbm>> -> memref<1x125x80xi32, #tpu.memory_space<hbm>>
      %dma_start3A_49 = tpu.memref_squeeze %dma_start3A_48 : memref<1x125x80xi32, #tpu.memory_space<hbm>> -> memref<125x80xi32, #tpu.memory_space<hbm>>
      %dma_start3A_50 = arith.constant 0 : i32
      %dma_start3A_51 = arith.constant 0 : i32
      %dma_start3A_52 = tpu.memref_slice %arg4[%add3A, %dma_start3A_50, %dma_start3A_51] : memref<32x125x80xi32, #tpu.memory_space<hbm>> -> memref<1x125x80xi32, #tpu.memory_space<hbm>>
      %dma_start3A_53 = tpu.memref_squeeze %dma_start3A_52 : memref<1x125x80xi32, #tpu.memory_space<hbm>> -> memref<125x80xi32, #tpu.memory_space<hbm>>
      tpu.enqueue_dma source(%dma_start3A_53 : memref<125x80xi32, #tpu.memory_space<hbm>>) target(%arg8 : memref<125x80xi32, #tpu.memory_space<vmem>>) target_semaphore(%run_scoped3A_45 : memref<!tpu.dma_semaphore, #tpu.memory_space<semaphore_mem>>)
      %dma_wait3A_54 = arith.constant 0 : i32
      %dma_wait3A_55 = arith.constant 0 : i32
      %dma_wait3A_56 = tpu.memref_slice %arg4[%add3A, %dma_wait3A_54, %dma_wait3A_55] : memref<32x125x80xi32, #tpu.memory_space<hbm>> -> memref<1x125x80xi32, #tpu.memory_space<hbm>>
      %dma_wait3A_57 = tpu.memref_squeeze %dma_wait3A_56 : memref<1x125x80xi32, #tpu.memory_space<hbm>> -> memref<125x80xi32, #tpu.memory_space<hbm>>
      %dma_wait3A_58 = arith.constant 0 : i32
      %dma_wait3A_59 = arith.constant 0 : i32
      %dma_wait3A_60 = tpu.memref_slice %arg4[%add3A, %dma_wait3A_58, %dma_wait3A_59] : memref<32x125x80xi32, #tpu.memory_space<hbm>> -> memref<1x125x80xi32, #tpu.memory_space<hbm>>
      %dma_wait3A_61 = tpu.memref_squeeze %dma_wait3A_60 : memref<1x125x80xi32, #tpu.memory_space<hbm>> -> memref<125x80xi32, #tpu.memory_space<hbm>>
      tpu.wait_dma2 semaphore(%run_scoped3A_45 : memref<!tpu.dma_semaphore, #tpu.memory_space<semaphore_mem>>) src(%dma_wait3A_61 : memref<125x80xi32, #tpu.memory_space<hbm>>) dst(%arg8 : memref<125x80xi32, #tpu.memory_space<vmem>>)
      tpu.yield
    }) : () -> ()
    %barrier3A = arith.constant 0 : index
    tpu.barrier barrier_id(%barrier3A)
    %dma_start3A = arith.constant 0 : i32
    %dma_start3A_5 = tpu.memref_slice %arg7[%dma_start3A] : memref<10000xi32, #tpu.memory_space<vmem>> -> memref<80xi32, #tpu.memory_space<vmem>>
    %dma_start3A_6 = arith.constant 0 : i32
    %dma_start3A_7 = arith.constant 0 : i32
    %dma_start3A_8 = tpu.memref_slice %arg2[%dma_start3A_6, %dma_start3A_7] : memref<10000x128xf32, #tpu.memory_space<hbm>> -> memref<10000x128xf32, #tpu.memory_space<hbm>>
    tpu.enqueue_indirect_dma source(%dma_start3A_8 : memref<10000x128xf32, #tpu.memory_space<hbm>>) target(%arg9 : memref<80x128xf32, #tpu.memory_space<vmem>>) offsets(%dma_start3A_5 : memref<80xi32, #tpu.memory_space<vmem>>) semaphore(%arg11 : memref<!tpu.dma_semaphore, #tpu.memory_space<semaphore_mem>>)
    %dma_start3A_9 = arith.constant 80 : i32
    %dma_start3A_10 = tpu.memref_slice %arg7[%dma_start3A_9] : memref<10000xi32, #tpu.memory_space<vmem>> -> memref<80xi32, #tpu.memory_space<vmem>>
    %dma_start3A_11 = arith.constant 0 : i32
    %dma_start3A_12 = arith.constant 0 : i32
    %dma_start3A_13 = tpu.memref_slice %arg2[%dma_start3A_11, %dma_start3A_12] : memref<10000x128xf32, #tpu.memory_space<hbm>> -> memref<10000x128xf32, #tpu.memory_space<hbm>>
    tpu.enqueue_indirect_dma source(%dma_start3A_13 : memref<10000x128xf32, #tpu.memory_space<hbm>>) target(%arg10 : memref<80x128xf32, #tpu.memory_space<vmem>>) offsets(%dma_start3A_10 : memref<80xi32, #tpu.memory_space<vmem>>) semaphore(%arg12 : memref<!tpu.dma_semaphore, #tpu.memory_space<semaphore_mem>>)
    %scan3A = arith.constant 0 : i32
    %scan3A_14 = arith.constant 61 : i32
    %scan3A_15 = arith.addi %scan3A, %scan3A_14 : i32
    %scan3A_16 = arith.constant 1 : i32
    scf.for %scan3A_45 = %scan3A to %scan3A_15 step %scan3A_16  : i32 {
      %mul3A_46 = arith.constant 2 : i32
      %mul3A_47 = arith.muli %scan3A_45, %mul3A_46 : i32
      %add3A_48 = arith.constant 0 : i32
      %add3A_49 = arith.addi %add3A_48, %mul3A_47 : i32
      %mul3A_50 = arith.constant 80 : i32
      %mul3A_51 = arith.muli %add3A_49, %mul3A_50 : i32
      %dma_wait3A_52 = tpu.memref_slice %arg7[%mul3A_51] : memref<10000xi32, #tpu.memory_space<vmem>> -> memref<80xi32, #tpu.memory_space<vmem>>
      %dma_wait3A_53 = arith.constant 0 : i32
      %dma_wait3A_54 = arith.constant 0 : i32
      %dma_wait3A_55 = tpu.memref_slice %arg2[%dma_wait3A_53, %dma_wait3A_54] : memref<10000x128xf32, #tpu.memory_space<hbm>> -> memref<10000x128xf32, #tpu.memory_space<hbm>>
      tpu.wait_indirect_dma semaphore(%arg11 : memref<!tpu.dma_semaphore, #tpu.memory_space<semaphore_mem>>) src(%dma_wait3A_55 : memref<10000x128xf32, #tpu.memory_space<hbm>>) dst(%arg9 : memref<80x128xf32, #tpu.memory_space<vmem>>)
      %dma_start3A_56 = arith.constant 0 : i32
      %dma_start3A_57 = tpu.memref_slice %arg8[%add3A_49, %dma_start3A_56] : memref<125x80xi32, #tpu.memory_space<vmem>> -> memref<1x80xi32, #tpu.memory_space<vmem>>
      %dma_start3A_58 = tpu.memref_squeeze %dma_start3A_57 : memref<1x80xi32, #tpu.memory_space<vmem>> -> memref<80xi32, #tpu.memory_space<vmem>>
      %dma_start3A_59 = arith.constant 0 : i32
      %dma_start3A_60 = arith.constant 0 : i32
      %dma_start3A_61 = tpu.memref_slice %arg15[%dma_start3A_59, %dma_start3A_60] : memref<10240x128xf32, #tpu.memory_space<vmem_shared>> -> memref<10240x128xf32, #tpu.memory_space<vmem_shared>>
      tpu.enqueue_indirect_dma source(%arg9 : memref<80x128xf32, #tpu.memory_space<vmem>>) target(%dma_start3A_61 : memref<10240x128xf32, #tpu.memory_space<vmem_shared>>) offsets(%dma_start3A_58 : memref<80xi32, #tpu.memory_space<vmem>>) semaphore(%arg13 : memref<!tpu.dma_semaphore, #tpu.memory_space<semaphore_mem>>) {add = true}
      %mul3A_62 = arith.constant 80 : i32
      %mul3A_63 = arith.muli %add3A_49, %mul3A_62 : i32
      %dma_wait3A_64 = tpu.memref_slice %arg7[%mul3A_63] : memref<10000xi32, #tpu.memory_space<vmem>> -> memref<80xi32, #tpu.memory_space<vmem>>
      %dma_wait3A_65 = arith.constant 0 : i32
      %dma_wait3A_66 = arith.constant 0 : i32
      %dma_wait3A_67 = tpu.memref_slice %arg2[%dma_wait3A_65, %dma_wait3A_66] : memref<10000x128xf32, #tpu.memory_space<hbm>> -> memref<10000x128xf32, #tpu.memory_space<hbm>>
      tpu.wait_indirect_dma semaphore(%arg12 : memref<!tpu.dma_semaphore, #tpu.memory_space<semaphore_mem>>) src(%dma_wait3A_67 : memref<10000x128xf32, #tpu.memory_space<hbm>>) dst(%arg10 : memref<80x128xf32, #tpu.memory_space<vmem>>)
      %add3A_68 = arith.constant 1 : i32
      %add3A_69 = arith.addi %add3A_49, %add3A_68 : i32
      %dma_start3A_70 = arith.constant 0 : i32
      %dma_start3A_71 = tpu.memref_slice %arg8[%add3A_69, %dma_start3A_70] : memref<125x80xi32, #tpu.memory_space<vmem>> -> memref<1x80xi32, #tpu.memory_space<vmem>>
      %dma_start3A_72 = tpu.memref_squeeze %dma_start3A_71 : memref<1x80xi32, #tpu.memory_space<vmem>> -> memref<80xi32, #tpu.memory_space<vmem>>
      %dma_start3A_73 = arith.constant 0 : i32
      %dma_start3A_74 = arith.constant 0 : i32
      %dma_start3A_75 = tpu.memref_slice %arg15[%dma_start3A_73, %dma_start3A_74] : memref<10240x128xf32, #tpu.memory_space<vmem_shared>> -> memref<10240x128xf32, #tpu.memory_space<vmem_shared>>
      tpu.enqueue_indirect_dma source(%arg10 : memref<80x128xf32, #tpu.memory_space<vmem>>) target(%dma_start3A_75 : memref<10240x128xf32, #tpu.memory_space<vmem_shared>>) offsets(%dma_start3A_72 : memref<80xi32, #tpu.memory_space<vmem>>) semaphore(%arg14 : memref<!tpu.dma_semaphore, #tpu.memory_space<semaphore_mem>>) {add = true}
      %dma_wait3A_76 = arith.constant 0 : i32
      %dma_wait3A_77 = tpu.memref_slice %arg8[%add3A_49, %dma_wait3A_76] : memref<125x80xi32, #tpu.memory_space<vmem>> -> memref<1x80xi32, #tpu.memory_space<vmem>>
      %dma_wait3A_78 = tpu.memref_squeeze %dma_wait3A_77 : memref<1x80xi32, #tpu.memory_space<vmem>> -> memref<80xi32, #tpu.memory_space<vmem>>
      %dma_wait3A_79 = arith.constant 0 : i32
      %dma_wait3A_80 = arith.constant 0 : i32
      %dma_wait3A_81 = tpu.memref_slice %arg15[%dma_wait3A_79, %dma_wait3A_80] : memref<10240x128xf32, #tpu.memory_space<vmem_shared>> -> memref<10240x128xf32, #tpu.memory_space<vmem_shared>>
      tpu.wait_indirect_dma semaphore(%arg13 : memref<!tpu.dma_semaphore, #tpu.memory_space<semaphore_mem>>) src(%arg9 : memref<80x128xf32, #tpu.memory_space<vmem>>) dst(%dma_wait3A_81 : memref<10240x128xf32, #tpu.memory_space<vmem_shared>>)
      %add3A_82 = arith.constant 2 : i32
      %add3A_83 = arith.addi %add3A_49, %add3A_82 : i32
      %mul3A_84 = arith.constant 80 : i32
      %mul3A_85 = arith.muli %add3A_83, %mul3A_84 : i32
      %dma_start3A_86 = tpu.memref_slice %arg7[%mul3A_85] : memref<10000xi32, #tpu.memory_space<vmem>> -> memref<80xi32, #tpu.memory_space<vmem>>
      %dma_start3A_87 = arith.constant 0 : i32
      %dma_start3A_88 = arith.constant 0 : i32
      %dma_start3A_89 = tpu.memref_slice %arg2[%dma_start3A_87, %dma_start3A_88] : memref<10000x128xf32, #tpu.memory_space<hbm>> -> memref<10000x128xf32, #tpu.memory_space<hbm>>
      tpu.enqueue_indirect_dma source(%dma_start3A_89 : memref<10000x128xf32, #tpu.memory_space<hbm>>) target(%arg9 : memref<80x128xf32, #tpu.memory_space<vmem>>) offsets(%dma_start3A_86 : memref<80xi32, #tpu.memory_space<vmem>>) semaphore(%arg11 : memref<!tpu.dma_semaphore, #tpu.memory_space<semaphore_mem>>)
      %dma_wait3A_90 = arith.constant 0 : i32
      %dma_wait3A_91 = tpu.memref_slice %arg8[%add3A_69, %dma_wait3A_90] : memref<125x80xi32, #tpu.memory_space<vmem>> -> memref<1x80xi32, #tpu.memory_space<vmem>>
      %dma_wait3A_92 = tpu.memref_squeeze %dma_wait3A_91 : memref<1x80xi32, #tpu.memory_space<vmem>> -> memref<80xi32, #tpu.memory_space<vmem>>
      %dma_wait3A_93 = arith.constant 0 : i32
      %dma_wait3A_94 = arith.constant 0 : i32
      %dma_wait3A_95 = tpu.memref_slice %arg15[%dma_wait3A_93, %dma_wait3A_94] : memref<10240x128xf32, #tpu.memory_space<vmem_shared>> -> memref<10240x128xf32, #tpu.memory_space<vmem_shared>>
      tpu.wait_indirect_dma semaphore(%arg14 : memref<!tpu.dma_semaphore, #tpu.memory_space<semaphore_mem>>) src(%arg10 : memref<80x128xf32, #tpu.memory_space<vmem>>) dst(%dma_wait3A_95 : memref<10240x128xf32, #tpu.memory_space<vmem_shared>>)
      %add3A_96 = arith.constant 3 : i32
      %add3A_97 = arith.addi %add3A_49, %add3A_96 : i32
      %mul3A_98 = arith.constant 80 : i32
      %mul3A_99 = arith.muli %add3A_97, %mul3A_98 : i32
      %dma_start3A_100 = tpu.memref_slice %arg7[%mul3A_99] : memref<10000xi32, #tpu.memory_space<vmem>> -> memref<80xi32, #tpu.memory_space<vmem>>
      %dma_start3A_101 = arith.constant 0 : i32
      %dma_start3A_102 = arith.constant 0 : i32
      %dma_start3A_103 = tpu.memref_slice %arg2[%dma_start3A_101, %dma_start3A_102] : memref<10000x128xf32, #tpu.memory_space<hbm>> -> memref<10000x128xf32, #tpu.memory_space<hbm>>
      tpu.enqueue_indirect_dma source(%dma_start3A_103 : memref<10000x128xf32, #tpu.memory_space<hbm>>) target(%arg10 : memref<80x128xf32, #tpu.memory_space<vmem>>) offsets(%dma_start3A_100 : memref<80xi32, #tpu.memory_space<vmem>>) semaphore(%arg12 : memref<!tpu.dma_semaphore, #tpu.memory_space<semaphore_mem>>)
    }
    %scan3A_17 = arith.constant 61 : i32
    %dma_wait3A = arith.constant 0 : i32
    %dma_wait3A_18 = tpu.memref_slice %arg7[%dma_wait3A] : memref<10000xi32, #tpu.memory_space<vmem>> -> memref<80xi32, #tpu.memory_space<vmem>>
    %dma_wait3A_19 = arith.constant 0 : i32
    %dma_wait3A_20 = arith.constant 0 : i32
    %dma_wait3A_21 = tpu.memref_slice %arg2[%dma_wait3A_19, %dma_wait3A_20] : memref<10000x128xf32, #tpu.memory_space<hbm>> -> memref<10000x128xf32, #tpu.memory_space<hbm>>
    tpu.wait_indirect_dma semaphore(%arg11 : memref<!tpu.dma_semaphore, #tpu.memory_space<semaphore_mem>>) src(%dma_wait3A_21 : memref<10000x128xf32, #tpu.memory_space<hbm>>) dst(%arg9 : memref<80x128xf32, #tpu.memory_space<vmem>>)
    %run_scoped3A = arith.constant 122 : i32
    "tpu.region"() ({
      %run_scoped3A_45 = tpu.sem_alloc : memref<!tpu.dma_semaphore, #tpu.memory_space<semaphore_mem>>
      %dma_start3A_46 = arith.constant 0 : i32
      %dma_start3A_47 = tpu.memref_slice %arg8[%run_scoped3A, %dma_start3A_46] : memref<125x80xi32, #tpu.memory_space<vmem>> -> memref<1x80xi32, #tpu.memory_space<vmem>>
      %dma_start3A_48 = tpu.memref_squeeze %dma_start3A_47 : memref<1x80xi32, #tpu.memory_space<vmem>> -> memref<80xi32, #tpu.memory_space<vmem>>
      %dma_start3A_49 = arith.constant 0 : i32
      %dma_start3A_50 = arith.constant 0 : i32
      %dma_start3A_51 = tpu.memref_slice %arg15[%dma_start3A_49, %dma_start3A_50] : memref<10240x128xf32, #tpu.memory_space<vmem_shared>> -> memref<10240x128xf32, #tpu.memory_space<vmem_shared>>
      tpu.enqueue_indirect_dma source(%arg9 : memref<80x128xf32, #tpu.memory_space<vmem>>) target(%dma_start3A_51 : memref<10240x128xf32, #tpu.memory_space<vmem_shared>>) offsets(%dma_start3A_48 : memref<80xi32, #tpu.memory_space<vmem>>) semaphore(%run_scoped3A_45 : memref<!tpu.dma_semaphore, #tpu.memory_space<semaphore_mem>>) {add = true}
      %dma_wait3A_52 = arith.constant 0 : i32
      %dma_wait3A_53 = tpu.memref_slice %arg8[%run_scoped3A, %dma_wait3A_52] : memref<125x80xi32, #tpu.memory_space<vmem>> -> memref<1x80xi32, #tpu.memory_space<vmem>>
      %dma_wait3A_54 = tpu.memref_squeeze %dma_wait3A_53 : memref<1x80xi32, #tpu.memory_space<vmem>> -> memref<80xi32, #tpu.memory_space<vmem>>
      %dma_wait3A_55 = arith.constant 0 : i32
      %dma_wait3A_56 = arith.constant 0 : i32
      %dma_wait3A_57 = tpu.memref_slice %arg15[%dma_wait3A_55, %dma_wait3A_56] : memref<10240x128xf32, #tpu.memory_space<vmem_shared>> -> memref<10240x128xf32, #tpu.memory_space<vmem_shared>>
      tpu.wait_indirect_dma semaphore(%run_scoped3A_45 : memref<!tpu.dma_semaphore, #tpu.memory_space<semaphore_mem>>) src(%arg9 : memref<80x128xf32, #tpu.memory_space<vmem>>) dst(%dma_wait3A_57 : memref<10240x128xf32, #tpu.memory_space<vmem_shared>>)
      tpu.yield
    }) : () -> ()
    %dma_wait3A_22 = arith.constant 0 : i32
    %dma_wait3A_23 = tpu.memref_slice %arg7[%dma_wait3A_22] : memref<10000xi32, #tpu.memory_space<vmem>> -> memref<80xi32, #tpu.memory_space<vmem>>
    %dma_wait3A_24 = arith.constant 0 : i32
    %dma_wait3A_25 = arith.constant 0 : i32
    %dma_wait3A_26 = tpu.memref_slice %arg2[%dma_wait3A_24, %dma_wait3A_25] : memref<10000x128xf32, #tpu.memory_space<hbm>> -> memref<10000x128xf32, #tpu.memory_space<hbm>>
    tpu.wait_indirect_dma semaphore(%arg12 : memref<!tpu.dma_semaphore, #tpu.memory_space<semaphore_mem>>) src(%dma_wait3A_26 : memref<10000x128xf32, #tpu.memory_space<hbm>>) dst(%arg10 : memref<80x128xf32, #tpu.memory_space<vmem>>)
    %run_scoped3A_27 = arith.constant 123 : i32
    "tpu.region"() ({
      %run_scoped3A_45 = tpu.sem_alloc : memref<!tpu.dma_semaphore, #tpu.memory_space<semaphore_mem>>
      %dma_start3A_46 = arith.constant 0 : i32
      %dma_start3A_47 = tpu.memref_slice %arg8[%run_scoped3A_27, %dma_start3A_46] : memref<125x80xi32, #tpu.memory_space<vmem>> -> memref<1x80xi32, #tpu.memory_space<vmem>>
      %dma_start3A_48 = tpu.memref_squeeze %dma_start3A_47 : memref<1x80xi32, #tpu.memory_space<vmem>> -> memref<80xi32, #tpu.memory_space<vmem>>
      %dma_start3A_49 = arith.constant 0 : i32
      %dma_start3A_50 = arith.constant 0 : i32
      %dma_start3A_51 = tpu.memref_slice %arg15[%dma_start3A_49, %dma_start3A_50] : memref<10240x128xf32, #tpu.memory_space<vmem_shared>> -> memref<10240x128xf32, #tpu.memory_space<vmem_shared>>
      tpu.enqueue_indirect_dma source(%arg10 : memref<80x128xf32, #tpu.memory_space<vmem>>) target(%dma_start3A_51 : memref<10240x128xf32, #tpu.memory_space<vmem_shared>>) offsets(%dma_start3A_48 : memref<80xi32, #tpu.memory_space<vmem>>) semaphore(%run_scoped3A_45 : memref<!tpu.dma_semaphore, #tpu.memory_space<semaphore_mem>>) {add = true}
      %dma_wait3A_52 = arith.constant 0 : i32
      %dma_wait3A_53 = tpu.memref_slice %arg8[%run_scoped3A_27, %dma_wait3A_52] : memref<125x80xi32, #tpu.memory_space<vmem>> -> memref<1x80xi32, #tpu.memory_space<vmem>>
      %dma_wait3A_54 = tpu.memref_squeeze %dma_wait3A_53 : memref<1x80xi32, #tpu.memory_space<vmem>> -> memref<80xi32, #tpu.memory_space<vmem>>
      %dma_wait3A_55 = arith.constant 0 : i32
      %dma_wait3A_56 = arith.constant 0 : i32
      %dma_wait3A_57 = tpu.memref_slice %arg15[%dma_wait3A_55, %dma_wait3A_56] : memref<10240x128xf32, #tpu.memory_space<vmem_shared>> -> memref<10240x128xf32, #tpu.memory_space<vmem_shared>>
      tpu.wait_indirect_dma semaphore(%run_scoped3A_45 : memref<!tpu.dma_semaphore, #tpu.memory_space<semaphore_mem>>) src(%arg10 : memref<80x128xf32, #tpu.memory_space<vmem>>) dst(%dma_wait3A_57 : memref<10240x128xf32, #tpu.memory_space<vmem_shared>>)
      tpu.yield
    }) : () -> ()
    %dma_start3A_28 = arith.constant 9920 : i32
    %dma_start3A_29 = tpu.memref_slice %arg7[%dma_start3A_28] : memref<10000xi32, #tpu.memory_space<vmem>> -> memref<80xi32, #tpu.memory_space<vmem>>
    %dma_start3A_30 = arith.constant 0 : i32
    %dma_start3A_31 = arith.constant 0 : i32
    %dma_start3A_32 = tpu.memref_slice %arg2[%dma_start3A_30, %dma_start3A_31] : memref<10000x128xf32, #tpu.memory_space<hbm>> -> memref<10000x128xf32, #tpu.memory_space<hbm>>
    tpu.enqueue_indirect_dma source(%dma_start3A_32 : memref<10000x128xf32, #tpu.memory_space<hbm>>) target(%arg9 : memref<80x128xf32, #tpu.memory_space<vmem>>) offsets(%dma_start3A_29 : memref<80xi32, #tpu.memory_space<vmem>>) semaphore(%arg11 : memref<!tpu.dma_semaphore, #tpu.memory_space<semaphore_mem>>)
    %dma_wait3A_33 = arith.constant 9920 : i32
    %dma_wait3A_34 = tpu.memref_slice %arg7[%dma_wait3A_33] : memref<10000xi32, #tpu.memory_space<vmem>> -> memref<80xi32, #tpu.memory_space<vmem>>
    %dma_wait3A_35 = arith.constant 0 : i32
    %dma_wait3A_36 = arith.constant 0 : i32
    %dma_wait3A_37 = tpu.memref_slice %arg2[%dma_wait3A_35, %dma_wait3A_36] : memref<10000x128xf32, #tpu.memory_space<hbm>> -> memref<10000x128xf32, #tpu.memory_space<hbm>>
    tpu.wait_indirect_dma semaphore(%arg11 : memref<!tpu.dma_semaphore, #tpu.memory_space<semaphore_mem>>) src(%dma_wait3A_37 : memref<10000x128xf32, #tpu.memory_space<hbm>>) dst(%arg9 : memref<80x128xf32, #tpu.memory_space<vmem>>)
    %run_scoped3A_38 = arith.constant 124 : i32
    "tpu.region"() ({
      %run_scoped3A_45 = tpu.sem_alloc : memref<!tpu.dma_semaphore, #tpu.memory_space<semaphore_mem>>
      %dma_start3A_46 = arith.constant 0 : i32
      %dma_start3A_47 = tpu.memref_slice %arg8[%run_scoped3A_38, %dma_start3A_46] : memref<125x80xi32, #tpu.memory_space<vmem>> -> memref<1x80xi32, #tpu.memory_space<vmem>>
      %dma_start3A_48 = tpu.memref_squeeze %dma_start3A_47 : memref<1x80xi32, #tpu.memory_space<vmem>> -> memref<80xi32, #tpu.memory_space<vmem>>
      %dma_start3A_49 = arith.constant 0 : i32
      %dma_start3A_50 = arith.constant 0 : i32
      %dma_start3A_51 = tpu.memref_slice %arg15[%dma_start3A_49, %dma_start3A_50] : memref<10240x128xf32, #tpu.memory_space<vmem_shared>> -> memref<10240x128xf32, #tpu.memory_space<vmem_shared>>
      tpu.enqueue_indirect_dma source(%arg9 : memref<80x128xf32, #tpu.memory_space<vmem>>) target(%dma_start3A_51 : memref<10240x128xf32, #tpu.memory_space<vmem_shared>>) offsets(%dma_start3A_48 : memref<80xi32, #tpu.memory_space<vmem>>) semaphore(%run_scoped3A_45 : memref<!tpu.dma_semaphore, #tpu.memory_space<semaphore_mem>>) {add = true}
      %dma_wait3A_52 = arith.constant 0 : i32
      %dma_wait3A_53 = tpu.memref_slice %arg8[%run_scoped3A_38, %dma_wait3A_52] : memref<125x80xi32, #tpu.memory_space<vmem>> -> memref<1x80xi32, #tpu.memory_space<vmem>>
      %dma_wait3A_54 = tpu.memref_squeeze %dma_wait3A_53 : memref<1x80xi32, #tpu.memory_space<vmem>> -> memref<80xi32, #tpu.memory_space<vmem>>
      %dma_wait3A_55 = arith.constant 0 : i32
      %dma_wait3A_56 = arith.constant 0 : i32
      %dma_wait3A_57 = tpu.memref_slice %arg15[%dma_wait3A_55, %dma_wait3A_56] : memref<10240x128xf32, #tpu.memory_space<vmem_shared>> -> memref<10240x128xf32, #tpu.memory_space<vmem_shared>>
      tpu.wait_indirect_dma semaphore(%run_scoped3A_45 : memref<!tpu.dma_semaphore, #tpu.memory_space<semaphore_mem>>) src(%arg9 : memref<80x128xf32, #tpu.memory_space<vmem>>) dst(%dma_wait3A_57 : memref<10240x128xf32, #tpu.memory_space<vmem_shared>>)
      tpu.yield
    }) : () -> ()
    %barrier3A_39 = arith.constant 0 : index
    tpu.barrier barrier_id(%barrier3A_39)
    %eq3A_40 = arith.constant 0 : i32
    %eq3A_41 = arith.cmpi eq, %arg1, %eq3A_40 : i32
    %convert_element_type3A_42 = arith.extui %eq3A_41 : i1 to i32
    %cond3A_43 = arith.constant 0 : i32
    %cond3A_44 = arith.cmpi ne, %convert_element_type3A_42, %cond3A_43 : i32
    scf.if %cond3A_44 {
      %mul3A_45 = arith.constant 10240 : i32
      %mul3A_46 = arith.muli %arg0, %mul3A_45 : i32
      "tpu.region"() ({
        %run_scoped3A_47 = tpu.sem_alloc : memref<!tpu.dma_semaphore, #tpu.memory_space<semaphore_mem>>
        %dma_start3A_48 = arith.constant 0 : i32
        %dma_start3A_49 = tpu.memref_slice %arg6[%mul3A_46, %dma_start3A_48] : memref<20480x128xf32, #tpu.memory_space<hbm>> -> memref<10240x128xf32, #tpu.memory_space<hbm>>
        tpu.enqueue_dma source(%arg15 : memref<10240x128xf32, #tpu.memory_space<vmem_shared>>) target(%dma_start3A_49 : memref<10240x128xf32, #tpu.memory_space<hbm>>) target_semaphore(%run_scoped3A_47 : memref<!tpu.dma_semaphore, #tpu.memory_space<semaphore_mem>>)
        %dma_wait3A_50 = arith.constant 0 : i32
        %dma_wait3A_51 = tpu.memref_slice %arg6[%mul3A_46, %dma_wait3A_50] : memref<20480x128xf32, #tpu.memory_space<hbm>> -> memref<10240x128xf32, #tpu.memory_space<hbm>>
        tpu.wait_dma2 semaphore(%run_scoped3A_47 : memref<!tpu.dma_semaphore, #tpu.memory_space<semaphore_mem>>) src(%arg15 : memref<10240x128xf32, #tpu.memory_space<vmem_shared>>) dst(%dma_wait3A_51 : memref<10240x128xf32, #tpu.memory_space<hbm>>)
        tpu.yield
      }) : () -> ()
    } else {
    }
    return
  }
}

#map = affine_map<(d0, d1) -> (0, 0)>
#map1 = affine_map<(d0, d1) -> (0)>
#map2 = affine_map<(d0, d1) -> (0, 0, 0)>
module attributes {stable_mosaic.version = 14 : i64} {
  func.func @_agg_body(%arg0: i32, %arg1: i32, %arg2: memref<10000x128xf32, #tpu.memory_space<hbm>>, %arg3: memref<320000xi32, #tpu.memory_space<hbm>>, %arg4: memref<32x125x80xi32, #tpu.memory_space<hbm>>, %arg5: memref<10240x128xf32, #tpu.memory_space<hbm>>, %arg6: memref<20480x128xf32, #tpu.memory_space<hbm>>, %arg7: memref<10000xi32, #tpu.memory_space<vmem>>, %arg8: memref<125x80xi32, #tpu.memory_space<vmem>>, %arg9: memref<80x128xf32, #tpu.memory_space<vmem>>, %arg10: memref<80x128xf32, #tpu.memory_space<vmem>>, %arg11: memref<!tpu.dma_semaphore, #tpu.memory_space<semaphore_mem>>, %arg12: memref<!tpu.dma_semaphore, #tpu.memory_space<semaphore_mem>>, %arg13: memref<!tpu.dma_semaphore, #tpu.memory_space<semaphore_mem>>, %arg14: memref<!tpu.dma_semaphore, #tpu.memory_space<semaphore_mem>>, %arg15: memref<10240x128xf32, #tpu.memory_space<vmem_shared>>) attributes {dimension_semantics = [#tpu.dimension_semantics<core_parallel>, #tpu.dimension_semantics<subcore_parallel>], iteration_bounds = array<i64: 2, 16>, scalar_prefetch = 0 : i64, scratch_operands = 9 : i64, tpu.core_type = #tpu.core_type<sc_vector_subcore>, window_params = [{transform_indices = #map}, {transform_indices = #map1}, {transform_indices = #map2}, {transform_indices = #map}, {transform_indices = #map}]} {
    %mul3A = arith.constant 16 : i32
    %mul3A_0 = arith.muli %arg0, %mul3A : i32
    %add3A = arith.addi %mul3A_0, %arg1 : i32
    %eq3A = arith.constant 0 : i32
    %eq3A_1 = arith.cmpi eq, %arg1, %eq3A : i32
    %convert_element_type3A = arith.extui %eq3A_1 : i1 to i32
    %cond3A = arith.constant 0 : i32
    %cond3A_2 = arith.cmpi ne, %convert_element_type3A, %cond3A : i32
    scf.if %cond3A_2 {
      "tpu.region"() ({
        %run_scoped3A_45 = tpu.sem_alloc : memref<!tpu.dma_semaphore, #tpu.memory_space<semaphore_mem>>
        tpu.enqueue_dma source(%arg5 : memref<10240x128xf32, #tpu.memory_space<hbm>>) target(%arg15 : memref<10240x128xf32, #tpu.memory_space<vmem_shared>>) target_semaphore(%run_scoped3A_45 : memref<!tpu.dma_semaphore, #tpu.memory_space<semaphore_mem>>)
        tpu.wait_dma2 semaphore(%run_scoped3A_45 : memref<!tpu.dma_semaphore, #tpu.memory_space<semaphore_mem>>) src(%arg5 : memref<10240x128xf32, #tpu.memory_space<hbm>>) dst(%arg15 : memref<10240x128xf32, #tpu.memory_space<vmem_shared>>)
        tpu.yield
      }) : () -> ()
    } else {
    }
    %mul3A_3 = arith.constant 10000 : i32
    %mul3A_4 = arith.muli %add3A, %mul3A_3 : i32
    "tpu.region"() ({
      %run_scoped3A_45 = tpu.sem_alloc : memref<!tpu.dma_semaphore, #tpu.memory_space<semaphore_mem>>
      %dma_start3A_46 = tpu.memref_slice %arg3[%mul3A_4] : memref<320000xi32, #tpu.memory_space<hbm>> -> memref<10000xi32, #tpu.memory_space<hbm>>
      %dma_start3A_47 = tpu.memref_slice %arg3[%mul3A_4] : memref<320000xi32, #tpu.memory_space<hbm>> -> memref<10000xi32, #tpu.memory_space<hbm>>
      tpu.enqueue_dma source(%dma_start3A_47 : memref<10000xi32, #tpu.memory_space<hbm>>) target(%arg7 : memref<10000xi32, #tpu.memory_space<vmem>>) target_semaphore(%run_scoped3A_45 : memref<!tpu.dma_semaphore, #tpu.memory_space<semaphore_mem>>)
      %dma_wait3A_48 = tpu.memref_slice %arg3[%mul3A_4] : memref<320000xi32, #tpu.memory_space<hbm>> -> memref<10000xi32, #tpu.memory_space<hbm>>
      %dma_wait3A_49 = tpu.memref_slice %arg3[%mul3A_4] : memref<320000xi32, #tpu.memory_space<hbm>> -> memref<10000xi32, #tpu.memory_space<hbm>>
      tpu.wait_dma2 semaphore(%run_scoped3A_45 : memref<!tpu.dma_semaphore, #tpu.memory_space<semaphore_mem>>) src(%dma_wait3A_49 : memref<10000xi32, #tpu.memory_space<hbm>>) dst(%arg7 : memref<10000xi32, #tpu.memory_space<vmem>>)
      tpu.yield
    }) : () -> ()
    "tpu.region"() ({
      %run_scoped3A_45 = tpu.sem_alloc : memref<!tpu.dma_semaphore, #tpu.memory_space<semaphore_mem>>
      %dma_start3A_46 = arith.constant 0 : i32
      %dma_start3A_47 = arith.constant 0 : i32
      %dma_start3A_48 = tpu.memref_slice %arg4[%add3A, %dma_start3A_46, %dma_start3A_47] : memref<32x125x80xi32, #tpu.memory_space<hbm>> -> memref<1x125x80xi32, #tpu.memory_space<hbm>>
      %dma_start3A_49 = tpu.memref_squeeze %dma_start3A_48 : memref<1x125x80xi32, #tpu.memory_space<hbm>> -> memref<125x80xi32, #tpu.memory_space<hbm>>
      %dma_start3A_50 = arith.constant 0 : i32
      %dma_start3A_51 = arith.constant 0 : i32
      %dma_start3A_52 = tpu.memref_slice %arg4[%add3A, %dma_start3A_50, %dma_start3A_51] : memref<32x125x80xi32, #tpu.memory_space<hbm>> -> memref<1x125x80xi32, #tpu.memory_space<hbm>>
      %dma_start3A_53 = tpu.memref_squeeze %dma_start3A_52 : memref<1x125x80xi32, #tpu.memory_space<hbm>> -> memref<125x80xi32, #tpu.memory_space<hbm>>
      tpu.enqueue_dma source(%dma_start3A_53 : memref<125x80xi32, #tpu.memory_space<hbm>>) target(%arg8 : memref<125x80xi32, #tpu.memory_space<vmem>>) target_semaphore(%run_scoped3A_45 : memref<!tpu.dma_semaphore, #tpu.memory_space<semaphore_mem>>)
      %dma_wait3A_54 = arith.constant 0 : i32
      %dma_wait3A_55 = arith.constant 0 : i32
      %dma_wait3A_56 = tpu.memref_slice %arg4[%add3A, %dma_wait3A_54, %dma_wait3A_55] : memref<32x125x80xi32, #tpu.memory_space<hbm>> -> memref<1x125x80xi32, #tpu.memory_space<hbm>>
      %dma_wait3A_57 = tpu.memref_squeeze %dma_wait3A_56 : memref<1x125x80xi32, #tpu.memory_space<hbm>> -> memref<125x80xi32, #tpu.memory_space<hbm>>
      %dma_wait3A_58 = arith.constant 0 : i32
      %dma_wait3A_59 = arith.constant 0 : i32
      %dma_wait3A_60 = tpu.memref_slice %arg4[%add3A, %dma_wait3A_58, %dma_wait3A_59] : memref<32x125x80xi32, #tpu.memory_space<hbm>> -> memref<1x125x80xi32, #tpu.memory_space<hbm>>
      %dma_wait3A_61 = tpu.memref_squeeze %dma_wait3A_60 : memref<1x125x80xi32, #tpu.memory_space<hbm>> -> memref<125x80xi32, #tpu.memory_space<hbm>>
      tpu.wait_dma2 semaphore(%run_scoped3A_45 : memref<!tpu.dma_semaphore, #tpu.memory_space<semaphore_mem>>) src(%dma_wait3A_61 : memref<125x80xi32, #tpu.memory_space<hbm>>) dst(%arg8 : memref<125x80xi32, #tpu.memory_space<vmem>>)
      tpu.yield
    }) : () -> ()
    %barrier3A = arith.constant 0 : index
    tpu.barrier barrier_id(%barrier3A)
    %dma_start3A = arith.constant 0 : i32
    %dma_start3A_5 = tpu.memref_slice %arg7[%dma_start3A] : memref<10000xi32, #tpu.memory_space<vmem>> -> memref<80xi32, #tpu.memory_space<vmem>>
    %dma_start3A_6 = arith.constant 0 : i32
    %dma_start3A_7 = arith.constant 0 : i32
    %dma_start3A_8 = tpu.memref_slice %arg2[%dma_start3A_6, %dma_start3A_7] : memref<10000x128xf32, #tpu.memory_space<hbm>> -> memref<10000x128xf32, #tpu.memory_space<hbm>>
    tpu.enqueue_indirect_dma source(%dma_start3A_8 : memref<10000x128xf32, #tpu.memory_space<hbm>>) target(%arg9 : memref<80x128xf32, #tpu.memory_space<vmem>>) offsets(%dma_start3A_5 : memref<80xi32, #tpu.memory_space<vmem>>) semaphore(%arg11 : memref<!tpu.dma_semaphore, #tpu.memory_space<semaphore_mem>>)
    %dma_start3A_9 = arith.constant 80 : i32
    %dma_start3A_10 = tpu.memref_slice %arg7[%dma_start3A_9] : memref<10000xi32, #tpu.memory_space<vmem>> -> memref<80xi32, #tpu.memory_space<vmem>>
    %dma_start3A_11 = arith.constant 0 : i32
    %dma_start3A_12 = arith.constant 0 : i32
    %dma_start3A_13 = tpu.memref_slice %arg2[%dma_start3A_11, %dma_start3A_12] : memref<10000x128xf32, #tpu.memory_space<hbm>> -> memref<10000x128xf32, #tpu.memory_space<hbm>>
    tpu.enqueue_indirect_dma source(%dma_start3A_13 : memref<10000x128xf32, #tpu.memory_space<hbm>>) target(%arg10 : memref<80x128xf32, #tpu.memory_space<vmem>>) offsets(%dma_start3A_10 : memref<80xi32, #tpu.memory_space<vmem>>) semaphore(%arg12 : memref<!tpu.dma_semaphore, #tpu.memory_space<semaphore_mem>>)
    %scan3A = arith.constant 0 : i32
    %scan3A_14 = arith.constant 61 : i32
    %scan3A_15 = arith.addi %scan3A, %scan3A_14 : i32
    %scan3A_16 = arith.constant 1 : i32
    scf.for %scan3A_45 = %scan3A to %scan3A_15 step %scan3A_16  : i32 {
      %mul3A_46 = arith.constant 2 : i32
      %mul3A_47 = arith.muli %scan3A_45, %mul3A_46 : i32
      %add3A_48 = arith.constant 0 : i32
      %add3A_49 = arith.addi %add3A_48, %mul3A_47 : i32
      %mul3A_50 = arith.constant 80 : i32
      %mul3A_51 = arith.muli %add3A_49, %mul3A_50 : i32
      %dma_wait3A_52 = tpu.memref_slice %arg7[%mul3A_51] : memref<10000xi32, #tpu.memory_space<vmem>> -> memref<80xi32, #tpu.memory_space<vmem>>
      %dma_wait3A_53 = arith.constant 0 : i32
      %dma_wait3A_54 = arith.constant 0 : i32
      %dma_wait3A_55 = tpu.memref_slice %arg2[%dma_wait3A_53, %dma_wait3A_54] : memref<10000x128xf32, #tpu.memory_space<hbm>> -> memref<10000x128xf32, #tpu.memory_space<hbm>>
      tpu.wait_indirect_dma semaphore(%arg11 : memref<!tpu.dma_semaphore, #tpu.memory_space<semaphore_mem>>) src(%dma_wait3A_55 : memref<10000x128xf32, #tpu.memory_space<hbm>>) dst(%arg9 : memref<80x128xf32, #tpu.memory_space<vmem>>)
      %dma_start3A_56 = arith.constant 0 : i32
      %dma_start3A_57 = tpu.memref_slice %arg8[%add3A_49, %dma_start3A_56] : memref<125x80xi32, #tpu.memory_space<vmem>> -> memref<1x80xi32, #tpu.memory_space<vmem>>
      %dma_start3A_58 = tpu.memref_squeeze %dma_start3A_57 : memref<1x80xi32, #tpu.memory_space<vmem>> -> memref<80xi32, #tpu.memory_space<vmem>>
      %dma_start3A_59 = arith.constant 0 : i32
      %dma_start3A_60 = arith.constant 0 : i32
      %dma_start3A_61 = tpu.memref_slice %arg15[%dma_start3A_59, %dma_start3A_60] : memref<10240x128xf32, #tpu.memory_space<vmem_shared>> -> memref<10240x128xf32, #tpu.memory_space<vmem_shared>>
      tpu.enqueue_indirect_dma source(%arg9 : memref<80x128xf32, #tpu.memory_space<vmem>>) target(%dma_start3A_61 : memref<10240x128xf32, #tpu.memory_space<vmem_shared>>) offsets(%dma_start3A_58 : memref<80xi32, #tpu.memory_space<vmem>>) semaphore(%arg13 : memref<!tpu.dma_semaphore, #tpu.memory_space<semaphore_mem>>) {add = true}
      %mul3A_62 = arith.constant 80 : i32
      %mul3A_63 = arith.muli %add3A_49, %mul3A_62 : i32
      %dma_wait3A_64 = tpu.memref_slice %arg7[%mul3A_63] : memref<10000xi32, #tpu.memory_space<vmem>> -> memref<80xi32, #tpu.memory_space<vmem>>
      %dma_wait3A_65 = arith.constant 0 : i32
      %dma_wait3A_66 = arith.constant 0 : i32
      %dma_wait3A_67 = tpu.memref_slice %arg2[%dma_wait3A_65, %dma_wait3A_66] : memref<10000x128xf32, #tpu.memory_space<hbm>> -> memref<10000x128xf32, #tpu.memory_space<hbm>>
      tpu.wait_indirect_dma semaphore(%arg12 : memref<!tpu.dma_semaphore, #tpu.memory_space<semaphore_mem>>) src(%dma_wait3A_67 : memref<10000x128xf32, #tpu.memory_space<hbm>>) dst(%arg10 : memref<80x128xf32, #tpu.memory_space<vmem>>)
      %add3A_68 = arith.constant 1 : i32
      %add3A_69 = arith.addi %add3A_49, %add3A_68 : i32
      %dma_start3A_70 = arith.constant 0 : i32
      %dma_start3A_71 = tpu.memref_slice %arg8[%add3A_69, %dma_start3A_70] : memref<125x80xi32, #tpu.memory_space<vmem>> -> memref<1x80xi32, #tpu.memory_space<vmem>>
      %dma_start3A_72 = tpu.memref_squeeze %dma_start3A_71 : memref<1x80xi32, #tpu.memory_space<vmem>> -> memref<80xi32, #tpu.memory_space<vmem>>
      %dma_start3A_73 = arith.constant 0 : i32
      %dma_start3A_74 = arith.constant 0 : i32
      %dma_start3A_75 = tpu.memref_slice %arg15[%dma_start3A_73, %dma_start3A_74] : memref<10240x128xf32, #tpu.memory_space<vmem_shared>> -> memref<10240x128xf32, #tpu.memory_space<vmem_shared>>
      tpu.enqueue_indirect_dma source(%arg10 : memref<80x128xf32, #tpu.memory_space<vmem>>) target(%dma_start3A_75 : memref<10240x128xf32, #tpu.memory_space<vmem_shared>>) offsets(%dma_start3A_72 : memref<80xi32, #tpu.memory_space<vmem>>) semaphore(%arg14 : memref<!tpu.dma_semaphore, #tpu.memory_space<semaphore_mem>>) {add = true}
      %dma_wait3A_76 = arith.constant 0 : i32
      %dma_wait3A_77 = tpu.memref_slice %arg8[%add3A_49, %dma_wait3A_76] : memref<125x80xi32, #tpu.memory_space<vmem>> -> memref<1x80xi32, #tpu.memory_space<vmem>>
      %dma_wait3A_78 = tpu.memref_squeeze %dma_wait3A_77 : memref<1x80xi32, #tpu.memory_space<vmem>> -> memref<80xi32, #tpu.memory_space<vmem>>
      %dma_wait3A_79 = arith.constant 0 : i32
      %dma_wait3A_80 = arith.constant 0 : i32
      %dma_wait3A_81 = tpu.memref_slice %arg15[%dma_wait3A_79, %dma_wait3A_80] : memref<10240x128xf32, #tpu.memory_space<vmem_shared>> -> memref<10240x128xf32, #tpu.memory_space<vmem_shared>>
      tpu.wait_indirect_dma semaphore(%arg13 : memref<!tpu.dma_semaphore, #tpu.memory_space<semaphore_mem>>) src(%arg9 : memref<80x128xf32, #tpu.memory_space<vmem>>) dst(%dma_wait3A_81 : memref<10240x128xf32, #tpu.memory_space<vmem_shared>>)
      %add3A_82 = arith.constant 2 : i32
      %add3A_83 = arith.addi %add3A_49, %add3A_82 : i32
      %mul3A_84 = arith.constant 80 : i32
      %mul3A_85 = arith.muli %add3A_83, %mul3A_84 : i32
      %dma_start3A_86 = tpu.memref_slice %arg7[%mul3A_85] : memref<10000xi32, #tpu.memory_space<vmem>> -> memref<80xi32, #tpu.memory_space<vmem>>
      %dma_start3A_87 = arith.constant 0 : i32
      %dma_start3A_88 = arith.constant 0 : i32
      %dma_start3A_89 = tpu.memref_slice %arg2[%dma_start3A_87, %dma_start3A_88] : memref<10000x128xf32, #tpu.memory_space<hbm>> -> memref<10000x128xf32, #tpu.memory_space<hbm>>
      tpu.enqueue_indirect_dma source(%dma_start3A_89 : memref<10000x128xf32, #tpu.memory_space<hbm>>) target(%arg9 : memref<80x128xf32, #tpu.memory_space<vmem>>) offsets(%dma_start3A_86 : memref<80xi32, #tpu.memory_space<vmem>>) semaphore(%arg11 : memref<!tpu.dma_semaphore, #tpu.memory_space<semaphore_mem>>)
      %dma_wait3A_90 = arith.constant 0 : i32
      %dma_wait3A_91 = tpu.memref_slice %arg8[%add3A_69, %dma_wait3A_90] : memref<125x80xi32, #tpu.memory_space<vmem>> -> memref<1x80xi32, #tpu.memory_space<vmem>>
      %dma_wait3A_92 = tpu.memref_squeeze %dma_wait3A_91 : memref<1x80xi32, #tpu.memory_space<vmem>> -> memref<80xi32, #tpu.memory_space<vmem>>
      %dma_wait3A_93 = arith.constant 0 : i32
      %dma_wait3A_94 = arith.constant 0 : i32
      %dma_wait3A_95 = tpu.memref_slice %arg15[%dma_wait3A_93, %dma_wait3A_94] : memref<10240x128xf32, #tpu.memory_space<vmem_shared>> -> memref<10240x128xf32, #tpu.memory_space<vmem_shared>>
      tpu.wait_indirect_dma semaphore(%arg14 : memref<!tpu.dma_semaphore, #tpu.memory_space<semaphore_mem>>) src(%arg10 : memref<80x128xf32, #tpu.memory_space<vmem>>) dst(%dma_wait3A_95 : memref<10240x128xf32, #tpu.memory_space<vmem_shared>>)
      %add3A_96 = arith.constant 3 : i32
      %add3A_97 = arith.addi %add3A_49, %add3A_96 : i32
      %mul3A_98 = arith.constant 80 : i32
      %mul3A_99 = arith.muli %add3A_97, %mul3A_98 : i32
      %dma_start3A_100 = tpu.memref_slice %arg7[%mul3A_99] : memref<10000xi32, #tpu.memory_space<vmem>> -> memref<80xi32, #tpu.memory_space<vmem>>
      %dma_start3A_101 = arith.constant 0 : i32
      %dma_start3A_102 = arith.constant 0 : i32
      %dma_start3A_103 = tpu.memref_slice %arg2[%dma_start3A_101, %dma_start3A_102] : memref<10000x128xf32, #tpu.memory_space<hbm>> -> memref<10000x128xf32, #tpu.memory_space<hbm>>
      tpu.enqueue_indirect_dma source(%dma_start3A_103 : memref<10000x128xf32, #tpu.memory_space<hbm>>) target(%arg10 : memref<80x128xf32, #tpu.memory_space<vmem>>) offsets(%dma_start3A_100 : memref<80xi32, #tpu.memory_space<vmem>>) semaphore(%arg12 : memref<!tpu.dma_semaphore, #tpu.memory_space<semaphore_mem>>)
    }
    %scan3A_17 = arith.constant 61 : i32
    %dma_wait3A = arith.constant 0 : i32
    %dma_wait3A_18 = tpu.memref_slice %arg7[%dma_wait3A] : memref<10000xi32, #tpu.memory_space<vmem>> -> memref<80xi32, #tpu.memory_space<vmem>>
    %dma_wait3A_19 = arith.constant 0 : i32
    %dma_wait3A_20 = arith.constant 0 : i32
    %dma_wait3A_21 = tpu.memref_slice %arg2[%dma_wait3A_19, %dma_wait3A_20] : memref<10000x128xf32, #tpu.memory_space<hbm>> -> memref<10000x128xf32, #tpu.memory_space<hbm>>
    tpu.wait_indirect_dma semaphore(%arg11 : memref<!tpu.dma_semaphore, #tpu.memory_space<semaphore_mem>>) src(%dma_wait3A_21 : memref<10000x128xf32, #tpu.memory_space<hbm>>) dst(%arg9 : memref<80x128xf32, #tpu.memory_space<vmem>>)
    %run_scoped3A = arith.constant 122 : i32
    "tpu.region"() ({
      %run_scoped3A_45 = tpu.sem_alloc : memref<!tpu.dma_semaphore, #tpu.memory_space<semaphore_mem>>
      %dma_start3A_46 = arith.constant 0 : i32
      %dma_start3A_47 = tpu.memref_slice %arg8[%run_scoped3A, %dma_start3A_46] : memref<125x80xi32, #tpu.memory_space<vmem>> -> memref<1x80xi32, #tpu.memory_space<vmem>>
      %dma_start3A_48 = tpu.memref_squeeze %dma_start3A_47 : memref<1x80xi32, #tpu.memory_space<vmem>> -> memref<80xi32, #tpu.memory_space<vmem>>
      %dma_start3A_49 = arith.constant 0 : i32
      %dma_start3A_50 = arith.constant 0 : i32
      %dma_start3A_51 = tpu.memref_slice %arg15[%dma_start3A_49, %dma_start3A_50] : memref<10240x128xf32, #tpu.memory_space<vmem_shared>> -> memref<10240x128xf32, #tpu.memory_space<vmem_shared>>
      tpu.enqueue_indirect_dma source(%arg9 : memref<80x128xf32, #tpu.memory_space<vmem>>) target(%dma_start3A_51 : memref<10240x128xf32, #tpu.memory_space<vmem_shared>>) offsets(%dma_start3A_48 : memref<80xi32, #tpu.memory_space<vmem>>) semaphore(%run_scoped3A_45 : memref<!tpu.dma_semaphore, #tpu.memory_space<semaphore_mem>>) {add = true}
      %dma_wait3A_52 = arith.constant 0 : i32
      %dma_wait3A_53 = tpu.memref_slice %arg8[%run_scoped3A, %dma_wait3A_52] : memref<125x80xi32, #tpu.memory_space<vmem>> -> memref<1x80xi32, #tpu.memory_space<vmem>>
      %dma_wait3A_54 = tpu.memref_squeeze %dma_wait3A_53 : memref<1x80xi32, #tpu.memory_space<vmem>> -> memref<80xi32, #tpu.memory_space<vmem>>
      %dma_wait3A_55 = arith.constant 0 : i32
      %dma_wait3A_56 = arith.constant 0 : i32
      %dma_wait3A_57 = tpu.memref_slice %arg15[%dma_wait3A_55, %dma_wait3A_56] : memref<10240x128xf32, #tpu.memory_space<vmem_shared>> -> memref<10240x128xf32, #tpu.memory_space<vmem_shared>>
      tpu.wait_indirect_dma semaphore(%run_scoped3A_45 : memref<!tpu.dma_semaphore, #tpu.memory_space<semaphore_mem>>) src(%arg9 : memref<80x128xf32, #tpu.memory_space<vmem>>) dst(%dma_wait3A_57 : memref<10240x128xf32, #tpu.memory_space<vmem_shared>>)
      tpu.yield
    }) : () -> ()
    %dma_wait3A_22 = arith.constant 0 : i32
    %dma_wait3A_23 = tpu.memref_slice %arg7[%dma_wait3A_22] : memref<10000xi32, #tpu.memory_space<vmem>> -> memref<80xi32, #tpu.memory_space<vmem>>
    %dma_wait3A_24 = arith.constant 0 : i32
    %dma_wait3A_25 = arith.constant 0 : i32
    %dma_wait3A_26 = tpu.memref_slice %arg2[%dma_wait3A_24, %dma_wait3A_25] : memref<10000x128xf32, #tpu.memory_space<hbm>> -> memref<10000x128xf32, #tpu.memory_space<hbm>>
    tpu.wait_indirect_dma semaphore(%arg12 : memref<!tpu.dma_semaphore, #tpu.memory_space<semaphore_mem>>) src(%dma_wait3A_26 : memref<10000x128xf32, #tpu.memory_space<hbm>>) dst(%arg10 : memref<80x128xf32, #tpu.memory_space<vmem>>)
    %run_scoped3A_27 = arith.constant 123 : i32
    "tpu.region"() ({
      %run_scoped3A_45 = tpu.sem_alloc : memref<!tpu.dma_semaphore, #tpu.memory_space<semaphore_mem>>
      %dma_start3A_46 = arith.constant 0 : i32
      %dma_start3A_47 = tpu.memref_slice %arg8[%run_scoped3A_27, %dma_start3A_46] : memref<125x80xi32, #tpu.memory_space<vmem>> -> memref<1x80xi32, #tpu.memory_space<vmem>>
      %dma_start3A_48 = tpu.memref_squeeze %dma_start3A_47 : memref<1x80xi32, #tpu.memory_space<vmem>> -> memref<80xi32, #tpu.memory_space<vmem>>
      %dma_start3A_49 = arith.constant 0 : i32
      %dma_start3A_50 = arith.constant 0 : i32
      %dma_start3A_51 = tpu.memref_slice %arg15[%dma_start3A_49, %dma_start3A_50] : memref<10240x128xf32, #tpu.memory_space<vmem_shared>> -> memref<10240x128xf32, #tpu.memory_space<vmem_shared>>
      tpu.enqueue_indirect_dma source(%arg10 : memref<80x128xf32, #tpu.memory_space<vmem>>) target(%dma_start3A_51 : memref<10240x128xf32, #tpu.memory_space<vmem_shared>>) offsets(%dma_start3A_48 : memref<80xi32, #tpu.memory_space<vmem>>) semaphore(%run_scoped3A_45 : memref<!tpu.dma_semaphore, #tpu.memory_space<semaphore_mem>>) {add = true}
      %dma_wait3A_52 = arith.constant 0 : i32
      %dma_wait3A_53 = tpu.memref_slice %arg8[%run_scoped3A_27, %dma_wait3A_52] : memref<125x80xi32, #tpu.memory_space<vmem>> -> memref<1x80xi32, #tpu.memory_space<vmem>>
      %dma_wait3A_54 = tpu.memref_squeeze %dma_wait3A_53 : memref<1x80xi32, #tpu.memory_space<vmem>> -> memref<80xi32, #tpu.memory_space<vmem>>
      %dma_wait3A_55 = arith.constant 0 : i32
      %dma_wait3A_56 = arith.constant 0 : i32
      %dma_wait3A_57 = tpu.memref_slice %arg15[%dma_wait3A_55, %dma_wait3A_56] : memref<10240x128xf32, #tpu.memory_space<vmem_shared>> -> memref<10240x128xf32, #tpu.memory_space<vmem_shared>>
      tpu.wait_indirect_dma semaphore(%run_scoped3A_45 : memref<!tpu.dma_semaphore, #tpu.memory_space<semaphore_mem>>) src(%arg10 : memref<80x128xf32, #tpu.memory_space<vmem>>) dst(%dma_wait3A_57 : memref<10240x128xf32, #tpu.memory_space<vmem_shared>>)
      tpu.yield
    }) : () -> ()
    %dma_start3A_28 = arith.constant 9920 : i32
    %dma_start3A_29 = tpu.memref_slice %arg7[%dma_start3A_28] : memref<10000xi32, #tpu.memory_space<vmem>> -> memref<80xi32, #tpu.memory_space<vmem>>
    %dma_start3A_30 = arith.constant 0 : i32
    %dma_start3A_31 = arith.constant 0 : i32
    %dma_start3A_32 = tpu.memref_slice %arg2[%dma_start3A_30, %dma_start3A_31] : memref<10000x128xf32, #tpu.memory_space<hbm>> -> memref<10000x128xf32, #tpu.memory_space<hbm>>
    tpu.enqueue_indirect_dma source(%dma_start3A_32 : memref<10000x128xf32, #tpu.memory_space<hbm>>) target(%arg9 : memref<80x128xf32, #tpu.memory_space<vmem>>) offsets(%dma_start3A_29 : memref<80xi32, #tpu.memory_space<vmem>>) semaphore(%arg11 : memref<!tpu.dma_semaphore, #tpu.memory_space<semaphore_mem>>)
    %dma_wait3A_33 = arith.constant 9920 : i32
    %dma_wait3A_34 = tpu.memref_slice %arg7[%dma_wait3A_33] : memref<10000xi32, #tpu.memory_space<vmem>> -> memref<80xi32, #tpu.memory_space<vmem>>
    %dma_wait3A_35 = arith.constant 0 : i32
    %dma_wait3A_36 = arith.constant 0 : i32
    %dma_wait3A_37 = tpu.memref_slice %arg2[%dma_wait3A_35, %dma_wait3A_36] : memref<10000x128xf32, #tpu.memory_space<hbm>> -> memref<10000x128xf32, #tpu.memory_space<hbm>>
    tpu.wait_indirect_dma semaphore(%arg11 : memref<!tpu.dma_semaphore, #tpu.memory_space<semaphore_mem>>) src(%dma_wait3A_37 : memref<10000x128xf32, #tpu.memory_space<hbm>>) dst(%arg9 : memref<80x128xf32, #tpu.memory_space<vmem>>)
    %run_scoped3A_38 = arith.constant 124 : i32
    "tpu.region"() ({
      %run_scoped3A_45 = tpu.sem_alloc : memref<!tpu.dma_semaphore, #tpu.memory_space<semaphore_mem>>
      %dma_start3A_46 = arith.constant 0 : i32
      %dma_start3A_47 = tpu.memref_slice %arg8[%run_scoped3A_38, %dma_start3A_46] : memref<125x80xi32, #tpu.memory_space<vmem>> -> memref<1x80xi32, #tpu.memory_space<vmem>>
      %dma_start3A_48 = tpu.memref_squeeze %dma_start3A_47 : memref<1x80xi32, #tpu.memory_space<vmem>> -> memref<80xi32, #tpu.memory_space<vmem>>
      %dma_start3A_49 = arith.constant 0 : i32
      %dma_start3A_50 = arith.constant 0 : i32
      %dma_start3A_51 = tpu.memref_slice %arg15[%dma_start3A_49, %dma_start3A_50] : memref<10240x128xf32, #tpu.memory_space<vmem_shared>> -> memref<10240x128xf32, #tpu.memory_space<vmem_shared>>
      tpu.enqueue_indirect_dma source(%arg9 : memref<80x128xf32, #tpu.memory_space<vmem>>) target(%dma_start3A_51 : memref<10240x128xf32, #tpu.memory_space<vmem_shared>>) offsets(%dma_start3A_48 : memref<80xi32, #tpu.memory_space<vmem>>) semaphore(%run_scoped3A_45 : memref<!tpu.dma_semaphore, #tpu.memory_space<semaphore_mem>>) {add = true}
      %dma_wait3A_52 = arith.constant 0 : i32
      %dma_wait3A_53 = tpu.memref_slice %arg8[%run_scoped3A_38, %dma_wait3A_52] : memref<125x80xi32, #tpu.memory_space<vmem>> -> memref<1x80xi32, #tpu.memory_space<vmem>>
      %dma_wait3A_54 = tpu.memref_squeeze %dma_wait3A_53 : memref<1x80xi32, #tpu.memory_space<vmem>> -> memref<80xi32, #tpu.memory_space<vmem>>
      %dma_wait3A_55 = arith.constant 0 : i32
      %dma_wait3A_56 = arith.constant 0 : i32
      %dma_wait3A_57 = tpu.memref_slice %arg15[%dma_wait3A_55, %dma_wait3A_56] : memref<10240x128xf32, #tpu.memory_space<vmem_shared>> -> memref<10240x128xf32, #tpu.memory_space<vmem_shared>>
      tpu.wait_indirect_dma semaphore(%run_scoped3A_45 : memref<!tpu.dma_semaphore, #tpu.memory_space<semaphore_mem>>) src(%arg9 : memref<80x128xf32, #tpu.memory_space<vmem>>) dst(%dma_wait3A_57 : memref<10240x128xf32, #tpu.memory_space<vmem_shared>>)
      tpu.yield
    }) : () -> ()
    %barrier3A_39 = arith.constant 0 : index
    tpu.barrier barrier_id(%barrier3A_39)
    %eq3A_40 = arith.constant 0 : i32
    %eq3A_41 = arith.cmpi eq, %arg1, %eq3A_40 : i32
    %convert_element_type3A_42 = arith.extui %eq3A_41 : i1 to i32
    %cond3A_43 = arith.constant 0 : i32
    %cond3A_44 = arith.cmpi ne, %convert_element_type3A_42, %cond3A_43 : i32
    scf.if %cond3A_44 {
      %mul3A_45 = arith.constant 10240 : i32
      %mul3A_46 = arith.muli %arg0, %mul3A_45 : i32
      "tpu.region"() ({
        %run_scoped3A_47 = tpu.sem_alloc : memref<!tpu.dma_semaphore, #tpu.memory_space<semaphore_mem>>
        %dma_start3A_48 = arith.constant 0 : i32
        %dma_start3A_49 = tpu.memref_slice %arg6[%mul3A_46, %dma_start3A_48] : memref<20480x128xf32, #tpu.memory_space<hbm>> -> memref<10240x128xf32, #tpu.memory_space<hbm>>
        tpu.enqueue_dma source(%arg15 : memref<10240x128xf32, #tpu.memory_space<vmem_shared>>) target(%dma_start3A_49 : memref<10240x128xf32, #tpu.memory_space<hbm>>) target_semaphore(%run_scoped3A_47 : memref<!tpu.dma_semaphore, #tpu.memory_space<semaphore_mem>>)
        %dma_wait3A_50 = arith.constant 0 : i32
        %dma_wait3A_51 = tpu.memref_slice %arg6[%mul3A_46, %dma_wait3A_50] : memref<20480x128xf32, #tpu.memory_space<hbm>> -> memref<10240x128xf32, #tpu.memory_space<hbm>>
        tpu.wait_dma2 semaphore(%run_scoped3A_47 : memref<!tpu.dma_semaphore, #tpu.memory_space<semaphore_mem>>) src(%arg15 : memref<10240x128xf32, #tpu.memory_space<vmem_shared>>) dst(%dma_wait3A_51 : memref<10240x128xf32, #tpu.memory_space<hbm>>)
        tpu.yield
      }) : () -> ()
    } else {
    }
    return
  }
}

#map = affine_map<(d0, d1) -> (0, 0)>
#map1 = affine_map<(d0, d1) -> (0)>
#map2 = affine_map<(d0, d1) -> (0, 0, 0)>
module attributes {stable_mosaic.version = 14 : i64} {
  func.func @_agg_body(%arg0: i32, %arg1: i32, %arg2: memref<10000x128xf32, #tpu.memory_space<hbm>>, %arg3: memref<320000xi32, #tpu.memory_space<hbm>>, %arg4: memref<32x125x80xi32, #tpu.memory_space<hbm>>, %arg5: memref<10240x128xf32, #tpu.memory_space<hbm>>, %arg6: memref<20480x128xf32, #tpu.memory_space<hbm>>, %arg7: memref<10000xi32, #tpu.memory_space<vmem>>, %arg8: memref<125x80xi32, #tpu.memory_space<vmem>>, %arg9: memref<80x128xf32, #tpu.memory_space<vmem>>, %arg10: memref<80x128xf32, #tpu.memory_space<vmem>>, %arg11: memref<!tpu.dma_semaphore, #tpu.memory_space<semaphore_mem>>, %arg12: memref<!tpu.dma_semaphore, #tpu.memory_space<semaphore_mem>>, %arg13: memref<!tpu.dma_semaphore, #tpu.memory_space<semaphore_mem>>, %arg14: memref<!tpu.dma_semaphore, #tpu.memory_space<semaphore_mem>>, %arg15: memref<10240x128xf32, #tpu.memory_space<vmem_shared>>) attributes {dimension_semantics = [#tpu.dimension_semantics<core_parallel>, #tpu.dimension_semantics<subcore_parallel>], iteration_bounds = array<i64: 2, 16>, scalar_prefetch = 0 : i64, scratch_operands = 9 : i64, tpu.core_type = #tpu.core_type<sc_vector_subcore>, window_params = [{transform_indices = #map}, {transform_indices = #map1}, {transform_indices = #map2}, {transform_indices = #map}, {transform_indices = #map}]} {
    %mul3A = arith.constant 16 : i32
    %mul3A_0 = arith.muli %arg0, %mul3A : i32
    %add3A = arith.addi %mul3A_0, %arg1 : i32
    %eq3A = arith.constant 0 : i32
    %eq3A_1 = arith.cmpi eq, %arg1, %eq3A : i32
    %convert_element_type3A = arith.extui %eq3A_1 : i1 to i32
    %cond3A = arith.constant 0 : i32
    %cond3A_2 = arith.cmpi ne, %convert_element_type3A, %cond3A : i32
    scf.if %cond3A_2 {
      "tpu.region"() ({
        %run_scoped3A_45 = tpu.sem_alloc : memref<!tpu.dma_semaphore, #tpu.memory_space<semaphore_mem>>
        tpu.enqueue_dma source(%arg5 : memref<10240x128xf32, #tpu.memory_space<hbm>>) target(%arg15 : memref<10240x128xf32, #tpu.memory_space<vmem_shared>>) target_semaphore(%run_scoped3A_45 : memref<!tpu.dma_semaphore, #tpu.memory_space<semaphore_mem>>)
        tpu.wait_dma2 semaphore(%run_scoped3A_45 : memref<!tpu.dma_semaphore, #tpu.memory_space<semaphore_mem>>) src(%arg5 : memref<10240x128xf32, #tpu.memory_space<hbm>>) dst(%arg15 : memref<10240x128xf32, #tpu.memory_space<vmem_shared>>)
        tpu.yield
      }) : () -> ()
    } else {
    }
    %mul3A_3 = arith.constant 10000 : i32
    %mul3A_4 = arith.muli %add3A, %mul3A_3 : i32
    "tpu.region"() ({
      %run_scoped3A_45 = tpu.sem_alloc : memref<!tpu.dma_semaphore, #tpu.memory_space<semaphore_mem>>
      %dma_start3A_46 = tpu.memref_slice %arg3[%mul3A_4] : memref<320000xi32, #tpu.memory_space<hbm>> -> memref<10000xi32, #tpu.memory_space<hbm>>
      %dma_start3A_47 = tpu.memref_slice %arg3[%mul3A_4] : memref<320000xi32, #tpu.memory_space<hbm>> -> memref<10000xi32, #tpu.memory_space<hbm>>
      tpu.enqueue_dma source(%dma_start3A_47 : memref<10000xi32, #tpu.memory_space<hbm>>) target(%arg7 : memref<10000xi32, #tpu.memory_space<vmem>>) target_semaphore(%run_scoped3A_45 : memref<!tpu.dma_semaphore, #tpu.memory_space<semaphore_mem>>)
      %dma_wait3A_48 = tpu.memref_slice %arg3[%mul3A_4] : memref<320000xi32, #tpu.memory_space<hbm>> -> memref<10000xi32, #tpu.memory_space<hbm>>
      %dma_wait3A_49 = tpu.memref_slice %arg3[%mul3A_4] : memref<320000xi32, #tpu.memory_space<hbm>> -> memref<10000xi32, #tpu.memory_space<hbm>>
      tpu.wait_dma2 semaphore(%run_scoped3A_45 : memref<!tpu.dma_semaphore, #tpu.memory_space<semaphore_mem>>) src(%dma_wait3A_49 : memref<10000xi32, #tpu.memory_space<hbm>>) dst(%arg7 : memref<10000xi32, #tpu.memory_space<vmem>>)
      tpu.yield
    }) : () -> ()
    "tpu.region"() ({
      %run_scoped3A_45 = tpu.sem_alloc : memref<!tpu.dma_semaphore, #tpu.memory_space<semaphore_mem>>
      %dma_start3A_46 = arith.constant 0 : i32
      %dma_start3A_47 = arith.constant 0 : i32
      %dma_start3A_48 = tpu.memref_slice %arg4[%add3A, %dma_start3A_46, %dma_start3A_47] : memref<32x125x80xi32, #tpu.memory_space<hbm>> -> memref<1x125x80xi32, #tpu.memory_space<hbm>>
      %dma_start3A_49 = tpu.memref_squeeze %dma_start3A_48 : memref<1x125x80xi32, #tpu.memory_space<hbm>> -> memref<125x80xi32, #tpu.memory_space<hbm>>
      %dma_start3A_50 = arith.constant 0 : i32
      %dma_start3A_51 = arith.constant 0 : i32
      %dma_start3A_52 = tpu.memref_slice %arg4[%add3A, %dma_start3A_50, %dma_start3A_51] : memref<32x125x80xi32, #tpu.memory_space<hbm>> -> memref<1x125x80xi32, #tpu.memory_space<hbm>>
      %dma_start3A_53 = tpu.memref_squeeze %dma_start3A_52 : memref<1x125x80xi32, #tpu.memory_space<hbm>> -> memref<125x80xi32, #tpu.memory_space<hbm>>
      tpu.enqueue_dma source(%dma_start3A_53 : memref<125x80xi32, #tpu.memory_space<hbm>>) target(%arg8 : memref<125x80xi32, #tpu.memory_space<vmem>>) target_semaphore(%run_scoped3A_45 : memref<!tpu.dma_semaphore, #tpu.memory_space<semaphore_mem>>)
      %dma_wait3A_54 = arith.constant 0 : i32
      %dma_wait3A_55 = arith.constant 0 : i32
      %dma_wait3A_56 = tpu.memref_slice %arg4[%add3A, %dma_wait3A_54, %dma_wait3A_55] : memref<32x125x80xi32, #tpu.memory_space<hbm>> -> memref<1x125x80xi32, #tpu.memory_space<hbm>>
      %dma_wait3A_57 = tpu.memref_squeeze %dma_wait3A_56 : memref<1x125x80xi32, #tpu.memory_space<hbm>> -> memref<125x80xi32, #tpu.memory_space<hbm>>
      %dma_wait3A_58 = arith.constant 0 : i32
      %dma_wait3A_59 = arith.constant 0 : i32
      %dma_wait3A_60 = tpu.memref_slice %arg4[%add3A, %dma_wait3A_58, %dma_wait3A_59] : memref<32x125x80xi32, #tpu.memory_space<hbm>> -> memref<1x125x80xi32, #tpu.memory_space<hbm>>
      %dma_wait3A_61 = tpu.memref_squeeze %dma_wait3A_60 : memref<1x125x80xi32, #tpu.memory_space<hbm>> -> memref<125x80xi32, #tpu.memory_space<hbm>>
      tpu.wait_dma2 semaphore(%run_scoped3A_45 : memref<!tpu.dma_semaphore, #tpu.memory_space<semaphore_mem>>) src(%dma_wait3A_61 : memref<125x80xi32, #tpu.memory_space<hbm>>) dst(%arg8 : memref<125x80xi32, #tpu.memory_space<vmem>>)
      tpu.yield
    }) : () -> ()
    %barrier3A = arith.constant 0 : index
    tpu.barrier barrier_id(%barrier3A)
    %dma_start3A = arith.constant 0 : i32
    %dma_start3A_5 = tpu.memref_slice %arg7[%dma_start3A] : memref<10000xi32, #tpu.memory_space<vmem>> -> memref<80xi32, #tpu.memory_space<vmem>>
    %dma_start3A_6 = arith.constant 0 : i32
    %dma_start3A_7 = arith.constant 0 : i32
    %dma_start3A_8 = tpu.memref_slice %arg2[%dma_start3A_6, %dma_start3A_7] : memref<10000x128xf32, #tpu.memory_space<hbm>> -> memref<10000x128xf32, #tpu.memory_space<hbm>>
    tpu.enqueue_indirect_dma source(%dma_start3A_8 : memref<10000x128xf32, #tpu.memory_space<hbm>>) target(%arg9 : memref<80x128xf32, #tpu.memory_space<vmem>>) offsets(%dma_start3A_5 : memref<80xi32, #tpu.memory_space<vmem>>) semaphore(%arg11 : memref<!tpu.dma_semaphore, #tpu.memory_space<semaphore_mem>>)
    %dma_start3A_9 = arith.constant 80 : i32
    %dma_start3A_10 = tpu.memref_slice %arg7[%dma_start3A_9] : memref<10000xi32, #tpu.memory_space<vmem>> -> memref<80xi32, #tpu.memory_space<vmem>>
    %dma_start3A_11 = arith.constant 0 : i32
    %dma_start3A_12 = arith.constant 0 : i32
    %dma_start3A_13 = tpu.memref_slice %arg2[%dma_start3A_11, %dma_start3A_12] : memref<10000x128xf32, #tpu.memory_space<hbm>> -> memref<10000x128xf32, #tpu.memory_space<hbm>>
    tpu.enqueue_indirect_dma source(%dma_start3A_13 : memref<10000x128xf32, #tpu.memory_space<hbm>>) target(%arg10 : memref<80x128xf32, #tpu.memory_space<vmem>>) offsets(%dma_start3A_10 : memref<80xi32, #tpu.memory_space<vmem>>) semaphore(%arg12 : memref<!tpu.dma_semaphore, #tpu.memory_space<semaphore_mem>>)
    %scan3A = arith.constant 0 : i32
    %scan3A_14 = arith.constant 61 : i32
    %scan3A_15 = arith.addi %scan3A, %scan3A_14 : i32
    %scan3A_16 = arith.constant 1 : i32
    scf.for %scan3A_45 = %scan3A to %scan3A_15 step %scan3A_16  : i32 {
      %mul3A_46 = arith.constant 2 : i32
      %mul3A_47 = arith.muli %scan3A_45, %mul3A_46 : i32
      %add3A_48 = arith.constant 0 : i32
      %add3A_49 = arith.addi %add3A_48, %mul3A_47 : i32
      %mul3A_50 = arith.constant 80 : i32
      %mul3A_51 = arith.muli %add3A_49, %mul3A_50 : i32
      %dma_wait3A_52 = tpu.memref_slice %arg7[%mul3A_51] : memref<10000xi32, #tpu.memory_space<vmem>> -> memref<80xi32, #tpu.memory_space<vmem>>
      %dma_wait3A_53 = arith.constant 0 : i32
      %dma_wait3A_54 = arith.constant 0 : i32
      %dma_wait3A_55 = tpu.memref_slice %arg2[%dma_wait3A_53, %dma_wait3A_54] : memref<10000x128xf32, #tpu.memory_space<hbm>> -> memref<10000x128xf32, #tpu.memory_space<hbm>>
      tpu.wait_indirect_dma semaphore(%arg11 : memref<!tpu.dma_semaphore, #tpu.memory_space<semaphore_mem>>) src(%dma_wait3A_55 : memref<10000x128xf32, #tpu.memory_space<hbm>>) dst(%arg9 : memref<80x128xf32, #tpu.memory_space<vmem>>)
      %dma_start3A_56 = arith.constant 0 : i32
      %dma_start3A_57 = tpu.memref_slice %arg8[%add3A_49, %dma_start3A_56] : memref<125x80xi32, #tpu.memory_space<vmem>> -> memref<1x80xi32, #tpu.memory_space<vmem>>
      %dma_start3A_58 = tpu.memref_squeeze %dma_start3A_57 : memref<1x80xi32, #tpu.memory_space<vmem>> -> memref<80xi32, #tpu.memory_space<vmem>>
      %dma_start3A_59 = arith.constant 0 : i32
      %dma_start3A_60 = arith.constant 0 : i32
      %dma_start3A_61 = tpu.memref_slice %arg15[%dma_start3A_59, %dma_start3A_60] : memref<10240x128xf32, #tpu.memory_space<vmem_shared>> -> memref<10240x128xf32, #tpu.memory_space<vmem_shared>>
      tpu.enqueue_indirect_dma source(%arg9 : memref<80x128xf32, #tpu.memory_space<vmem>>) target(%dma_start3A_61 : memref<10240x128xf32, #tpu.memory_space<vmem_shared>>) offsets(%dma_start3A_58 : memref<80xi32, #tpu.memory_space<vmem>>) semaphore(%arg13 : memref<!tpu.dma_semaphore, #tpu.memory_space<semaphore_mem>>) {add = true}
      %mul3A_62 = arith.constant 80 : i32
      %mul3A_63 = arith.muli %add3A_49, %mul3A_62 : i32
      %dma_wait3A_64 = tpu.memref_slice %arg7[%mul3A_63] : memref<10000xi32, #tpu.memory_space<vmem>> -> memref<80xi32, #tpu.memory_space<vmem>>
      %dma_wait3A_65 = arith.constant 0 : i32
      %dma_wait3A_66 = arith.constant 0 : i32
      %dma_wait3A_67 = tpu.memref_slice %arg2[%dma_wait3A_65, %dma_wait3A_66] : memref<10000x128xf32, #tpu.memory_space<hbm>> -> memref<10000x128xf32, #tpu.memory_space<hbm>>
      tpu.wait_indirect_dma semaphore(%arg12 : memref<!tpu.dma_semaphore, #tpu.memory_space<semaphore_mem>>) src(%dma_wait3A_67 : memref<10000x128xf32, #tpu.memory_space<hbm>>) dst(%arg10 : memref<80x128xf32, #tpu.memory_space<vmem>>)
      %add3A_68 = arith.constant 1 : i32
      %add3A_69 = arith.addi %add3A_49, %add3A_68 : i32
      %dma_start3A_70 = arith.constant 0 : i32
      %dma_start3A_71 = tpu.memref_slice %arg8[%add3A_69, %dma_start3A_70] : memref<125x80xi32, #tpu.memory_space<vmem>> -> memref<1x80xi32, #tpu.memory_space<vmem>>
      %dma_start3A_72 = tpu.memref_squeeze %dma_start3A_71 : memref<1x80xi32, #tpu.memory_space<vmem>> -> memref<80xi32, #tpu.memory_space<vmem>>
      %dma_start3A_73 = arith.constant 0 : i32
      %dma_start3A_74 = arith.constant 0 : i32
      %dma_start3A_75 = tpu.memref_slice %arg15[%dma_start3A_73, %dma_start3A_74] : memref<10240x128xf32, #tpu.memory_space<vmem_shared>> -> memref<10240x128xf32, #tpu.memory_space<vmem_shared>>
      tpu.enqueue_indirect_dma source(%arg10 : memref<80x128xf32, #tpu.memory_space<vmem>>) target(%dma_start3A_75 : memref<10240x128xf32, #tpu.memory_space<vmem_shared>>) offsets(%dma_start3A_72 : memref<80xi32, #tpu.memory_space<vmem>>) semaphore(%arg14 : memref<!tpu.dma_semaphore, #tpu.memory_space<semaphore_mem>>) {add = true}
      %dma_wait3A_76 = arith.constant 0 : i32
      %dma_wait3A_77 = tpu.memref_slice %arg8[%add3A_49, %dma_wait3A_76] : memref<125x80xi32, #tpu.memory_space<vmem>> -> memref<1x80xi32, #tpu.memory_space<vmem>>
      %dma_wait3A_78 = tpu.memref_squeeze %dma_wait3A_77 : memref<1x80xi32, #tpu.memory_space<vmem>> -> memref<80xi32, #tpu.memory_space<vmem>>
      %dma_wait3A_79 = arith.constant 0 : i32
      %dma_wait3A_80 = arith.constant 0 : i32
      %dma_wait3A_81 = tpu.memref_slice %arg15[%dma_wait3A_79, %dma_wait3A_80] : memref<10240x128xf32, #tpu.memory_space<vmem_shared>> -> memref<10240x128xf32, #tpu.memory_space<vmem_shared>>
      tpu.wait_indirect_dma semaphore(%arg13 : memref<!tpu.dma_semaphore, #tpu.memory_space<semaphore_mem>>) src(%arg9 : memref<80x128xf32, #tpu.memory_space<vmem>>) dst(%dma_wait3A_81 : memref<10240x128xf32, #tpu.memory_space<vmem_shared>>)
      %add3A_82 = arith.constant 2 : i32
      %add3A_83 = arith.addi %add3A_49, %add3A_82 : i32
      %mul3A_84 = arith.constant 80 : i32
      %mul3A_85 = arith.muli %add3A_83, %mul3A_84 : i32
      %dma_start3A_86 = tpu.memref_slice %arg7[%mul3A_85] : memref<10000xi32, #tpu.memory_space<vmem>> -> memref<80xi32, #tpu.memory_space<vmem>>
      %dma_start3A_87 = arith.constant 0 : i32
      %dma_start3A_88 = arith.constant 0 : i32
      %dma_start3A_89 = tpu.memref_slice %arg2[%dma_start3A_87, %dma_start3A_88] : memref<10000x128xf32, #tpu.memory_space<hbm>> -> memref<10000x128xf32, #tpu.memory_space<hbm>>
      tpu.enqueue_indirect_dma source(%dma_start3A_89 : memref<10000x128xf32, #tpu.memory_space<hbm>>) target(%arg9 : memref<80x128xf32, #tpu.memory_space<vmem>>) offsets(%dma_start3A_86 : memref<80xi32, #tpu.memory_space<vmem>>) semaphore(%arg11 : memref<!tpu.dma_semaphore, #tpu.memory_space<semaphore_mem>>)
      %dma_wait3A_90 = arith.constant 0 : i32
      %dma_wait3A_91 = tpu.memref_slice %arg8[%add3A_69, %dma_wait3A_90] : memref<125x80xi32, #tpu.memory_space<vmem>> -> memref<1x80xi32, #tpu.memory_space<vmem>>
      %dma_wait3A_92 = tpu.memref_squeeze %dma_wait3A_91 : memref<1x80xi32, #tpu.memory_space<vmem>> -> memref<80xi32, #tpu.memory_space<vmem>>
      %dma_wait3A_93 = arith.constant 0 : i32
      %dma_wait3A_94 = arith.constant 0 : i32
      %dma_wait3A_95 = tpu.memref_slice %arg15[%dma_wait3A_93, %dma_wait3A_94] : memref<10240x128xf32, #tpu.memory_space<vmem_shared>> -> memref<10240x128xf32, #tpu.memory_space<vmem_shared>>
      tpu.wait_indirect_dma semaphore(%arg14 : memref<!tpu.dma_semaphore, #tpu.memory_space<semaphore_mem>>) src(%arg10 : memref<80x128xf32, #tpu.memory_space<vmem>>) dst(%dma_wait3A_95 : memref<10240x128xf32, #tpu.memory_space<vmem_shared>>)
      %add3A_96 = arith.constant 3 : i32
      %add3A_97 = arith.addi %add3A_49, %add3A_96 : i32
      %mul3A_98 = arith.constant 80 : i32
      %mul3A_99 = arith.muli %add3A_97, %mul3A_98 : i32
      %dma_start3A_100 = tpu.memref_slice %arg7[%mul3A_99] : memref<10000xi32, #tpu.memory_space<vmem>> -> memref<80xi32, #tpu.memory_space<vmem>>
      %dma_start3A_101 = arith.constant 0 : i32
      %dma_start3A_102 = arith.constant 0 : i32
      %dma_start3A_103 = tpu.memref_slice %arg2[%dma_start3A_101, %dma_start3A_102] : memref<10000x128xf32, #tpu.memory_space<hbm>> -> memref<10000x128xf32, #tpu.memory_space<hbm>>
      tpu.enqueue_indirect_dma source(%dma_start3A_103 : memref<10000x128xf32, #tpu.memory_space<hbm>>) target(%arg10 : memref<80x128xf32, #tpu.memory_space<vmem>>) offsets(%dma_start3A_100 : memref<80xi32, #tpu.memory_space<vmem>>) semaphore(%arg12 : memref<!tpu.dma_semaphore, #tpu.memory_space<semaphore_mem>>)
    }
    %scan3A_17 = arith.constant 61 : i32
    %dma_wait3A = arith.constant 0 : i32
    %dma_wait3A_18 = tpu.memref_slice %arg7[%dma_wait3A] : memref<10000xi32, #tpu.memory_space<vmem>> -> memref<80xi32, #tpu.memory_space<vmem>>
    %dma_wait3A_19 = arith.constant 0 : i32
    %dma_wait3A_20 = arith.constant 0 : i32
    %dma_wait3A_21 = tpu.memref_slice %arg2[%dma_wait3A_19, %dma_wait3A_20] : memref<10000x128xf32, #tpu.memory_space<hbm>> -> memref<10000x128xf32, #tpu.memory_space<hbm>>
    tpu.wait_indirect_dma semaphore(%arg11 : memref<!tpu.dma_semaphore, #tpu.memory_space<semaphore_mem>>) src(%dma_wait3A_21 : memref<10000x128xf32, #tpu.memory_space<hbm>>) dst(%arg9 : memref<80x128xf32, #tpu.memory_space<vmem>>)
    %run_scoped3A = arith.constant 122 : i32
    "tpu.region"() ({
      %run_scoped3A_45 = tpu.sem_alloc : memref<!tpu.dma_semaphore, #tpu.memory_space<semaphore_mem>>
      %dma_start3A_46 = arith.constant 0 : i32
      %dma_start3A_47 = tpu.memref_slice %arg8[%run_scoped3A, %dma_start3A_46] : memref<125x80xi32, #tpu.memory_space<vmem>> -> memref<1x80xi32, #tpu.memory_space<vmem>>
      %dma_start3A_48 = tpu.memref_squeeze %dma_start3A_47 : memref<1x80xi32, #tpu.memory_space<vmem>> -> memref<80xi32, #tpu.memory_space<vmem>>
      %dma_start3A_49 = arith.constant 0 : i32
      %dma_start3A_50 = arith.constant 0 : i32
      %dma_start3A_51 = tpu.memref_slice %arg15[%dma_start3A_49, %dma_start3A_50] : memref<10240x128xf32, #tpu.memory_space<vmem_shared>> -> memref<10240x128xf32, #tpu.memory_space<vmem_shared>>
      tpu.enqueue_indirect_dma source(%arg9 : memref<80x128xf32, #tpu.memory_space<vmem>>) target(%dma_start3A_51 : memref<10240x128xf32, #tpu.memory_space<vmem_shared>>) offsets(%dma_start3A_48 : memref<80xi32, #tpu.memory_space<vmem>>) semaphore(%run_scoped3A_45 : memref<!tpu.dma_semaphore, #tpu.memory_space<semaphore_mem>>) {add = true}
      %dma_wait3A_52 = arith.constant 0 : i32
      %dma_wait3A_53 = tpu.memref_slice %arg8[%run_scoped3A, %dma_wait3A_52] : memref<125x80xi32, #tpu.memory_space<vmem>> -> memref<1x80xi32, #tpu.memory_space<vmem>>
      %dma_wait3A_54 = tpu.memref_squeeze %dma_wait3A_53 : memref<1x80xi32, #tpu.memory_space<vmem>> -> memref<80xi32, #tpu.memory_space<vmem>>
      %dma_wait3A_55 = arith.constant 0 : i32
      %dma_wait3A_56 = arith.constant 0 : i32
      %dma_wait3A_57 = tpu.memref_slice %arg15[%dma_wait3A_55, %dma_wait3A_56] : memref<10240x128xf32, #tpu.memory_space<vmem_shared>> -> memref<10240x128xf32, #tpu.memory_space<vmem_shared>>
      tpu.wait_indirect_dma semaphore(%run_scoped3A_45 : memref<!tpu.dma_semaphore, #tpu.memory_space<semaphore_mem>>) src(%arg9 : memref<80x128xf32, #tpu.memory_space<vmem>>) dst(%dma_wait3A_57 : memref<10240x128xf32, #tpu.memory_space<vmem_shared>>)
      tpu.yield
    }) : () -> ()
    %dma_wait3A_22 = arith.constant 0 : i32
    %dma_wait3A_23 = tpu.memref_slice %arg7[%dma_wait3A_22] : memref<10000xi32, #tpu.memory_space<vmem>> -> memref<80xi32, #tpu.memory_space<vmem>>
    %dma_wait3A_24 = arith.constant 0 : i32
    %dma_wait3A_25 = arith.constant 0 : i32
    %dma_wait3A_26 = tpu.memref_slice %arg2[%dma_wait3A_24, %dma_wait3A_25] : memref<10000x128xf32, #tpu.memory_space<hbm>> -> memref<10000x128xf32, #tpu.memory_space<hbm>>
    tpu.wait_indirect_dma semaphore(%arg12 : memref<!tpu.dma_semaphore, #tpu.memory_space<semaphore_mem>>) src(%dma_wait3A_26 : memref<10000x128xf32, #tpu.memory_space<hbm>>) dst(%arg10 : memref<80x128xf32, #tpu.memory_space<vmem>>)
    %run_scoped3A_27 = arith.constant 123 : i32
    "tpu.region"() ({
      %run_scoped3A_45 = tpu.sem_alloc : memref<!tpu.dma_semaphore, #tpu.memory_space<semaphore_mem>>
      %dma_start3A_46 = arith.constant 0 : i32
      %dma_start3A_47 = tpu.memref_slice %arg8[%run_scoped3A_27, %dma_start3A_46] : memref<125x80xi32, #tpu.memory_space<vmem>> -> memref<1x80xi32, #tpu.memory_space<vmem>>
      %dma_start3A_48 = tpu.memref_squeeze %dma_start3A_47 : memref<1x80xi32, #tpu.memory_space<vmem>> -> memref<80xi32, #tpu.memory_space<vmem>>
      %dma_start3A_49 = arith.constant 0 : i32
      %dma_start3A_50 = arith.constant 0 : i32
      %dma_start3A_51 = tpu.memref_slice %arg15[%dma_start3A_49, %dma_start3A_50] : memref<10240x128xf32, #tpu.memory_space<vmem_shared>> -> memref<10240x128xf32, #tpu.memory_space<vmem_shared>>
      tpu.enqueue_indirect_dma source(%arg10 : memref<80x128xf32, #tpu.memory_space<vmem>>) target(%dma_start3A_51 : memref<10240x128xf32, #tpu.memory_space<vmem_shared>>) offsets(%dma_start3A_48 : memref<80xi32, #tpu.memory_space<vmem>>) semaphore(%run_scoped3A_45 : memref<!tpu.dma_semaphore, #tpu.memory_space<semaphore_mem>>) {add = true}
      %dma_wait3A_52 = arith.constant 0 : i32
      %dma_wait3A_53 = tpu.memref_slice %arg8[%run_scoped3A_27, %dma_wait3A_52] : memref<125x80xi32, #tpu.memory_space<vmem>> -> memref<1x80xi32, #tpu.memory_space<vmem>>
      %dma_wait3A_54 = tpu.memref_squeeze %dma_wait3A_53 : memref<1x80xi32, #tpu.memory_space<vmem>> -> memref<80xi32, #tpu.memory_space<vmem>>
      %dma_wait3A_55 = arith.constant 0 : i32
      %dma_wait3A_56 = arith.constant 0 : i32
      %dma_wait3A_57 = tpu.memref_slice %arg15[%dma_wait3A_55, %dma_wait3A_56] : memref<10240x128xf32, #tpu.memory_space<vmem_shared>> -> memref<10240x128xf32, #tpu.memory_space<vmem_shared>>
      tpu.wait_indirect_dma semaphore(%run_scoped3A_45 : memref<!tpu.dma_semaphore, #tpu.memory_space<semaphore_mem>>) src(%arg10 : memref<80x128xf32, #tpu.memory_space<vmem>>) dst(%dma_wait3A_57 : memref<10240x128xf32, #tpu.memory_space<vmem_shared>>)
      tpu.yield
    }) : () -> ()
    %dma_start3A_28 = arith.constant 9920 : i32
    %dma_start3A_29 = tpu.memref_slice %arg7[%dma_start3A_28] : memref<10000xi32, #tpu.memory_space<vmem>> -> memref<80xi32, #tpu.memory_space<vmem>>
    %dma_start3A_30 = arith.constant 0 : i32
    %dma_start3A_31 = arith.constant 0 : i32
    %dma_start3A_32 = tpu.memref_slice %arg2[%dma_start3A_30, %dma_start3A_31] : memref<10000x128xf32, #tpu.memory_space<hbm>> -> memref<10000x128xf32, #tpu.memory_space<hbm>>
    tpu.enqueue_indirect_dma source(%dma_start3A_32 : memref<10000x128xf32, #tpu.memory_space<hbm>>) target(%arg9 : memref<80x128xf32, #tpu.memory_space<vmem>>) offsets(%dma_start3A_29 : memref<80xi32, #tpu.memory_space<vmem>>) semaphore(%arg11 : memref<!tpu.dma_semaphore, #tpu.memory_space<semaphore_mem>>)
    %dma_wait3A_33 = arith.constant 9920 : i32
    %dma_wait3A_34 = tpu.memref_slice %arg7[%dma_wait3A_33] : memref<10000xi32, #tpu.memory_space<vmem>> -> memref<80xi32, #tpu.memory_space<vmem>>
    %dma_wait3A_35 = arith.constant 0 : i32
    %dma_wait3A_36 = arith.constant 0 : i32
    %dma_wait3A_37 = tpu.memref_slice %arg2[%dma_wait3A_35, %dma_wait3A_36] : memref<10000x128xf32, #tpu.memory_space<hbm>> -> memref<10000x128xf32, #tpu.memory_space<hbm>>
    tpu.wait_indirect_dma semaphore(%arg11 : memref<!tpu.dma_semaphore, #tpu.memory_space<semaphore_mem>>) src(%dma_wait3A_37 : memref<10000x128xf32, #tpu.memory_space<hbm>>) dst(%arg9 : memref<80x128xf32, #tpu.memory_space<vmem>>)
    %run_scoped3A_38 = arith.constant 124 : i32
    "tpu.region"() ({
      %run_scoped3A_45 = tpu.sem_alloc : memref<!tpu.dma_semaphore, #tpu.memory_space<semaphore_mem>>
      %dma_start3A_46 = arith.constant 0 : i32
      %dma_start3A_47 = tpu.memref_slice %arg8[%run_scoped3A_38, %dma_start3A_46] : memref<125x80xi32, #tpu.memory_space<vmem>> -> memref<1x80xi32, #tpu.memory_space<vmem>>
      %dma_start3A_48 = tpu.memref_squeeze %dma_start3A_47 : memref<1x80xi32, #tpu.memory_space<vmem>> -> memref<80xi32, #tpu.memory_space<vmem>>
      %dma_start3A_49 = arith.constant 0 : i32
      %dma_start3A_50 = arith.constant 0 : i32
      %dma_start3A_51 = tpu.memref_slice %arg15[%dma_start3A_49, %dma_start3A_50] : memref<10240x128xf32, #tpu.memory_space<vmem_shared>> -> memref<10240x128xf32, #tpu.memory_space<vmem_shared>>
      tpu.enqueue_indirect_dma source(%arg9 : memref<80x128xf32, #tpu.memory_space<vmem>>) target(%dma_start3A_51 : memref<10240x128xf32, #tpu.memory_space<vmem_shared>>) offsets(%dma_start3A_48 : memref<80xi32, #tpu.memory_space<vmem>>) semaphore(%run_scoped3A_45 : memref<!tpu.dma_semaphore, #tpu.memory_space<semaphore_mem>>) {add = true}
      %dma_wait3A_52 = arith.constant 0 : i32
      %dma_wait3A_53 = tpu.memref_slice %arg8[%run_scoped3A_38, %dma_wait3A_52] : memref<125x80xi32, #tpu.memory_space<vmem>> -> memref<1x80xi32, #tpu.memory_space<vmem>>
      %dma_wait3A_54 = tpu.memref_squeeze %dma_wait3A_53 : memref<1x80xi32, #tpu.memory_space<vmem>> -> memref<80xi32, #tpu.memory_space<vmem>>
      %dma_wait3A_55 = arith.constant 0 : i32
      %dma_wait3A_56 = arith.constant 0 : i32
      %dma_wait3A_57 = tpu.memref_slice %arg15[%dma_wait3A_55, %dma_wait3A_56] : memref<10240x128xf32, #tpu.memory_space<vmem_shared>> -> memref<10240x128xf32, #tpu.memory_space<vmem_shared>>
      tpu.wait_indirect_dma semaphore(%run_scoped3A_45 : memref<!tpu.dma_semaphore, #tpu.memory_space<semaphore_mem>>) src(%arg9 : memref<80x128xf32, #tpu.memory_space<vmem>>) dst(%dma_wait3A_57 : memref<10240x128xf32, #tpu.memory_space<vmem_shared>>)
      tpu.yield
    }) : () -> ()
    %barrier3A_39 = arith.constant 0 : index
    tpu.barrier barrier_id(%barrier3A_39)
    %eq3A_40 = arith.constant 0 : i32
    %eq3A_41 = arith.cmpi eq, %arg1, %eq3A_40 : i32
    %convert_element_type3A_42 = arith.extui %eq3A_41 : i1 to i32
    %cond3A_43 = arith.constant 0 : i32
    %cond3A_44 = arith.cmpi ne, %convert_element_type3A_42, %cond3A_43 : i32
    scf.if %cond3A_44 {
      %mul3A_45 = arith.constant 10240 : i32
      %mul3A_46 = arith.muli %arg0, %mul3A_45 : i32
      "tpu.region"() ({
        %run_scoped3A_47 = tpu.sem_alloc : memref<!tpu.dma_semaphore, #tpu.memory_space<semaphore_mem>>
        %dma_start3A_48 = arith.constant 0 : i32
        %dma_start3A_49 = tpu.memref_slice %arg6[%mul3A_46, %dma_start3A_48] : memref<20480x128xf32, #tpu.memory_space<hbm>> -> memref<10240x128xf32, #tpu.memory_space<hbm>>
        tpu.enqueue_dma source(%arg15 : memref<10240x128xf32, #tpu.memory_space<vmem_shared>>) target(%dma_start3A_49 : memref<10240x128xf32, #tpu.memory_space<hbm>>) target_semaphore(%run_scoped3A_47 : memref<!tpu.dma_semaphore, #tpu.memory_space<semaphore_mem>>)
        %dma_wait3A_50 = arith.constant 0 : i32
        %dma_wait3A_51 = tpu.memref_slice %arg6[%mul3A_46, %dma_wait3A_50] : memref<20480x128xf32, #tpu.memory_space<hbm>> -> memref<10240x128xf32, #tpu.memory_space<hbm>>
        tpu.wait_dma2 semaphore(%run_scoped3A_47 : memref<!tpu.dma_semaphore, #tpu.memory_space<semaphore_mem>>) src(%arg15 : memref<10240x128xf32, #tpu.memory_space<vmem_shared>>) dst(%dma_wait3A_51 : memref<10240x128xf32, #tpu.memory_space<hbm>>)
        tpu.yield
      }) : () -> ()
    } else {
    }
    return
  }
}

#map = affine_map<(d0, d1) -> (0, 0)>
#map1 = affine_map<(d0, d1) -> (0)>
#map2 = affine_map<(d0, d1) -> (0, 0, 0)>
module attributes {stable_mosaic.version = 14 : i64} {
  func.func @_agg_body(%arg0: i32, %arg1: i32, %arg2: memref<10000x128xf32, #tpu.memory_space<hbm>>, %arg3: memref<320000xi32, #tpu.memory_space<hbm>>, %arg4: memref<32x125x80xi32, #tpu.memory_space<hbm>>, %arg5: memref<10240x128xf32, #tpu.memory_space<hbm>>, %arg6: memref<20480x128xf32, #tpu.memory_space<hbm>>, %arg7: memref<10000xi32, #tpu.memory_space<vmem>>, %arg8: memref<125x80xi32, #tpu.memory_space<vmem>>, %arg9: memref<80x128xf32, #tpu.memory_space<vmem>>, %arg10: memref<80x128xf32, #tpu.memory_space<vmem>>, %arg11: memref<!tpu.dma_semaphore, #tpu.memory_space<semaphore_mem>>, %arg12: memref<!tpu.dma_semaphore, #tpu.memory_space<semaphore_mem>>, %arg13: memref<!tpu.dma_semaphore, #tpu.memory_space<semaphore_mem>>, %arg14: memref<!tpu.dma_semaphore, #tpu.memory_space<semaphore_mem>>, %arg15: memref<10240x128xf32, #tpu.memory_space<vmem_shared>>) attributes {dimension_semantics = [#tpu.dimension_semantics<core_parallel>, #tpu.dimension_semantics<subcore_parallel>], iteration_bounds = array<i64: 2, 16>, scalar_prefetch = 0 : i64, scratch_operands = 9 : i64, tpu.core_type = #tpu.core_type<sc_vector_subcore>, window_params = [{transform_indices = #map}, {transform_indices = #map1}, {transform_indices = #map2}, {transform_indices = #map}, {transform_indices = #map}]} {
    %mul3A = arith.constant 16 : i32
    %mul3A_0 = arith.muli %arg0, %mul3A : i32
    %add3A = arith.addi %mul3A_0, %arg1 : i32
    %eq3A = arith.constant 0 : i32
    %eq3A_1 = arith.cmpi eq, %arg1, %eq3A : i32
    %convert_element_type3A = arith.extui %eq3A_1 : i1 to i32
    %cond3A = arith.constant 0 : i32
    %cond3A_2 = arith.cmpi ne, %convert_element_type3A, %cond3A : i32
    scf.if %cond3A_2 {
      "tpu.region"() ({
        %run_scoped3A_45 = tpu.sem_alloc : memref<!tpu.dma_semaphore, #tpu.memory_space<semaphore_mem>>
        tpu.enqueue_dma source(%arg5 : memref<10240x128xf32, #tpu.memory_space<hbm>>) target(%arg15 : memref<10240x128xf32, #tpu.memory_space<vmem_shared>>) target_semaphore(%run_scoped3A_45 : memref<!tpu.dma_semaphore, #tpu.memory_space<semaphore_mem>>)
        tpu.wait_dma2 semaphore(%run_scoped3A_45 : memref<!tpu.dma_semaphore, #tpu.memory_space<semaphore_mem>>) src(%arg5 : memref<10240x128xf32, #tpu.memory_space<hbm>>) dst(%arg15 : memref<10240x128xf32, #tpu.memory_space<vmem_shared>>)
        tpu.yield
      }) : () -> ()
    } else {
    }
    %mul3A_3 = arith.constant 10000 : i32
    %mul3A_4 = arith.muli %add3A, %mul3A_3 : i32
    "tpu.region"() ({
      %run_scoped3A_45 = tpu.sem_alloc : memref<!tpu.dma_semaphore, #tpu.memory_space<semaphore_mem>>
      %dma_start3A_46 = tpu.memref_slice %arg3[%mul3A_4] : memref<320000xi32, #tpu.memory_space<hbm>> -> memref<10000xi32, #tpu.memory_space<hbm>>
      %dma_start3A_47 = tpu.memref_slice %arg3[%mul3A_4] : memref<320000xi32, #tpu.memory_space<hbm>> -> memref<10000xi32, #tpu.memory_space<hbm>>
      tpu.enqueue_dma source(%dma_start3A_47 : memref<10000xi32, #tpu.memory_space<hbm>>) target(%arg7 : memref<10000xi32, #tpu.memory_space<vmem>>) target_semaphore(%run_scoped3A_45 : memref<!tpu.dma_semaphore, #tpu.memory_space<semaphore_mem>>)
      %dma_wait3A_48 = tpu.memref_slice %arg3[%mul3A_4] : memref<320000xi32, #tpu.memory_space<hbm>> -> memref<10000xi32, #tpu.memory_space<hbm>>
      %dma_wait3A_49 = tpu.memref_slice %arg3[%mul3A_4] : memref<320000xi32, #tpu.memory_space<hbm>> -> memref<10000xi32, #tpu.memory_space<hbm>>
      tpu.wait_dma2 semaphore(%run_scoped3A_45 : memref<!tpu.dma_semaphore, #tpu.memory_space<semaphore_mem>>) src(%dma_wait3A_49 : memref<10000xi32, #tpu.memory_space<hbm>>) dst(%arg7 : memref<10000xi32, #tpu.memory_space<vmem>>)
      tpu.yield
    }) : () -> ()
    "tpu.region"() ({
      %run_scoped3A_45 = tpu.sem_alloc : memref<!tpu.dma_semaphore, #tpu.memory_space<semaphore_mem>>
      %dma_start3A_46 = arith.constant 0 : i32
      %dma_start3A_47 = arith.constant 0 : i32
      %dma_start3A_48 = tpu.memref_slice %arg4[%add3A, %dma_start3A_46, %dma_start3A_47] : memref<32x125x80xi32, #tpu.memory_space<hbm>> -> memref<1x125x80xi32, #tpu.memory_space<hbm>>
      %dma_start3A_49 = tpu.memref_squeeze %dma_start3A_48 : memref<1x125x80xi32, #tpu.memory_space<hbm>> -> memref<125x80xi32, #tpu.memory_space<hbm>>
      %dma_start3A_50 = arith.constant 0 : i32
      %dma_start3A_51 = arith.constant 0 : i32
      %dma_start3A_52 = tpu.memref_slice %arg4[%add3A, %dma_start3A_50, %dma_start3A_51] : memref<32x125x80xi32, #tpu.memory_space<hbm>> -> memref<1x125x80xi32, #tpu.memory_space<hbm>>
      %dma_start3A_53 = tpu.memref_squeeze %dma_start3A_52 : memref<1x125x80xi32, #tpu.memory_space<hbm>> -> memref<125x80xi32, #tpu.memory_space<hbm>>
      tpu.enqueue_dma source(%dma_start3A_53 : memref<125x80xi32, #tpu.memory_space<hbm>>) target(%arg8 : memref<125x80xi32, #tpu.memory_space<vmem>>) target_semaphore(%run_scoped3A_45 : memref<!tpu.dma_semaphore, #tpu.memory_space<semaphore_mem>>)
      %dma_wait3A_54 = arith.constant 0 : i32
      %dma_wait3A_55 = arith.constant 0 : i32
      %dma_wait3A_56 = tpu.memref_slice %arg4[%add3A, %dma_wait3A_54, %dma_wait3A_55] : memref<32x125x80xi32, #tpu.memory_space<hbm>> -> memref<1x125x80xi32, #tpu.memory_space<hbm>>
      %dma_wait3A_57 = tpu.memref_squeeze %dma_wait3A_56 : memref<1x125x80xi32, #tpu.memory_space<hbm>> -> memref<125x80xi32, #tpu.memory_space<hbm>>
      %dma_wait3A_58 = arith.constant 0 : i32
      %dma_wait3A_59 = arith.constant 0 : i32
      %dma_wait3A_60 = tpu.memref_slice %arg4[%add3A, %dma_wait3A_58, %dma_wait3A_59] : memref<32x125x80xi32, #tpu.memory_space<hbm>> -> memref<1x125x80xi32, #tpu.memory_space<hbm>>
      %dma_wait3A_61 = tpu.memref_squeeze %dma_wait3A_60 : memref<1x125x80xi32, #tpu.memory_space<hbm>> -> memref<125x80xi32, #tpu.memory_space<hbm>>
      tpu.wait_dma2 semaphore(%run_scoped3A_45 : memref<!tpu.dma_semaphore, #tpu.memory_space<semaphore_mem>>) src(%dma_wait3A_61 : memref<125x80xi32, #tpu.memory_space<hbm>>) dst(%arg8 : memref<125x80xi32, #tpu.memory_space<vmem>>)
      tpu.yield
    }) : () -> ()
    %barrier3A = arith.constant 0 : index
    tpu.barrier barrier_id(%barrier3A)
    %dma_start3A = arith.constant 0 : i32
    %dma_start3A_5 = tpu.memref_slice %arg7[%dma_start3A] : memref<10000xi32, #tpu.memory_space<vmem>> -> memref<80xi32, #tpu.memory_space<vmem>>
    %dma_start3A_6 = arith.constant 0 : i32
    %dma_start3A_7 = arith.constant 0 : i32
    %dma_start3A_8 = tpu.memref_slice %arg2[%dma_start3A_6, %dma_start3A_7] : memref<10000x128xf32, #tpu.memory_space<hbm>> -> memref<10000x128xf32, #tpu.memory_space<hbm>>
    tpu.enqueue_indirect_dma source(%dma_start3A_8 : memref<10000x128xf32, #tpu.memory_space<hbm>>) target(%arg9 : memref<80x128xf32, #tpu.memory_space<vmem>>) offsets(%dma_start3A_5 : memref<80xi32, #tpu.memory_space<vmem>>) semaphore(%arg11 : memref<!tpu.dma_semaphore, #tpu.memory_space<semaphore_mem>>)
    %dma_start3A_9 = arith.constant 80 : i32
    %dma_start3A_10 = tpu.memref_slice %arg7[%dma_start3A_9] : memref<10000xi32, #tpu.memory_space<vmem>> -> memref<80xi32, #tpu.memory_space<vmem>>
    %dma_start3A_11 = arith.constant 0 : i32
    %dma_start3A_12 = arith.constant 0 : i32
    %dma_start3A_13 = tpu.memref_slice %arg2[%dma_start3A_11, %dma_start3A_12] : memref<10000x128xf32, #tpu.memory_space<hbm>> -> memref<10000x128xf32, #tpu.memory_space<hbm>>
    tpu.enqueue_indirect_dma source(%dma_start3A_13 : memref<10000x128xf32, #tpu.memory_space<hbm>>) target(%arg10 : memref<80x128xf32, #tpu.memory_space<vmem>>) offsets(%dma_start3A_10 : memref<80xi32, #tpu.memory_space<vmem>>) semaphore(%arg12 : memref<!tpu.dma_semaphore, #tpu.memory_space<semaphore_mem>>)
    %scan3A = arith.constant 0 : i32
    %scan3A_14 = arith.constant 61 : i32
    %scan3A_15 = arith.addi %scan3A, %scan3A_14 : i32
    %scan3A_16 = arith.constant 1 : i32
    scf.for %scan3A_45 = %scan3A to %scan3A_15 step %scan3A_16  : i32 {
      %mul3A_46 = arith.constant 2 : i32
      %mul3A_47 = arith.muli %scan3A_45, %mul3A_46 : i32
      %add3A_48 = arith.constant 0 : i32
      %add3A_49 = arith.addi %add3A_48, %mul3A_47 : i32
      %mul3A_50 = arith.constant 80 : i32
      %mul3A_51 = arith.muli %add3A_49, %mul3A_50 : i32
      %dma_wait3A_52 = tpu.memref_slice %arg7[%mul3A_51] : memref<10000xi32, #tpu.memory_space<vmem>> -> memref<80xi32, #tpu.memory_space<vmem>>
      %dma_wait3A_53 = arith.constant 0 : i32
      %dma_wait3A_54 = arith.constant 0 : i32
      %dma_wait3A_55 = tpu.memref_slice %arg2[%dma_wait3A_53, %dma_wait3A_54] : memref<10000x128xf32, #tpu.memory_space<hbm>> -> memref<10000x128xf32, #tpu.memory_space<hbm>>
      tpu.wait_indirect_dma semaphore(%arg11 : memref<!tpu.dma_semaphore, #tpu.memory_space<semaphore_mem>>) src(%dma_wait3A_55 : memref<10000x128xf32, #tpu.memory_space<hbm>>) dst(%arg9 : memref<80x128xf32, #tpu.memory_space<vmem>>)
      %dma_start3A_56 = arith.constant 0 : i32
      %dma_start3A_57 = tpu.memref_slice %arg8[%add3A_49, %dma_start3A_56] : memref<125x80xi32, #tpu.memory_space<vmem>> -> memref<1x80xi32, #tpu.memory_space<vmem>>
      %dma_start3A_58 = tpu.memref_squeeze %dma_start3A_57 : memref<1x80xi32, #tpu.memory_space<vmem>> -> memref<80xi32, #tpu.memory_space<vmem>>
      %dma_start3A_59 = arith.constant 0 : i32
      %dma_start3A_60 = arith.constant 0 : i32
      %dma_start3A_61 = tpu.memref_slice %arg15[%dma_start3A_59, %dma_start3A_60] : memref<10240x128xf32, #tpu.memory_space<vmem_shared>> -> memref<10240x128xf32, #tpu.memory_space<vmem_shared>>
      tpu.enqueue_indirect_dma source(%arg9 : memref<80x128xf32, #tpu.memory_space<vmem>>) target(%dma_start3A_61 : memref<10240x128xf32, #tpu.memory_space<vmem_shared>>) offsets(%dma_start3A_58 : memref<80xi32, #tpu.memory_space<vmem>>) semaphore(%arg13 : memref<!tpu.dma_semaphore, #tpu.memory_space<semaphore_mem>>) {add = true}
      %mul3A_62 = arith.constant 80 : i32
      %mul3A_63 = arith.muli %add3A_49, %mul3A_62 : i32
      %dma_wait3A_64 = tpu.memref_slice %arg7[%mul3A_63] : memref<10000xi32, #tpu.memory_space<vmem>> -> memref<80xi32, #tpu.memory_space<vmem>>
      %dma_wait3A_65 = arith.constant 0 : i32
      %dma_wait3A_66 = arith.constant 0 : i32
      %dma_wait3A_67 = tpu.memref_slice %arg2[%dma_wait3A_65, %dma_wait3A_66] : memref<10000x128xf32, #tpu.memory_space<hbm>> -> memref<10000x128xf32, #tpu.memory_space<hbm>>
      tpu.wait_indirect_dma semaphore(%arg12 : memref<!tpu.dma_semaphore, #tpu.memory_space<semaphore_mem>>) src(%dma_wait3A_67 : memref<10000x128xf32, #tpu.memory_space<hbm>>) dst(%arg10 : memref<80x128xf32, #tpu.memory_space<vmem>>)
      %add3A_68 = arith.constant 1 : i32
      %add3A_69 = arith.addi %add3A_49, %add3A_68 : i32
      %dma_start3A_70 = arith.constant 0 : i32
      %dma_start3A_71 = tpu.memref_slice %arg8[%add3A_69, %dma_start3A_70] : memref<125x80xi32, #tpu.memory_space<vmem>> -> memref<1x80xi32, #tpu.memory_space<vmem>>
      %dma_start3A_72 = tpu.memref_squeeze %dma_start3A_71 : memref<1x80xi32, #tpu.memory_space<vmem>> -> memref<80xi32, #tpu.memory_space<vmem>>
      %dma_start3A_73 = arith.constant 0 : i32
      %dma_start3A_74 = arith.constant 0 : i32
      %dma_start3A_75 = tpu.memref_slice %arg15[%dma_start3A_73, %dma_start3A_74] : memref<10240x128xf32, #tpu.memory_space<vmem_shared>> -> memref<10240x128xf32, #tpu.memory_space<vmem_shared>>
      tpu.enqueue_indirect_dma source(%arg10 : memref<80x128xf32, #tpu.memory_space<vmem>>) target(%dma_start3A_75 : memref<10240x128xf32, #tpu.memory_space<vmem_shared>>) offsets(%dma_start3A_72 : memref<80xi32, #tpu.memory_space<vmem>>) semaphore(%arg14 : memref<!tpu.dma_semaphore, #tpu.memory_space<semaphore_mem>>) {add = true}
      %dma_wait3A_76 = arith.constant 0 : i32
      %dma_wait3A_77 = tpu.memref_slice %arg8[%add3A_49, %dma_wait3A_76] : memref<125x80xi32, #tpu.memory_space<vmem>> -> memref<1x80xi32, #tpu.memory_space<vmem>>
      %dma_wait3A_78 = tpu.memref_squeeze %dma_wait3A_77 : memref<1x80xi32, #tpu.memory_space<vmem>> -> memref<80xi32, #tpu.memory_space<vmem>>
      %dma_wait3A_79 = arith.constant 0 : i32
      %dma_wait3A_80 = arith.constant 0 : i32
      %dma_wait3A_81 = tpu.memref_slice %arg15[%dma_wait3A_79, %dma_wait3A_80] : memref<10240x128xf32, #tpu.memory_space<vmem_shared>> -> memref<10240x128xf32, #tpu.memory_space<vmem_shared>>
      tpu.wait_indirect_dma semaphore(%arg13 : memref<!tpu.dma_semaphore, #tpu.memory_space<semaphore_mem>>) src(%arg9 : memref<80x128xf32, #tpu.memory_space<vmem>>) dst(%dma_wait3A_81 : memref<10240x128xf32, #tpu.memory_space<vmem_shared>>)
      %add3A_82 = arith.constant 2 : i32
      %add3A_83 = arith.addi %add3A_49, %add3A_82 : i32
      %mul3A_84 = arith.constant 80 : i32
      %mul3A_85 = arith.muli %add3A_83, %mul3A_84 : i32
      %dma_start3A_86 = tpu.memref_slice %arg7[%mul3A_85] : memref<10000xi32, #tpu.memory_space<vmem>> -> memref<80xi32, #tpu.memory_space<vmem>>
      %dma_start3A_87 = arith.constant 0 : i32
      %dma_start3A_88 = arith.constant 0 : i32
      %dma_start3A_89 = tpu.memref_slice %arg2[%dma_start3A_87, %dma_start3A_88] : memref<10000x128xf32, #tpu.memory_space<hbm>> -> memref<10000x128xf32, #tpu.memory_space<hbm>>
      tpu.enqueue_indirect_dma source(%dma_start3A_89 : memref<10000x128xf32, #tpu.memory_space<hbm>>) target(%arg9 : memref<80x128xf32, #tpu.memory_space<vmem>>) offsets(%dma_start3A_86 : memref<80xi32, #tpu.memory_space<vmem>>) semaphore(%arg11 : memref<!tpu.dma_semaphore, #tpu.memory_space<semaphore_mem>>)
      %dma_wait3A_90 = arith.constant 0 : i32
      %dma_wait3A_91 = tpu.memref_slice %arg8[%add3A_69, %dma_wait3A_90] : memref<125x80xi32, #tpu.memory_space<vmem>> -> memref<1x80xi32, #tpu.memory_space<vmem>>
      %dma_wait3A_92 = tpu.memref_squeeze %dma_wait3A_91 : memref<1x80xi32, #tpu.memory_space<vmem>> -> memref<80xi32, #tpu.memory_space<vmem>>
      %dma_wait3A_93 = arith.constant 0 : i32
      %dma_wait3A_94 = arith.constant 0 : i32
      %dma_wait3A_95 = tpu.memref_slice %arg15[%dma_wait3A_93, %dma_wait3A_94] : memref<10240x128xf32, #tpu.memory_space<vmem_shared>> -> memref<10240x128xf32, #tpu.memory_space<vmem_shared>>
      tpu.wait_indirect_dma semaphore(%arg14 : memref<!tpu.dma_semaphore, #tpu.memory_space<semaphore_mem>>) src(%arg10 : memref<80x128xf32, #tpu.memory_space<vmem>>) dst(%dma_wait3A_95 : memref<10240x128xf32, #tpu.memory_space<vmem_shared>>)
      %add3A_96 = arith.constant 3 : i32
      %add3A_97 = arith.addi %add3A_49, %add3A_96 : i32
      %mul3A_98 = arith.constant 80 : i32
      %mul3A_99 = arith.muli %add3A_97, %mul3A_98 : i32
      %dma_start3A_100 = tpu.memref_slice %arg7[%mul3A_99] : memref<10000xi32, #tpu.memory_space<vmem>> -> memref<80xi32, #tpu.memory_space<vmem>>
      %dma_start3A_101 = arith.constant 0 : i32
      %dma_start3A_102 = arith.constant 0 : i32
      %dma_start3A_103 = tpu.memref_slice %arg2[%dma_start3A_101, %dma_start3A_102] : memref<10000x128xf32, #tpu.memory_space<hbm>> -> memref<10000x128xf32, #tpu.memory_space<hbm>>
      tpu.enqueue_indirect_dma source(%dma_start3A_103 : memref<10000x128xf32, #tpu.memory_space<hbm>>) target(%arg10 : memref<80x128xf32, #tpu.memory_space<vmem>>) offsets(%dma_start3A_100 : memref<80xi32, #tpu.memory_space<vmem>>) semaphore(%arg12 : memref<!tpu.dma_semaphore, #tpu.memory_space<semaphore_mem>>)
    }
    %scan3A_17 = arith.constant 61 : i32
    %dma_wait3A = arith.constant 0 : i32
    %dma_wait3A_18 = tpu.memref_slice %arg7[%dma_wait3A] : memref<10000xi32, #tpu.memory_space<vmem>> -> memref<80xi32, #tpu.memory_space<vmem>>
    %dma_wait3A_19 = arith.constant 0 : i32
    %dma_wait3A_20 = arith.constant 0 : i32
    %dma_wait3A_21 = tpu.memref_slice %arg2[%dma_wait3A_19, %dma_wait3A_20] : memref<10000x128xf32, #tpu.memory_space<hbm>> -> memref<10000x128xf32, #tpu.memory_space<hbm>>
    tpu.wait_indirect_dma semaphore(%arg11 : memref<!tpu.dma_semaphore, #tpu.memory_space<semaphore_mem>>) src(%dma_wait3A_21 : memref<10000x128xf32, #tpu.memory_space<hbm>>) dst(%arg9 : memref<80x128xf32, #tpu.memory_space<vmem>>)
    %run_scoped3A = arith.constant 122 : i32
    "tpu.region"() ({
      %run_scoped3A_45 = tpu.sem_alloc : memref<!tpu.dma_semaphore, #tpu.memory_space<semaphore_mem>>
      %dma_start3A_46 = arith.constant 0 : i32
      %dma_start3A_47 = tpu.memref_slice %arg8[%run_scoped3A, %dma_start3A_46] : memref<125x80xi32, #tpu.memory_space<vmem>> -> memref<1x80xi32, #tpu.memory_space<vmem>>
      %dma_start3A_48 = tpu.memref_squeeze %dma_start3A_47 : memref<1x80xi32, #tpu.memory_space<vmem>> -> memref<80xi32, #tpu.memory_space<vmem>>
      %dma_start3A_49 = arith.constant 0 : i32
      %dma_start3A_50 = arith.constant 0 : i32
      %dma_start3A_51 = tpu.memref_slice %arg15[%dma_start3A_49, %dma_start3A_50] : memref<10240x128xf32, #tpu.memory_space<vmem_shared>> -> memref<10240x128xf32, #tpu.memory_space<vmem_shared>>
      tpu.enqueue_indirect_dma source(%arg9 : memref<80x128xf32, #tpu.memory_space<vmem>>) target(%dma_start3A_51 : memref<10240x128xf32, #tpu.memory_space<vmem_shared>>) offsets(%dma_start3A_48 : memref<80xi32, #tpu.memory_space<vmem>>) semaphore(%run_scoped3A_45 : memref<!tpu.dma_semaphore, #tpu.memory_space<semaphore_mem>>) {add = true}
      %dma_wait3A_52 = arith.constant 0 : i32
      %dma_wait3A_53 = tpu.memref_slice %arg8[%run_scoped3A, %dma_wait3A_52] : memref<125x80xi32, #tpu.memory_space<vmem>> -> memref<1x80xi32, #tpu.memory_space<vmem>>
      %dma_wait3A_54 = tpu.memref_squeeze %dma_wait3A_53 : memref<1x80xi32, #tpu.memory_space<vmem>> -> memref<80xi32, #tpu.memory_space<vmem>>
      %dma_wait3A_55 = arith.constant 0 : i32
      %dma_wait3A_56 = arith.constant 0 : i32
      %dma_wait3A_57 = tpu.memref_slice %arg15[%dma_wait3A_55, %dma_wait3A_56] : memref<10240x128xf32, #tpu.memory_space<vmem_shared>> -> memref<10240x128xf32, #tpu.memory_space<vmem_shared>>
      tpu.wait_indirect_dma semaphore(%run_scoped3A_45 : memref<!tpu.dma_semaphore, #tpu.memory_space<semaphore_mem>>) src(%arg9 : memref<80x128xf32, #tpu.memory_space<vmem>>) dst(%dma_wait3A_57 : memref<10240x128xf32, #tpu.memory_space<vmem_shared>>)
      tpu.yield
    }) : () -> ()
    %dma_wait3A_22 = arith.constant 0 : i32
    %dma_wait3A_23 = tpu.memref_slice %arg7[%dma_wait3A_22] : memref<10000xi32, #tpu.memory_space<vmem>> -> memref<80xi32, #tpu.memory_space<vmem>>
    %dma_wait3A_24 = arith.constant 0 : i32
    %dma_wait3A_25 = arith.constant 0 : i32
    %dma_wait3A_26 = tpu.memref_slice %arg2[%dma_wait3A_24, %dma_wait3A_25] : memref<10000x128xf32, #tpu.memory_space<hbm>> -> memref<10000x128xf32, #tpu.memory_space<hbm>>
    tpu.wait_indirect_dma semaphore(%arg12 : memref<!tpu.dma_semaphore, #tpu.memory_space<semaphore_mem>>) src(%dma_wait3A_26 : memref<10000x128xf32, #tpu.memory_space<hbm>>) dst(%arg10 : memref<80x128xf32, #tpu.memory_space<vmem>>)
    %run_scoped3A_27 = arith.constant 123 : i32
    "tpu.region"() ({
      %run_scoped3A_45 = tpu.sem_alloc : memref<!tpu.dma_semaphore, #tpu.memory_space<semaphore_mem>>
      %dma_start3A_46 = arith.constant 0 : i32
      %dma_start3A_47 = tpu.memref_slice %arg8[%run_scoped3A_27, %dma_start3A_46] : memref<125x80xi32, #tpu.memory_space<vmem>> -> memref<1x80xi32, #tpu.memory_space<vmem>>
      %dma_start3A_48 = tpu.memref_squeeze %dma_start3A_47 : memref<1x80xi32, #tpu.memory_space<vmem>> -> memref<80xi32, #tpu.memory_space<vmem>>
      %dma_start3A_49 = arith.constant 0 : i32
      %dma_start3A_50 = arith.constant 0 : i32
      %dma_start3A_51 = tpu.memref_slice %arg15[%dma_start3A_49, %dma_start3A_50] : memref<10240x128xf32, #tpu.memory_space<vmem_shared>> -> memref<10240x128xf32, #tpu.memory_space<vmem_shared>>
      tpu.enqueue_indirect_dma source(%arg10 : memref<80x128xf32, #tpu.memory_space<vmem>>) target(%dma_start3A_51 : memref<10240x128xf32, #tpu.memory_space<vmem_shared>>) offsets(%dma_start3A_48 : memref<80xi32, #tpu.memory_space<vmem>>) semaphore(%run_scoped3A_45 : memref<!tpu.dma_semaphore, #tpu.memory_space<semaphore_mem>>) {add = true}
      %dma_wait3A_52 = arith.constant 0 : i32
      %dma_wait3A_53 = tpu.memref_slice %arg8[%run_scoped3A_27, %dma_wait3A_52] : memref<125x80xi32, #tpu.memory_space<vmem>> -> memref<1x80xi32, #tpu.memory_space<vmem>>
      %dma_wait3A_54 = tpu.memref_squeeze %dma_wait3A_53 : memref<1x80xi32, #tpu.memory_space<vmem>> -> memref<80xi32, #tpu.memory_space<vmem>>
      %dma_wait3A_55 = arith.constant 0 : i32
      %dma_wait3A_56 = arith.constant 0 : i32
      %dma_wait3A_57 = tpu.memref_slice %arg15[%dma_wait3A_55, %dma_wait3A_56] : memref<10240x128xf32, #tpu.memory_space<vmem_shared>> -> memref<10240x128xf32, #tpu.memory_space<vmem_shared>>
      tpu.wait_indirect_dma semaphore(%run_scoped3A_45 : memref<!tpu.dma_semaphore, #tpu.memory_space<semaphore_mem>>) src(%arg10 : memref<80x128xf32, #tpu.memory_space<vmem>>) dst(%dma_wait3A_57 : memref<10240x128xf32, #tpu.memory_space<vmem_shared>>)
      tpu.yield
    }) : () -> ()
    %dma_start3A_28 = arith.constant 9920 : i32
    %dma_start3A_29 = tpu.memref_slice %arg7[%dma_start3A_28] : memref<10000xi32, #tpu.memory_space<vmem>> -> memref<80xi32, #tpu.memory_space<vmem>>
    %dma_start3A_30 = arith.constant 0 : i32
    %dma_start3A_31 = arith.constant 0 : i32
    %dma_start3A_32 = tpu.memref_slice %arg2[%dma_start3A_30, %dma_start3A_31] : memref<10000x128xf32, #tpu.memory_space<hbm>> -> memref<10000x128xf32, #tpu.memory_space<hbm>>
    tpu.enqueue_indirect_dma source(%dma_start3A_32 : memref<10000x128xf32, #tpu.memory_space<hbm>>) target(%arg9 : memref<80x128xf32, #tpu.memory_space<vmem>>) offsets(%dma_start3A_29 : memref<80xi32, #tpu.memory_space<vmem>>) semaphore(%arg11 : memref<!tpu.dma_semaphore, #tpu.memory_space<semaphore_mem>>)
    %dma_wait3A_33 = arith.constant 9920 : i32
    %dma_wait3A_34 = tpu.memref_slice %arg7[%dma_wait3A_33] : memref<10000xi32, #tpu.memory_space<vmem>> -> memref<80xi32, #tpu.memory_space<vmem>>
    %dma_wait3A_35 = arith.constant 0 : i32
    %dma_wait3A_36 = arith.constant 0 : i32
    %dma_wait3A_37 = tpu.memref_slice %arg2[%dma_wait3A_35, %dma_wait3A_36] : memref<10000x128xf32, #tpu.memory_space<hbm>> -> memref<10000x128xf32, #tpu.memory_space<hbm>>
    tpu.wait_indirect_dma semaphore(%arg11 : memref<!tpu.dma_semaphore, #tpu.memory_space<semaphore_mem>>) src(%dma_wait3A_37 : memref<10000x128xf32, #tpu.memory_space<hbm>>) dst(%arg9 : memref<80x128xf32, #tpu.memory_space<vmem>>)
    %run_scoped3A_38 = arith.constant 124 : i32
    "tpu.region"() ({
      %run_scoped3A_45 = tpu.sem_alloc : memref<!tpu.dma_semaphore, #tpu.memory_space<semaphore_mem>>
      %dma_start3A_46 = arith.constant 0 : i32
      %dma_start3A_47 = tpu.memref_slice %arg8[%run_scoped3A_38, %dma_start3A_46] : memref<125x80xi32, #tpu.memory_space<vmem>> -> memref<1x80xi32, #tpu.memory_space<vmem>>
      %dma_start3A_48 = tpu.memref_squeeze %dma_start3A_47 : memref<1x80xi32, #tpu.memory_space<vmem>> -> memref<80xi32, #tpu.memory_space<vmem>>
      %dma_start3A_49 = arith.constant 0 : i32
      %dma_start3A_50 = arith.constant 0 : i32
      %dma_start3A_51 = tpu.memref_slice %arg15[%dma_start3A_49, %dma_start3A_50] : memref<10240x128xf32, #tpu.memory_space<vmem_shared>> -> memref<10240x128xf32, #tpu.memory_space<vmem_shared>>
      tpu.enqueue_indirect_dma source(%arg9 : memref<80x128xf32, #tpu.memory_space<vmem>>) target(%dma_start3A_51 : memref<10240x128xf32, #tpu.memory_space<vmem_shared>>) offsets(%dma_start3A_48 : memref<80xi32, #tpu.memory_space<vmem>>) semaphore(%run_scoped3A_45 : memref<!tpu.dma_semaphore, #tpu.memory_space<semaphore_mem>>) {add = true}
      %dma_wait3A_52 = arith.constant 0 : i32
      %dma_wait3A_53 = tpu.memref_slice %arg8[%run_scoped3A_38, %dma_wait3A_52] : memref<125x80xi32, #tpu.memory_space<vmem>> -> memref<1x80xi32, #tpu.memory_space<vmem>>
      %dma_wait3A_54 = tpu.memref_squeeze %dma_wait3A_53 : memref<1x80xi32, #tpu.memory_space<vmem>> -> memref<80xi32, #tpu.memory_space<vmem>>
      %dma_wait3A_55 = arith.constant 0 : i32
      %dma_wait3A_56 = arith.constant 0 : i32
      %dma_wait3A_57 = tpu.memref_slice %arg15[%dma_wait3A_55, %dma_wait3A_56] : memref<10240x128xf32, #tpu.memory_space<vmem_shared>> -> memref<10240x128xf32, #tpu.memory_space<vmem_shared>>
      tpu.wait_indirect_dma semaphore(%run_scoped3A_45 : memref<!tpu.dma_semaphore, #tpu.memory_space<semaphore_mem>>) src(%arg9 : memref<80x128xf32, #tpu.memory_space<vmem>>) dst(%dma_wait3A_57 : memref<10240x128xf32, #tpu.memory_space<vmem_shared>>)
      tpu.yield
    }) : () -> ()
    %barrier3A_39 = arith.constant 0 : index
    tpu.barrier barrier_id(%barrier3A_39)
    %eq3A_40 = arith.constant 0 : i32
    %eq3A_41 = arith.cmpi eq, %arg1, %eq3A_40 : i32
    %convert_element_type3A_42 = arith.extui %eq3A_41 : i1 to i32
    %cond3A_43 = arith.constant 0 : i32
    %cond3A_44 = arith.cmpi ne, %convert_element_type3A_42, %cond3A_43 : i32
    scf.if %cond3A_44 {
      %mul3A_45 = arith.constant 10240 : i32
      %mul3A_46 = arith.muli %arg0, %mul3A_45 : i32
      "tpu.region"() ({
        %run_scoped3A_47 = tpu.sem_alloc : memref<!tpu.dma_semaphore, #tpu.memory_space<semaphore_mem>>
        %dma_start3A_48 = arith.constant 0 : i32
        %dma_start3A_49 = tpu.memref_slice %arg6[%mul3A_46, %dma_start3A_48] : memref<20480x128xf32, #tpu.memory_space<hbm>> -> memref<10240x128xf32, #tpu.memory_space<hbm>>
        tpu.enqueue_dma source(%arg15 : memref<10240x128xf32, #tpu.memory_space<vmem_shared>>) target(%dma_start3A_49 : memref<10240x128xf32, #tpu.memory_space<hbm>>) target_semaphore(%run_scoped3A_47 : memref<!tpu.dma_semaphore, #tpu.memory_space<semaphore_mem>>)
        %dma_wait3A_50 = arith.constant 0 : i32
        %dma_wait3A_51 = tpu.memref_slice %arg6[%mul3A_46, %dma_wait3A_50] : memref<20480x128xf32, #tpu.memory_space<hbm>> -> memref<10240x128xf32, #tpu.memory_space<hbm>>
        tpu.wait_dma2 semaphore(%run_scoped3A_47 : memref<!tpu.dma_semaphore, #tpu.memory_space<semaphore_mem>>) src(%arg15 : memref<10240x128xf32, #tpu.memory_space<vmem_shared>>) dst(%dma_wait3A_51 : memref<10240x128xf32, #tpu.memory_space<hbm>>)
        tpu.yield
      }) : () -> ()
    } else {
    }
    return
  }
}

#map = affine_map<(d0, d1) -> (0, 0)>
#map1 = affine_map<(d0, d1) -> (0)>
#map2 = affine_map<(d0, d1) -> (0, 0, 0)>
module attributes {stable_mosaic.version = 14 : i64} {
  func.func @_agg_body(%arg0: i32, %arg1: i32, %arg2: memref<10000x128xf32, #tpu.memory_space<hbm>>, %arg3: memref<320000xi32, #tpu.memory_space<hbm>>, %arg4: memref<32x125x80xi32, #tpu.memory_space<hbm>>, %arg5: memref<10240x128xf32, #tpu.memory_space<hbm>>, %arg6: memref<20480x128xf32, #tpu.memory_space<hbm>>, %arg7: memref<10000xi32, #tpu.memory_space<vmem>>, %arg8: memref<125x80xi32, #tpu.memory_space<vmem>>, %arg9: memref<80x128xf32, #tpu.memory_space<vmem>>, %arg10: memref<80x128xf32, #tpu.memory_space<vmem>>, %arg11: memref<!tpu.dma_semaphore, #tpu.memory_space<semaphore_mem>>, %arg12: memref<!tpu.dma_semaphore, #tpu.memory_space<semaphore_mem>>, %arg13: memref<!tpu.dma_semaphore, #tpu.memory_space<semaphore_mem>>, %arg14: memref<!tpu.dma_semaphore, #tpu.memory_space<semaphore_mem>>, %arg15: memref<10240x128xf32, #tpu.memory_space<vmem_shared>>) attributes {dimension_semantics = [#tpu.dimension_semantics<core_parallel>, #tpu.dimension_semantics<subcore_parallel>], iteration_bounds = array<i64: 2, 16>, scalar_prefetch = 0 : i64, scratch_operands = 9 : i64, tpu.core_type = #tpu.core_type<sc_vector_subcore>, window_params = [{transform_indices = #map}, {transform_indices = #map1}, {transform_indices = #map2}, {transform_indices = #map}, {transform_indices = #map}]} {
    %mul3A = arith.constant 16 : i32
    %mul3A_0 = arith.muli %arg0, %mul3A : i32
    %add3A = arith.addi %mul3A_0, %arg1 : i32
    %eq3A = arith.constant 0 : i32
    %eq3A_1 = arith.cmpi eq, %arg1, %eq3A : i32
    %convert_element_type3A = arith.extui %eq3A_1 : i1 to i32
    %cond3A = arith.constant 0 : i32
    %cond3A_2 = arith.cmpi ne, %convert_element_type3A, %cond3A : i32
    scf.if %cond3A_2 {
      "tpu.region"() ({
        %run_scoped3A_45 = tpu.sem_alloc : memref<!tpu.dma_semaphore, #tpu.memory_space<semaphore_mem>>
        tpu.enqueue_dma source(%arg5 : memref<10240x128xf32, #tpu.memory_space<hbm>>) target(%arg15 : memref<10240x128xf32, #tpu.memory_space<vmem_shared>>) target_semaphore(%run_scoped3A_45 : memref<!tpu.dma_semaphore, #tpu.memory_space<semaphore_mem>>)
        tpu.wait_dma2 semaphore(%run_scoped3A_45 : memref<!tpu.dma_semaphore, #tpu.memory_space<semaphore_mem>>) src(%arg5 : memref<10240x128xf32, #tpu.memory_space<hbm>>) dst(%arg15 : memref<10240x128xf32, #tpu.memory_space<vmem_shared>>)
        tpu.yield
      }) : () -> ()
    } else {
    }
    %mul3A_3 = arith.constant 10000 : i32
    %mul3A_4 = arith.muli %add3A, %mul3A_3 : i32
    "tpu.region"() ({
      %run_scoped3A_45 = tpu.sem_alloc : memref<!tpu.dma_semaphore, #tpu.memory_space<semaphore_mem>>
      %dma_start3A_46 = tpu.memref_slice %arg3[%mul3A_4] : memref<320000xi32, #tpu.memory_space<hbm>> -> memref<10000xi32, #tpu.memory_space<hbm>>
      %dma_start3A_47 = tpu.memref_slice %arg3[%mul3A_4] : memref<320000xi32, #tpu.memory_space<hbm>> -> memref<10000xi32, #tpu.memory_space<hbm>>
      tpu.enqueue_dma source(%dma_start3A_47 : memref<10000xi32, #tpu.memory_space<hbm>>) target(%arg7 : memref<10000xi32, #tpu.memory_space<vmem>>) target_semaphore(%run_scoped3A_45 : memref<!tpu.dma_semaphore, #tpu.memory_space<semaphore_mem>>)
      %dma_wait3A_48 = tpu.memref_slice %arg3[%mul3A_4] : memref<320000xi32, #tpu.memory_space<hbm>> -> memref<10000xi32, #tpu.memory_space<hbm>>
      %dma_wait3A_49 = tpu.memref_slice %arg3[%mul3A_4] : memref<320000xi32, #tpu.memory_space<hbm>> -> memref<10000xi32, #tpu.memory_space<hbm>>
      tpu.wait_dma2 semaphore(%run_scoped3A_45 : memref<!tpu.dma_semaphore, #tpu.memory_space<semaphore_mem>>) src(%dma_wait3A_49 : memref<10000xi32, #tpu.memory_space<hbm>>) dst(%arg7 : memref<10000xi32, #tpu.memory_space<vmem>>)
      tpu.yield
    }) : () -> ()
    "tpu.region"() ({
      %run_scoped3A_45 = tpu.sem_alloc : memref<!tpu.dma_semaphore, #tpu.memory_space<semaphore_mem>>
      %dma_start3A_46 = arith.constant 0 : i32
      %dma_start3A_47 = arith.constant 0 : i32
      %dma_start3A_48 = tpu.memref_slice %arg4[%add3A, %dma_start3A_46, %dma_start3A_47] : memref<32x125x80xi32, #tpu.memory_space<hbm>> -> memref<1x125x80xi32, #tpu.memory_space<hbm>>
      %dma_start3A_49 = tpu.memref_squeeze %dma_start3A_48 : memref<1x125x80xi32, #tpu.memory_space<hbm>> -> memref<125x80xi32, #tpu.memory_space<hbm>>
      %dma_start3A_50 = arith.constant 0 : i32
      %dma_start3A_51 = arith.constant 0 : i32
      %dma_start3A_52 = tpu.memref_slice %arg4[%add3A, %dma_start3A_50, %dma_start3A_51] : memref<32x125x80xi32, #tpu.memory_space<hbm>> -> memref<1x125x80xi32, #tpu.memory_space<hbm>>
      %dma_start3A_53 = tpu.memref_squeeze %dma_start3A_52 : memref<1x125x80xi32, #tpu.memory_space<hbm>> -> memref<125x80xi32, #tpu.memory_space<hbm>>
      tpu.enqueue_dma source(%dma_start3A_53 : memref<125x80xi32, #tpu.memory_space<hbm>>) target(%arg8 : memref<125x80xi32, #tpu.memory_space<vmem>>) target_semaphore(%run_scoped3A_45 : memref<!tpu.dma_semaphore, #tpu.memory_space<semaphore_mem>>)
      %dma_wait3A_54 = arith.constant 0 : i32
      %dma_wait3A_55 = arith.constant 0 : i32
      %dma_wait3A_56 = tpu.memref_slice %arg4[%add3A, %dma_wait3A_54, %dma_wait3A_55] : memref<32x125x80xi32, #tpu.memory_space<hbm>> -> memref<1x125x80xi32, #tpu.memory_space<hbm>>
      %dma_wait3A_57 = tpu.memref_squeeze %dma_wait3A_56 : memref<1x125x80xi32, #tpu.memory_space<hbm>> -> memref<125x80xi32, #tpu.memory_space<hbm>>
      %dma_wait3A_58 = arith.constant 0 : i32
      %dma_wait3A_59 = arith.constant 0 : i32
      %dma_wait3A_60 = tpu.memref_slice %arg4[%add3A, %dma_wait3A_58, %dma_wait3A_59] : memref<32x125x80xi32, #tpu.memory_space<hbm>> -> memref<1x125x80xi32, #tpu.memory_space<hbm>>
      %dma_wait3A_61 = tpu.memref_squeeze %dma_wait3A_60 : memref<1x125x80xi32, #tpu.memory_space<hbm>> -> memref<125x80xi32, #tpu.memory_space<hbm>>
      tpu.wait_dma2 semaphore(%run_scoped3A_45 : memref<!tpu.dma_semaphore, #tpu.memory_space<semaphore_mem>>) src(%dma_wait3A_61 : memref<125x80xi32, #tpu.memory_space<hbm>>) dst(%arg8 : memref<125x80xi32, #tpu.memory_space<vmem>>)
      tpu.yield
    }) : () -> ()
    %barrier3A = arith.constant 0 : index
    tpu.barrier barrier_id(%barrier3A)
    %dma_start3A = arith.constant 0 : i32
    %dma_start3A_5 = tpu.memref_slice %arg7[%dma_start3A] : memref<10000xi32, #tpu.memory_space<vmem>> -> memref<80xi32, #tpu.memory_space<vmem>>
    %dma_start3A_6 = arith.constant 0 : i32
    %dma_start3A_7 = arith.constant 0 : i32
    %dma_start3A_8 = tpu.memref_slice %arg2[%dma_start3A_6, %dma_start3A_7] : memref<10000x128xf32, #tpu.memory_space<hbm>> -> memref<10000x128xf32, #tpu.memory_space<hbm>>
    tpu.enqueue_indirect_dma source(%dma_start3A_8 : memref<10000x128xf32, #tpu.memory_space<hbm>>) target(%arg9 : memref<80x128xf32, #tpu.memory_space<vmem>>) offsets(%dma_start3A_5 : memref<80xi32, #tpu.memory_space<vmem>>) semaphore(%arg11 : memref<!tpu.dma_semaphore, #tpu.memory_space<semaphore_mem>>)
    %dma_start3A_9 = arith.constant 80 : i32
    %dma_start3A_10 = tpu.memref_slice %arg7[%dma_start3A_9] : memref<10000xi32, #tpu.memory_space<vmem>> -> memref<80xi32, #tpu.memory_space<vmem>>
    %dma_start3A_11 = arith.constant 0 : i32
    %dma_start3A_12 = arith.constant 0 : i32
    %dma_start3A_13 = tpu.memref_slice %arg2[%dma_start3A_11, %dma_start3A_12] : memref<10000x128xf32, #tpu.memory_space<hbm>> -> memref<10000x128xf32, #tpu.memory_space<hbm>>
    tpu.enqueue_indirect_dma source(%dma_start3A_13 : memref<10000x128xf32, #tpu.memory_space<hbm>>) target(%arg10 : memref<80x128xf32, #tpu.memory_space<vmem>>) offsets(%dma_start3A_10 : memref<80xi32, #tpu.memory_space<vmem>>) semaphore(%arg12 : memref<!tpu.dma_semaphore, #tpu.memory_space<semaphore_mem>>)
    %scan3A = arith.constant 0 : i32
    %scan3A_14 = arith.constant 61 : i32
    %scan3A_15 = arith.addi %scan3A, %scan3A_14 : i32
    %scan3A_16 = arith.constant 1 : i32
    scf.for %scan3A_45 = %scan3A to %scan3A_15 step %scan3A_16  : i32 {
      %mul3A_46 = arith.constant 2 : i32
      %mul3A_47 = arith.muli %scan3A_45, %mul3A_46 : i32
      %add3A_48 = arith.constant 0 : i32
      %add3A_49 = arith.addi %add3A_48, %mul3A_47 : i32
      %mul3A_50 = arith.constant 80 : i32
      %mul3A_51 = arith.muli %add3A_49, %mul3A_50 : i32
      %dma_wait3A_52 = tpu.memref_slice %arg7[%mul3A_51] : memref<10000xi32, #tpu.memory_space<vmem>> -> memref<80xi32, #tpu.memory_space<vmem>>
      %dma_wait3A_53 = arith.constant 0 : i32
      %dma_wait3A_54 = arith.constant 0 : i32
      %dma_wait3A_55 = tpu.memref_slice %arg2[%dma_wait3A_53, %dma_wait3A_54] : memref<10000x128xf32, #tpu.memory_space<hbm>> -> memref<10000x128xf32, #tpu.memory_space<hbm>>
      tpu.wait_indirect_dma semaphore(%arg11 : memref<!tpu.dma_semaphore, #tpu.memory_space<semaphore_mem>>) src(%dma_wait3A_55 : memref<10000x128xf32, #tpu.memory_space<hbm>>) dst(%arg9 : memref<80x128xf32, #tpu.memory_space<vmem>>)
      %dma_start3A_56 = arith.constant 0 : i32
      %dma_start3A_57 = tpu.memref_slice %arg8[%add3A_49, %dma_start3A_56] : memref<125x80xi32, #tpu.memory_space<vmem>> -> memref<1x80xi32, #tpu.memory_space<vmem>>
      %dma_start3A_58 = tpu.memref_squeeze %dma_start3A_57 : memref<1x80xi32, #tpu.memory_space<vmem>> -> memref<80xi32, #tpu.memory_space<vmem>>
      %dma_start3A_59 = arith.constant 0 : i32
      %dma_start3A_60 = arith.constant 0 : i32
      %dma_start3A_61 = tpu.memref_slice %arg15[%dma_start3A_59, %dma_start3A_60] : memref<10240x128xf32, #tpu.memory_space<vmem_shared>> -> memref<10240x128xf32, #tpu.memory_space<vmem_shared>>
      tpu.enqueue_indirect_dma source(%arg9 : memref<80x128xf32, #tpu.memory_space<vmem>>) target(%dma_start3A_61 : memref<10240x128xf32, #tpu.memory_space<vmem_shared>>) offsets(%dma_start3A_58 : memref<80xi32, #tpu.memory_space<vmem>>) semaphore(%arg13 : memref<!tpu.dma_semaphore, #tpu.memory_space<semaphore_mem>>) {add = true}
      %mul3A_62 = arith.constant 80 : i32
      %mul3A_63 = arith.muli %add3A_49, %mul3A_62 : i32
      %dma_wait3A_64 = tpu.memref_slice %arg7[%mul3A_63] : memref<10000xi32, #tpu.memory_space<vmem>> -> memref<80xi32, #tpu.memory_space<vmem>>
      %dma_wait3A_65 = arith.constant 0 : i32
      %dma_wait3A_66 = arith.constant 0 : i32
      %dma_wait3A_67 = tpu.memref_slice %arg2[%dma_wait3A_65, %dma_wait3A_66] : memref<10000x128xf32, #tpu.memory_space<hbm>> -> memref<10000x128xf32, #tpu.memory_space<hbm>>
      tpu.wait_indirect_dma semaphore(%arg12 : memref<!tpu.dma_semaphore, #tpu.memory_space<semaphore_mem>>) src(%dma_wait3A_67 : memref<10000x128xf32, #tpu.memory_space<hbm>>) dst(%arg10 : memref<80x128xf32, #tpu.memory_space<vmem>>)
      %add3A_68 = arith.constant 1 : i32
      %add3A_69 = arith.addi %add3A_49, %add3A_68 : i32
      %dma_start3A_70 = arith.constant 0 : i32
      %dma_start3A_71 = tpu.memref_slice %arg8[%add3A_69, %dma_start3A_70] : memref<125x80xi32, #tpu.memory_space<vmem>> -> memref<1x80xi32, #tpu.memory_space<vmem>>
      %dma_start3A_72 = tpu.memref_squeeze %dma_start3A_71 : memref<1x80xi32, #tpu.memory_space<vmem>> -> memref<80xi32, #tpu.memory_space<vmem>>
      %dma_start3A_73 = arith.constant 0 : i32
      %dma_start3A_74 = arith.constant 0 : i32
      %dma_start3A_75 = tpu.memref_slice %arg15[%dma_start3A_73, %dma_start3A_74] : memref<10240x128xf32, #tpu.memory_space<vmem_shared>> -> memref<10240x128xf32, #tpu.memory_space<vmem_shared>>
      tpu.enqueue_indirect_dma source(%arg10 : memref<80x128xf32, #tpu.memory_space<vmem>>) target(%dma_start3A_75 : memref<10240x128xf32, #tpu.memory_space<vmem_shared>>) offsets(%dma_start3A_72 : memref<80xi32, #tpu.memory_space<vmem>>) semaphore(%arg14 : memref<!tpu.dma_semaphore, #tpu.memory_space<semaphore_mem>>) {add = true}
      %dma_wait3A_76 = arith.constant 0 : i32
      %dma_wait3A_77 = tpu.memref_slice %arg8[%add3A_49, %dma_wait3A_76] : memref<125x80xi32, #tpu.memory_space<vmem>> -> memref<1x80xi32, #tpu.memory_space<vmem>>
      %dma_wait3A_78 = tpu.memref_squeeze %dma_wait3A_77 : memref<1x80xi32, #tpu.memory_space<vmem>> -> memref<80xi32, #tpu.memory_space<vmem>>
      %dma_wait3A_79 = arith.constant 0 : i32
      %dma_wait3A_80 = arith.constant 0 : i32
      %dma_wait3A_81 = tpu.memref_slice %arg15[%dma_wait3A_79, %dma_wait3A_80] : memref<10240x128xf32, #tpu.memory_space<vmem_shared>> -> memref<10240x128xf32, #tpu.memory_space<vmem_shared>>
      tpu.wait_indirect_dma semaphore(%arg13 : memref<!tpu.dma_semaphore, #tpu.memory_space<semaphore_mem>>) src(%arg9 : memref<80x128xf32, #tpu.memory_space<vmem>>) dst(%dma_wait3A_81 : memref<10240x128xf32, #tpu.memory_space<vmem_shared>>)
      %add3A_82 = arith.constant 2 : i32
      %add3A_83 = arith.addi %add3A_49, %add3A_82 : i32
      %mul3A_84 = arith.constant 80 : i32
      %mul3A_85 = arith.muli %add3A_83, %mul3A_84 : i32
      %dma_start3A_86 = tpu.memref_slice %arg7[%mul3A_85] : memref<10000xi32, #tpu.memory_space<vmem>> -> memref<80xi32, #tpu.memory_space<vmem>>
      %dma_start3A_87 = arith.constant 0 : i32
      %dma_start3A_88 = arith.constant 0 : i32
      %dma_start3A_89 = tpu.memref_slice %arg2[%dma_start3A_87, %dma_start3A_88] : memref<10000x128xf32, #tpu.memory_space<hbm>> -> memref<10000x128xf32, #tpu.memory_space<hbm>>
      tpu.enqueue_indirect_dma source(%dma_start3A_89 : memref<10000x128xf32, #tpu.memory_space<hbm>>) target(%arg9 : memref<80x128xf32, #tpu.memory_space<vmem>>) offsets(%dma_start3A_86 : memref<80xi32, #tpu.memory_space<vmem>>) semaphore(%arg11 : memref<!tpu.dma_semaphore, #tpu.memory_space<semaphore_mem>>)
      %dma_wait3A_90 = arith.constant 0 : i32
      %dma_wait3A_91 = tpu.memref_slice %arg8[%add3A_69, %dma_wait3A_90] : memref<125x80xi32, #tpu.memory_space<vmem>> -> memref<1x80xi32, #tpu.memory_space<vmem>>
      %dma_wait3A_92 = tpu.memref_squeeze %dma_wait3A_91 : memref<1x80xi32, #tpu.memory_space<vmem>> -> memref<80xi32, #tpu.memory_space<vmem>>
      %dma_wait3A_93 = arith.constant 0 : i32
      %dma_wait3A_94 = arith.constant 0 : i32
      %dma_wait3A_95 = tpu.memref_slice %arg15[%dma_wait3A_93, %dma_wait3A_94] : memref<10240x128xf32, #tpu.memory_space<vmem_shared>> -> memref<10240x128xf32, #tpu.memory_space<vmem_shared>>
      tpu.wait_indirect_dma semaphore(%arg14 : memref<!tpu.dma_semaphore, #tpu.memory_space<semaphore_mem>>) src(%arg10 : memref<80x128xf32, #tpu.memory_space<vmem>>) dst(%dma_wait3A_95 : memref<10240x128xf32, #tpu.memory_space<vmem_shared>>)
      %add3A_96 = arith.constant 3 : i32
      %add3A_97 = arith.addi %add3A_49, %add3A_96 : i32
      %mul3A_98 = arith.constant 80 : i32
      %mul3A_99 = arith.muli %add3A_97, %mul3A_98 : i32
      %dma_start3A_100 = tpu.memref_slice %arg7[%mul3A_99] : memref<10000xi32, #tpu.memory_space<vmem>> -> memref<80xi32, #tpu.memory_space<vmem>>
      %dma_start3A_101 = arith.constant 0 : i32
      %dma_start3A_102 = arith.constant 0 : i32
      %dma_start3A_103 = tpu.memref_slice %arg2[%dma_start3A_101, %dma_start3A_102] : memref<10000x128xf32, #tpu.memory_space<hbm>> -> memref<10000x128xf32, #tpu.memory_space<hbm>>
      tpu.enqueue_indirect_dma source(%dma_start3A_103 : memref<10000x128xf32, #tpu.memory_space<hbm>>) target(%arg10 : memref<80x128xf32, #tpu.memory_space<vmem>>) offsets(%dma_start3A_100 : memref<80xi32, #tpu.memory_space<vmem>>) semaphore(%arg12 : memref<!tpu.dma_semaphore, #tpu.memory_space<semaphore_mem>>)
    }
    %scan3A_17 = arith.constant 61 : i32
    %dma_wait3A = arith.constant 0 : i32
    %dma_wait3A_18 = tpu.memref_slice %arg7[%dma_wait3A] : memref<10000xi32, #tpu.memory_space<vmem>> -> memref<80xi32, #tpu.memory_space<vmem>>
    %dma_wait3A_19 = arith.constant 0 : i32
    %dma_wait3A_20 = arith.constant 0 : i32
    %dma_wait3A_21 = tpu.memref_slice %arg2[%dma_wait3A_19, %dma_wait3A_20] : memref<10000x128xf32, #tpu.memory_space<hbm>> -> memref<10000x128xf32, #tpu.memory_space<hbm>>
    tpu.wait_indirect_dma semaphore(%arg11 : memref<!tpu.dma_semaphore, #tpu.memory_space<semaphore_mem>>) src(%dma_wait3A_21 : memref<10000x128xf32, #tpu.memory_space<hbm>>) dst(%arg9 : memref<80x128xf32, #tpu.memory_space<vmem>>)
    %run_scoped3A = arith.constant 122 : i32
    "tpu.region"() ({
      %run_scoped3A_45 = tpu.sem_alloc : memref<!tpu.dma_semaphore, #tpu.memory_space<semaphore_mem>>
      %dma_start3A_46 = arith.constant 0 : i32
      %dma_start3A_47 = tpu.memref_slice %arg8[%run_scoped3A, %dma_start3A_46] : memref<125x80xi32, #tpu.memory_space<vmem>> -> memref<1x80xi32, #tpu.memory_space<vmem>>
      %dma_start3A_48 = tpu.memref_squeeze %dma_start3A_47 : memref<1x80xi32, #tpu.memory_space<vmem>> -> memref<80xi32, #tpu.memory_space<vmem>>
      %dma_start3A_49 = arith.constant 0 : i32
      %dma_start3A_50 = arith.constant 0 : i32
      %dma_start3A_51 = tpu.memref_slice %arg15[%dma_start3A_49, %dma_start3A_50] : memref<10240x128xf32, #tpu.memory_space<vmem_shared>> -> memref<10240x128xf32, #tpu.memory_space<vmem_shared>>
      tpu.enqueue_indirect_dma source(%arg9 : memref<80x128xf32, #tpu.memory_space<vmem>>) target(%dma_start3A_51 : memref<10240x128xf32, #tpu.memory_space<vmem_shared>>) offsets(%dma_start3A_48 : memref<80xi32, #tpu.memory_space<vmem>>) semaphore(%run_scoped3A_45 : memref<!tpu.dma_semaphore, #tpu.memory_space<semaphore_mem>>) {add = true}
      %dma_wait3A_52 = arith.constant 0 : i32
      %dma_wait3A_53 = tpu.memref_slice %arg8[%run_scoped3A, %dma_wait3A_52] : memref<125x80xi32, #tpu.memory_space<vmem>> -> memref<1x80xi32, #tpu.memory_space<vmem>>
      %dma_wait3A_54 = tpu.memref_squeeze %dma_wait3A_53 : memref<1x80xi32, #tpu.memory_space<vmem>> -> memref<80xi32, #tpu.memory_space<vmem>>
      %dma_wait3A_55 = arith.constant 0 : i32
      %dma_wait3A_56 = arith.constant 0 : i32
      %dma_wait3A_57 = tpu.memref_slice %arg15[%dma_wait3A_55, %dma_wait3A_56] : memref<10240x128xf32, #tpu.memory_space<vmem_shared>> -> memref<10240x128xf32, #tpu.memory_space<vmem_shared>>
      tpu.wait_indirect_dma semaphore(%run_scoped3A_45 : memref<!tpu.dma_semaphore, #tpu.memory_space<semaphore_mem>>) src(%arg9 : memref<80x128xf32, #tpu.memory_space<vmem>>) dst(%dma_wait3A_57 : memref<10240x128xf32, #tpu.memory_space<vmem_shared>>)
      tpu.yield
    }) : () -> ()
    %dma_wait3A_22 = arith.constant 0 : i32
    %dma_wait3A_23 = tpu.memref_slice %arg7[%dma_wait3A_22] : memref<10000xi32, #tpu.memory_space<vmem>> -> memref<80xi32, #tpu.memory_space<vmem>>
    %dma_wait3A_24 = arith.constant 0 : i32
    %dma_wait3A_25 = arith.constant 0 : i32
    %dma_wait3A_26 = tpu.memref_slice %arg2[%dma_wait3A_24, %dma_wait3A_25] : memref<10000x128xf32, #tpu.memory_space<hbm>> -> memref<10000x128xf32, #tpu.memory_space<hbm>>
    tpu.wait_indirect_dma semaphore(%arg12 : memref<!tpu.dma_semaphore, #tpu.memory_space<semaphore_mem>>) src(%dma_wait3A_26 : memref<10000x128xf32, #tpu.memory_space<hbm>>) dst(%arg10 : memref<80x128xf32, #tpu.memory_space<vmem>>)
    %run_scoped3A_27 = arith.constant 123 : i32
    "tpu.region"() ({
      %run_scoped3A_45 = tpu.sem_alloc : memref<!tpu.dma_semaphore, #tpu.memory_space<semaphore_mem>>
      %dma_start3A_46 = arith.constant 0 : i32
      %dma_start3A_47 = tpu.memref_slice %arg8[%run_scoped3A_27, %dma_start3A_46] : memref<125x80xi32, #tpu.memory_space<vmem>> -> memref<1x80xi32, #tpu.memory_space<vmem>>
      %dma_start3A_48 = tpu.memref_squeeze %dma_start3A_47 : memref<1x80xi32, #tpu.memory_space<vmem>> -> memref<80xi32, #tpu.memory_space<vmem>>
      %dma_start3A_49 = arith.constant 0 : i32
      %dma_start3A_50 = arith.constant 0 : i32
      %dma_start3A_51 = tpu.memref_slice %arg15[%dma_start3A_49, %dma_start3A_50] : memref<10240x128xf32, #tpu.memory_space<vmem_shared>> -> memref<10240x128xf32, #tpu.memory_space<vmem_shared>>
      tpu.enqueue_indirect_dma source(%arg10 : memref<80x128xf32, #tpu.memory_space<vmem>>) target(%dma_start3A_51 : memref<10240x128xf32, #tpu.memory_space<vmem_shared>>) offsets(%dma_start3A_48 : memref<80xi32, #tpu.memory_space<vmem>>) semaphore(%run_scoped3A_45 : memref<!tpu.dma_semaphore, #tpu.memory_space<semaphore_mem>>) {add = true}
      %dma_wait3A_52 = arith.constant 0 : i32
      %dma_wait3A_53 = tpu.memref_slice %arg8[%run_scoped3A_27, %dma_wait3A_52] : memref<125x80xi32, #tpu.memory_space<vmem>> -> memref<1x80xi32, #tpu.memory_space<vmem>>
      %dma_wait3A_54 = tpu.memref_squeeze %dma_wait3A_53 : memref<1x80xi32, #tpu.memory_space<vmem>> -> memref<80xi32, #tpu.memory_space<vmem>>
      %dma_wait3A_55 = arith.constant 0 : i32
      %dma_wait3A_56 = arith.constant 0 : i32
      %dma_wait3A_57 = tpu.memref_slice %arg15[%dma_wait3A_55, %dma_wait3A_56] : memref<10240x128xf32, #tpu.memory_space<vmem_shared>> -> memref<10240x128xf32, #tpu.memory_space<vmem_shared>>
      tpu.wait_indirect_dma semaphore(%run_scoped3A_45 : memref<!tpu.dma_semaphore, #tpu.memory_space<semaphore_mem>>) src(%arg10 : memref<80x128xf32, #tpu.memory_space<vmem>>) dst(%dma_wait3A_57 : memref<10240x128xf32, #tpu.memory_space<vmem_shared>>)
      tpu.yield
    }) : () -> ()
    %dma_start3A_28 = arith.constant 9920 : i32
    %dma_start3A_29 = tpu.memref_slice %arg7[%dma_start3A_28] : memref<10000xi32, #tpu.memory_space<vmem>> -> memref<80xi32, #tpu.memory_space<vmem>>
    %dma_start3A_30 = arith.constant 0 : i32
    %dma_start3A_31 = arith.constant 0 : i32
    %dma_start3A_32 = tpu.memref_slice %arg2[%dma_start3A_30, %dma_start3A_31] : memref<10000x128xf32, #tpu.memory_space<hbm>> -> memref<10000x128xf32, #tpu.memory_space<hbm>>
    tpu.enqueue_indirect_dma source(%dma_start3A_32 : memref<10000x128xf32, #tpu.memory_space<hbm>>) target(%arg9 : memref<80x128xf32, #tpu.memory_space<vmem>>) offsets(%dma_start3A_29 : memref<80xi32, #tpu.memory_space<vmem>>) semaphore(%arg11 : memref<!tpu.dma_semaphore, #tpu.memory_space<semaphore_mem>>)
    %dma_wait3A_33 = arith.constant 9920 : i32
    %dma_wait3A_34 = tpu.memref_slice %arg7[%dma_wait3A_33] : memref<10000xi32, #tpu.memory_space<vmem>> -> memref<80xi32, #tpu.memory_space<vmem>>
    %dma_wait3A_35 = arith.constant 0 : i32
    %dma_wait3A_36 = arith.constant 0 : i32
    %dma_wait3A_37 = tpu.memref_slice %arg2[%dma_wait3A_35, %dma_wait3A_36] : memref<10000x128xf32, #tpu.memory_space<hbm>> -> memref<10000x128xf32, #tpu.memory_space<hbm>>
    tpu.wait_indirect_dma semaphore(%arg11 : memref<!tpu.dma_semaphore, #tpu.memory_space<semaphore_mem>>) src(%dma_wait3A_37 : memref<10000x128xf32, #tpu.memory_space<hbm>>) dst(%arg9 : memref<80x128xf32, #tpu.memory_space<vmem>>)
    %run_scoped3A_38 = arith.constant 124 : i32
    "tpu.region"() ({
      %run_scoped3A_45 = tpu.sem_alloc : memref<!tpu.dma_semaphore, #tpu.memory_space<semaphore_mem>>
      %dma_start3A_46 = arith.constant 0 : i32
      %dma_start3A_47 = tpu.memref_slice %arg8[%run_scoped3A_38, %dma_start3A_46] : memref<125x80xi32, #tpu.memory_space<vmem>> -> memref<1x80xi32, #tpu.memory_space<vmem>>
      %dma_start3A_48 = tpu.memref_squeeze %dma_start3A_47 : memref<1x80xi32, #tpu.memory_space<vmem>> -> memref<80xi32, #tpu.memory_space<vmem>>
      %dma_start3A_49 = arith.constant 0 : i32
      %dma_start3A_50 = arith.constant 0 : i32
      %dma_start3A_51 = tpu.memref_slice %arg15[%dma_start3A_49, %dma_start3A_50] : memref<10240x128xf32, #tpu.memory_space<vmem_shared>> -> memref<10240x128xf32, #tpu.memory_space<vmem_shared>>
      tpu.enqueue_indirect_dma source(%arg9 : memref<80x128xf32, #tpu.memory_space<vmem>>) target(%dma_start3A_51 : memref<10240x128xf32, #tpu.memory_space<vmem_shared>>) offsets(%dma_start3A_48 : memref<80xi32, #tpu.memory_space<vmem>>) semaphore(%run_scoped3A_45 : memref<!tpu.dma_semaphore, #tpu.memory_space<semaphore_mem>>) {add = true}
      %dma_wait3A_52 = arith.constant 0 : i32
      %dma_wait3A_53 = tpu.memref_slice %arg8[%run_scoped3A_38, %dma_wait3A_52] : memref<125x80xi32, #tpu.memory_space<vmem>> -> memref<1x80xi32, #tpu.memory_space<vmem>>
      %dma_wait3A_54 = tpu.memref_squeeze %dma_wait3A_53 : memref<1x80xi32, #tpu.memory_space<vmem>> -> memref<80xi32, #tpu.memory_space<vmem>>
      %dma_wait3A_55 = arith.constant 0 : i32
      %dma_wait3A_56 = arith.constant 0 : i32
      %dma_wait3A_57 = tpu.memref_slice %arg15[%dma_wait3A_55, %dma_wait3A_56] : memref<10240x128xf32, #tpu.memory_space<vmem_shared>> -> memref<10240x128xf32, #tpu.memory_space<vmem_shared>>
      tpu.wait_indirect_dma semaphore(%run_scoped3A_45 : memref<!tpu.dma_semaphore, #tpu.memory_space<semaphore_mem>>) src(%arg9 : memref<80x128xf32, #tpu.memory_space<vmem>>) dst(%dma_wait3A_57 : memref<10240x128xf32, #tpu.memory_space<vmem_shared>>)
      tpu.yield
    }) : () -> ()
    %barrier3A_39 = arith.constant 0 : index
    tpu.barrier barrier_id(%barrier3A_39)
    %eq3A_40 = arith.constant 0 : i32
    %eq3A_41 = arith.cmpi eq, %arg1, %eq3A_40 : i32
    %convert_element_type3A_42 = arith.extui %eq3A_41 : i1 to i32
    %cond3A_43 = arith.constant 0 : i32
    %cond3A_44 = arith.cmpi ne, %convert_element_type3A_42, %cond3A_43 : i32
    scf.if %cond3A_44 {
      %mul3A_45 = arith.constant 10240 : i32
      %mul3A_46 = arith.muli %arg0, %mul3A_45 : i32
      "tpu.region"() ({
        %run_scoped3A_47 = tpu.sem_alloc : memref<!tpu.dma_semaphore, #tpu.memory_space<semaphore_mem>>
        %dma_start3A_48 = arith.constant 0 : i32
        %dma_start3A_49 = tpu.memref_slice %arg6[%mul3A_46, %dma_start3A_48] : memref<20480x128xf32, #tpu.memory_space<hbm>> -> memref<10240x128xf32, #tpu.memory_space<hbm>>
        tpu.enqueue_dma source(%arg15 : memref<10240x128xf32, #tpu.memory_space<vmem_shared>>) target(%dma_start3A_49 : memref<10240x128xf32, #tpu.memory_space<hbm>>) target_semaphore(%run_scoped3A_47 : memref<!tpu.dma_semaphore, #tpu.memory_space<semaphore_mem>>)
        %dma_wait3A_50 = arith.constant 0 : i32
        %dma_wait3A_51 = tpu.memref_slice %arg6[%mul3A_46, %dma_wait3A_50] : memref<20480x128xf32, #tpu.memory_space<hbm>> -> memref<10240x128xf32, #tpu.memory_space<hbm>>
        tpu.wait_dma2 semaphore(%run_scoped3A_47 : memref<!tpu.dma_semaphore, #tpu.memory_space<semaphore_mem>>) src(%arg15 : memref<10240x128xf32, #tpu.memory_space<vmem_shared>>) dst(%dma_wait3A_51 : memref<10240x128xf32, #tpu.memory_space<hbm>>)
        tpu.yield
      }) : () -> ()
    } else {
    }
    return
  }
}

#map = affine_map<(d0, d1) -> (0, 0)>
#map1 = affine_map<(d0, d1) -> (0, 0, 0)>
module attributes {stable_mosaic.version = 14 : i64} {
  func.func @_fin_body(%arg0: i32, %arg1: i32, %arg2: memref<10240x128xf32, #tpu.memory_space<hbm>>, %arg3: memref<10240x128xf32, #tpu.memory_space<hbm>>, %arg4: memref<32x125x80xi32, #tpu.memory_space<hbm>>, %arg5: memref<32x125x80xi32, #tpu.memory_space<hbm>>, %arg6: memref<320000x16xf32, #tpu.memory_space<hbm>>, %arg7: memref<125x80xi32, #tpu.memory_space<vmem>>, %arg8: memref<125x80xi32, #tpu.memory_space<vmem>>, %arg9: memref<80x128xf32, #tpu.memory_space<vmem>>, %arg10: memref<80x128xf32, #tpu.memory_space<vmem>>, %arg11: memref<80x128xf32, #tpu.memory_space<vmem>>, %arg12: memref<80x128xf32, #tpu.memory_space<vmem>>, %arg13: memref<80x16xf32, #tpu.memory_space<vmem>>, %arg14: memref<80x16xf32, #tpu.memory_space<vmem>>, %arg15: memref<!tpu.dma_semaphore, #tpu.memory_space<semaphore_mem>>, %arg16: memref<!tpu.dma_semaphore, #tpu.memory_space<semaphore_mem>>, %arg17: memref<!tpu.dma_semaphore, #tpu.memory_space<semaphore_mem>>, %arg18: memref<!tpu.dma_semaphore, #tpu.memory_space<semaphore_mem>>) attributes {dimension_semantics = [#tpu.dimension_semantics<core_parallel>, #tpu.dimension_semantics<subcore_parallel>], iteration_bounds = array<i64: 2, 16>, scalar_prefetch = 0 : i64, scratch_operands = 12 : i64, tpu.core_type = #tpu.core_type<sc_vector_subcore>, window_params = [{transform_indices = #map}, {transform_indices = #map}, {transform_indices = #map1}, {transform_indices = #map1}, {transform_indices = #map}]} {
    %mul3A = arith.constant 16 : i32
    %mul3A_0 = arith.muli %arg0, %mul3A : i32
    %add3A = arith.addi %mul3A_0, %arg1 : i32
    "tpu.region"() ({
      %run_scoped3A = tpu.sem_alloc : memref<!tpu.dma_semaphore, #tpu.memory_space<semaphore_mem>>
      %dma_start3A_114 = arith.constant 0 : i32
      %dma_start3A_115 = arith.constant 0 : i32
      %dma_start3A_116 = tpu.memref_slice %arg4[%add3A, %dma_start3A_114, %dma_start3A_115] : memref<32x125x80xi32, #tpu.memory_space<hbm>> -> memref<1x125x80xi32, #tpu.memory_space<hbm>>
      %dma_start3A_117 = tpu.memref_squeeze %dma_start3A_116 : memref<1x125x80xi32, #tpu.memory_space<hbm>> -> memref<125x80xi32, #tpu.memory_space<hbm>>
      %dma_start3A_118 = arith.constant 0 : i32
      %dma_start3A_119 = arith.constant 0 : i32
      %dma_start3A_120 = tpu.memref_slice %arg4[%add3A, %dma_start3A_118, %dma_start3A_119] : memref<32x125x80xi32, #tpu.memory_space<hbm>> -> memref<1x125x80xi32, #tpu.memory_space<hbm>>
      %dma_start3A_121 = tpu.memref_squeeze %dma_start3A_120 : memref<1x125x80xi32, #tpu.memory_space<hbm>> -> memref<125x80xi32, #tpu.memory_space<hbm>>
      tpu.enqueue_dma source(%dma_start3A_121 : memref<125x80xi32, #tpu.memory_space<hbm>>) target(%arg7 : memref<125x80xi32, #tpu.memory_space<vmem>>) target_semaphore(%run_scoped3A : memref<!tpu.dma_semaphore, #tpu.memory_space<semaphore_mem>>)
      %dma_wait3A_122 = arith.constant 0 : i32
      %dma_wait3A_123 = arith.constant 0 : i32
      %dma_wait3A_124 = tpu.memref_slice %arg4[%add3A, %dma_wait3A_122, %dma_wait3A_123] : memref<32x125x80xi32, #tpu.memory_space<hbm>> -> memref<1x125x80xi32, #tpu.memory_space<hbm>>
      %dma_wait3A_125 = tpu.memref_squeeze %dma_wait3A_124 : memref<1x125x80xi32, #tpu.memory_space<hbm>> -> memref<125x80xi32, #tpu.memory_space<hbm>>
      %dma_wait3A_126 = arith.constant 0 : i32
      %dma_wait3A_127 = arith.constant 0 : i32
      %dma_wait3A_128 = tpu.memref_slice %arg4[%add3A, %dma_wait3A_126, %dma_wait3A_127] : memref<32x125x80xi32, #tpu.memory_space<hbm>> -> memref<1x125x80xi32, #tpu.memory_space<hbm>>
      %dma_wait3A_129 = tpu.memref_squeeze %dma_wait3A_128 : memref<1x125x80xi32, #tpu.memory_space<hbm>> -> memref<125x80xi32, #tpu.memory_space<hbm>>
      tpu.wait_dma2 semaphore(%run_scoped3A : memref<!tpu.dma_semaphore, #tpu.memory_space<semaphore_mem>>) src(%dma_wait3A_129 : memref<125x80xi32, #tpu.memory_space<hbm>>) dst(%arg7 : memref<125x80xi32, #tpu.memory_space<vmem>>)
      tpu.yield
    }) : () -> ()
    "tpu.region"() ({
      %run_scoped3A = tpu.sem_alloc : memref<!tpu.dma_semaphore, #tpu.memory_space<semaphore_mem>>
      %dma_start3A_114 = arith.constant 0 : i32
      %dma_start3A_115 = arith.constant 0 : i32
      %dma_start3A_116 = tpu.memref_slice %arg5[%add3A, %dma_start3A_114, %dma_start3A_115] : memref<32x125x80xi32, #tpu.memory_space<hbm>> -> memref<1x125x80xi32, #tpu.memory_space<hbm>>
      %dma_start3A_117 = tpu.memref_squeeze %dma_start3A_116 : memref<1x125x80xi32, #tpu.memory_space<hbm>> -> memref<125x80xi32, #tpu.memory_space<hbm>>
      %dma_start3A_118 = arith.constant 0 : i32
      %dma_start3A_119 = arith.constant 0 : i32
      %dma_start3A_120 = tpu.memref_slice %arg5[%add3A, %dma_start3A_118, %dma_start3A_119] : memref<32x125x80xi32, #tpu.memory_space<hbm>> -> memref<1x125x80xi32, #tpu.memory_space<hbm>>
      %dma_start3A_121 = tpu.memref_squeeze %dma_start3A_120 : memref<1x125x80xi32, #tpu.memory_space<hbm>> -> memref<125x80xi32, #tpu.memory_space<hbm>>
      tpu.enqueue_dma source(%dma_start3A_121 : memref<125x80xi32, #tpu.memory_space<hbm>>) target(%arg8 : memref<125x80xi32, #tpu.memory_space<vmem>>) target_semaphore(%run_scoped3A : memref<!tpu.dma_semaphore, #tpu.memory_space<semaphore_mem>>)
      %dma_wait3A_122 = arith.constant 0 : i32
      %dma_wait3A_123 = arith.constant 0 : i32
      %dma_wait3A_124 = tpu.memref_slice %arg5[%add3A, %dma_wait3A_122, %dma_wait3A_123] : memref<32x125x80xi32, #tpu.memory_space<hbm>> -> memref<1x125x80xi32, #tpu.memory_space<hbm>>
      %dma_wait3A_125 = tpu.memref_squeeze %dma_wait3A_124 : memref<1x125x80xi32, #tpu.memory_space<hbm>> -> memref<125x80xi32, #tpu.memory_space<hbm>>
      %dma_wait3A_126 = arith.constant 0 : i32
      %dma_wait3A_127 = arith.constant 0 : i32
      %dma_wait3A_128 = tpu.memref_slice %arg5[%add3A, %dma_wait3A_126, %dma_wait3A_127] : memref<32x125x80xi32, #tpu.memory_space<hbm>> -> memref<1x125x80xi32, #tpu.memory_space<hbm>>
      %dma_wait3A_129 = tpu.memref_squeeze %dma_wait3A_128 : memref<1x125x80xi32, #tpu.memory_space<hbm>> -> memref<125x80xi32, #tpu.memory_space<hbm>>
      tpu.wait_dma2 semaphore(%run_scoped3A : memref<!tpu.dma_semaphore, #tpu.memory_space<semaphore_mem>>) src(%dma_wait3A_129 : memref<125x80xi32, #tpu.memory_space<hbm>>) dst(%arg8 : memref<125x80xi32, #tpu.memory_space<vmem>>)
      tpu.yield
    }) : () -> ()
    %dma_start3A = arith.constant 0 : i32
    %dma_start3A_1 = arith.constant 0 : i32
    %dma_start3A_2 = tpu.memref_slice %arg7[%dma_start3A, %dma_start3A_1] : memref<125x80xi32, #tpu.memory_space<vmem>> -> memref<1x80xi32, #tpu.memory_space<vmem>>
    %dma_start3A_3 = tpu.memref_squeeze %dma_start3A_2 : memref<1x80xi32, #tpu.memory_space<vmem>> -> memref<80xi32, #tpu.memory_space<vmem>>
    %dma_start3A_4 = arith.constant 0 : i32
    %dma_start3A_5 = arith.constant 0 : i32
    %dma_start3A_6 = tpu.memref_slice %arg2[%dma_start3A_4, %dma_start3A_5] : memref<10240x128xf32, #tpu.memory_space<hbm>> -> memref<10240x128xf32, #tpu.memory_space<hbm>>
    tpu.enqueue_indirect_dma source(%dma_start3A_6 : memref<10240x128xf32, #tpu.memory_space<hbm>>) target(%arg9 : memref<80x128xf32, #tpu.memory_space<vmem>>) offsets(%dma_start3A_3 : memref<80xi32, #tpu.memory_space<vmem>>) semaphore(%arg15 : memref<!tpu.dma_semaphore, #tpu.memory_space<semaphore_mem>>)
    %dma_start3A_7 = arith.constant 0 : i32
    %dma_start3A_8 = arith.constant 0 : i32
    %dma_start3A_9 = tpu.memref_slice %arg8[%dma_start3A_7, %dma_start3A_8] : memref<125x80xi32, #tpu.memory_space<vmem>> -> memref<1x80xi32, #tpu.memory_space<vmem>>
    %dma_start3A_10 = tpu.memref_squeeze %dma_start3A_9 : memref<1x80xi32, #tpu.memory_space<vmem>> -> memref<80xi32, #tpu.memory_space<vmem>>
    %dma_start3A_11 = arith.constant 0 : i32
    %dma_start3A_12 = arith.constant 0 : i32
    %dma_start3A_13 = tpu.memref_slice %arg3[%dma_start3A_11, %dma_start3A_12] : memref<10240x128xf32, #tpu.memory_space<hbm>> -> memref<10240x128xf32, #tpu.memory_space<hbm>>
    tpu.enqueue_indirect_dma source(%dma_start3A_13 : memref<10240x128xf32, #tpu.memory_space<hbm>>) target(%arg10 : memref<80x128xf32, #tpu.memory_space<vmem>>) offsets(%dma_start3A_10 : memref<80xi32, #tpu.memory_space<vmem>>) semaphore(%arg16 : memref<!tpu.dma_semaphore, #tpu.memory_space<semaphore_mem>>)
    %dma_start3A_14 = arith.constant 1 : i32
    %dma_start3A_15 = arith.constant 0 : i32
    %dma_start3A_16 = tpu.memref_slice %arg7[%dma_start3A_14, %dma_start3A_15] : memref<125x80xi32, #tpu.memory_space<vmem>> -> memref<1x80xi32, #tpu.memory_space<vmem>>
    %dma_start3A_17 = tpu.memref_squeeze %dma_start3A_16 : memref<1x80xi32, #tpu.memory_space<vmem>> -> memref<80xi32, #tpu.memory_space<vmem>>
    %dma_start3A_18 = arith.constant 0 : i32
    %dma_start3A_19 = arith.constant 0 : i32
    %dma_start3A_20 = tpu.memref_slice %arg2[%dma_start3A_18, %dma_start3A_19] : memref<10240x128xf32, #tpu.memory_space<hbm>> -> memref<10240x128xf32, #tpu.memory_space<hbm>>
    tpu.enqueue_indirect_dma source(%dma_start3A_20 : memref<10240x128xf32, #tpu.memory_space<hbm>>) target(%arg11 : memref<80x128xf32, #tpu.memory_space<vmem>>) offsets(%dma_start3A_17 : memref<80xi32, #tpu.memory_space<vmem>>) semaphore(%arg17 : memref<!tpu.dma_semaphore, #tpu.memory_space<semaphore_mem>>)
    %dma_start3A_21 = arith.constant 1 : i32
    %dma_start3A_22 = arith.constant 0 : i32
    %dma_start3A_23 = tpu.memref_slice %arg8[%dma_start3A_21, %dma_start3A_22] : memref<125x80xi32, #tpu.memory_space<vmem>> -> memref<1x80xi32, #tpu.memory_space<vmem>>
    %dma_start3A_24 = tpu.memref_squeeze %dma_start3A_23 : memref<1x80xi32, #tpu.memory_space<vmem>> -> memref<80xi32, #tpu.memory_space<vmem>>
    %dma_start3A_25 = arith.constant 0 : i32
    %dma_start3A_26 = arith.constant 0 : i32
    %dma_start3A_27 = tpu.memref_slice %arg3[%dma_start3A_25, %dma_start3A_26] : memref<10240x128xf32, #tpu.memory_space<hbm>> -> memref<10240x128xf32, #tpu.memory_space<hbm>>
    tpu.enqueue_indirect_dma source(%dma_start3A_27 : memref<10240x128xf32, #tpu.memory_space<hbm>>) target(%arg12 : memref<80x128xf32, #tpu.memory_space<vmem>>) offsets(%dma_start3A_24 : memref<80xi32, #tpu.memory_space<vmem>>) semaphore(%arg18 : memref<!tpu.dma_semaphore, #tpu.memory_space<semaphore_mem>>)
    %scan3A = arith.constant 0 : i32
    %scan3A_28 = arith.constant 61 : i32
    %scan3A_29 = arith.addi %scan3A, %scan3A_28 : i32
    %scan3A_30 = arith.constant 1 : i32
    scf.for %scan3A_114 = %scan3A to %scan3A_29 step %scan3A_30  : i32 {
      %mul3A_115 = arith.constant 2 : i32
      %mul3A_116 = arith.muli %scan3A_114, %mul3A_115 : i32
      %add3A_117 = arith.constant 0 : i32
      %add3A_118 = arith.addi %add3A_117, %mul3A_116 : i32
      %dma_wait3A_119 = arith.constant 0 : i32
      %dma_wait3A_120 = arith.constant 0 : i32
      %dma_wait3A_121 = tpu.memref_slice %arg7[%dma_wait3A_119, %dma_wait3A_120] : memref<125x80xi32, #tpu.memory_space<vmem>> -> memref<1x80xi32, #tpu.memory_space<vmem>>
      %dma_wait3A_122 = tpu.memref_squeeze %dma_wait3A_121 : memref<1x80xi32, #tpu.memory_space<vmem>> -> memref<80xi32, #tpu.memory_space<vmem>>
      %dma_wait3A_123 = arith.constant 0 : i32
      %dma_wait3A_124 = arith.constant 0 : i32
      %dma_wait3A_125 = tpu.memref_slice %arg2[%dma_wait3A_123, %dma_wait3A_124] : memref<10240x128xf32, #tpu.memory_space<hbm>> -> memref<10240x128xf32, #tpu.memory_space<hbm>>
      tpu.wait_indirect_dma semaphore(%arg15 : memref<!tpu.dma_semaphore, #tpu.memory_space<semaphore_mem>>) src(%dma_wait3A_125 : memref<10240x128xf32, #tpu.memory_space<hbm>>) dst(%arg9 : memref<80x128xf32, #tpu.memory_space<vmem>>)
      %dma_wait3A_126 = arith.constant 0 : i32
      %dma_wait3A_127 = arith.constant 0 : i32
      %dma_wait3A_128 = tpu.memref_slice %arg8[%dma_wait3A_126, %dma_wait3A_127] : memref<125x80xi32, #tpu.memory_space<vmem>> -> memref<1x80xi32, #tpu.memory_space<vmem>>
      %dma_wait3A_129 = tpu.memref_squeeze %dma_wait3A_128 : memref<1x80xi32, #tpu.memory_space<vmem>> -> memref<80xi32, #tpu.memory_space<vmem>>
      %dma_wait3A_130 = arith.constant 0 : i32
      %dma_wait3A_131 = arith.constant 0 : i32
      %dma_wait3A_132 = tpu.memref_slice %arg3[%dma_wait3A_130, %dma_wait3A_131] : memref<10240x128xf32, #tpu.memory_space<hbm>> -> memref<10240x128xf32, #tpu.memory_space<hbm>>
      tpu.wait_indirect_dma semaphore(%arg16 : memref<!tpu.dma_semaphore, #tpu.memory_space<semaphore_mem>>) src(%dma_wait3A_132 : memref<10240x128xf32, #tpu.memory_space<hbm>>) dst(%arg10 : memref<80x128xf32, #tpu.memory_space<vmem>>)
      %scan3A_133 = arith.constant 0 : i32
      %scan3A_134 = arith.constant 80 : i32
      %scan3A_135 = arith.addi %scan3A_133, %scan3A_134 : i32
      %scan3A_136 = arith.constant 8 : i32
      scf.for %scan3A_197 = %scan3A_133 to %scan3A_135 step %scan3A_136  : i32 {
        %mul3A_198 = arith.constant 1 : i32
        %mul3A_199 = arith.muli %scan3A_197, %mul3A_198 : i32
        %add3A_200 = arith.constant 0 : i32
        %add3A_201 = arith.addi %add3A_200, %mul3A_199 : i32
        %get3A = arith.index_cast %add3A_201 : i32 to index
        %get3A_202 = arith.constant 0 : index
        %get3A_203 = tpu.vector_load %arg9[%get3A, %get3A_202] {strides = array<i32>} : memref<80x128xf32, #tpu.memory_space<vmem>>, vector<1x16xf32>,
        %get3A_204 = vector.shape_cast %get3A_203 : vector<1x16xf32> to vector<16xf32>
        %get3A_205 = arith.index_cast %add3A_201 : i32 to index
        %get3A_206 = arith.constant 0 : index
        %get3A_207 = tpu.vector_load %arg10[%get3A_205, %get3A_206] {strides = array<i32>} : memref<80x128xf32, #tpu.memory_space<vmem>>, vector<1x16xf32>,
        %get3A_208 = vector.shape_cast %get3A_207 : vector<1x16xf32> to vector<16xf32>
        %add3A_209 = arith.addf %get3A_204, %get3A_208 : vector<16xf32>
        %swap3A = arith.index_cast %add3A_201 : i32 to index
        %swap3A_210 = arith.constant 0 : index
        %swap3A_211 = tpu.vector_load %arg13[%swap3A, %swap3A_210] {strides = array<i32>} : memref<80x16xf32, #tpu.memory_space<vmem>>, vector<1x16xf32>,
        %swap3A_212 = vector.shape_cast %swap3A_211 : vector<1x16xf32> to vector<16xf32>
        %swap3A_213 = vector.shape_cast %add3A_209 : vector<16xf32> to vector<1x16xf32>
        tpu.vector_store %arg13[%swap3A, %swap3A_210], %swap3A_213 {strides = array<i32>} : memref<80x16xf32, #tpu.memory_space<vmem>>, vector<1x16xf32>,
        %scan3A_214 = arith.constant 1 : i32
        %scan3A_215 = arith.addi %scan3A_197, %scan3A_214 : i32
        %mul3A_216 = arith.constant 1 : i32
        %mul3A_217 = arith.muli %scan3A_215, %mul3A_216 : i32
        %add3A_218 = arith.constant 0 : i32
        %add3A_219 = arith.addi %add3A_218, %mul3A_217 : i32
        %get3A_220 = arith.index_cast %add3A_219 : i32 to index
        %get3A_221 = arith.constant 0 : index
        %get3A_222 = tpu.vector_load %arg9[%get3A_220, %get3A_221] {strides = array<i32>} : memref<80x128xf32, #tpu.memory_space<vmem>>, vector<1x16xf32>,
        %get3A_223 = vector.shape_cast %get3A_222 : vector<1x16xf32> to vector<16xf32>
        %get3A_224 = arith.index_cast %add3A_219 : i32 to index
        %get3A_225 = arith.constant 0 : index
        %get3A_226 = tpu.vector_load %arg10[%get3A_224, %get3A_225] {strides = array<i32>} : memref<80x128xf32, #tpu.memory_space<vmem>>, vector<1x16xf32>,
        %get3A_227 = vector.shape_cast %get3A_226 : vector<1x16xf32> to vector<16xf32>
        %add3A_228 = arith.addf %get3A_223, %get3A_227 : vector<16xf32>
        %swap3A_229 = arith.index_cast %add3A_219 : i32 to index
        %swap3A_230 = arith.constant 0 : index
        %swap3A_231 = tpu.vector_load %arg13[%swap3A_229, %swap3A_230] {strides = array<i32>} : memref<80x16xf32, #tpu.memory_space<vmem>>, vector<1x16xf32>,
        %swap3A_232 = vector.shape_cast %swap3A_231 : vector<1x16xf32> to vector<16xf32>
        %swap3A_233 = vector.shape_cast %add3A_228 : vector<16xf32> to vector<1x16xf32>
        tpu.vector_store %arg13[%swap3A_229, %swap3A_230], %swap3A_233 {strides = array<i32>} : memref<80x16xf32, #tpu.memory_space<vmem>>, vector<1x16xf32>,
        %scan3A_234 = arith.constant 2 : i32
        %scan3A_235 = arith.addi %scan3A_197, %scan3A_234 : i32
        %mul3A_236 = arith.constant 1 : i32
        %mul3A_237 = arith.muli %scan3A_235, %mul3A_236 : i32
        %add3A_238 = arith.constant 0 : i32
        %add3A_239 = arith.addi %add3A_238, %mul3A_237 : i32
        %get3A_240 = arith.index_cast %add3A_239 : i32 to index
        %get3A_241 = arith.constant 0 : index
        %get3A_242 = tpu.vector_load %arg9[%get3A_240, %get3A_241] {strides = array<i32>} : memref<80x128xf32, #tpu.memory_space<vmem>>, vector<1x16xf32>,
        %get3A_243 = vector.shape_cast %get3A_242 : vector<1x16xf32> to vector<16xf32>
        %get3A_244 = arith.index_cast %add3A_239 : i32 to index
        %get3A_245 = arith.constant 0 : index
        %get3A_246 = tpu.vector_load %arg10[%get3A_244, %get3A_245] {strides = array<i32>} : memref<80x128xf32, #tpu.memory_space<vmem>>, vector<1x16xf32>,
        %get3A_247 = vector.shape_cast %get3A_246 : vector<1x16xf32> to vector<16xf32>
        %add3A_248 = arith.addf %get3A_243, %get3A_247 : vector<16xf32>
        %swap3A_249 = arith.index_cast %add3A_239 : i32 to index
        %swap3A_250 = arith.constant 0 : index
        %swap3A_251 = tpu.vector_load %arg13[%swap3A_249, %swap3A_250] {strides = array<i32>} : memref<80x16xf32, #tpu.memory_space<vmem>>, vector<1x16xf32>,
        %swap3A_252 = vector.shape_cast %swap3A_251 : vector<1x16xf32> to vector<16xf32>
        %swap3A_253 = vector.shape_cast %add3A_248 : vector<16xf32> to vector<1x16xf32>
        tpu.vector_store %arg13[%swap3A_249, %swap3A_250], %swap3A_253 {strides = array<i32>} : memref<80x16xf32, #tpu.memory_space<vmem>>, vector<1x16xf32>,
        %scan3A_254 = arith.constant 3 : i32
        %scan3A_255 = arith.addi %scan3A_197, %scan3A_254 : i32
        %mul3A_256 = arith.constant 1 : i32
        %mul3A_257 = arith.muli %scan3A_255, %mul3A_256 : i32
        %add3A_258 = arith.constant 0 : i32
        %add3A_259 = arith.addi %add3A_258, %mul3A_257 : i32
        %get3A_260 = arith.index_cast %add3A_259 : i32 to index
        %get3A_261 = arith.constant 0 : index
        %get3A_262 = tpu.vector_load %arg9[%get3A_260, %get3A_261] {strides = array<i32>} : memref<80x128xf32, #tpu.memory_space<vmem>>, vector<1x16xf32>,
        %get3A_263 = vector.shape_cast %get3A_262 : vector<1x16xf32> to vector<16xf32>
        %get3A_264 = arith.index_cast %add3A_259 : i32 to index
        %get3A_265 = arith.constant 0 : index
        %get3A_266 = tpu.vector_load %arg10[%get3A_264, %get3A_265] {strides = array<i32>} : memref<80x128xf32, #tpu.memory_space<vmem>>, vector<1x16xf32>,
        %get3A_267 = vector.shape_cast %get3A_266 : vector<1x16xf32> to vector<16xf32>
        %add3A_268 = arith.addf %get3A_263, %get3A_267 : vector<16xf32>
        %swap3A_269 = arith.index_cast %add3A_259 : i32 to index
        %swap3A_270 = arith.constant 0 : index
        %swap3A_271 = tpu.vector_load %arg13[%swap3A_269, %swap3A_270] {strides = array<i32>} : memref<80x16xf32, #tpu.memory_space<vmem>>, vector<1x16xf32>,
        %swap3A_272 = vector.shape_cast %swap3A_271 : vector<1x16xf32> to vector<16xf32>
        %swap3A_273 = vector.shape_cast %add3A_268 : vector<16xf32> to vector<1x16xf32>
        tpu.vector_store %arg13[%swap3A_269, %swap3A_270], %swap3A_273 {strides = array<i32>} : memref<80x16xf32, #tpu.memory_space<vmem>>, vector<1x16xf32>,
        %scan3A_274 = arith.constant 4 : i32
        %scan3A_275 = arith.addi %scan3A_197, %scan3A_274 : i32
        %mul3A_276 = arith.constant 1 : i32
        %mul3A_277 = arith.muli %scan3A_275, %mul3A_276 : i32
        %add3A_278 = arith.constant 0 : i32
        %add3A_279 = arith.addi %add3A_278, %mul3A_277 : i32
        %get3A_280 = arith.index_cast %add3A_279 : i32 to index
        %get3A_281 = arith.constant 0 : index
        %get3A_282 = tpu.vector_load %arg9[%get3A_280, %get3A_281] {strides = array<i32>} : memref<80x128xf32, #tpu.memory_space<vmem>>, vector<1x16xf32>,
        %get3A_283 = vector.shape_cast %get3A_282 : vector<1x16xf32> to vector<16xf32>
        %get3A_284 = arith.index_cast %add3A_279 : i32 to index
        %get3A_285 = arith.constant 0 : index
        %get3A_286 = tpu.vector_load %arg10[%get3A_284, %get3A_285] {strides = array<i32>} : memref<80x128xf32, #tpu.memory_space<vmem>>, vector<1x16xf32>,
        %get3A_287 = vector.shape_cast %get3A_286 : vector<1x16xf32> to vector<16xf32>
        %add3A_288 = arith.addf %get3A_283, %get3A_287 : vector<16xf32>
        %swap3A_289 = arith.index_cast %add3A_279 : i32 to index
        %swap3A_290 = arith.constant 0 : index
        %swap3A_291 = tpu.vector_load %arg13[%swap3A_289, %swap3A_290] {strides = array<i32>} : memref<80x16xf32, #tpu.memory_space<vmem>>, vector<1x16xf32>,
        %swap3A_292 = vector.shape_cast %swap3A_291 : vector<1x16xf32> to vector<16xf32>
        %swap3A_293 = vector.shape_cast %add3A_288 : vector<16xf32> to vector<1x16xf32>
        tpu.vector_store %arg13[%swap3A_289, %swap3A_290], %swap3A_293 {strides = array<i32>} : memref<80x16xf32, #tpu.memory_space<vmem>>, vector<1x16xf32>,
        %scan3A_294 = arith.constant 5 : i32
        %scan3A_295 = arith.addi %scan3A_197, %scan3A_294 : i32
        %mul3A_296 = arith.constant 1 : i32
        %mul3A_297 = arith.muli %scan3A_295, %mul3A_296 : i32
        %add3A_298 = arith.constant 0 : i32
        %add3A_299 = arith.addi %add3A_298, %mul3A_297 : i32
        %get3A_300 = arith.index_cast %add3A_299 : i32 to index
        %get3A_301 = arith.constant 0 : index
        %get3A_302 = tpu.vector_load %arg9[%get3A_300, %get3A_301] {strides = array<i32>} : memref<80x128xf32, #tpu.memory_space<vmem>>, vector<1x16xf32>,
        %get3A_303 = vector.shape_cast %get3A_302 : vector<1x16xf32> to vector<16xf32>
        %get3A_304 = arith.index_cast %add3A_299 : i32 to index
        %get3A_305 = arith.constant 0 : index
        %get3A_306 = tpu.vector_load %arg10[%get3A_304, %get3A_305] {strides = array<i32>} : memref<80x128xf32, #tpu.memory_space<vmem>>, vector<1x16xf32>,
        %get3A_307 = vector.shape_cast %get3A_306 : vector<1x16xf32> to vector<16xf32>
        %add3A_308 = arith.addf %get3A_303, %get3A_307 : vector<16xf32>
        %swap3A_309 = arith.index_cast %add3A_299 : i32 to index
        %swap3A_310 = arith.constant 0 : index
        %swap3A_311 = tpu.vector_load %arg13[%swap3A_309, %swap3A_310] {strides = array<i32>} : memref<80x16xf32, #tpu.memory_space<vmem>>, vector<1x16xf32>,
        %swap3A_312 = vector.shape_cast %swap3A_311 : vector<1x16xf32> to vector<16xf32>
        %swap3A_313 = vector.shape_cast %add3A_308 : vector<16xf32> to vector<1x16xf32>
        tpu.vector_store %arg13[%swap3A_309, %swap3A_310], %swap3A_313 {strides = array<i32>} : memref<80x16xf32, #tpu.memory_space<vmem>>, vector<1x16xf32>,
        %scan3A_314 = arith.constant 6 : i32
        %scan3A_315 = arith.addi %scan3A_197, %scan3A_314 : i32
        %mul3A_316 = arith.constant 1 : i32
        %mul3A_317 = arith.muli %scan3A_315, %mul3A_316 : i32
        %add3A_318 = arith.constant 0 : i32
        %add3A_319 = arith.addi %add3A_318, %mul3A_317 : i32
        %get3A_320 = arith.index_cast %add3A_319 : i32 to index
        %get3A_321 = arith.constant 0 : index
        %get3A_322 = tpu.vector_load %arg9[%get3A_320, %get3A_321] {strides = array<i32>} : memref<80x128xf32, #tpu.memory_space<vmem>>, vector<1x16xf32>,
        %get3A_323 = vector.shape_cast %get3A_322 : vector<1x16xf32> to vector<16xf32>
        %get3A_324 = arith.index_cast %add3A_319 : i32 to index
        %get3A_325 = arith.constant 0 : index
        %get3A_326 = tpu.vector_load %arg10[%get3A_324, %get3A_325] {strides = array<i32>} : memref<80x128xf32, #tpu.memory_space<vmem>>, vector<1x16xf32>,
        %get3A_327 = vector.shape_cast %get3A_326 : vector<1x16xf32> to vector<16xf32>
        %add3A_328 = arith.addf %get3A_323, %get3A_327 : vector<16xf32>
        %swap3A_329 = arith.index_cast %add3A_319 : i32 to index
        %swap3A_330 = arith.constant 0 : index
        %swap3A_331 = tpu.vector_load %arg13[%swap3A_329, %swap3A_330] {strides = array<i32>} : memref<80x16xf32, #tpu.memory_space<vmem>>, vector<1x16xf32>,
        %swap3A_332 = vector.shape_cast %swap3A_331 : vector<1x16xf32> to vector<16xf32>
        %swap3A_333 = vector.shape_cast %add3A_328 : vector<16xf32> to vector<1x16xf32>
        tpu.vector_store %arg13[%swap3A_329, %swap3A_330], %swap3A_333 {strides = array<i32>} : memref<80x16xf32, #tpu.memory_space<vmem>>, vector<1x16xf32>,
        %scan3A_334 = arith.constant 7 : i32
        %scan3A_335 = arith.addi %scan3A_197, %scan3A_334 : i32
        %mul3A_336 = arith.constant 1 : i32
        %mul3A_337 = arith.muli %scan3A_335, %mul3A_336 : i32
        %add3A_338 = arith.constant 0 : i32
        %add3A_339 = arith.addi %add3A_338, %mul3A_337 : i32
        %get3A_340 = arith.index_cast %add3A_339 : i32 to index
        %get3A_341 = arith.constant 0 : index
        %get3A_342 = tpu.vector_load %arg9[%get3A_340, %get3A_341] {strides = array<i32>} : memref<80x128xf32, #tpu.memory_space<vmem>>, vector<1x16xf32>,
        %get3A_343 = vector.shape_cast %get3A_342 : vector<1x16xf32> to vector<16xf32>
        %get3A_344 = arith.index_cast %add3A_339 : i32 to index
        %get3A_345 = arith.constant 0 : index
        %get3A_346 = tpu.vector_load %arg10[%get3A_344, %get3A_345] {strides = array<i32>} : memref<80x128xf32, #tpu.memory_space<vmem>>, vector<1x16xf32>,
        %get3A_347 = vector.shape_cast %get3A_346 : vector<1x16xf32> to vector<16xf32>
        %add3A_348 = arith.addf %get3A_343, %get3A_347 : vector<16xf32>
        %swap3A_349 = arith.index_cast %add3A_339 : i32 to index
        %swap3A_350 = arith.constant 0 : index
        %swap3A_351 = tpu.vector_load %arg13[%swap3A_349, %swap3A_350] {strides = array<i32>} : memref<80x16xf32, #tpu.memory_space<vmem>>, vector<1x16xf32>,
        %swap3A_352 = vector.shape_cast %swap3A_351 : vector<1x16xf32> to vector<16xf32>
        %swap3A_353 = vector.shape_cast %add3A_348 : vector<16xf32> to vector<1x16xf32>
        tpu.vector_store %arg13[%swap3A_349, %swap3A_350], %swap3A_353 {strides = array<i32>} : memref<80x16xf32, #tpu.memory_space<vmem>>, vector<1x16xf32>,
      }
      %scan3A_137 = arith.constant 80 : i32
      %mul3A_138 = arith.constant 10000 : i32
      %mul3A_139 = arith.muli %add3A, %mul3A_138 : i32
      %mul3A_140 = arith.constant 80 : i32
      %mul3A_141 = arith.muli %add3A_118, %mul3A_140 : i32
      %add3A_142 = arith.addi %mul3A_139, %mul3A_141 : i32
      "tpu.region"() ({
        %run_scoped3A = tpu.sem_alloc : memref<!tpu.dma_semaphore, #tpu.memory_space<semaphore_mem>>
        %dma_start3A_197 = arith.constant 0 : i32
        %dma_start3A_198 = tpu.memref_slice %arg6[%add3A_142, %dma_start3A_197] : memref<320000x16xf32, #tpu.memory_space<hbm>> -> memref<80x16xf32, #tpu.memory_space<hbm>>
        %dma_start3A_199 = arith.constant 0 : i32
        %dma_start3A_200 = tpu.memref_slice %arg6[%add3A_142, %dma_start3A_199] : memref<320000x16xf32, #tpu.memory_space<hbm>> -> memref<80x16xf32, #tpu.memory_space<hbm>>
        tpu.enqueue_dma source(%arg13 : memref<80x16xf32, #tpu.memory_space<vmem>>) target(%dma_start3A_200 : memref<80x16xf32, #tpu.memory_space<hbm>>) target_semaphore(%run_scoped3A : memref<!tpu.dma_semaphore, #tpu.memory_space<semaphore_mem>>)
        %dma_wait3A_201 = arith.constant 0 : i32
        %dma_wait3A_202 = tpu.memref_slice %arg6[%add3A_142, %dma_wait3A_201] : memref<320000x16xf32, #tpu.memory_space<hbm>> -> memref<80x16xf32, #tpu.memory_space<hbm>>
        %dma_wait3A_203 = arith.constant 0 : i32
        %dma_wait3A_204 = tpu.memref_slice %arg6[%add3A_142, %dma_wait3A_203] : memref<320000x16xf32, #tpu.memory_space<hbm>> -> memref<80x16xf32, #tpu.memory_space<hbm>>
        tpu.wait_dma2 semaphore(%run_scoped3A : memref<!tpu.dma_semaphore, #tpu.memory_space<semaphore_mem>>) src(%arg13 : memref<80x16xf32, #tpu.memory_space<vmem>>) dst(%dma_wait3A_204 : memref<80x16xf32, #tpu.memory_space<hbm>>)
        tpu.yield
      }) : () -> ()
      %add3A_143 = arith.constant 2 : i32
      %add3A_144 = arith.addi %add3A_118, %add3A_143 : i32
      %dma_start3A_145 = arith.constant 0 : i32
      %dma_start3A_146 = tpu.memref_slice %arg7[%add3A_144, %dma_start3A_145] : memref<125x80xi32, #tpu.memory_space<vmem>> -> memref<1x80xi32, #tpu.memory_space<vmem>>
      %dma_start3A_147 = tpu.memref_squeeze %dma_start3A_146 : memref<1x80xi32, #tpu.memory_space<vmem>> -> memref<80xi32, #tpu.memory_space<vmem>>
      %dma_start3A_148 = arith.constant 0 : i32
      %dma_start3A_149 = arith.constant 0 : i32
      %dma_start3A_150 = tpu.memref_slice %arg2[%dma_start3A_148, %dma_start3A_149] : memref<10240x128xf32, #tpu.memory_space<hbm>> -> memref<10240x128xf32, #tpu.memory_space<hbm>>
      tpu.enqueue_indirect_dma source(%dma_start3A_150 : memref<10240x128xf32, #tpu.memory_space<hbm>>) target(%arg9 : memref<80x128xf32, #tpu.memory_space<vmem>>) offsets(%dma_start3A_147 : memref<80xi32, #tpu.memory_space<vmem>>) semaphore(%arg15 : memref<!tpu.dma_semaphore, #tpu.memory_space<semaphore_mem>>)
      %dma_start3A_151 = arith.constant 0 : i32
      %dma_start3A_152 = tpu.memref_slice %arg8[%add3A_144, %dma_start3A_151] : memref<125x80xi32, #tpu.memory_space<vmem>> -> memref<1x80xi32, #tpu.memory_space<vmem>>
      %dma_start3A_153 = tpu.memref_squeeze %dma_start3A_152 : memref<1x80xi32, #tpu.memory_space<vmem>> -> memref<80xi32, #tpu.memory_space<vmem>>
      %dma_start3A_154 = arith.constant 0 : i32
      %dma_start3A_155 = arith.constant 0 : i32
      %dma_start3A_156 = tpu.memref_slice %arg3[%dma_start3A_154, %dma_start3A_155] : memref<10240x128xf32, #tpu.memory_space<hbm>> -> memref<10240x128xf32, #tpu.memory_space<hbm>>
      tpu.enqueue_indirect_dma source(%dma_start3A_156 : memref<10240x128xf32, #tpu.memory_space<hbm>>) target(%arg10 : memref<80x128xf32, #tpu.memory_space<vmem>>) offsets(%dma_start3A_153 : memref<80xi32, #tpu.memory_space<vmem>>) semaphore(%arg16 : memref<!tpu.dma_semaphore, #tpu.memory_space<semaphore_mem>>)
      %dma_wait3A_157 = arith.constant 0 : i32
      %dma_wait3A_158 = arith.constant 0 : i32
      %dma_wait3A_159 = tpu.memref_slice %arg7[%dma_wait3A_157, %dma_wait3A_158] : memref<125x80xi32, #tpu.memory_space<vmem>> -> memref<1x80xi32, #tpu.memory_space<vmem>>
      %dma_wait3A_160 = tpu.memref_squeeze %dma_wait3A_159 : memref<1x80xi32, #tpu.memory_space<vmem>> -> memref<80xi32, #tpu.memory_space<vmem>>
      %dma_wait3A_161 = arith.constant 0 : i32
      %dma_wait3A_162 = arith.constant 0 : i32
      %dma_wait3A_163 = tpu.memref_slice %arg2[%dma_wait3A_161, %dma_wait3A_162] : memref<10240x128xf32, #tpu.memory_space<hbm>> -> memref<10240x128xf32, #tpu.memory_space<hbm>>
      tpu.wait_indirect_dma semaphore(%arg17 : memref<!tpu.dma_semaphore, #tpu.memory_space<semaphore_mem>>) src(%dma_wait3A_163 : memref<10240x128xf32, #tpu.memory_space<hbm>>) dst(%arg11 : memref<80x128xf32, #tpu.memory_space<vmem>>)
      %dma_wait3A_164 = arith.constant 0 : i32
      %dma_wait3A_165 = arith.constant 0 : i32
      %dma_wait3A_166 = tpu.memref_slice %arg8[%dma_wait3A_164, %dma_wait3A_165] : memref<125x80xi32, #tpu.memory_space<vmem>> -> memref<1x80xi32, #tpu.memory_space<vmem>>
      %dma_wait3A_167 = tpu.memref_squeeze %dma_wait3A_166 : memref<1x80xi32, #tpu.memory_space<vmem>> -> memref<80xi32, #tpu.memory_space<vmem>>
      %dma_wait3A_168 = arith.constant 0 : i32
      %dma_wait3A_169 = arith.constant 0 : i32
      %dma_wait3A_170 = tpu.memref_slice %arg3[%dma_wait3A_168, %dma_wait3A_169] : memref<10240x128xf32, #tpu.memory_space<hbm>> -> memref<10240x128xf32, #tpu.memory_space<hbm>>
      tpu.wait_indirect_dma semaphore(%arg18 : memref<!tpu.dma_semaphore, #tpu.memory_space<semaphore_mem>>) src(%dma_wait3A_170 : memref<10240x128xf32, #tpu.memory_space<hbm>>) dst(%arg12 : memref<80x128xf32, #tpu.memory_space<vmem>>)
      %add3A_171 = arith.constant 1 : i32
      %add3A_172 = arith.addi %add3A_118, %add3A_171 : i32
      %scan3A_173 = arith.constant 0 : i32
      %scan3A_174 = arith.constant 80 : i32
      %scan3A_175 = arith.addi %scan3A_173, %scan3A_174 : i32
      %scan3A_176 = arith.constant 8 : i32
      scf.for %scan3A_197 = %scan3A_173 to %scan3A_175 step %scan3A_176  : i32 {
        %mul3A_198 = arith.constant 1 : i32
        %mul3A_199 = arith.muli %scan3A_197, %mul3A_198 : i32
        %add3A_200 = arith.constant 0 : i32
        %add3A_201 = arith.addi %add3A_200, %mul3A_199 : i32
        %get3A = arith.index_cast %add3A_201 : i32 to index
        %get3A_202 = arith.constant 0 : index
        %get3A_203 = tpu.vector_load %arg11[%get3A, %get3A_202] {strides = array<i32>} : memref<80x128xf32, #tpu.memory_space<vmem>>, vector<1x16xf32>,
        %get3A_204 = vector.shape_cast %get3A_203 : vector<1x16xf32> to vector<16xf32>
        %get3A_205 = arith.index_cast %add3A_201 : i32 to index
        %get3A_206 = arith.constant 0 : index
        %get3A_207 = tpu.vector_load %arg12[%get3A_205, %get3A_206] {strides = array<i32>} : memref<80x128xf32, #tpu.memory_space<vmem>>, vector<1x16xf32>,
        %get3A_208 = vector.shape_cast %get3A_207 : vector<1x16xf32> to vector<16xf32>
        %add3A_209 = arith.addf %get3A_204, %get3A_208 : vector<16xf32>
        %swap3A = arith.index_cast %add3A_201 : i32 to index
        %swap3A_210 = arith.constant 0 : index
        %swap3A_211 = tpu.vector_load %arg14[%swap3A, %swap3A_210] {strides = array<i32>} : memref<80x16xf32, #tpu.memory_space<vmem>>, vector<1x16xf32>,
        %swap3A_212 = vector.shape_cast %swap3A_211 : vector<1x16xf32> to vector<16xf32>
        %swap3A_213 = vector.shape_cast %add3A_209 : vector<16xf32> to vector<1x16xf32>
        tpu.vector_store %arg14[%swap3A, %swap3A_210], %swap3A_213 {strides = array<i32>} : memref<80x16xf32, #tpu.memory_space<vmem>>, vector<1x16xf32>,
        %scan3A_214 = arith.constant 1 : i32
        %scan3A_215 = arith.addi %scan3A_197, %scan3A_214 : i32
        %mul3A_216 = arith.constant 1 : i32
        %mul3A_217 = arith.muli %scan3A_215, %mul3A_216 : i32
        %add3A_218 = arith.constant 0 : i32
        %add3A_219 = arith.addi %add3A_218, %mul3A_217 : i32
        %get3A_220 = arith.index_cast %add3A_219 : i32 to index
        %get3A_221 = arith.constant 0 : index
        %get3A_222 = tpu.vector_load %arg11[%get3A_220, %get3A_221] {strides = array<i32>} : memref<80x128xf32, #tpu.memory_space<vmem>>, vector<1x16xf32>,
        %get3A_223 = vector.shape_cast %get3A_222 : vector<1x16xf32> to vector<16xf32>
        %get3A_224 = arith.index_cast %add3A_219 : i32 to index
        %get3A_225 = arith.constant 0 : index
        %get3A_226 = tpu.vector_load %arg12[%get3A_224, %get3A_225] {strides = array<i32>} : memref<80x128xf32, #tpu.memory_space<vmem>>, vector<1x16xf32>,
        %get3A_227 = vector.shape_cast %get3A_226 : vector<1x16xf32> to vector<16xf32>
        %add3A_228 = arith.addf %get3A_223, %get3A_227 : vector<16xf32>
        %swap3A_229 = arith.index_cast %add3A_219 : i32 to index
        %swap3A_230 = arith.constant 0 : index
        %swap3A_231 = tpu.vector_load %arg14[%swap3A_229, %swap3A_230] {strides = array<i32>} : memref<80x16xf32, #tpu.memory_space<vmem>>, vector<1x16xf32>,
        %swap3A_232 = vector.shape_cast %swap3A_231 : vector<1x16xf32> to vector<16xf32>
        %swap3A_233 = vector.shape_cast %add3A_228 : vector<16xf32> to vector<1x16xf32>
        tpu.vector_store %arg14[%swap3A_229, %swap3A_230], %swap3A_233 {strides = array<i32>} : memref<80x16xf32, #tpu.memory_space<vmem>>, vector<1x16xf32>,
        %scan3A_234 = arith.constant 2 : i32
        %scan3A_235 = arith.addi %scan3A_197, %scan3A_234 : i32
        %mul3A_236 = arith.constant 1 : i32
        %mul3A_237 = arith.muli %scan3A_235, %mul3A_236 : i32
        %add3A_238 = arith.constant 0 : i32
        %add3A_239 = arith.addi %add3A_238, %mul3A_237 : i32
        %get3A_240 = arith.index_cast %add3A_239 : i32 to index
        %get3A_241 = arith.constant 0 : index
        %get3A_242 = tpu.vector_load %arg11[%get3A_240, %get3A_241] {strides = array<i32>} : memref<80x128xf32, #tpu.memory_space<vmem>>, vector<1x16xf32>,
        %get3A_243 = vector.shape_cast %get3A_242 : vector<1x16xf32> to vector<16xf32>
        %get3A_244 = arith.index_cast %add3A_239 : i32 to index
        %get3A_245 = arith.constant 0 : index
        %get3A_246 = tpu.vector_load %arg12[%get3A_244, %get3A_245] {strides = array<i32>} : memref<80x128xf32, #tpu.memory_space<vmem>>, vector<1x16xf32>,
        %get3A_247 = vector.shape_cast %get3A_246 : vector<1x16xf32> to vector<16xf32>
        %add3A_248 = arith.addf %get3A_243, %get3A_247 : vector<16xf32>
        %swap3A_249 = arith.index_cast %add3A_239 : i32 to index
        %swap3A_250 = arith.constant 0 : index
        %swap3A_251 = tpu.vector_load %arg14[%swap3A_249, %swap3A_250] {strides = array<i32>} : memref<80x16xf32, #tpu.memory_space<vmem>>, vector<1x16xf32>,
        %swap3A_252 = vector.shape_cast %swap3A_251 : vector<1x16xf32> to vector<16xf32>
        %swap3A_253 = vector.shape_cast %add3A_248 : vector<16xf32> to vector<1x16xf32>
        tpu.vector_store %arg14[%swap3A_249, %swap3A_250], %swap3A_253 {strides = array<i32>} : memref<80x16xf32, #tpu.memory_space<vmem>>, vector<1x16xf32>,
        %scan3A_254 = arith.constant 3 : i32
        %scan3A_255 = arith.addi %scan3A_197, %scan3A_254 : i32
        %mul3A_256 = arith.constant 1 : i32
        %mul3A_257 = arith.muli %scan3A_255, %mul3A_256 : i32
        %add3A_258 = arith.constant 0 : i32
        %add3A_259 = arith.addi %add3A_258, %mul3A_257 : i32
        %get3A_260 = arith.index_cast %add3A_259 : i32 to index
        %get3A_261 = arith.constant 0 : index
        %get3A_262 = tpu.vector_load %arg11[%get3A_260, %get3A_261] {strides = array<i32>} : memref<80x128xf32, #tpu.memory_space<vmem>>, vector<1x16xf32>,
        %get3A_263 = vector.shape_cast %get3A_262 : vector<1x16xf32> to vector<16xf32>
        %get3A_264 = arith.index_cast %add3A_259 : i32 to index
        %get3A_265 = arith.constant 0 : index
        %get3A_266 = tpu.vector_load %arg12[%get3A_264, %get3A_265] {strides = array<i32>} : memref<80x128xf32, #tpu.memory_space<vmem>>, vector<1x16xf32>,
        %get3A_267 = vector.shape_cast %get3A_266 : vector<1x16xf32> to vector<16xf32>
        %add3A_268 = arith.addf %get3A_263, %get3A_267 : vector<16xf32>
        %swap3A_269 = arith.index_cast %add3A_259 : i32 to index
        %swap3A_270 = arith.constant 0 : index
        %swap3A_271 = tpu.vector_load %arg14[%swap3A_269, %swap3A_270] {strides = array<i32>} : memref<80x16xf32, #tpu.memory_space<vmem>>, vector<1x16xf32>,
        %swap3A_272 = vector.shape_cast %swap3A_271 : vector<1x16xf32> to vector<16xf32>
        %swap3A_273 = vector.shape_cast %add3A_268 : vector<16xf32> to vector<1x16xf32>
        tpu.vector_store %arg14[%swap3A_269, %swap3A_270], %swap3A_273 {strides = array<i32>} : memref<80x16xf32, #tpu.memory_space<vmem>>, vector<1x16xf32>,
        %scan3A_274 = arith.constant 4 : i32
        %scan3A_275 = arith.addi %scan3A_197, %scan3A_274 : i32
        %mul3A_276 = arith.constant 1 : i32
        %mul3A_277 = arith.muli %scan3A_275, %mul3A_276 : i32
        %add3A_278 = arith.constant 0 : i32
        %add3A_279 = arith.addi %add3A_278, %mul3A_277 : i32
        %get3A_280 = arith.index_cast %add3A_279 : i32 to index
        %get3A_281 = arith.constant 0 : index
        %get3A_282 = tpu.vector_load %arg11[%get3A_280, %get3A_281] {strides = array<i32>} : memref<80x128xf32, #tpu.memory_space<vmem>>, vector<1x16xf32>,
        %get3A_283 = vector.shape_cast %get3A_282 : vector<1x16xf32> to vector<16xf32>
        %get3A_284 = arith.index_cast %add3A_279 : i32 to index
        %get3A_285 = arith.constant 0 : index
        %get3A_286 = tpu.vector_load %arg12[%get3A_284, %get3A_285] {strides = array<i32>} : memref<80x128xf32, #tpu.memory_space<vmem>>, vector<1x16xf32>,
        %get3A_287 = vector.shape_cast %get3A_286 : vector<1x16xf32> to vector<16xf32>
        %add3A_288 = arith.addf %get3A_283, %get3A_287 : vector<16xf32>
        %swap3A_289 = arith.index_cast %add3A_279 : i32 to index
        %swap3A_290 = arith.constant 0 : index
        %swap3A_291 = tpu.vector_load %arg14[%swap3A_289, %swap3A_290] {strides = array<i32>} : memref<80x16xf32, #tpu.memory_space<vmem>>, vector<1x16xf32>,
        %swap3A_292 = vector.shape_cast %swap3A_291 : vector<1x16xf32> to vector<16xf32>
        %swap3A_293 = vector.shape_cast %add3A_288 : vector<16xf32> to vector<1x16xf32>
        tpu.vector_store %arg14[%swap3A_289, %swap3A_290], %swap3A_293 {strides = array<i32>} : memref<80x16xf32, #tpu.memory_space<vmem>>, vector<1x16xf32>,
        %scan3A_294 = arith.constant 5 : i32
        %scan3A_295 = arith.addi %scan3A_197, %scan3A_294 : i32
        %mul3A_296 = arith.constant 1 : i32
        %mul3A_297 = arith.muli %scan3A_295, %mul3A_296 : i32
        %add3A_298 = arith.constant 0 : i32
        %add3A_299 = arith.addi %add3A_298, %mul3A_297 : i32
        %get3A_300 = arith.index_cast %add3A_299 : i32 to index
        %get3A_301 = arith.constant 0 : index
        %get3A_302 = tpu.vector_load %arg11[%get3A_300, %get3A_301] {strides = array<i32>} : memref<80x128xf32, #tpu.memory_space<vmem>>, vector<1x16xf32>,
        %get3A_303 = vector.shape_cast %get3A_302 : vector<1x16xf32> to vector<16xf32>
        %get3A_304 = arith.index_cast %add3A_299 : i32 to index
        %get3A_305 = arith.constant 0 : index
        %get3A_306 = tpu.vector_load %arg12[%get3A_304, %get3A_305] {strides = array<i32>} : memref<80x128xf32, #tpu.memory_space<vmem>>, vector<1x16xf32>,
        %get3A_307 = vector.shape_cast %get3A_306 : vector<1x16xf32> to vector<16xf32>
        %add3A_308 = arith.addf %get3A_303, %get3A_307 : vector<16xf32>
        %swap3A_309 = arith.index_cast %add3A_299 : i32 to index
        %swap3A_310 = arith.constant 0 : index
        %swap3A_311 = tpu.vector_load %arg14[%swap3A_309, %swap3A_310] {strides = array<i32>} : memref<80x16xf32, #tpu.memory_space<vmem>>, vector<1x16xf32>,
        %swap3A_312 = vector.shape_cast %swap3A_311 : vector<1x16xf32> to vector<16xf32>
        %swap3A_313 = vector.shape_cast %add3A_308 : vector<16xf32> to vector<1x16xf32>
        tpu.vector_store %arg14[%swap3A_309, %swap3A_310], %swap3A_313 {strides = array<i32>} : memref<80x16xf32, #tpu.memory_space<vmem>>, vector<1x16xf32>,
        %scan3A_314 = arith.constant 6 : i32
        %scan3A_315 = arith.addi %scan3A_197, %scan3A_314 : i32
        %mul3A_316 = arith.constant 1 : i32
        %mul3A_317 = arith.muli %scan3A_315, %mul3A_316 : i32
        %add3A_318 = arith.constant 0 : i32
        %add3A_319 = arith.addi %add3A_318, %mul3A_317 : i32
        %get3A_320 = arith.index_cast %add3A_319 : i32 to index
        %get3A_321 = arith.constant 0 : index
        %get3A_322 = tpu.vector_load %arg11[%get3A_320, %get3A_321] {strides = array<i32>} : memref<80x128xf32, #tpu.memory_space<vmem>>, vector<1x16xf32>,
        %get3A_323 = vector.shape_cast %get3A_322 : vector<1x16xf32> to vector<16xf32>
        %get3A_324 = arith.index_cast %add3A_319 : i32 to index
        %get3A_325 = arith.constant 0 : index
        %get3A_326 = tpu.vector_load %arg12[%get3A_324, %get3A_325] {strides = array<i32>} : memref<80x128xf32, #tpu.memory_space<vmem>>, vector<1x16xf32>,
        %get3A_327 = vector.shape_cast %get3A_326 : vector<1x16xf32> to vector<16xf32>
        %add3A_328 = arith.addf %get3A_323, %get3A_327 : vector<16xf32>
        %swap3A_329 = arith.index_cast %add3A_319 : i32 to index
        %swap3A_330 = arith.constant 0 : index
        %swap3A_331 = tpu.vector_load %arg14[%swap3A_329, %swap3A_330] {strides = array<i32>} : memref<80x16xf32, #tpu.memory_space<vmem>>, vector<1x16xf32>,
        %swap3A_332 = vector.shape_cast %swap3A_331 : vector<1x16xf32> to vector<16xf32>
        %swap3A_333 = vector.shape_cast %add3A_328 : vector<16xf32> to vector<1x16xf32>
        tpu.vector_store %arg14[%swap3A_329, %swap3A_330], %swap3A_333 {strides = array<i32>} : memref<80x16xf32, #tpu.memory_space<vmem>>, vector<1x16xf32>,
        %scan3A_334 = arith.constant 7 : i32
        %scan3A_335 = arith.addi %scan3A_197, %scan3A_334 : i32
        %mul3A_336 = arith.constant 1 : i32
        %mul3A_337 = arith.muli %scan3A_335, %mul3A_336 : i32
        %add3A_338 = arith.constant 0 : i32
        %add3A_339 = arith.addi %add3A_338, %mul3A_337 : i32
        %get3A_340 = arith.index_cast %add3A_339 : i32 to index
        %get3A_341 = arith.constant 0 : index
        %get3A_342 = tpu.vector_load %arg11[%get3A_340, %get3A_341] {strides = array<i32>} : memref<80x128xf32, #tpu.memory_space<vmem>>, vector<1x16xf32>,
        %get3A_343 = vector.shape_cast %get3A_342 : vector<1x16xf32> to vector<16xf32>
        %get3A_344 = arith.index_cast %add3A_339 : i32 to index
        %get3A_345 = arith.constant 0 : index
        %get3A_346 = tpu.vector_load %arg12[%get3A_344, %get3A_345] {strides = array<i32>} : memref<80x128xf32, #tpu.memory_space<vmem>>, vector<1x16xf32>,
        %get3A_347 = vector.shape_cast %get3A_346 : vector<1x16xf32> to vector<16xf32>
        %add3A_348 = arith.addf %get3A_343, %get3A_347 : vector<16xf32>
        %swap3A_349 = arith.index_cast %add3A_339 : i32 to index
        %swap3A_350 = arith.constant 0 : index
        %swap3A_351 = tpu.vector_load %arg14[%swap3A_349, %swap3A_350] {strides = array<i32>} : memref<80x16xf32, #tpu.memory_space<vmem>>, vector<1x16xf32>,
        %swap3A_352 = vector.shape_cast %swap3A_351 : vector<1x16xf32> to vector<16xf32>
        %swap3A_353 = vector.shape_cast %add3A_348 : vector<16xf32> to vector<1x16xf32>
        tpu.vector_store %arg14[%swap3A_349, %swap3A_350], %swap3A_353 {strides = array<i32>} : memref<80x16xf32, #tpu.memory_space<vmem>>, vector<1x16xf32>,
      }
      %scan3A_177 = arith.constant 80 : i32
      %mul3A_178 = arith.constant 10000 : i32
      %mul3A_179 = arith.muli %add3A, %mul3A_178 : i32
      %mul3A_180 = arith.constant 80 : i32
      %mul3A_181 = arith.muli %add3A_172, %mul3A_180 : i32
      %add3A_182 = arith.addi %mul3A_179, %mul3A_181 : i32
      "tpu.region"() ({
        %run_scoped3A = tpu.sem_alloc : memref<!tpu.dma_semaphore, #tpu.memory_space<semaphore_mem>>
        %dma_start3A_197 = arith.constant 0 : i32
        %dma_start3A_198 = tpu.memref_slice %arg6[%add3A_182, %dma_start3A_197] : memref<320000x16xf32, #tpu.memory_space<hbm>> -> memref<80x16xf32, #tpu.memory_space<hbm>>
        %dma_start3A_199 = arith.constant 0 : i32
        %dma_start3A_200 = tpu.memref_slice %arg6[%add3A_182, %dma_start3A_199] : memref<320000x16xf32, #tpu.memory_space<hbm>> -> memref<80x16xf32, #tpu.memory_space<hbm>>
        tpu.enqueue_dma source(%arg14 : memref<80x16xf32, #tpu.memory_space<vmem>>) target(%dma_start3A_200 : memref<80x16xf32, #tpu.memory_space<hbm>>) target_semaphore(%run_scoped3A : memref<!tpu.dma_semaphore, #tpu.memory_space<semaphore_mem>>)
        %dma_wait3A_201 = arith.constant 0 : i32
        %dma_wait3A_202 = tpu.memref_slice %arg6[%add3A_182, %dma_wait3A_201] : memref<320000x16xf32, #tpu.memory_space<hbm>> -> memref<80x16xf32, #tpu.memory_space<hbm>>
        %dma_wait3A_203 = arith.constant 0 : i32
        %dma_wait3A_204 = tpu.memref_slice %arg6[%add3A_182, %dma_wait3A_203] : memref<320000x16xf32, #tpu.memory_space<hbm>> -> memref<80x16xf32, #tpu.memory_space<hbm>>
        tpu.wait_dma2 semaphore(%run_scoped3A : memref<!tpu.dma_semaphore, #tpu.memory_space<semaphore_mem>>) src(%arg14 : memref<80x16xf32, #tpu.memory_space<vmem>>) dst(%dma_wait3A_204 : memref<80x16xf32, #tpu.memory_space<hbm>>)
        tpu.yield
      }) : () -> ()
      %add3A_183 = arith.constant 3 : i32
      %add3A_184 = arith.addi %add3A_118, %add3A_183 : i32
      %dma_start3A_185 = arith.constant 0 : i32
      %dma_start3A_186 = tpu.memref_slice %arg7[%add3A_184, %dma_start3A_185] : memref<125x80xi32, #tpu.memory_space<vmem>> -> memref<1x80xi32, #tpu.memory_space<vmem>>
      %dma_start3A_187 = tpu.memref_squeeze %dma_start3A_186 : memref<1x80xi32, #tpu.memory_space<vmem>> -> memref<80xi32, #tpu.memory_space<vmem>>
      %dma_start3A_188 = arith.constant 0 : i32
      %dma_start3A_189 = arith.constant 0 : i32
      %dma_start3A_190 = tpu.memref_slice %arg2[%dma_start3A_188, %dma_start3A_189] : memref<10240x128xf32, #tpu.memory_space<hbm>> -> memref<10240x128xf32, #tpu.memory_space<hbm>>
      tpu.enqueue_indirect_dma source(%dma_start3A_190 : memref<10240x128xf32, #tpu.memory_space<hbm>>) target(%arg11 : memref<80x128xf32, #tpu.memory_space<vmem>>) offsets(%dma_start3A_187 : memref<80xi32, #tpu.memory_space<vmem>>) semaphore(%arg17 : memref<!tpu.dma_semaphore, #tpu.memory_space<semaphore_mem>>)
      %dma_start3A_191 = arith.constant 0 : i32
      %dma_start3A_192 = tpu.memref_slice %arg8[%add3A_184, %dma_start3A_191] : memref<125x80xi32, #tpu.memory_space<vmem>> -> memref<1x80xi32, #tpu.memory_space<vmem>>
      %dma_start3A_193 = tpu.memref_squeeze %dma_start3A_192 : memref<1x80xi32, #tpu.memory_space<vmem>> -> memref<80xi32, #tpu.memory_space<vmem>>
      %dma_start3A_194 = arith.constant 0 : i32
      %dma_start3A_195 = arith.constant 0 : i32
      %dma_start3A_196 = tpu.memref_slice %arg3[%dma_start3A_194, %dma_start3A_195] : memref<10240x128xf32, #tpu.memory_space<hbm>> -> memref<10240x128xf32, #tpu.memory_space<hbm>>
      tpu.enqueue_indirect_dma source(%dma_start3A_196 : memref<10240x128xf32, #tpu.memory_space<hbm>>) target(%arg12 : memref<80x128xf32, #tpu.memory_space<vmem>>) offsets(%dma_start3A_193 : memref<80xi32, #tpu.memory_space<vmem>>) semaphore(%arg18 : memref<!tpu.dma_semaphore, #tpu.memory_space<semaphore_mem>>)
    }
    %scan3A_31 = arith.constant 61 : i32
    %dma_wait3A = arith.constant 0 : i32
    %dma_wait3A_32 = arith.constant 0 : i32
    %dma_wait3A_33 = tpu.memref_slice %arg7[%dma_wait3A, %dma_wait3A_32] : memref<125x80xi32, #tpu.memory_space<vmem>> -> memref<1x80xi32, #tpu.memory_space<vmem>>
    %dma_wait3A_34 = tpu.memref_squeeze %dma_wait3A_33 : memref<1x80xi32, #tpu.memory_space<vmem>> -> memref<80xi32, #tpu.memory_space<vmem>>
    %dma_wait3A_35 = arith.constant 0 : i32
    %dma_wait3A_36 = arith.constant 0 : i32
    %dma_wait3A_37 = tpu.memref_slice %arg2[%dma_wait3A_35, %dma_wait3A_36] : memref<10240x128xf32, #tpu.memory_space<hbm>> -> memref<10240x128xf32, #tpu.memory_space<hbm>>
    tpu.wait_indirect_dma semaphore(%arg15 : memref<!tpu.dma_semaphore, #tpu.memory_space<semaphore_mem>>) src(%dma_wait3A_37 : memref<10240x128xf32, #tpu.memory_space<hbm>>) dst(%arg9 : memref<80x128xf32, #tpu.memory_space<vmem>>)
    %dma_wait3A_38 = arith.constant 0 : i32
    %dma_wait3A_39 = arith.constant 0 : i32
    %dma_wait3A_40 = tpu.memref_slice %arg8[%dma_wait3A_38, %dma_wait3A_39] : memref<125x80xi32, #tpu.memory_space<vmem>> -> memref<1x80xi32, #tpu.memory_space<vmem>>
    %dma_wait3A_41 = tpu.memref_squeeze %dma_wait3A_40 : memref<1x80xi32, #tpu.memory_space<vmem>> -> memref<80xi32, #tpu.memory_space<vmem>>
    %dma_wait3A_42 = arith.constant 0 : i32
    %dma_wait3A_43 = arith.constant 0 : i32
    %dma_wait3A_44 = tpu.memref_slice %arg3[%dma_wait3A_42, %dma_wait3A_43] : memref<10240x128xf32, #tpu.memory_space<hbm>> -> memref<10240x128xf32, #tpu.memory_space<hbm>>
    tpu.wait_indirect_dma semaphore(%arg16 : memref<!tpu.dma_semaphore, #tpu.memory_space<semaphore_mem>>) src(%dma_wait3A_44 : memref<10240x128xf32, #tpu.memory_space<hbm>>) dst(%arg10 : memref<80x128xf32, #tpu.memory_space<vmem>>)
    %scan3A_45 = arith.constant 0 : i32
    %scan3A_46 = arith.constant 80 : i32
    %scan3A_47 = arith.addi %scan3A_45, %scan3A_46 : i32
    %scan3A_48 = arith.constant 8 : i32
    scf.for %scan3A_114 = %scan3A_45 to %scan3A_47 step %scan3A_48  : i32 {
      %mul3A_115 = arith.constant 1 : i32
      %mul3A_116 = arith.muli %scan3A_114, %mul3A_115 : i32
      %add3A_117 = arith.constant 0 : i32
      %add3A_118 = arith.addi %add3A_117, %mul3A_116 : i32
      %get3A = arith.index_cast %add3A_118 : i32 to index
      %get3A_119 = arith.constant 0 : index
      %get3A_120 = tpu.vector_load %arg9[%get3A, %get3A_119] {strides = array<i32>} : memref<80x128xf32, #tpu.memory_space<vmem>>, vector<1x16xf32>,
      %get3A_121 = vector.shape_cast %get3A_120 : vector<1x16xf32> to vector<16xf32>
      %get3A_122 = arith.index_cast %add3A_118 : i32 to index
      %get3A_123 = arith.constant 0 : index
      %get3A_124 = tpu.vector_load %arg10[%get3A_122, %get3A_123] {strides = array<i32>} : memref<80x128xf32, #tpu.memory_space<vmem>>, vector<1x16xf32>,
      %get3A_125 = vector.shape_cast %get3A_124 : vector<1x16xf32> to vector<16xf32>
      %add3A_126 = arith.addf %get3A_121, %get3A_125 : vector<16xf32>
      %swap3A = arith.index_cast %add3A_118 : i32 to index
      %swap3A_127 = arith.constant 0 : index
      %swap3A_128 = tpu.vector_load %arg13[%swap3A, %swap3A_127] {strides = array<i32>} : memref<80x16xf32, #tpu.memory_space<vmem>>, vector<1x16xf32>,
      %swap3A_129 = vector.shape_cast %swap3A_128 : vector<1x16xf32> to vector<16xf32>
      %swap3A_130 = vector.shape_cast %add3A_126 : vector<16xf32> to vector<1x16xf32>
      tpu.vector_store %arg13[%swap3A, %swap3A_127], %swap3A_130 {strides = array<i32>} : memref<80x16xf32, #tpu.memory_space<vmem>>, vector<1x16xf32>,
      %scan3A_131 = arith.constant 1 : i32
      %scan3A_132 = arith.addi %scan3A_114, %scan3A_131 : i32
      %mul3A_133 = arith.constant 1 : i32
      %mul3A_134 = arith.muli %scan3A_132, %mul3A_133 : i32
      %add3A_135 = arith.constant 0 : i32
      %add3A_136 = arith.addi %add3A_135, %mul3A_134 : i32
      %get3A_137 = arith.index_cast %add3A_136 : i32 to index
      %get3A_138 = arith.constant 0 : index
      %get3A_139 = tpu.vector_load %arg9[%get3A_137, %get3A_138] {strides = array<i32>} : memref<80x128xf32, #tpu.memory_space<vmem>>, vector<1x16xf32>,
      %get3A_140 = vector.shape_cast %get3A_139 : vector<1x16xf32> to vector<16xf32>
      %get3A_141 = arith.index_cast %add3A_136 : i32 to index
      %get3A_142 = arith.constant 0 : index
      %get3A_143 = tpu.vector_load %arg10[%get3A_141, %get3A_142] {strides = array<i32>} : memref<80x128xf32, #tpu.memory_space<vmem>>, vector<1x16xf32>,
      %get3A_144 = vector.shape_cast %get3A_143 : vector<1x16xf32> to vector<16xf32>
      %add3A_145 = arith.addf %get3A_140, %get3A_144 : vector<16xf32>
      %swap3A_146 = arith.index_cast %add3A_136 : i32 to index
      %swap3A_147 = arith.constant 0 : index
      %swap3A_148 = tpu.vector_load %arg13[%swap3A_146, %swap3A_147] {strides = array<i32>} : memref<80x16xf32, #tpu.memory_space<vmem>>, vector<1x16xf32>,
      %swap3A_149 = vector.shape_cast %swap3A_148 : vector<1x16xf32> to vector<16xf32>
      %swap3A_150 = vector.shape_cast %add3A_145 : vector<16xf32> to vector<1x16xf32>
      tpu.vector_store %arg13[%swap3A_146, %swap3A_147], %swap3A_150 {strides = array<i32>} : memref<80x16xf32, #tpu.memory_space<vmem>>, vector<1x16xf32>,
      %scan3A_151 = arith.constant 2 : i32
      %scan3A_152 = arith.addi %scan3A_114, %scan3A_151 : i32
      %mul3A_153 = arith.constant 1 : i32
      %mul3A_154 = arith.muli %scan3A_152, %mul3A_153 : i32
      %add3A_155 = arith.constant 0 : i32
      %add3A_156 = arith.addi %add3A_155, %mul3A_154 : i32
      %get3A_157 = arith.index_cast %add3A_156 : i32 to index
      %get3A_158 = arith.constant 0 : index
      %get3A_159 = tpu.vector_load %arg9[%get3A_157, %get3A_158] {strides = array<i32>} : memref<80x128xf32, #tpu.memory_space<vmem>>, vector<1x16xf32>,
      %get3A_160 = vector.shape_cast %get3A_159 : vector<1x16xf32> to vector<16xf32>
      %get3A_161 = arith.index_cast %add3A_156 : i32 to index
      %get3A_162 = arith.constant 0 : index
      %get3A_163 = tpu.vector_load %arg10[%get3A_161, %get3A_162] {strides = array<i32>} : memref<80x128xf32, #tpu.memory_space<vmem>>, vector<1x16xf32>,
      %get3A_164 = vector.shape_cast %get3A_163 : vector<1x16xf32> to vector<16xf32>
      %add3A_165 = arith.addf %get3A_160, %get3A_164 : vector<16xf32>
      %swap3A_166 = arith.index_cast %add3A_156 : i32 to index
      %swap3A_167 = arith.constant 0 : index
      %swap3A_168 = tpu.vector_load %arg13[%swap3A_166, %swap3A_167] {strides = array<i32>} : memref<80x16xf32, #tpu.memory_space<vmem>>, vector<1x16xf32>,
      %swap3A_169 = vector.shape_cast %swap3A_168 : vector<1x16xf32> to vector<16xf32>
      %swap3A_170 = vector.shape_cast %add3A_165 : vector<16xf32> to vector<1x16xf32>
      tpu.vector_store %arg13[%swap3A_166, %swap3A_167], %swap3A_170 {strides = array<i32>} : memref<80x16xf32, #tpu.memory_space<vmem>>, vector<1x16xf32>,
      %scan3A_171 = arith.constant 3 : i32
      %scan3A_172 = arith.addi %scan3A_114, %scan3A_171 : i32
      %mul3A_173 = arith.constant 1 : i32
      %mul3A_174 = arith.muli %scan3A_172, %mul3A_173 : i32
      %add3A_175 = arith.constant 0 : i32
      %add3A_176 = arith.addi %add3A_175, %mul3A_174 : i32
      %get3A_177 = arith.index_cast %add3A_176 : i32 to index
      %get3A_178 = arith.constant 0 : index
      %get3A_179 = tpu.vector_load %arg9[%get3A_177, %get3A_178] {strides = array<i32>} : memref<80x128xf32, #tpu.memory_space<vmem>>, vector<1x16xf32>,
      %get3A_180 = vector.shape_cast %get3A_179 : vector<1x16xf32> to vector<16xf32>
      %get3A_181 = arith.index_cast %add3A_176 : i32 to index
      %get3A_182 = arith.constant 0 : index
      %get3A_183 = tpu.vector_load %arg10[%get3A_181, %get3A_182] {strides = array<i32>} : memref<80x128xf32, #tpu.memory_space<vmem>>, vector<1x16xf32>,
      %get3A_184 = vector.shape_cast %get3A_183 : vector<1x16xf32> to vector<16xf32>
      %add3A_185 = arith.addf %get3A_180, %get3A_184 : vector<16xf32>
      %swap3A_186 = arith.index_cast %add3A_176 : i32 to index
      %swap3A_187 = arith.constant 0 : index
      %swap3A_188 = tpu.vector_load %arg13[%swap3A_186, %swap3A_187] {strides = array<i32>} : memref<80x16xf32, #tpu.memory_space<vmem>>, vector<1x16xf32>,
      %swap3A_189 = vector.shape_cast %swap3A_188 : vector<1x16xf32> to vector<16xf32>
      %swap3A_190 = vector.shape_cast %add3A_185 : vector<16xf32> to vector<1x16xf32>
      tpu.vector_store %arg13[%swap3A_186, %swap3A_187], %swap3A_190 {strides = array<i32>} : memref<80x16xf32, #tpu.memory_space<vmem>>, vector<1x16xf32>,
      %scan3A_191 = arith.constant 4 : i32
      %scan3A_192 = arith.addi %scan3A_114, %scan3A_191 : i32
      %mul3A_193 = arith.constant 1 : i32
      %mul3A_194 = arith.muli %scan3A_192, %mul3A_193 : i32
      %add3A_195 = arith.constant 0 : i32
      %add3A_196 = arith.addi %add3A_195, %mul3A_194 : i32
      %get3A_197 = arith.index_cast %add3A_196 : i32 to index
      %get3A_198 = arith.constant 0 : index
      %get3A_199 = tpu.vector_load %arg9[%get3A_197, %get3A_198] {strides = array<i32>} : memref<80x128xf32, #tpu.memory_space<vmem>>, vector<1x16xf32>,
      %get3A_200 = vector.shape_cast %get3A_199 : vector<1x16xf32> to vector<16xf32>
      %get3A_201 = arith.index_cast %add3A_196 : i32 to index
      %get3A_202 = arith.constant 0 : index
      %get3A_203 = tpu.vector_load %arg10[%get3A_201, %get3A_202] {strides = array<i32>} : memref<80x128xf32, #tpu.memory_space<vmem>>, vector<1x16xf32>,
      %get3A_204 = vector.shape_cast %get3A_203 : vector<1x16xf32> to vector<16xf32>
      %add3A_205 = arith.addf %get3A_200, %get3A_204 : vector<16xf32>
      %swap3A_206 = arith.index_cast %add3A_196 : i32 to index
      %swap3A_207 = arith.constant 0 : index
      %swap3A_208 = tpu.vector_load %arg13[%swap3A_206, %swap3A_207] {strides = array<i32>} : memref<80x16xf32, #tpu.memory_space<vmem>>, vector<1x16xf32>,
      %swap3A_209 = vector.shape_cast %swap3A_208 : vector<1x16xf32> to vector<16xf32>
      %swap3A_210 = vector.shape_cast %add3A_205 : vector<16xf32> to vector<1x16xf32>
      tpu.vector_store %arg13[%swap3A_206, %swap3A_207], %swap3A_210 {strides = array<i32>} : memref<80x16xf32, #tpu.memory_space<vmem>>, vector<1x16xf32>,
      %scan3A_211 = arith.constant 5 : i32
      %scan3A_212 = arith.addi %scan3A_114, %scan3A_211 : i32
      %mul3A_213 = arith.constant 1 : i32
      %mul3A_214 = arith.muli %scan3A_212, %mul3A_213 : i32
      %add3A_215 = arith.constant 0 : i32
      %add3A_216 = arith.addi %add3A_215, %mul3A_214 : i32
      %get3A_217 = arith.index_cast %add3A_216 : i32 to index
      %get3A_218 = arith.constant 0 : index
      %get3A_219 = tpu.vector_load %arg9[%get3A_217, %get3A_218] {strides = array<i32>} : memref<80x128xf32, #tpu.memory_space<vmem>>, vector<1x16xf32>,
      %get3A_220 = vector.shape_cast %get3A_219 : vector<1x16xf32> to vector<16xf32>
      %get3A_221 = arith.index_cast %add3A_216 : i32 to index
      %get3A_222 = arith.constant 0 : index
      %get3A_223 = tpu.vector_load %arg10[%get3A_221, %get3A_222] {strides = array<i32>} : memref<80x128xf32, #tpu.memory_space<vmem>>, vector<1x16xf32>,
      %get3A_224 = vector.shape_cast %get3A_223 : vector<1x16xf32> to vector<16xf32>
      %add3A_225 = arith.addf %get3A_220, %get3A_224 : vector<16xf32>
      %swap3A_226 = arith.index_cast %add3A_216 : i32 to index
      %swap3A_227 = arith.constant 0 : index
      %swap3A_228 = tpu.vector_load %arg13[%swap3A_226, %swap3A_227] {strides = array<i32>} : memref<80x16xf32, #tpu.memory_space<vmem>>, vector<1x16xf32>,
      %swap3A_229 = vector.shape_cast %swap3A_228 : vector<1x16xf32> to vector<16xf32>
      %swap3A_230 = vector.shape_cast %add3A_225 : vector<16xf32> to vector<1x16xf32>
      tpu.vector_store %arg13[%swap3A_226, %swap3A_227], %swap3A_230 {strides = array<i32>} : memref<80x16xf32, #tpu.memory_space<vmem>>, vector<1x16xf32>,
      %scan3A_231 = arith.constant 6 : i32
      %scan3A_232 = arith.addi %scan3A_114, %scan3A_231 : i32
      %mul3A_233 = arith.constant 1 : i32
      %mul3A_234 = arith.muli %scan3A_232, %mul3A_233 : i32
      %add3A_235 = arith.constant 0 : i32
      %add3A_236 = arith.addi %add3A_235, %mul3A_234 : i32
      %get3A_237 = arith.index_cast %add3A_236 : i32 to index
      %get3A_238 = arith.constant 0 : index
      %get3A_239 = tpu.vector_load %arg9[%get3A_237, %get3A_238] {strides = array<i32>} : memref<80x128xf32, #tpu.memory_space<vmem>>, vector<1x16xf32>,
      %get3A_240 = vector.shape_cast %get3A_239 : vector<1x16xf32> to vector<16xf32>
      %get3A_241 = arith.index_cast %add3A_236 : i32 to index
      %get3A_242 = arith.constant 0 : index
      %get3A_243 = tpu.vector_load %arg10[%get3A_241, %get3A_242] {strides = array<i32>} : memref<80x128xf32, #tpu.memory_space<vmem>>, vector<1x16xf32>,
      %get3A_244 = vector.shape_cast %get3A_243 : vector<1x16xf32> to vector<16xf32>
      %add3A_245 = arith.addf %get3A_240, %get3A_244 : vector<16xf32>
      %swap3A_246 = arith.index_cast %add3A_236 : i32 to index
      %swap3A_247 = arith.constant 0 : index
      %swap3A_248 = tpu.vector_load %arg13[%swap3A_246, %swap3A_247] {strides = array<i32>} : memref<80x16xf32, #tpu.memory_space<vmem>>, vector<1x16xf32>,
      %swap3A_249 = vector.shape_cast %swap3A_248 : vector<1x16xf32> to vector<16xf32>
      %swap3A_250 = vector.shape_cast %add3A_245 : vector<16xf32> to vector<1x16xf32>
      tpu.vector_store %arg13[%swap3A_246, %swap3A_247], %swap3A_250 {strides = array<i32>} : memref<80x16xf32, #tpu.memory_space<vmem>>, vector<1x16xf32>,
      %scan3A_251 = arith.constant 7 : i32
      %scan3A_252 = arith.addi %scan3A_114, %scan3A_251 : i32
      %mul3A_253 = arith.constant 1 : i32
      %mul3A_254 = arith.muli %scan3A_252, %mul3A_253 : i32
      %add3A_255 = arith.constant 0 : i32
      %add3A_256 = arith.addi %add3A_255, %mul3A_254 : i32
      %get3A_257 = arith.index_cast %add3A_256 : i32 to index
      %get3A_258 = arith.constant 0 : index
      %get3A_259 = tpu.vector_load %arg9[%get3A_257, %get3A_258] {strides = array<i32>} : memref<80x128xf32, #tpu.memory_space<vmem>>, vector<1x16xf32>,
      %get3A_260 = vector.shape_cast %get3A_259 : vector<1x16xf32> to vector<16xf32>
      %get3A_261 = arith.index_cast %add3A_256 : i32 to index
      %get3A_262 = arith.constant 0 : index
      %get3A_263 = tpu.vector_load %arg10[%get3A_261, %get3A_262] {strides = array<i32>} : memref<80x128xf32, #tpu.memory_space<vmem>>, vector<1x16xf32>,
      %get3A_264 = vector.shape_cast %get3A_263 : vector<1x16xf32> to vector<16xf32>
      %add3A_265 = arith.addf %get3A_260, %get3A_264 : vector<16xf32>
      %swap3A_266 = arith.index_cast %add3A_256 : i32 to index
      %swap3A_267 = arith.constant 0 : index
      %swap3A_268 = tpu.vector_load %arg13[%swap3A_266, %swap3A_267] {strides = array<i32>} : memref<80x16xf32, #tpu.memory_space<vmem>>, vector<1x16xf32>,
      %swap3A_269 = vector.shape_cast %swap3A_268 : vector<1x16xf32> to vector<16xf32>
      %swap3A_270 = vector.shape_cast %add3A_265 : vector<16xf32> to vector<1x16xf32>
      tpu.vector_store %arg13[%swap3A_266, %swap3A_267], %swap3A_270 {strides = array<i32>} : memref<80x16xf32, #tpu.memory_space<vmem>>, vector<1x16xf32>,
    }
    %scan3A_49 = arith.constant 80 : i32
    %mul3A_50 = arith.constant 10000 : i32
    %mul3A_51 = arith.muli %add3A, %mul3A_50 : i32
    %add3A_52 = arith.constant 9760 : i32
    %add3A_53 = arith.addi %mul3A_51, %add3A_52 : i32
    "tpu.region"() ({
      %run_scoped3A = tpu.sem_alloc : memref<!tpu.dma_semaphore, #tpu.memory_space<semaphore_mem>>
      %dma_start3A_114 = arith.constant 0 : i32
      %dma_start3A_115 = tpu.memref_slice %arg6[%add3A_53, %dma_start3A_114] : memref<320000x16xf32, #tpu.memory_space<hbm>> -> memref<80x16xf32, #tpu.memory_space<hbm>>
      %dma_start3A_116 = arith.constant 0 : i32
      %dma_start3A_117 = tpu.memref_slice %arg6[%add3A_53, %dma_start3A_116] : memref<320000x16xf32, #tpu.memory_space<hbm>> -> memref<80x16xf32, #tpu.memory_space<hbm>>
      tpu.enqueue_dma source(%arg13 : memref<80x16xf32, #tpu.memory_space<vmem>>) target(%dma_start3A_117 : memref<80x16xf32, #tpu.memory_space<hbm>>) target_semaphore(%run_scoped3A : memref<!tpu.dma_semaphore, #tpu.memory_space<semaphore_mem>>)
      %dma_wait3A_118 = arith.constant 0 : i32
      %dma_wait3A_119 = tpu.memref_slice %arg6[%add3A_53, %dma_wait3A_118] : memref<320000x16xf32, #tpu.memory_space<hbm>> -> memref<80x16xf32, #tpu.memory_space<hbm>>
      %dma_wait3A_120 = arith.constant 0 : i32
      %dma_wait3A_121 = tpu.memref_slice %arg6[%add3A_53, %dma_wait3A_120] : memref<320000x16xf32, #tpu.memory_space<hbm>> -> memref<80x16xf32, #tpu.memory_space<hbm>>
      tpu.wait_dma2 semaphore(%run_scoped3A : memref<!tpu.dma_semaphore, #tpu.memory_space<semaphore_mem>>) src(%arg13 : memref<80x16xf32, #tpu.memory_space<vmem>>) dst(%dma_wait3A_121 : memref<80x16xf32, #tpu.memory_space<hbm>>)
      tpu.yield
    }) : () -> ()
    %dma_start3A_54 = arith.constant 124 : i32
    %dma_start3A_55 = arith.constant 0 : i32
    %dma_start3A_56 = tpu.memref_slice %arg7[%dma_start3A_54, %dma_start3A_55] : memref<125x80xi32, #tpu.memory_space<vmem>> -> memref<1x80xi32, #tpu.memory_space<vmem>>
    %dma_start3A_57 = tpu.memref_squeeze %dma_start3A_56 : memref<1x80xi32, #tpu.memory_space<vmem>> -> memref<80xi32, #tpu.memory_space<vmem>>
    %dma_start3A_58 = arith.constant 0 : i32
    %dma_start3A_59 = arith.constant 0 : i32
    %dma_start3A_60 = tpu.memref_slice %arg2[%dma_start3A_58, %dma_start3A_59] : memref<10240x128xf32, #tpu.memory_space<hbm>> -> memref<10240x128xf32, #tpu.memory_space<hbm>>
    tpu.enqueue_indirect_dma source(%dma_start3A_60 : memref<10240x128xf32, #tpu.memory_space<hbm>>) target(%arg9 : memref<80x128xf32, #tpu.memory_space<vmem>>) offsets(%dma_start3A_57 : memref<80xi32, #tpu.memory_space<vmem>>) semaphore(%arg15 : memref<!tpu.dma_semaphore, #tpu.memory_space<semaphore_mem>>)
    %dma_start3A_61 = arith.constant 124 : i32
    %dma_start3A_62 = arith.constant 0 : i32
    %dma_start3A_63 = tpu.memref_slice %arg8[%dma_start3A_61, %dma_start3A_62] : memref<125x80xi32, #tpu.memory_space<vmem>> -> memref<1x80xi32, #tpu.memory_space<vmem>>
    %dma_start3A_64 = tpu.memref_squeeze %dma_start3A_63 : memref<1x80xi32, #tpu.memory_space<vmem>> -> memref<80xi32, #tpu.memory_space<vmem>>
    %dma_start3A_65 = arith.constant 0 : i32
    %dma_start3A_66 = arith.constant 0 : i32
    %dma_start3A_67 = tpu.memref_slice %arg3[%dma_start3A_65, %dma_start3A_66] : memref<10240x128xf32, #tpu.memory_space<hbm>> -> memref<10240x128xf32, #tpu.memory_space<hbm>>
    tpu.enqueue_indirect_dma source(%dma_start3A_67 : memref<10240x128xf32, #tpu.memory_space<hbm>>) target(%arg10 : memref<80x128xf32, #tpu.memory_space<vmem>>) offsets(%dma_start3A_64 : memref<80xi32, #tpu.memory_space<vmem>>) semaphore(%arg16 : memref<!tpu.dma_semaphore, #tpu.memory_space<semaphore_mem>>)
    %dma_wait3A_68 = arith.constant 0 : i32
    %dma_wait3A_69 = arith.constant 0 : i32
    %dma_wait3A_70 = tpu.memref_slice %arg7[%dma_wait3A_68, %dma_wait3A_69] : memref<125x80xi32, #tpu.memory_space<vmem>> -> memref<1x80xi32, #tpu.memory_space<vmem>>
    %dma_wait3A_71 = tpu.memref_squeeze %dma_wait3A_70 : memref<1x80xi32, #tpu.memory_space<vmem>> -> memref<80xi32, #tpu.memory_space<vmem>>
    %dma_wait3A_72 = arith.constant 0 : i32
    %dma_wait3A_73 = arith.constant 0 : i32
    %dma_wait3A_74 = tpu.memref_slice %arg2[%dma_wait3A_72, %dma_wait3A_73] : memref<10240x128xf32, #tpu.memory_space<hbm>> -> memref<10240x128xf32, #tpu.memory_space<hbm>>
    tpu.wait_indirect_dma semaphore(%arg17 : memref<!tpu.dma_semaphore, #tpu.memory_space<semaphore_mem>>) src(%dma_wait3A_74 : memref<10240x128xf32, #tpu.memory_space<hbm>>) dst(%arg11 : memref<80x128xf32, #tpu.memory_space<vmem>>)
    %dma_wait3A_75 = arith.constant 0 : i32
    %dma_wait3A_76 = arith.constant 0 : i32
    %dma_wait3A_77 = tpu.memref_slice %arg8[%dma_wait3A_75, %dma_wait3A_76] : memref<125x80xi32, #tpu.memory_space<vmem>> -> memref<1x80xi32, #tpu.memory_space<vmem>>
    %dma_wait3A_78 = tpu.memref_squeeze %dma_wait3A_77 : memref<1x80xi32, #tpu.memory_space<vmem>> -> memref<80xi32, #tpu.memory_space<vmem>>
    %dma_wait3A_79 = arith.constant 0 : i32
    %dma_wait3A_80 = arith.constant 0 : i32
    %dma_wait3A_81 = tpu.memref_slice %arg3[%dma_wait3A_79, %dma_wait3A_80] : memref<10240x128xf32, #tpu.memory_space<hbm>> -> memref<10240x128xf32, #tpu.memory_space<hbm>>
    tpu.wait_indirect_dma semaphore(%arg18 : memref<!tpu.dma_semaphore, #tpu.memory_space<semaphore_mem>>) src(%dma_wait3A_81 : memref<10240x128xf32, #tpu.memory_space<hbm>>) dst(%arg12 : memref<80x128xf32, #tpu.memory_space<vmem>>)
    %scan3A_82 = arith.constant 0 : i32
    %scan3A_83 = arith.constant 80 : i32
    %scan3A_84 = arith.addi %scan3A_82, %scan3A_83 : i32
    %scan3A_85 = arith.constant 8 : i32
    scf.for %scan3A_114 = %scan3A_82 to %scan3A_84 step %scan3A_85  : i32 {
      %mul3A_115 = arith.constant 1 : i32
      %mul3A_116 = arith.muli %scan3A_114, %mul3A_115 : i32
      %add3A_117 = arith.constant 0 : i32
      %add3A_118 = arith.addi %add3A_117, %mul3A_116 : i32
      %get3A = arith.index_cast %add3A_118 : i32 to index
      %get3A_119 = arith.constant 0 : index
      %get3A_120 = tpu.vector_load %arg11[%get3A, %get3A_119] {strides = array<i32>} : memref<80x128xf32, #tpu.memory_space<vmem>>, vector<1x16xf32>,
      %get3A_121 = vector.shape_cast %get3A_120 : vector<1x16xf32> to vector<16xf32>
      %get3A_122 = arith.index_cast %add3A_118 : i32 to index
      %get3A_123 = arith.constant 0 : index
      %get3A_124 = tpu.vector_load %arg12[%get3A_122, %get3A_123] {strides = array<i32>} : memref<80x128xf32, #tpu.memory_space<vmem>>, vector<1x16xf32>,
      %get3A_125 = vector.shape_cast %get3A_124 : vector<1x16xf32> to vector<16xf32>
      %add3A_126 = arith.addf %get3A_121, %get3A_125 : vector<16xf32>
      %swap3A = arith.index_cast %add3A_118 : i32 to index
      %swap3A_127 = arith.constant 0 : index
      %swap3A_128 = tpu.vector_load %arg14[%swap3A, %swap3A_127] {strides = array<i32>} : memref<80x16xf32, #tpu.memory_space<vmem>>, vector<1x16xf32>,
      %swap3A_129 = vector.shape_cast %swap3A_128 : vector<1x16xf32> to vector<16xf32>
      %swap3A_130 = vector.shape_cast %add3A_126 : vector<16xf32> to vector<1x16xf32>
      tpu.vector_store %arg14[%swap3A, %swap3A_127], %swap3A_130 {strides = array<i32>} : memref<80x16xf32, #tpu.memory_space<vmem>>, vector<1x16xf32>,
      %scan3A_131 = arith.constant 1 : i32
      %scan3A_132 = arith.addi %scan3A_114, %scan3A_131 : i32
      %mul3A_133 = arith.constant 1 : i32
      %mul3A_134 = arith.muli %scan3A_132, %mul3A_133 : i32
      %add3A_135 = arith.constant 0 : i32
      %add3A_136 = arith.addi %add3A_135, %mul3A_134 : i32
      %get3A_137 = arith.index_cast %add3A_136 : i32 to index
      %get3A_138 = arith.constant 0 : index
      %get3A_139 = tpu.vector_load %arg11[%get3A_137, %get3A_138] {strides = array<i32>} : memref<80x128xf32, #tpu.memory_space<vmem>>, vector<1x16xf32>,
      %get3A_140 = vector.shape_cast %get3A_139 : vector<1x16xf32> to vector<16xf32>
      %get3A_141 = arith.index_cast %add3A_136 : i32 to index
      %get3A_142 = arith.constant 0 : index
      %get3A_143 = tpu.vector_load %arg12[%get3A_141, %get3A_142] {strides = array<i32>} : memref<80x128xf32, #tpu.memory_space<vmem>>, vector<1x16xf32>,
      %get3A_144 = vector.shape_cast %get3A_143 : vector<1x16xf32> to vector<16xf32>
      %add3A_145 = arith.addf %get3A_140, %get3A_144 : vector<16xf32>
      %swap3A_146 = arith.index_cast %add3A_136 : i32 to index
      %swap3A_147 = arith.constant 0 : index
      %swap3A_148 = tpu.vector_load %arg14[%swap3A_146, %swap3A_147] {strides = array<i32>} : memref<80x16xf32, #tpu.memory_space<vmem>>, vector<1x16xf32>,
      %swap3A_149 = vector.shape_cast %swap3A_148 : vector<1x16xf32> to vector<16xf32>
      %swap3A_150 = vector.shape_cast %add3A_145 : vector<16xf32> to vector<1x16xf32>
      tpu.vector_store %arg14[%swap3A_146, %swap3A_147], %swap3A_150 {strides = array<i32>} : memref<80x16xf32, #tpu.memory_space<vmem>>, vector<1x16xf32>,
      %scan3A_151 = arith.constant 2 : i32
      %scan3A_152 = arith.addi %scan3A_114, %scan3A_151 : i32
      %mul3A_153 = arith.constant 1 : i32
      %mul3A_154 = arith.muli %scan3A_152, %mul3A_153 : i32
      %add3A_155 = arith.constant 0 : i32
      %add3A_156 = arith.addi %add3A_155, %mul3A_154 : i32
      %get3A_157 = arith.index_cast %add3A_156 : i32 to index
      %get3A_158 = arith.constant 0 : index
      %get3A_159 = tpu.vector_load %arg11[%get3A_157, %get3A_158] {strides = array<i32>} : memref<80x128xf32, #tpu.memory_space<vmem>>, vector<1x16xf32>,
      %get3A_160 = vector.shape_cast %get3A_159 : vector<1x16xf32> to vector<16xf32>
      %get3A_161 = arith.index_cast %add3A_156 : i32 to index
      %get3A_162 = arith.constant 0 : index
      %get3A_163 = tpu.vector_load %arg12[%get3A_161, %get3A_162] {strides = array<i32>} : memref<80x128xf32, #tpu.memory_space<vmem>>, vector<1x16xf32>,
      %get3A_164 = vector.shape_cast %get3A_163 : vector<1x16xf32> to vector<16xf32>
      %add3A_165 = arith.addf %get3A_160, %get3A_164 : vector<16xf32>
      %swap3A_166 = arith.index_cast %add3A_156 : i32 to index
      %swap3A_167 = arith.constant 0 : index
      %swap3A_168 = tpu.vector_load %arg14[%swap3A_166, %swap3A_167] {strides = array<i32>} : memref<80x16xf32, #tpu.memory_space<vmem>>, vector<1x16xf32>,
      %swap3A_169 = vector.shape_cast %swap3A_168 : vector<1x16xf32> to vector<16xf32>
      %swap3A_170 = vector.shape_cast %add3A_165 : vector<16xf32> to vector<1x16xf32>
      tpu.vector_store %arg14[%swap3A_166, %swap3A_167], %swap3A_170 {strides = array<i32>} : memref<80x16xf32, #tpu.memory_space<vmem>>, vector<1x16xf32>,
      %scan3A_171 = arith.constant 3 : i32
      %scan3A_172 = arith.addi %scan3A_114, %scan3A_171 : i32
      %mul3A_173 = arith.constant 1 : i32
      %mul3A_174 = arith.muli %scan3A_172, %mul3A_173 : i32
      %add3A_175 = arith.constant 0 : i32
      %add3A_176 = arith.addi %add3A_175, %mul3A_174 : i32
      %get3A_177 = arith.index_cast %add3A_176 : i32 to index
      %get3A_178 = arith.constant 0 : index
      %get3A_179 = tpu.vector_load %arg11[%get3A_177, %get3A_178] {strides = array<i32>} : memref<80x128xf32, #tpu.memory_space<vmem>>, vector<1x16xf32>,
      %get3A_180 = vector.shape_cast %get3A_179 : vector<1x16xf32> to vector<16xf32>
      %get3A_181 = arith.index_cast %add3A_176 : i32 to index
      %get3A_182 = arith.constant 0 : index
      %get3A_183 = tpu.vector_load %arg12[%get3A_181, %get3A_182] {strides = array<i32>} : memref<80x128xf32, #tpu.memory_space<vmem>>, vector<1x16xf32>,
      %get3A_184 = vector.shape_cast %get3A_183 : vector<1x16xf32> to vector<16xf32>
      %add3A_185 = arith.addf %get3A_180, %get3A_184 : vector<16xf32>
      %swap3A_186 = arith.index_cast %add3A_176 : i32 to index
      %swap3A_187 = arith.constant 0 : index
      %swap3A_188 = tpu.vector_load %arg14[%swap3A_186, %swap3A_187] {strides = array<i32>} : memref<80x16xf32, #tpu.memory_space<vmem>>, vector<1x16xf32>,
      %swap3A_189 = vector.shape_cast %swap3A_188 : vector<1x16xf32> to vector<16xf32>
      %swap3A_190 = vector.shape_cast %add3A_185 : vector<16xf32> to vector<1x16xf32>
      tpu.vector_store %arg14[%swap3A_186, %swap3A_187], %swap3A_190 {strides = array<i32>} : memref<80x16xf32, #tpu.memory_space<vmem>>, vector<1x16xf32>,
      %scan3A_191 = arith.constant 4 : i32
      %scan3A_192 = arith.addi %scan3A_114, %scan3A_191 : i32
      %mul3A_193 = arith.constant 1 : i32
      %mul3A_194 = arith.muli %scan3A_192, %mul3A_193 : i32
      %add3A_195 = arith.constant 0 : i32
      %add3A_196 = arith.addi %add3A_195, %mul3A_194 : i32
      %get3A_197 = arith.index_cast %add3A_196 : i32 to index
      %get3A_198 = arith.constant 0 : index
      %get3A_199 = tpu.vector_load %arg11[%get3A_197, %get3A_198] {strides = array<i32>} : memref<80x128xf32, #tpu.memory_space<vmem>>, vector<1x16xf32>,
      %get3A_200 = vector.shape_cast %get3A_199 : vector<1x16xf32> to vector<16xf32>
      %get3A_201 = arith.index_cast %add3A_196 : i32 to index
      %get3A_202 = arith.constant 0 : index
      %get3A_203 = tpu.vector_load %arg12[%get3A_201, %get3A_202] {strides = array<i32>} : memref<80x128xf32, #tpu.memory_space<vmem>>, vector<1x16xf32>,
      %get3A_204 = vector.shape_cast %get3A_203 : vector<1x16xf32> to vector<16xf32>
      %add3A_205 = arith.addf %get3A_200, %get3A_204 : vector<16xf32>
      %swap3A_206 = arith.index_cast %add3A_196 : i32 to index
      %swap3A_207 = arith.constant 0 : index
      %swap3A_208 = tpu.vector_load %arg14[%swap3A_206, %swap3A_207] {strides = array<i32>} : memref<80x16xf32, #tpu.memory_space<vmem>>, vector<1x16xf32>,
      %swap3A_209 = vector.shape_cast %swap3A_208 : vector<1x16xf32> to vector<16xf32>
      %swap3A_210 = vector.shape_cast %add3A_205 : vector<16xf32> to vector<1x16xf32>
      tpu.vector_store %arg14[%swap3A_206, %swap3A_207], %swap3A_210 {strides = array<i32>} : memref<80x16xf32, #tpu.memory_space<vmem>>, vector<1x16xf32>,
      %scan3A_211 = arith.constant 5 : i32
      %scan3A_212 = arith.addi %scan3A_114, %scan3A_211 : i32
      %mul3A_213 = arith.constant 1 : i32
      %mul3A_214 = arith.muli %scan3A_212, %mul3A_213 : i32
      %add3A_215 = arith.constant 0 : i32
      %add3A_216 = arith.addi %add3A_215, %mul3A_214 : i32
      %get3A_217 = arith.index_cast %add3A_216 : i32 to index
      %get3A_218 = arith.constant 0 : index
      %get3A_219 = tpu.vector_load %arg11[%get3A_217, %get3A_218] {strides = array<i32>} : memref<80x128xf32, #tpu.memory_space<vmem>>, vector<1x16xf32>,
      %get3A_220 = vector.shape_cast %get3A_219 : vector<1x16xf32> to vector<16xf32>
      %get3A_221 = arith.index_cast %add3A_216 : i32 to index
      %get3A_222 = arith.constant 0 : index
      %get3A_223 = tpu.vector_load %arg12[%get3A_221, %get3A_222] {strides = array<i32>} : memref<80x128xf32, #tpu.memory_space<vmem>>, vector<1x16xf32>,
      %get3A_224 = vector.shape_cast %get3A_223 : vector<1x16xf32> to vector<16xf32>
      %add3A_225 = arith.addf %get3A_220, %get3A_224 : vector<16xf32>
      %swap3A_226 = arith.index_cast %add3A_216 : i32 to index
      %swap3A_227 = arith.constant 0 : index
      %swap3A_228 = tpu.vector_load %arg14[%swap3A_226, %swap3A_227] {strides = array<i32>} : memref<80x16xf32, #tpu.memory_space<vmem>>, vector<1x16xf32>,
      %swap3A_229 = vector.shape_cast %swap3A_228 : vector<1x16xf32> to vector<16xf32>
      %swap3A_230 = vector.shape_cast %add3A_225 : vector<16xf32> to vector<1x16xf32>
      tpu.vector_store %arg14[%swap3A_226, %swap3A_227], %swap3A_230 {strides = array<i32>} : memref<80x16xf32, #tpu.memory_space<vmem>>, vector<1x16xf32>,
      %scan3A_231 = arith.constant 6 : i32
      %scan3A_232 = arith.addi %scan3A_114, %scan3A_231 : i32
      %mul3A_233 = arith.constant 1 : i32
      %mul3A_234 = arith.muli %scan3A_232, %mul3A_233 : i32
      %add3A_235 = arith.constant 0 : i32
      %add3A_236 = arith.addi %add3A_235, %mul3A_234 : i32
      %get3A_237 = arith.index_cast %add3A_236 : i32 to index
      %get3A_238 = arith.constant 0 : index
      %get3A_239 = tpu.vector_load %arg11[%get3A_237, %get3A_238] {strides = array<i32>} : memref<80x128xf32, #tpu.memory_space<vmem>>, vector<1x16xf32>,
      %get3A_240 = vector.shape_cast %get3A_239 : vector<1x16xf32> to vector<16xf32>
      %get3A_241 = arith.index_cast %add3A_236 : i32 to index
      %get3A_242 = arith.constant 0 : index
      %get3A_243 = tpu.vector_load %arg12[%get3A_241, %get3A_242] {strides = array<i32>} : memref<80x128xf32, #tpu.memory_space<vmem>>, vector<1x16xf32>,
      %get3A_244 = vector.shape_cast %get3A_243 : vector<1x16xf32> to vector<16xf32>
      %add3A_245 = arith.addf %get3A_240, %get3A_244 : vector<16xf32>
      %swap3A_246 = arith.index_cast %add3A_236 : i32 to index
      %swap3A_247 = arith.constant 0 : index
      %swap3A_248 = tpu.vector_load %arg14[%swap3A_246, %swap3A_247] {strides = array<i32>} : memref<80x16xf32, #tpu.memory_space<vmem>>, vector<1x16xf32>,
      %swap3A_249 = vector.shape_cast %swap3A_248 : vector<1x16xf32> to vector<16xf32>
      %swap3A_250 = vector.shape_cast %add3A_245 : vector<16xf32> to vector<1x16xf32>
      tpu.vector_store %arg14[%swap3A_246, %swap3A_247], %swap3A_250 {strides = array<i32>} : memref<80x16xf32, #tpu.memory_space<vmem>>, vector<1x16xf32>,
      %scan3A_251 = arith.constant 7 : i32
      %scan3A_252 = arith.addi %scan3A_114, %scan3A_251 : i32
      %mul3A_253 = arith.constant 1 : i32
      %mul3A_254 = arith.muli %scan3A_252, %mul3A_253 : i32
      %add3A_255 = arith.constant 0 : i32
      %add3A_256 = arith.addi %add3A_255, %mul3A_254 : i32
      %get3A_257 = arith.index_cast %add3A_256 : i32 to index
      %get3A_258 = arith.constant 0 : index
      %get3A_259 = tpu.vector_load %arg11[%get3A_257, %get3A_258] {strides = array<i32>} : memref<80x128xf32, #tpu.memory_space<vmem>>, vector<1x16xf32>,
      %get3A_260 = vector.shape_cast %get3A_259 : vector<1x16xf32> to vector<16xf32>
      %get3A_261 = arith.index_cast %add3A_256 : i32 to index
      %get3A_262 = arith.constant 0 : index
      %get3A_263 = tpu.vector_load %arg12[%get3A_261, %get3A_262] {strides = array<i32>} : memref<80x128xf32, #tpu.memory_space<vmem>>, vector<1x16xf32>,
      %get3A_264 = vector.shape_cast %get3A_263 : vector<1x16xf32> to vector<16xf32>
      %add3A_265 = arith.addf %get3A_260, %get3A_264 : vector<16xf32>
      %swap3A_266 = arith.index_cast %add3A_256 : i32 to index
      %swap3A_267 = arith.constant 0 : index
      %swap3A_268 = tpu.vector_load %arg14[%swap3A_266, %swap3A_267] {strides = array<i32>} : memref<80x16xf32, #tpu.memory_space<vmem>>, vector<1x16xf32>,
      %swap3A_269 = vector.shape_cast %swap3A_268 : vector<1x16xf32> to vector<16xf32>
      %swap3A_270 = vector.shape_cast %add3A_265 : vector<16xf32> to vector<1x16xf32>
      tpu.vector_store %arg14[%swap3A_266, %swap3A_267], %swap3A_270 {strides = array<i32>} : memref<80x16xf32, #tpu.memory_space<vmem>>, vector<1x16xf32>,
    }
    %scan3A_86 = arith.constant 80 : i32
    %mul3A_87 = arith.constant 10000 : i32
    %mul3A_88 = arith.muli %add3A, %mul3A_87 : i32
    %add3A_89 = arith.constant 9840 : i32
    %add3A_90 = arith.addi %mul3A_88, %add3A_89 : i32
    "tpu.region"() ({
      %run_scoped3A = tpu.sem_alloc : memref<!tpu.dma_semaphore, #tpu.memory_space<semaphore_mem>>
      %dma_start3A_114 = arith.constant 0 : i32
      %dma_start3A_115 = tpu.memref_slice %arg6[%add3A_90, %dma_start3A_114] : memref<320000x16xf32, #tpu.memory_space<hbm>> -> memref<80x16xf32, #tpu.memory_space<hbm>>
      %dma_start3A_116 = arith.constant 0 : i32
      %dma_start3A_117 = tpu.memref_slice %arg6[%add3A_90, %dma_start3A_116] : memref<320000x16xf32, #tpu.memory_space<hbm>> -> memref<80x16xf32, #tpu.memory_space<hbm>>
      tpu.enqueue_dma source(%arg14 : memref<80x16xf32, #tpu.memory_space<vmem>>) target(%dma_start3A_117 : memref<80x16xf32, #tpu.memory_space<hbm>>) target_semaphore(%run_scoped3A : memref<!tpu.dma_semaphore, #tpu.memory_space<semaphore_mem>>)
      %dma_wait3A_118 = arith.constant 0 : i32
      %dma_wait3A_119 = tpu.memref_slice %arg6[%add3A_90, %dma_wait3A_118] : memref<320000x16xf32, #tpu.memory_space<hbm>> -> memref<80x16xf32, #tpu.memory_space<hbm>>
      %dma_wait3A_120 = arith.constant 0 : i32
      %dma_wait3A_121 = tpu.memref_slice %arg6[%add3A_90, %dma_wait3A_120] : memref<320000x16xf32, #tpu.memory_space<hbm>> -> memref<80x16xf32, #tpu.memory_space<hbm>>
      tpu.wait_dma2 semaphore(%run_scoped3A : memref<!tpu.dma_semaphore, #tpu.memory_space<semaphore_mem>>) src(%arg14 : memref<80x16xf32, #tpu.memory_space<vmem>>) dst(%dma_wait3A_121 : memref<80x16xf32, #tpu.memory_space<hbm>>)
      tpu.yield
    }) : () -> ()
    %dma_wait3A_91 = arith.constant 0 : i32
    %dma_wait3A_92 = arith.constant 0 : i32
    %dma_wait3A_93 = tpu.memref_slice %arg7[%dma_wait3A_91, %dma_wait3A_92] : memref<125x80xi32, #tpu.memory_space<vmem>> -> memref<1x80xi32, #tpu.memory_space<vmem>>
    %dma_wait3A_94 = tpu.memref_squeeze %dma_wait3A_93 : memref<1x80xi32, #tpu.memory_space<vmem>> -> memref<80xi32, #tpu.memory_space<vmem>>
    %dma_wait3A_95 = arith.constant 0 : i32
    %dma_wait3A_96 = arith.constant 0 : i32
    %dma_wait3A_97 = tpu.memref_slice %arg2[%dma_wait3A_95, %dma_wait3A_96] : memref<10240x128xf32, #tpu.memory_space<hbm>> -> memref<10240x128xf32, #tpu.memory_space<hbm>>
    tpu.wait_indirect_dma semaphore(%arg15 : memref<!tpu.dma_semaphore, #tpu.memory_space<semaphore_mem>>) src(%dma_wait3A_97 : memref<10240x128xf32, #tpu.memory_space<hbm>>) dst(%arg9 : memref<80x128xf32, #tpu.memory_space<vmem>>)
    %dma_wait3A_98 = arith.constant 0 : i32
    %dma_wait3A_99 = arith.constant 0 : i32
    %dma_wait3A_100 = tpu.memref_slice %arg8[%dma_wait3A_98, %dma_wait3A_99] : memref<125x80xi32, #tpu.memory_space<vmem>> -> memref<1x80xi32, #tpu.memory_space<vmem>>
    %dma_wait3A_101 = tpu.memref_squeeze %dma_wait3A_100 : memref<1x80xi32, #tpu.memory_space<vmem>> -> memref<80xi32, #tpu.memory_space<vmem>>
    %dma_wait3A_102 = arith.constant 0 : i32
    %dma_wait3A_103 = arith.constant 0 : i32
    %dma_wait3A_104 = tpu.memref_slice %arg3[%dma_wait3A_102, %dma_wait3A_103] : memref<10240x128xf32, #tpu.memory_space<hbm>> -> memref<10240x128xf32, #tpu.memory_space<hbm>>
    tpu.wait_indirect_dma semaphore(%arg16 : memref<!tpu.dma_semaphore, #tpu.memory_space<semaphore_mem>>) src(%dma_wait3A_104 : memref<10240x128xf32, #tpu.memory_space<hbm>>) dst(%arg10 : memref<80x128xf32, #tpu.memory_space<vmem>>)
    %scan3A_105 = arith.constant 0 : i32
    %scan3A_106 = arith.constant 80 : i32
    %scan3A_107 = arith.addi %scan3A_105, %scan3A_106 : i32
    %scan3A_108 = arith.constant 8 : i32
    scf.for %scan3A_114 = %scan3A_105 to %scan3A_107 step %scan3A_108  : i32 {
      %mul3A_115 = arith.constant 1 : i32
      %mul3A_116 = arith.muli %scan3A_114, %mul3A_115 : i32
      %add3A_117 = arith.constant 0 : i32
      %add3A_118 = arith.addi %add3A_117, %mul3A_116 : i32
      %get3A = arith.index_cast %add3A_118 : i32 to index
      %get3A_119 = arith.constant 0 : index
      %get3A_120 = tpu.vector_load %arg9[%get3A, %get3A_119] {strides = array<i32>} : memref<80x128xf32, #tpu.memory_space<vmem>>, vector<1x16xf32>,
      %get3A_121 = vector.shape_cast %get3A_120 : vector<1x16xf32> to vector<16xf32>
      %get3A_122 = arith.index_cast %add3A_118 : i32 to index
      %get3A_123 = arith.constant 0 : index
      %get3A_124 = tpu.vector_load %arg10[%get3A_122, %get3A_123] {strides = array<i32>} : memref<80x128xf32, #tpu.memory_space<vmem>>, vector<1x16xf32>,
      %get3A_125 = vector.shape_cast %get3A_124 : vector<1x16xf32> to vector<16xf32>
      %add3A_126 = arith.addf %get3A_121, %get3A_125 : vector<16xf32>
      %swap3A = arith.index_cast %add3A_118 : i32 to index
      %swap3A_127 = arith.constant 0 : index
      %swap3A_128 = tpu.vector_load %arg13[%swap3A, %swap3A_127] {strides = array<i32>} : memref<80x16xf32, #tpu.memory_space<vmem>>, vector<1x16xf32>,
      %swap3A_129 = vector.shape_cast %swap3A_128 : vector<1x16xf32> to vector<16xf32>
      %swap3A_130 = vector.shape_cast %add3A_126 : vector<16xf32> to vector<1x16xf32>
      tpu.vector_store %arg13[%swap3A, %swap3A_127], %swap3A_130 {strides = array<i32>} : memref<80x16xf32, #tpu.memory_space<vmem>>, vector<1x16xf32>,
      %scan3A_131 = arith.constant 1 : i32
      %scan3A_132 = arith.addi %scan3A_114, %scan3A_131 : i32
      %mul3A_133 = arith.constant 1 : i32
      %mul3A_134 = arith.muli %scan3A_132, %mul3A_133 : i32
      %add3A_135 = arith.constant 0 : i32
      %add3A_136 = arith.addi %add3A_135, %mul3A_134 : i32
      %get3A_137 = arith.index_cast %add3A_136 : i32 to index
      %get3A_138 = arith.constant 0 : index
      %get3A_139 = tpu.vector_load %arg9[%get3A_137, %get3A_138] {strides = array<i32>} : memref<80x128xf32, #tpu.memory_space<vmem>>, vector<1x16xf32>,
      %get3A_140 = vector.shape_cast %get3A_139 : vector<1x16xf32> to vector<16xf32>
      %get3A_141 = arith.index_cast %add3A_136 : i32 to index
      %get3A_142 = arith.constant 0 : index
      %get3A_143 = tpu.vector_load %arg10[%get3A_141, %get3A_142] {strides = array<i32>} : memref<80x128xf32, #tpu.memory_space<vmem>>, vector<1x16xf32>,
      %get3A_144 = vector.shape_cast %get3A_143 : vector<1x16xf32> to vector<16xf32>
      %add3A_145 = arith.addf %get3A_140, %get3A_144 : vector<16xf32>
      %swap3A_146 = arith.index_cast %add3A_136 : i32 to index
      %swap3A_147 = arith.constant 0 : index
      %swap3A_148 = tpu.vector_load %arg13[%swap3A_146, %swap3A_147] {strides = array<i32>} : memref<80x16xf32, #tpu.memory_space<vmem>>, vector<1x16xf32>,
      %swap3A_149 = vector.shape_cast %swap3A_148 : vector<1x16xf32> to vector<16xf32>
      %swap3A_150 = vector.shape_cast %add3A_145 : vector<16xf32> to vector<1x16xf32>
      tpu.vector_store %arg13[%swap3A_146, %swap3A_147], %swap3A_150 {strides = array<i32>} : memref<80x16xf32, #tpu.memory_space<vmem>>, vector<1x16xf32>,
      %scan3A_151 = arith.constant 2 : i32
      %scan3A_152 = arith.addi %scan3A_114, %scan3A_151 : i32
      %mul3A_153 = arith.constant 1 : i32
      %mul3A_154 = arith.muli %scan3A_152, %mul3A_153 : i32
      %add3A_155 = arith.constant 0 : i32
      %add3A_156 = arith.addi %add3A_155, %mul3A_154 : i32
      %get3A_157 = arith.index_cast %add3A_156 : i32 to index
      %get3A_158 = arith.constant 0 : index
      %get3A_159 = tpu.vector_load %arg9[%get3A_157, %get3A_158] {strides = array<i32>} : memref<80x128xf32, #tpu.memory_space<vmem>>, vector<1x16xf32>,
      %get3A_160 = vector.shape_cast %get3A_159 : vector<1x16xf32> to vector<16xf32>
      %get3A_161 = arith.index_cast %add3A_156 : i32 to index
      %get3A_162 = arith.constant 0 : index
      %get3A_163 = tpu.vector_load %arg10[%get3A_161, %get3A_162] {strides = array<i32>} : memref<80x128xf32, #tpu.memory_space<vmem>>, vector<1x16xf32>,
      %get3A_164 = vector.shape_cast %get3A_163 : vector<1x16xf32> to vector<16xf32>
      %add3A_165 = arith.addf %get3A_160, %get3A_164 : vector<16xf32>
      %swap3A_166 = arith.index_cast %add3A_156 : i32 to index
      %swap3A_167 = arith.constant 0 : index
      %swap3A_168 = tpu.vector_load %arg13[%swap3A_166, %swap3A_167] {strides = array<i32>} : memref<80x16xf32, #tpu.memory_space<vmem>>, vector<1x16xf32>,
      %swap3A_169 = vector.shape_cast %swap3A_168 : vector<1x16xf32> to vector<16xf32>
      %swap3A_170 = vector.shape_cast %add3A_165 : vector<16xf32> to vector<1x16xf32>
      tpu.vector_store %arg13[%swap3A_166, %swap3A_167], %swap3A_170 {strides = array<i32>} : memref<80x16xf32, #tpu.memory_space<vmem>>, vector<1x16xf32>,
      %scan3A_171 = arith.constant 3 : i32
      %scan3A_172 = arith.addi %scan3A_114, %scan3A_171 : i32
      %mul3A_173 = arith.constant 1 : i32
      %mul3A_174 = arith.muli %scan3A_172, %mul3A_173 : i32
      %add3A_175 = arith.constant 0 : i32
      %add3A_176 = arith.addi %add3A_175, %mul3A_174 : i32
      %get3A_177 = arith.index_cast %add3A_176 : i32 to index
      %get3A_178 = arith.constant 0 : index
      %get3A_179 = tpu.vector_load %arg9[%get3A_177, %get3A_178] {strides = array<i32>} : memref<80x128xf32, #tpu.memory_space<vmem>>, vector<1x16xf32>,
      %get3A_180 = vector.shape_cast %get3A_179 : vector<1x16xf32> to vector<16xf32>
      %get3A_181 = arith.index_cast %add3A_176 : i32 to index
      %get3A_182 = arith.constant 0 : index
      %get3A_183 = tpu.vector_load %arg10[%get3A_181, %get3A_182] {strides = array<i32>} : memref<80x128xf32, #tpu.memory_space<vmem>>, vector<1x16xf32>,
      %get3A_184 = vector.shape_cast %get3A_183 : vector<1x16xf32> to vector<16xf32>
      %add3A_185 = arith.addf %get3A_180, %get3A_184 : vector<16xf32>
      %swap3A_186 = arith.index_cast %add3A_176 : i32 to index
      %swap3A_187 = arith.constant 0 : index
      %swap3A_188 = tpu.vector_load %arg13[%swap3A_186, %swap3A_187] {strides = array<i32>} : memref<80x16xf32, #tpu.memory_space<vmem>>, vector<1x16xf32>,
      %swap3A_189 = vector.shape_cast %swap3A_188 : vector<1x16xf32> to vector<16xf32>
      %swap3A_190 = vector.shape_cast %add3A_185 : vector<16xf32> to vector<1x16xf32>
      tpu.vector_store %arg13[%swap3A_186, %swap3A_187], %swap3A_190 {strides = array<i32>} : memref<80x16xf32, #tpu.memory_space<vmem>>, vector<1x16xf32>,
      %scan3A_191 = arith.constant 4 : i32
      %scan3A_192 = arith.addi %scan3A_114, %scan3A_191 : i32
      %mul3A_193 = arith.constant 1 : i32
      %mul3A_194 = arith.muli %scan3A_192, %mul3A_193 : i32
      %add3A_195 = arith.constant 0 : i32
      %add3A_196 = arith.addi %add3A_195, %mul3A_194 : i32
      %get3A_197 = arith.index_cast %add3A_196 : i32 to index
      %get3A_198 = arith.constant 0 : index
      %get3A_199 = tpu.vector_load %arg9[%get3A_197, %get3A_198] {strides = array<i32>} : memref<80x128xf32, #tpu.memory_space<vmem>>, vector<1x16xf32>,
      %get3A_200 = vector.shape_cast %get3A_199 : vector<1x16xf32> to vector<16xf32>
      %get3A_201 = arith.index_cast %add3A_196 : i32 to index
      %get3A_202 = arith.constant 0 : index
      %get3A_203 = tpu.vector_load %arg10[%get3A_201, %get3A_202] {strides = array<i32>} : memref<80x128xf32, #tpu.memory_space<vmem>>, vector<1x16xf32>,
      %get3A_204 = vector.shape_cast %get3A_203 : vector<1x16xf32> to vector<16xf32>
      %add3A_205 = arith.addf %get3A_200, %get3A_204 : vector<16xf32>
      %swap3A_206 = arith.index_cast %add3A_196 : i32 to index
      %swap3A_207 = arith.constant 0 : index
      %swap3A_208 = tpu.vector_load %arg13[%swap3A_206, %swap3A_207] {strides = array<i32>} : memref<80x16xf32, #tpu.memory_space<vmem>>, vector<1x16xf32>,
      %swap3A_209 = vector.shape_cast %swap3A_208 : vector<1x16xf32> to vector<16xf32>
      %swap3A_210 = vector.shape_cast %add3A_205 : vector<16xf32> to vector<1x16xf32>
      tpu.vector_store %arg13[%swap3A_206, %swap3A_207], %swap3A_210 {strides = array<i32>} : memref<80x16xf32, #tpu.memory_space<vmem>>, vector<1x16xf32>,
      %scan3A_211 = arith.constant 5 : i32
      %scan3A_212 = arith.addi %scan3A_114, %scan3A_211 : i32
      %mul3A_213 = arith.constant 1 : i32
      %mul3A_214 = arith.muli %scan3A_212, %mul3A_213 : i32
      %add3A_215 = arith.constant 0 : i32
      %add3A_216 = arith.addi %add3A_215, %mul3A_214 : i32
      %get3A_217 = arith.index_cast %add3A_216 : i32 to index
      %get3A_218 = arith.constant 0 : index
      %get3A_219 = tpu.vector_load %arg9[%get3A_217, %get3A_218] {strides = array<i32>} : memref<80x128xf32, #tpu.memory_space<vmem>>, vector<1x16xf32>,
      %get3A_220 = vector.shape_cast %get3A_219 : vector<1x16xf32> to vector<16xf32>
      %get3A_221 = arith.index_cast %add3A_216 : i32 to index
      %get3A_222 = arith.constant 0 : index
      %get3A_223 = tpu.vector_load %arg10[%get3A_221, %get3A_222] {strides = array<i32>} : memref<80x128xf32, #tpu.memory_space<vmem>>, vector<1x16xf32>,
      %get3A_224 = vector.shape_cast %get3A_223 : vector<1x16xf32> to vector<16xf32>
      %add3A_225 = arith.addf %get3A_220, %get3A_224 : vector<16xf32>
      %swap3A_226 = arith.index_cast %add3A_216 : i32 to index
      %swap3A_227 = arith.constant 0 : index
      %swap3A_228 = tpu.vector_load %arg13[%swap3A_226, %swap3A_227] {strides = array<i32>} : memref<80x16xf32, #tpu.memory_space<vmem>>, vector<1x16xf32>,
      %swap3A_229 = vector.shape_cast %swap3A_228 : vector<1x16xf32> to vector<16xf32>
      %swap3A_230 = vector.shape_cast %add3A_225 : vector<16xf32> to vector<1x16xf32>
      tpu.vector_store %arg13[%swap3A_226, %swap3A_227], %swap3A_230 {strides = array<i32>} : memref<80x16xf32, #tpu.memory_space<vmem>>, vector<1x16xf32>,
      %scan3A_231 = arith.constant 6 : i32
      %scan3A_232 = arith.addi %scan3A_114, %scan3A_231 : i32
      %mul3A_233 = arith.constant 1 : i32
      %mul3A_234 = arith.muli %scan3A_232, %mul3A_233 : i32
      %add3A_235 = arith.constant 0 : i32
      %add3A_236 = arith.addi %add3A_235, %mul3A_234 : i32
      %get3A_237 = arith.index_cast %add3A_236 : i32 to index
      %get3A_238 = arith.constant 0 : index
      %get3A_239 = tpu.vector_load %arg9[%get3A_237, %get3A_238] {strides = array<i32>} : memref<80x128xf32, #tpu.memory_space<vmem>>, vector<1x16xf32>,
      %get3A_240 = vector.shape_cast %get3A_239 : vector<1x16xf32> to vector<16xf32>
      %get3A_241 = arith.index_cast %add3A_236 : i32 to index
      %get3A_242 = arith.constant 0 : index
      %get3A_243 = tpu.vector_load %arg10[%get3A_241, %get3A_242] {strides = array<i32>} : memref<80x128xf32, #tpu.memory_space<vmem>>, vector<1x16xf32>,
      %get3A_244 = vector.shape_cast %get3A_243 : vector<1x16xf32> to vector<16xf32>
      %add3A_245 = arith.addf %get3A_240, %get3A_244 : vector<16xf32>
      %swap3A_246 = arith.index_cast %add3A_236 : i32 to index
      %swap3A_247 = arith.constant 0 : index
      %swap3A_248 = tpu.vector_load %arg13[%swap3A_246, %swap3A_247] {strides = array<i32>} : memref<80x16xf32, #tpu.memory_space<vmem>>, vector<1x16xf32>,
      %swap3A_249 = vector.shape_cast %swap3A_248 : vector<1x16xf32> to vector<16xf32>
      %swap3A_250 = vector.shape_cast %add3A_245 : vector<16xf32> to vector<1x16xf32>
      tpu.vector_store %arg13[%swap3A_246, %swap3A_247], %swap3A_250 {strides = array<i32>} : memref<80x16xf32, #tpu.memory_space<vmem>>, vector<1x16xf32>,
      %scan3A_251 = arith.constant 7 : i32
      %scan3A_252 = arith.addi %scan3A_114, %scan3A_251 : i32
      %mul3A_253 = arith.constant 1 : i32
      %mul3A_254 = arith.muli %scan3A_252, %mul3A_253 : i32
      %add3A_255 = arith.constant 0 : i32
      %add3A_256 = arith.addi %add3A_255, %mul3A_254 : i32
      %get3A_257 = arith.index_cast %add3A_256 : i32 to index
      %get3A_258 = arith.constant 0 : index
      %get3A_259 = tpu.vector_load %arg9[%get3A_257, %get3A_258] {strides = array<i32>} : memref<80x128xf32, #tpu.memory_space<vmem>>, vector<1x16xf32>,
      %get3A_260 = vector.shape_cast %get3A_259 : vector<1x16xf32> to vector<16xf32>
      %get3A_261 = arith.index_cast %add3A_256 : i32 to index
      %get3A_262 = arith.constant 0 : index
      %get3A_263 = tpu.vector_load %arg10[%get3A_261, %get3A_262] {strides = array<i32>} : memref<80x128xf32, #tpu.memory_space<vmem>>, vector<1x16xf32>,
      %get3A_264 = vector.shape_cast %get3A_263 : vector<1x16xf32> to vector<16xf32>
      %add3A_265 = arith.addf %get3A_260, %get3A_264 : vector<16xf32>
      %swap3A_266 = arith.index_cast %add3A_256 : i32 to index
      %swap3A_267 = arith.constant 0 : index
      %swap3A_268 = tpu.vector_load %arg13[%swap3A_266, %swap3A_267] {strides = array<i32>} : memref<80x16xf32, #tpu.memory_space<vmem>>, vector<1x16xf32>,
      %swap3A_269 = vector.shape_cast %swap3A_268 : vector<1x16xf32> to vector<16xf32>
      %swap3A_270 = vector.shape_cast %add3A_265 : vector<16xf32> to vector<1x16xf32>
      tpu.vector_store %arg13[%swap3A_266, %swap3A_267], %swap3A_270 {strides = array<i32>} : memref<80x16xf32, #tpu.memory_space<vmem>>, vector<1x16xf32>,
    }
    %scan3A_109 = arith.constant 80 : i32
    %mul3A_110 = arith.constant 10000 : i32
    %mul3A_111 = arith.muli %add3A, %mul3A_110 : i32
    %add3A_112 = arith.constant 9920 : i32
    %add3A_113 = arith.addi %mul3A_111, %add3A_112 : i32
    "tpu.region"() ({
      %run_scoped3A = tpu.sem_alloc : memref<!tpu.dma_semaphore, #tpu.memory_space<semaphore_mem>>
      %dma_start3A_114 = arith.constant 0 : i32
      %dma_start3A_115 = tpu.memref_slice %arg6[%add3A_113, %dma_start3A_114] : memref<320000x16xf32, #tpu.memory_space<hbm>> -> memref<80x16xf32, #tpu.memory_space<hbm>>
      %dma_start3A_116 = arith.constant 0 : i32
      %dma_start3A_117 = tpu.memref_slice %arg6[%add3A_113, %dma_start3A_116] : memref<320000x16xf32, #tpu.memory_space<hbm>> -> memref<80x16xf32, #tpu.memory_space<hbm>>
      tpu.enqueue_dma source(%arg13 : memref<80x16xf32, #tpu.memory_space<vmem>>) target(%dma_start3A_117 : memref<80x16xf32, #tpu.memory_space<hbm>>) target_semaphore(%run_scoped3A : memref<!tpu.dma_semaphore, #tpu.memory_space<semaphore_mem>>)
      %dma_wait3A_118 = arith.constant 0 : i32
      %dma_wait3A_119 = tpu.memref_slice %arg6[%add3A_113, %dma_wait3A_118] : memref<320000x16xf32, #tpu.memory_space<hbm>> -> memref<80x16xf32, #tpu.memory_space<hbm>>
      %dma_wait3A_120 = arith.constant 0 : i32
      %dma_wait3A_121 = tpu.memref_slice %arg6[%add3A_113, %dma_wait3A_120] : memref<320000x16xf32, #tpu.memory_space<hbm>> -> memref<80x16xf32, #tpu.memory_space<hbm>>
      tpu.wait_dma2 semaphore(%run_scoped3A : memref<!tpu.dma_semaphore, #tpu.memory_space<semaphore_mem>>) src(%arg13 : memref<80x16xf32, #tpu.memory_space<vmem>>) dst(%dma_wait3A_121 : memref<80x16xf32, #tpu.memory_space<hbm>>)
      tpu.yield
    }) : () -> ()
    return
  }
}

module attributes {stable_mosaic.version = 14 : i64} {
  func.func @_prep_body(%arg0: memref<10000x128xf32, #tpu.memory_space<vmem>>, %arg1: memref<128x128xf32, #tpu.memory_space<vmem>>, %arg2: memref<128xf32, #tpu.memory_space<vmem>>, %arg3: memref<128x128xf32, #tpu.memory_space<vmem>>, %arg4: memref<20480x128xf32, #tpu.memory_space<vmem>>, %arg5: memref<10000x128xf32, #tpu.memory_space<vmem>>, %arg6: memref<10000x1xf32, #tpu.memory_space<vmem>>, %arg7: memref<10000x128xf32, #tpu.memory_space<vmem>>) attributes {dimension_semantics = [], scalar_prefetch = 0 : i64, scratch_operands = 0 : i64, tpu.core_type = #tpu.core_type<tc>} {
    %get3A = arith.constant 0 : index
    %get3A_0 = arith.constant 0 : index
    %get3A_1 = vector.load %arg4[%get3A, %get3A_0] : memref<20480x128xf32, #tpu.memory_space<vmem>>, vector<10000x1xf32>
    %get3A_2 = arith.constant 10240 : index
    %get3A_3 = arith.constant 0 : index
    %get3A_4 = vector.load %arg4[%get3A_2, %get3A_3] : memref<20480x128xf32, #tpu.memory_space<vmem>>, vector<10000x1xf32>
    %add3A = arith.addf %get3A_1, %get3A_4 : vector<10000x1xf32>
    %add3A_5 = arith.constant 1.000000e+00 : f32
    %add3A_6 = vector.broadcast %add3A_5 : f32 to vector<10000x1xf32>
    %add3A_7 = arith.addf %add3A, %add3A_6 : vector<10000x1xf32>
    %rsqrt3A = math.rsqrt %add3A_7 : vector<10000x1xf32>
    %get3A_8 = arith.constant 0 : index
    %get3A_9 = arith.constant 0 : index
    %get3A_10 = vector.load %arg0[%get3A_8, %get3A_9] : memref<10000x128xf32, #tpu.memory_space<vmem>>, vector<10000x128xf32>
    %get3A_11 = arith.constant 0 : index
    %get3A_12 = arith.constant 0 : index
    %get3A_13 = vector.load %arg1[%get3A_11, %get3A_12] : memref<128x128xf32, #tpu.memory_space<vmem>>, vector<128x128xf32>
    %dot_general3A = arith.constant dense<0.000000e+00> : vector<10000x128xf32>
    %dot_general3A_14 = tpu.matmul %get3A_10, %get3A_13, %dot_general3A {dimension_numbers = #tpu.dot_dimension_numbers<[1], [1], [0], [0], [0, 0, 1, 0], [], []>, transpose_lhs_hint = false} : vector<10000x128xf32>, vector<128x128xf32>, vector<10000x128xf32> -> vector<10000x128xf32>
    %get3A_15 = arith.constant 0 : index
    %get3A_16 = vector.load %arg2[%get3A_15] : memref<128xf32, #tpu.memory_space<vmem>>, vector<128xf32>
    %broadcast_in_dim3A = vector.shape_cast %get3A_16 : vector<128xf32> to vector<1x128xf32>
    %add3A_17 = vector.broadcast %broadcast_in_dim3A : vector<1x128xf32> to vector<10000x128xf32>
    %add3A_18 = arith.addf %dot_general3A_14, %add3A_17 : vector<10000x128xf32>
    %swap3A = arith.constant 0 : index
    %swap3A_19 = arith.constant 0 : index
    %swap3A_20 = vector.load %arg5[%swap3A, %swap3A_19] : memref<10000x128xf32, #tpu.memory_space<vmem>>, vector<10000x128xf32>
    tpu.vector_store %arg5[%swap3A, %swap3A_19], %add3A_18 {strides = array<i32>} : memref<10000x128xf32, #tpu.memory_space<vmem>>, vector<10000x128xf32>,
    %swap3A_21 = arith.constant 0 : index
    %swap3A_22 = arith.constant 0 : index
    %swap3A_23 = vector.load %arg6[%swap3A_21, %swap3A_22] : memref<10000x1xf32, #tpu.memory_space<vmem>>, vector<10000x1xf32>
    tpu.vector_store %arg6[%swap3A_21, %swap3A_22], %rsqrt3A {strides = array<i32>} : memref<10000x1xf32, #tpu.memory_space<vmem>>, vector<10000x1xf32>,
    %get3A_24 = arith.constant 0 : index
    %get3A_25 = arith.constant 0 : index
    %get3A_26 = vector.load %arg3[%get3A_24, %get3A_25] : memref<128x128xf32, #tpu.memory_space<vmem>>, vector<128x128xf32>
    %dot_general3A_27 = arith.constant dense<0.000000e+00> : vector<10000x128xf32>
    %dot_general3A_28 = tpu.matmul %add3A_18, %get3A_26, %dot_general3A_27 {dimension_numbers = #tpu.dot_dimension_numbers<[1], [1], [0], [0], [0, 0, 1, 0], [], []>, transpose_lhs_hint = false} : vector<10000x128xf32>, vector<128x128xf32>, vector<10000x128xf32> -> vector<10000x128xf32>
    %mul3A = vector.broadcast %rsqrt3A : vector<10000x1xf32> to vector<10000x128xf32>
    %mul3A_29 = arith.mulf %dot_general3A_28, %mul3A : vector<10000x128xf32>
    %swap3A_30 = arith.constant 0 : index
    %swap3A_31 = arith.constant 0 : index
    %swap3A_32 = vector.load %arg7[%swap3A_30, %swap3A_31] : memref<10000x128xf32, #tpu.memory_space<vmem>>, vector<10000x128xf32>
    tpu.vector_store %arg7[%swap3A_30, %swap3A_31], %mul3A_29 {strides = array<i32>} : memref<10000x128xf32, #tpu.memory_space<vmem>>, vector<10000x128xf32>,
    return
  }
}

module attributes {stable_mosaic.version = 14 : i64} {
  func.func @_layer_body(%arg0: memref<20480x128xf32, #tpu.memory_space<vmem>>, %arg1: memref<10000x128xf32, #tpu.memory_space<vmem>>, %arg2: memref<10000x1xf32, #tpu.memory_space<vmem>>, %arg3: memref<128xf32, #tpu.memory_space<vmem>>, %arg4: memref<128xf32, #tpu.memory_space<vmem>>, %arg5: memref<128xf32, #tpu.memory_space<vmem>>, %arg6: memref<10000x128xf32, #tpu.memory_space<vmem>>, %arg7: memref<128x128xf32, #tpu.memory_space<vmem>>, %arg8: memref<10000x128xf32, #tpu.memory_space<vmem>>, %arg9: memref<10000x128xf32, #tpu.memory_space<vmem>>) attributes {dimension_semantics = [], scalar_prefetch = 0 : i64, scratch_operands = 0 : i64, tpu.core_type = #tpu.core_type<tc>} {
    %get3A = arith.constant 0 : index
    %get3A_0 = arith.constant 0 : index
    %get3A_1 = vector.load %arg2[%get3A, %get3A_0] : memref<10000x1xf32, #tpu.memory_space<vmem>>, vector<10000x1xf32>
    %get3A_2 = arith.constant 0 : index
    %get3A_3 = arith.constant 0 : index
    %get3A_4 = vector.load %arg0[%get3A_2, %get3A_3] : memref<20480x128xf32, #tpu.memory_space<vmem>>, vector<10000x128xf32>
    %get3A_5 = arith.constant 10240 : index
    %get3A_6 = arith.constant 0 : index
    %get3A_7 = vector.load %arg0[%get3A_5, %get3A_6] : memref<20480x128xf32, #tpu.memory_space<vmem>>, vector<10000x128xf32>
    %add3A = arith.addf %get3A_4, %get3A_7 : vector<10000x128xf32>
    %get3A_8 = arith.constant 0 : index
    %get3A_9 = arith.constant 0 : index
    %get3A_10 = vector.load %arg1[%get3A_8, %get3A_9] : memref<10000x128xf32, #tpu.memory_space<vmem>>, vector<10000x128xf32>
    %add3A_11 = arith.addf %add3A, %get3A_10 : vector<10000x128xf32>
    %mul3A = vector.broadcast %get3A_1 : vector<10000x1xf32> to vector<10000x128xf32>
    %mul3A_12 = arith.mulf %add3A_11, %mul3A : vector<10000x128xf32>
    %get3A_13 = arith.constant 0 : index
    %get3A_14 = vector.load %arg3[%get3A_13] : memref<128xf32, #tpu.memory_space<vmem>>, vector<128xf32>
    %broadcast_in_dim3A = vector.shape_cast %get3A_14 : vector<128xf32> to vector<1x128xf32>
    %add3A_15 = vector.broadcast %broadcast_in_dim3A : vector<1x128xf32> to vector<10000x128xf32>
    %add3A_16 = arith.addf %mul3A_12, %add3A_15 : vector<10000x128xf32>
    %reduce_sum3A = arith.constant dense<0.000000e+00> : vector<128xf32>
    %reduce_sum3A_17 = vector.multi_reduction <add>, %add3A_16, %reduce_sum3A [0] : vector<10000x128xf32> to vector<128xf32>
    %broadcast_in_dim3A_18 = vector.shape_cast %reduce_sum3A_17 : vector<128xf32> to vector<1x128xf32>
    %div3A = arith.constant 1.000000e+04 : f32
    %div3A_19 = vector.broadcast %div3A : f32 to vector<1x128xf32>
    %div3A_20 = arith.divf %broadcast_in_dim3A_18, %div3A_19 : vector<1x128xf32>
    %sub3A = vector.broadcast %div3A_20 : vector<1x128xf32> to vector<10000x128xf32>
    %sub3A_21 = arith.subf %add3A_16, %sub3A : vector<10000x128xf32>
    %mul3A_22 = arith.mulf %sub3A_21, %sub3A_21 : vector<10000x128xf32>
    %reduce_sum3A_23 = arith.constant dense<0.000000e+00> : vector<128xf32>
    %reduce_sum3A_24 = vector.multi_reduction <add>, %mul3A_22, %reduce_sum3A_23 [0] : vector<10000x128xf32> to vector<128xf32>
    %broadcast_in_dim3A_25 = vector.shape_cast %reduce_sum3A_24 : vector<128xf32> to vector<1x128xf32>
    %div3A_26 = arith.constant 1.000000e+04 : f32
    %div3A_27 = vector.broadcast %div3A_26 : f32 to vector<1x128xf32>
    %div3A_28 = arith.divf %broadcast_in_dim3A_25, %div3A_27 : vector<1x128xf32>
    %add3A_29 = arith.constant 9.99999974E-6 : f32
    %add3A_30 = vector.broadcast %add3A_29 : f32 to vector<1x128xf32>
    %add3A_31 = arith.addf %div3A_28, %add3A_30 : vector<1x128xf32>
    %rsqrt3A = math.rsqrt %add3A_31 : vector<1x128xf32>
    %mul3A_32 = vector.broadcast %rsqrt3A : vector<1x128xf32> to vector<10000x128xf32>
    %mul3A_33 = arith.mulf %sub3A_21, %mul3A_32 : vector<10000x128xf32>
    %get3A_34 = arith.constant 0 : index
    %get3A_35 = vector.load %arg4[%get3A_34] : memref<128xf32, #tpu.memory_space<vmem>>, vector<128xf32>
    %broadcast_in_dim3A_36 = vector.shape_cast %get3A_35 : vector<128xf32> to vector<1x128xf32>
    %mul3A_37 = vector.broadcast %broadcast_in_dim3A_36 : vector<1x128xf32> to vector<10000x128xf32>
    %mul3A_38 = arith.mulf %mul3A_33, %mul3A_37 : vector<10000x128xf32>
    %get3A_39 = arith.constant 0 : index
    %get3A_40 = vector.load %arg5[%get3A_39] : memref<128xf32, #tpu.memory_space<vmem>>, vector<128xf32>
    %broadcast_in_dim3A_41 = vector.shape_cast %get3A_40 : vector<128xf32> to vector<1x128xf32>
    %add3A_42 = vector.broadcast %broadcast_in_dim3A_41 : vector<1x128xf32> to vector<10000x128xf32>
    %add3A_43 = arith.addf %mul3A_38, %add3A_42 : vector<10000x128xf32>
    %get3A_44 = arith.constant 0 : index
    %get3A_45 = arith.constant 0 : index
    %get3A_46 = vector.load %arg6[%get3A_44, %get3A_45] : memref<10000x128xf32, #tpu.memory_space<vmem>>, vector<10000x128xf32>
    %max3A = arith.constant 0.000000e+00 : f32
    %max3A_47 = vector.broadcast %max3A : f32 to vector<10000x128xf32>
    %max3A_48 = arith.maximumf %add3A_43, %max3A_47 : vector<10000x128xf32>
    %add3A_49 = arith.addf %get3A_46, %max3A_48 : vector<10000x128xf32>
    %swap3A = arith.constant 0 : index
    %swap3A_50 = arith.constant 0 : index
    %swap3A_51 = vector.load %arg8[%swap3A, %swap3A_50] : memref<10000x128xf32, #tpu.memory_space<vmem>>, vector<10000x128xf32>
    tpu.vector_store %arg8[%swap3A, %swap3A_50], %add3A_49 {strides = array<i32>} : memref<10000x128xf32, #tpu.memory_space<vmem>>, vector<10000x128xf32>,
    %get3A_52 = arith.constant 0 : index
    %get3A_53 = arith.constant 0 : index
    %get3A_54 = vector.load %arg7[%get3A_52, %get3A_53] : memref<128x128xf32, #tpu.memory_space<vmem>>, vector<128x128xf32>
    %dot_general3A = arith.constant dense<0.000000e+00> : vector<10000x128xf32>
    %dot_general3A_55 = tpu.matmul %add3A_49, %get3A_54, %dot_general3A {dimension_numbers = #tpu.dot_dimension_numbers<[1], [1], [0], [0], [0, 0, 1, 0], [], []>, transpose_lhs_hint = false} : vector<10000x128xf32>, vector<128x128xf32>, vector<10000x128xf32> -> vector<10000x128xf32>
    %mul3A_56 = vector.broadcast %get3A_1 : vector<10000x1xf32> to vector<10000x128xf32>
    %mul3A_57 = arith.mulf %dot_general3A_55, %mul3A_56 : vector<10000x128xf32>
    %swap3A_58 = arith.constant 0 : index
    %swap3A_59 = arith.constant 0 : index
    %swap3A_60 = vector.load %arg9[%swap3A_58, %swap3A_59] : memref<10000x128xf32, #tpu.memory_space<vmem>>, vector<10000x128xf32>
    tpu.vector_store %arg9[%swap3A_58, %swap3A_59], %mul3A_57 {strides = array<i32>} : memref<10000x128xf32, #tpu.memory_space<vmem>>, vector<10000x128xf32>,
    return
  }
}

module attributes {stable_mosaic.version = 14 : i64} {
  func.func @_last_body(%arg0: memref<20480x128xf32, #tpu.memory_space<vmem>>, %arg1: memref<10000x128xf32, #tpu.memory_space<vmem>>, %arg2: memref<10000x1xf32, #tpu.memory_space<vmem>>, %arg3: memref<128xf32, #tpu.memory_space<vmem>>, %arg4: memref<128xf32, #tpu.memory_space<vmem>>, %arg5: memref<128xf32, #tpu.memory_space<vmem>>, %arg6: memref<10000x128xf32, #tpu.memory_space<vmem>>, %arg7: memref<2x128xf32, #tpu.memory_space<vmem>>, %arg8: memref<2x128xf32, #tpu.memory_space<vmem>>, %arg9: memref<2xf32, #tpu.memory_space<vmem>>, %arg10: memref<10240x128xf32, #tpu.memory_space<vmem>>, %arg11: memref<10240x128xf32, #tpu.memory_space<vmem>>) attributes {dimension_semantics = [], scalar_prefetch = 0 : i64, scratch_operands = 0 : i64, tpu.core_type = #tpu.core_type<tc>} {
    %get3A = arith.constant 0 : index
    %get3A_0 = arith.constant 0 : index
    %get3A_1 = vector.load %arg2[%get3A, %get3A_0] : memref<10000x1xf32, #tpu.memory_space<vmem>>, vector<10000x1xf32>
    %get3A_2 = arith.constant 0 : index
    %get3A_3 = arith.constant 0 : index
    %get3A_4 = vector.load %arg0[%get3A_2, %get3A_3] : memref<20480x128xf32, #tpu.memory_space<vmem>>, vector<10000x128xf32>
    %get3A_5 = arith.constant 10240 : index
    %get3A_6 = arith.constant 0 : index
    %get3A_7 = vector.load %arg0[%get3A_5, %get3A_6] : memref<20480x128xf32, #tpu.memory_space<vmem>>, vector<10000x128xf32>
    %add3A = arith.addf %get3A_4, %get3A_7 : vector<10000x128xf32>
    %get3A_8 = arith.constant 0 : index
    %get3A_9 = arith.constant 0 : index
    %get3A_10 = vector.load %arg1[%get3A_8, %get3A_9] : memref<10000x128xf32, #tpu.memory_space<vmem>>, vector<10000x128xf32>
    %add3A_11 = arith.addf %add3A, %get3A_10 : vector<10000x128xf32>
    %mul3A = vector.broadcast %get3A_1 : vector<10000x1xf32> to vector<10000x128xf32>
    %mul3A_12 = arith.mulf %add3A_11, %mul3A : vector<10000x128xf32>
    %get3A_13 = arith.constant 0 : index
    %get3A_14 = vector.load %arg3[%get3A_13] : memref<128xf32, #tpu.memory_space<vmem>>, vector<128xf32>
    %broadcast_in_dim3A = vector.shape_cast %get3A_14 : vector<128xf32> to vector<1x128xf32>
    %add3A_15 = vector.broadcast %broadcast_in_dim3A : vector<1x128xf32> to vector<10000x128xf32>
    %add3A_16 = arith.addf %mul3A_12, %add3A_15 : vector<10000x128xf32>
    %reduce_sum3A = arith.constant dense<0.000000e+00> : vector<128xf32>
    %reduce_sum3A_17 = vector.multi_reduction <add>, %add3A_16, %reduce_sum3A [0] : vector<10000x128xf32> to vector<128xf32>
    %broadcast_in_dim3A_18 = vector.shape_cast %reduce_sum3A_17 : vector<128xf32> to vector<1x128xf32>
    %div3A = arith.constant 1.000000e+04 : f32
    %div3A_19 = vector.broadcast %div3A : f32 to vector<1x128xf32>
    %div3A_20 = arith.divf %broadcast_in_dim3A_18, %div3A_19 : vector<1x128xf32>
    %sub3A = vector.broadcast %div3A_20 : vector<1x128xf32> to vector<10000x128xf32>
    %sub3A_21 = arith.subf %add3A_16, %sub3A : vector<10000x128xf32>
    %mul3A_22 = arith.mulf %sub3A_21, %sub3A_21 : vector<10000x128xf32>
    %reduce_sum3A_23 = arith.constant dense<0.000000e+00> : vector<128xf32>
    %reduce_sum3A_24 = vector.multi_reduction <add>, %mul3A_22, %reduce_sum3A_23 [0] : vector<10000x128xf32> to vector<128xf32>
    %broadcast_in_dim3A_25 = vector.shape_cast %reduce_sum3A_24 : vector<128xf32> to vector<1x128xf32>
    %div3A_26 = arith.constant 1.000000e+04 : f32
    %div3A_27 = vector.broadcast %div3A_26 : f32 to vector<1x128xf32>
    %div3A_28 = arith.divf %broadcast_in_dim3A_25, %div3A_27 : vector<1x128xf32>
    %add3A_29 = arith.constant 9.99999974E-6 : f32
    %add3A_30 = vector.broadcast %add3A_29 : f32 to vector<1x128xf32>
    %add3A_31 = arith.addf %div3A_28, %add3A_30 : vector<1x128xf32>
    %rsqrt3A = math.rsqrt %add3A_31 : vector<1x128xf32>
    %mul3A_32 = vector.broadcast %rsqrt3A : vector<1x128xf32> to vector<10000x128xf32>
    %mul3A_33 = arith.mulf %sub3A_21, %mul3A_32 : vector<10000x128xf32>
    %get3A_34 = arith.constant 0 : index
    %get3A_35 = vector.load %arg4[%get3A_34] : memref<128xf32, #tpu.memory_space<vmem>>, vector<128xf32>
    %broadcast_in_dim3A_36 = vector.shape_cast %get3A_35 : vector<128xf32> to vector<1x128xf32>
    %mul3A_37 = vector.broadcast %broadcast_in_dim3A_36 : vector<1x128xf32> to vector<10000x128xf32>
    %mul3A_38 = arith.mulf %mul3A_33, %mul3A_37 : vector<10000x128xf32>
    %get3A_39 = arith.constant 0 : index
    %get3A_40 = vector.load %arg5[%get3A_39] : memref<128xf32, #tpu.memory_space<vmem>>, vector<128xf32>
    %broadcast_in_dim3A_41 = vector.shape_cast %get3A_40 : vector<128xf32> to vector<1x128xf32>
    %add3A_42 = vector.broadcast %broadcast_in_dim3A_41 : vector<1x128xf32> to vector<10000x128xf32>
    %add3A_43 = arith.addf %mul3A_38, %add3A_42 : vector<10000x128xf32>
    %get3A_44 = arith.constant 0 : index
    %get3A_45 = arith.constant 0 : index
    %get3A_46 = vector.load %arg6[%get3A_44, %get3A_45] : memref<10000x128xf32, #tpu.memory_space<vmem>>, vector<10000x128xf32>
    %max3A = arith.constant 0.000000e+00 : f32
    %max3A_47 = vector.broadcast %max3A : f32 to vector<10000x128xf32>
    %max3A_48 = arith.maximumf %add3A_43, %max3A_47 : vector<10000x128xf32>
    %add3A_49 = arith.addf %get3A_46, %max3A_48 : vector<10000x128xf32>
    %get3A_50 = arith.constant 0 : index
    %get3A_51 = arith.constant 0 : index
    %get3A_52 = vector.load %arg7[%get3A_50, %get3A_51] : memref<2x128xf32, #tpu.memory_space<vmem>>, vector<2x128xf32>
    %dot_general3A = arith.constant dense<0.000000e+00> : vector<10000x2xf32>
    %dot_general3A_53 = tpu.matmul %add3A_49, %get3A_52, %dot_general3A {dimension_numbers = #tpu.dot_dimension_numbers<[1], [1], [0], [0], [0, 0, 1, 0], [], []>, transpose_lhs_hint = false} : vector<10000x128xf32>, vector<2x128xf32>, vector<10000x2xf32> -> vector<10000x2xf32>
    %get3A_54 = arith.constant 0 : index
    %get3A_55 = vector.load %arg9[%get3A_54] : memref<2xf32, #tpu.memory_space<vmem>>, vector<2xf32>
    %broadcast_in_dim3A_56 = vector.shape_cast %get3A_55 : vector<2xf32> to vector<1x2xf32>
    %add3A_57 = vector.broadcast %broadcast_in_dim3A_56 : vector<1x2xf32> to vector<10000x2xf32>
    %add3A_58 = arith.addf %dot_general3A_53, %add3A_57 : vector<10000x2xf32>
    %get3A_59 = arith.constant 0 : index
    %get3A_60 = arith.constant 0 : index
    %get3A_61 = vector.load %arg8[%get3A_59, %get3A_60] : memref<2x128xf32, #tpu.memory_space<vmem>>, vector<2x128xf32>
    %dot_general3A_62 = arith.constant dense<0.000000e+00> : vector<10000x2xf32>
    %dot_general3A_63 = tpu.matmul %add3A_49, %get3A_61, %dot_general3A_62 {dimension_numbers = #tpu.dot_dimension_numbers<[1], [1], [0], [0], [0, 0, 1, 0], [], []>, transpose_lhs_hint = false} : vector<10000x128xf32>, vector<2x128xf32>, vector<10000x2xf32> -> vector<10000x2xf32>
    %broadcast_in_dim3A_64 = arith.constant 0.000000e+00 : f32
    %broadcast_in_dim3A_65 = vector.broadcast %broadcast_in_dim3A_64 : f32 to vector<10000x126xf32>
    %broadcast_in_dim3A_66 = arith.constant 0.000000e+00 : f32
    %broadcast_in_dim3A_67 = vector.broadcast %broadcast_in_dim3A_66 : f32 to vector<240x128xf32>
    %concatenate3A = tpu.concatenate %add3A_58, %broadcast_in_dim3A_65 in 1 : vector<10000x2xf32>, vector<10000x126xf32> -> vector<10000x128xf32>
    %concatenate3A_68 = tpu.concatenate %concatenate3A, %broadcast_in_dim3A_67 in 0 : vector<10000x128xf32>, vector<240x128xf32> -> vector<10240x128xf32>
    %swap3A = arith.constant 0 : index
    %swap3A_69 = arith.constant 0 : index
    %swap3A_70 = vector.load %arg10[%swap3A, %swap3A_69] : memref<10240x128xf32, #tpu.memory_space<vmem>>, vector<10240x128xf32>
    tpu.vector_store %arg10[%swap3A, %swap3A_69], %concatenate3A_68 {strides = array<i32>} : memref<10240x128xf32, #tpu.memory_space<vmem>>, vector<10240x128xf32>,
    %concatenate3A_71 = tpu.concatenate %dot_general3A_63, %broadcast_in_dim3A_65 in 1 : vector<10000x2xf32>, vector<10000x126xf32> -> vector<10000x128xf32>
    %concatenate3A_72 = tpu.concatenate %concatenate3A_71, %broadcast_in_dim3A_67 in 0 : vector<10000x128xf32>, vector<240x128xf32> -> vector<10240x128xf32>
    %swap3A_73 = arith.constant 0 : index
    %swap3A_74 = arith.constant 0 : index
    %swap3A_75 = vector.load %arg11[%swap3A_73, %swap3A_74] : memref<10240x128xf32, #tpu.memory_space<vmem>>, vector<10240x128xf32>
    tpu.vector_store %arg11[%swap3A_73, %swap3A_74], %concatenate3A_72 {strides = array<i32>} : memref<10240x128xf32, #tpu.memory_space<vmem>>, vector<10240x128xf32>,
    return
  }
}

</mosaic_0001>

<sc_bundles>
// kernel: kernel.17.cloned.1.call-start
scs
__scs_entry_jumppad:
0x0: {  	(pc) =	sbr.rel $0x88, $3  }
0x1: {  	(tag) =	ssettag $0x0;
	lr =	simm.s32 $0x1  }
0x2: {  	[smem:$0x3F96] =	sst lr;
	_ =	strace $0xD0000000  }
0x3: {  	_ = 	snop  }
0x4: {  	_ = 	snop  }
0x5: {  	_ = 	snop  }
0x6: {  	_ = 	snop  }
0x7: {  	_ = 	snop  }
__scs_overlays_trampoline_lowered:
0x8: {  	[smem:$0x3FA5] =	sst s0  }
0x9: {  	[smem:$0x3FA6] =	sst s1  }
0xa: {  	[smem:$0x3FA7] =	sst s2  }
0xb: {  	[smem:$0x3FA8] =	sst s3  }
0xc: {  	[smem:$0x3FA9] =	sst s4  }
0xd: {  	[smem:$0x3FAA] =	sst s5  }
0xe: {  	[smem:$0x3FAB] =	sst s6  }
0xf: {  	[smem:$0x3FAC] =	sst s7  }
0x10: {  	[smem:$0x3FAD] =	sst s8  }
0x11: {  	[smem:$0x3FAE] =	sst s9;
	s0 =	simm.s32 @!p0 $0x0  }
0x12: {  	s1 =	sld [smem:$0x3F94];
	s0 =	simm.s32 @p0 $0x1  }
0x13: {  	[smem:$0x3FAF] =	sst s0;
	s0 =	simm.s32 @!p1 $0x0  }
0x14: {  	s2 =	sld [smem:$0x3F93];
	s0 =	simm.s32 @p1 $0x1  }
0x15: {  	[smem:$0x3FB0] =	sst s0;
	s0 =	simm.s32 @!p2 $0x0  }
0x16: {  	s3 =	sld [smem:$0x3FDB];
	s0 =	simm.s32 @p2 $0x1  }
0x17: {  	s4 =	simm.s32 $0x1BF5;
	[smem:$0x3FB2] =	sst s0  }
0x18: {  	s0 =	sld [smem:$0x3F95];
	_ =	swait.ge [sflag:s4], $0x0  }
0x19: {  	s7 =	sld [smem:$0x3F96]  }
0x1a: {  	s8 =	sadd.s32 $0xFFFFE003, lr  }
0x1b: {  	s9 =	sadd.s32 $0xFFFFFEF7, lr;
	s5 =	simm.s32 $0xFFFFFFFF;
	p2 =	slt.u32 s8, $0xFFFFF086  }
0x1c: {  	p1 =	slt.u32 s9, $0xF7A;
	s5 =	simm.s32 @!p2 $0x0  }
0x1d: {  	s5 =	simm.s32 @p1 $0x1;
	p0 =	seq.s32 s7, s2  }
0x1e: {  	s7 =	smul.u32 @!p0 $0xF7A, s2;
	p2 =	seq.s32 @!p0 s5, $0x0  }
0x1f: {  	s9 =	smul.u32 $0xF7A, s1;
	s8 =	simm.s32 @!p0 $0x1BF5;
	p2 =	por !p2, p0  }
0x20: {  	[sflag:s8] =	ssyncset.s32 @!p0 $0xFFFFF086;
	s6 =	sadd.s32 @!p0 s3, s7;
	s7 =	simm.s32 @!p0 $0x108  }
0x21: {  	s3 =	sadd.s32 s3, s9;
	s6 =	sadd.s32 @!p0 $0x88, s6;
	s7 =	simm.s32 @p2 $0x1082  }
0x22: {  	[simem:s7], [sflag:s8] =	dma.local @!p0 [hbm:s6], $0xF7A  }
0x23: {  	s9 =	sor.u32 $0xD0000000, s2;
	s6 =	simm.s32 $0x108;
	_ =	swait.ge @!p0 [sflag:s8], $0x0  }
0x24: {  	s3 =	sadd.s32 $0x88, s3;
	s6 =	simm.s32 @!p1 $0x1082;
	[sflag:s4] =	ssyncset.s32 $0xFFFFF086  }
0x25: {  	[simem:s6], [sflag:s4] =	dma.local [hbm:s3], $0xF7A  }
0x26: {  	[smem:$0x3F96] =	sst s1;
	(tag) =	ssettag s2;
	_ =	strace s9  }
0x27: {  	s1 =	sld [smem:$0x3FA6]  }
0x28: {  	s2 =	sld [smem:$0x3FA7]  }
0x29: {  	s4 =	sld [smem:$0x3FA9]  }
0x2a: {  	p0 =	seq.s32 s5, $0x0;
	s5 =	sld [smem:$0x3FAA]  }
0x2b: {  	s6 =	sld [smem:$0x3FAB]  }
0x2c: {  	s7 =	sld [smem:$0x3FAC]  }
0x2d: {  	s3 =	simm.s32 $0x108;
	s8 =	sld [smem:$0x3FAD]  }
0x2e: {  	s3 =	simm.s32 @!p0 $0x1082;
	s9 =	sld [smem:$0x3FAE]  }
0x2f: {  	lr =	sadd.s32 s0, s3;
	s0 =	sld [smem:$0x3FA5]  }
0x30: {  	s3 =	sld [smem:$0x3FA8]  }
0x31: {  	[smem:$0x3FB1] =	sst s10  }
0x32: {  	s10 =	sld [smem:$0x3FAF];
	_ =	sdelay $0x3  }
0x33: {  	p0 =	seq.s32 s10, $0x1;
	s10 =	sld [smem:$0x3FB1];
	_ =	sdelay $0x3  }
0x34: {  	[smem:$0x3FB1] =	sst s10  }
0x35: {  	s10 =	sld [smem:$0x3FB0];
	_ =	sdelay $0x3  }
0x36: {  	p1 =	seq.s32 s10, $0x1;
	s10 =	sld [smem:$0x3FB1];
	_ =	sdelay $0x3  }
0x37: {  	[smem:$0x3FB1] =	sst s10  }
0x38: {  	s10 =	sld [smem:$0x3FB2]  }
0x39: {  	_ = 	snop;
	(pc) =	sbr.ind lr, $3  }
0x3a: {  	_ = 	snop  }
0x3b: {  	_ = 	snop  }
0x3c: {  	p2 =	seq.s32 s10, $0x1;
	s10 =	sld [smem:$0x3FB1]  }
0x3d: {  	_ =	shalt  }
0x3e: {  	_ =	shalt  }
0x3f: {  	_ =	shalt  }
0x40: {  	_ =	shalt  }
0x41: {  	_ =	shalt  }
0x42: {  	_ =	shalt  }
0x43: {  	_ =	shalt  }
0x44: {  	_ =	shalt  }
0x45: {  	_ =	shalt  }
0x46: {  	_ =	shalt  }
0x47: {  	_ =	shalt  }
0x48: {  	_ =	shalt  }
0x49: {  	_ =	shalt  }
0x4a: {  	_ =	shalt  }
0x4b: {  	_ =	shalt  }
0x4c: {  	_ =	shalt  }
0x4d: {  	_ =	shalt  }
0x4e: {  	_ =	shalt  }
0x4f: {  	_ =	shalt  }
0x50: {  	_ =	shalt  }
0x51: {  	_ =	shalt  }
0x52: {  	_ =	shalt  }
0x53: {  	_ =	shalt  }
0x54: {  	_ =	shalt  }
0x55: {  	_ =	shalt  }
0x56: {  	_ =	shalt  }
0x57: {  	_ =	shalt  }
0x58: {  	_ =	shalt  }
0x59: {  	_ =	shalt  }
0x5a: {  	_ =	shalt  }
0x5b: {  	_ =	shalt  }
0x5c: {  	_ =	shalt  }
0x5d: {  	_ =	shalt  }
0x5e: {  	_ =	shalt  }
0x5f: {  	_ =	shalt  }
0x60: {  	_ =	shalt  }
0x61: {  	_ =	shalt  }
0x62: {  	_ =	shalt  }
0x63: {  	_ =	shalt  }
0x64: {  	_ =	shalt  }
0x65: {  	_ =	shalt  }
0x66: {  	_ =	shalt  }
0x67: {  	_ =	shalt  }
0x68: {  	_ =	shalt  }
0x69: {  	_ =	shalt  }
0x6a: {  	_ =	shalt  }
0x6b: {  	_ =	shalt  }
0x6c: {  	_ =	shalt  }
0x6d: {  	_ =	shalt  }
0x6e: {  	_ =	shalt  }
0x6f: {  	_ =	shalt  }
0x70: {  	_ =	shalt  }
0x71: {  	_ =	shalt  }
0x72: {  	_ =	shalt  }
0x73: {  	_ =	shalt  }
0x74: {  	_ =	shalt  }
0x75: {  	_ =	shalt  }
0x76: {  	_ =	shalt  }
0x77: {  	_ =	shalt  }
0x78: {  	_ =	shalt  }
0x79: {  	_ =	shalt  }
0x7a: {  	_ =	shalt  }
0x7b: {  	_ =	shalt  }
0x7c: {  	_ =	shalt  }
0x7d: {  	_ =	shalt  }
0x7e: {  	_ =	shalt  }
0x7f: {  	_ =	shalt  }
0x80: {  	_ =	shalt  }
0x81: {  	_ =	shalt  }
0x82: {  	_ =	shalt  }
0x83: {  	_ =	shalt  }
0x84: {  	_ =	shalt  }
0x85: {  	_ =	shalt  }
0x86: {  	_ =	shalt  }
0x87: {  	_ =	shalt  }
.Lfunc_end0:
.L_simem_size_0:
called_computation_lowered:
.L_overlay_start_0:
0x88: {  	s2 =	sld [smem:$0x3FD9]  }
0x89: {  	s3 =	sld [smem:$0x3FFE];
	_ =	sdelay $0x1  }
0x8a: {  	s1 =	srdreg.scid  }
0x8b: {  	s0 =	sand.u32 $0x1, s1  }
0x8c: {  	s17 =	sshll.u32 s0, $0xA;
	s2 =	sadd.s32 s3, s2  }
0x8d: {  	s2 =	sadd.s32 s2, s17  }
0x8e: {  	[smem:$0x3FBD] =	sst s2  }
0x8f: {  	_ = 	snop  }
0x90: {  	s2 =	sld [smem:$0x3FD0];
	(tm) =	ssettm $0x1  }
0x91: {  	s18 =	sld [smem:$0x3FFB];
	_ =	sdelay $0x3  }
0x92: {  	_ =	strace s18  }
0x93: {  	s3 =	sld [smem:$0x3FFC];
	_ =	sdelay $0x3  }
0x94: {  	_ =	strace s3  }
0x95: {  	s3 =	sld [smem:$0x3FFD];
	_ =	sdelay $0x3  }
0x96: {  	_ =	strace s3  }
0x97: {  	_ =	strace $0x8FFFFFFF  }
0x98: {  	s19 =	sld [smem:$0x3FDB];
	_ =	sdelay $0x1  }
0x99: {  	s4 =	simm.s32 $_scs_section_size  }
0x9a: {  	s5 =	simm.s32 $_size__tile_overlayer_lowered;
	s6 =	simm.s32 $_tile_overlayer_lowered  }
0x9b: {  	s22 =	simm.s32 $0x1BFF;
	s21 =	sshll.u32 s6, $0x1;
	s3 =	sadd.s32 s4, s19  }
0x9c: {  	s7 =	simm.s32 $0x0;
	s20 =	sshll.u32 s5, $0x1;
	s5 =	sadd.s32 s21, s3  }
0x9d: {  	[timem:s7], [sflag:s22] =	dma.local [hbm:s5], s20  }
0x9e: {  	_ =	swait.ge [sflag:s22], s20  }
0x9f: {  	s4 =	ssub.s32 $0x0, s20;
	[sflag:s22] =	ssyncset.done $0x0  }
0xa0: {  	[sflag:s22] =	ssyncadd.s32 s4;
	_ =	sdelay $0x1  }
0xa1: {  	s23 =	simm.s32 $0x1B8B  }
0xa2: {  	_ =	swait.ge [sflag:s23], $0x1  }
0xa3: {  	[sflag:s23] =	ssyncset.done $0x0  }
0xa4: {  	s25 =	simm.s32 $0x1B8E;
	s24 =	sld [smem:$0x3FFE];
	[sflag:s23] =	ssyncadd.s32 $0xFFFFFFFF  }
0xa5: {  	s26 =	simm.s32 $execute0_lowered;
	[smem:$0x3FD2] =	sst s25  }
0xa6: {  	s5 =	sshll.u32 s26, $0x1;
	_ =	strace $0x80000046;
	[dreg:$0x1] =	wrdreg $0xFFFFFFFF  }
0xa7: {  	s28 =	simm.s32 $_size_execute0_lowered;
	s3 =	sadd.s32 s3, s5;
	[dreg:$0x0] =	wrdreg $0x0  }
0xa8: {  	s5 =	sshll.u32 s28, $0x1;
	[dreg:$0x2] =	wrdreg s3  }
0xa9: {  	[dreg:$0x3] =	wrdreg s5  }
0xaa: {  	[dreg:$0x4] =	wrdreg $0xC0  }
0xab: {  	_ =	task [dreg:s7], $0x5FFFF  }
0xac: {  	[dreg:$0x1] =	wrdreg $0xFFFFFFFF  }
0xad: {  	[dreg:$0x0] =	wrdreg $0x60  }
0xae: {  	[dreg:$0x2] =	wrdreg s2  }
0xaf: {  	[dreg:$0x3] =	wrdreg s24  }
0xb0: {  	[dreg:$0x4] =	wrdreg $0x68000  }
0xb1: {  	[dreg:$0x5] =	wrdreg $0x9  }
0xb2: {  	_ =	task.clear_ibuf [dreg:s7], $0x6FFFF;
	_ =	strace $0x90000046  }
0xb3: {  	s29 =	simm.s32 $0x9;
	_ =	strace $0x80000048  }
0xb4: {  	_ =	swait.ge [sflag:s29], $0x1  }
0xb5: {  	[sflag:s29] =	ssyncadd.s32 $0xFFFFFFFF  }
0xb6: {  	_ =	strace $0x90000048  }
0xb7: {  	_ =	sfence  }
0xb8: {  	s30 =	sld [smem:$0x0];
	_ =	sdelay $0x2  }
0xb9: {  	s31 =	sshll.u32 s1, $0xD;
	s1 =	sshrl.u32 s1, $0x2  }
0xba: {  	s3 =	sand.u32 $0x4000, s31;
	s1 =	sadd.s32 s1, s30  }
0xbb: {  	s0 =	sor.u32 s3, s0;
	s1 =	sshll.u32 s1, $0x11  }
0xbc: {  	s0 =	sor.u32 s1, s0  }
0xbd: {  	s0 =	sadd.s32 $0x8F2B, s0  }
0xbe: {  	[sflag:s0] =	ssyncadd.remote.s32 $0x1  }
0xbf: {  	_ =	sfence.sel $0xFFFF  }
0xc0: {  	[dreg:$0x0] =	wrdreg $0xFFFFFFFF;
	(pc) =	sbr.abs _section_cstart, $3  }
0xc1: {  	[dreg:$0x1] =	wrdreg $0xFFFFFFFF  }
0xc2: {  	_ =	task.clear_ibuf [dreg:s7], $0x2FFFF;
	_ =	strace $0x9FFFFFFF  }
0xc3: {  	(tm) =	ssettm $0x7FFFFFFF  }
tec
execute0_lowered:
.L_overlay_start_1:
0x0: {  	(tag) =	ssettag $0x1  }
0x1: {  	s4 =	rddreg [dreg:$0x0]  }
0x2: {  	s5 =	rddreg [dreg:$0x1]  }
0x3: {  	s1 =	rddreg [dreg:$0x2]  }
0x4: {  	s0 =	rddreg [dreg:$0x3];
	s2 =	simm.s32 $0x0  }
0x5: {  	s6 =	srdreg.scid;
	s7 =	stileid.u32;
	s12 =	simm.s32 $0x1  }
0x6: {  	s13 =	simm.s32 $0x2;
	s14 =	simm.s32 $0x3E00;
	s15 =	simm.s32 $0x0  }
0x7: {  	[smem:$0x7FF] =	sst s2;
	s3 =	sadd.s32 $0x10C00, s5;
	s6 =	sand.u32 $0x1, s6  }
0x8: {  	s10 =	sshll.u32 s7, $0xB;
	p0 =	sne.s32 s7, $0x0;
	_ =	strace $0x80000047  }
0x9: {  	s8 =	smul.u32 $0x28000, s6;
	s9 =	ssub.s32 $0x2, s6;
	s6 =	sshll.u32 s6, $0xF  }
0xa: {  	s4 =	sadd.s32 s4, s10;
	s7 =	sshrl.u32 @!p0 s1, $0x3;
	s10 =	simm.s32 $0x4000  }
0xb: {  	s11 =	sshrl.u32 s9, $0x1;
	s4 =	sadd.s32 s6, s4;
	s5 =	sadd.s32 s8, s5  }
0xc: {  	v0 =	vimm.f32 $0.0e+00;
	vm0 =	vcmask $0x300;
	s31 =	ssub.s32 s9, s11;
	s8 =	simm.s32 $0x3;
	s9 =	simm.s32 $0x50  }
0xd: {  	v1 =	vsel vm0, $0x3F800000, v0;
	s11 =	simm.s32 $0x80;
	s5 =	sadd.s32 $0x38C00, s5;
	s6 =	smax.u32 s31, $0x1  }
.LBB2_1:
0xe: {  	s16 =	simm.s32 @!p0 $0x1C03  }
0xf: {  	[spmem:s7], [sflag:s16] =	dma.local @!p0 [hbm:s3], $0x28000  }
0x10: {  	s16 =	simm.s32 @!p0 $0x3  }
0x11: {  	_ =	swait.ge @!p0 [sflag:s16], $0x28000  }
0x12: {  	[sflag:s16] =	ssyncset.done @!p0 $0x0  }
0x13: {  	s17 =	simm.s32 $0x200;
	[sflag:s16] =	ssyncadd.s32 @!p0 $0xFFFD8000;
	s16 =	simm.s32 $0x0  }
.LBB2_2:
0x14: {  	p1 =	sne.s32 s17, $0x9E00;
	[tilespmem:s16+$0x4000] =	vst v1  }
0x15: {  	[tilespmem:s16+$0x4010] =	vst v0  }
0x16: {  	[tilespmem:s16+$0x4020] =	vst v0  }
.Ltmp0:
0x17: {  	[tilespmem:s16+$0x4030] =	vst v0;
	(pc) =	sbr.rel @p1 .LBB2_2-.Ltmp0, $4  }
0x18: {  	[tilespmem:s16+$0x4040] =	vst v0  }
0x19: {  	[tilespmem:s16+$0x4050] =	vst v0  }
0x1a: {  	[tilespmem:s16+$0x4060] =	vst v0  }
0x1b: {  	[tilespmem:s16+$0x4070] =	vst v0;
	s16 =	sshra.s32 s17, $0x2;
	s17 =	sadd.s32 $0x200, s17  }
0x1c: {  	[tilespmem:s16+$0x4000] =	vst v1  }
0x1d: {  	[tilespmem:s16+$0x4010] =	vst v0  }
0x1e: {  	[tilespmem:s16+$0x4020] =	vst v0  }
0x1f: {  	[tilespmem:s16+$0x4030] =	vst v0  }
0x20: {  	[tilespmem:s16+$0x4040] =	vst v0  }
0x21: {  	[tilespmem:s16+$0x4050] =	vst v0  }
0x22: {  	[tilespmem:s16+$0x4060] =	vst v0  }
0x23: {  	[tilespmem:s16+$0x4070] =	vst v0  }
0x24: {  	[tilespmem:s2], [sflag:$0x3] =	stream.linear.gather [hbm4b:s4+s2], $0x3E80, $0x38;
	[tilespmem:$0x1A800] =	vst v63  }
0x25: {  	_ =	swait.ge [sflag:s8], $0x3E80  }
0x26: {  	[sflag:s8] =	ssyncset.done $0x0  }
0x27: {  	[sflag:s8] =	ssyncadd.s32 $0xFFFFC180  }
0x28: {  	[bflag:$0x0] =	sbarrier.arrive $0xFFFF  }
0x29: {  	[spmem:s1] =	stream.indirect.scatter.add.f32 [tilespmem:s10], [sflag:$0x1], $0x80, s2, s9, $0xb8;
	[tilespmem:$0x1A800] =	vst v63  }
0x2a: {  	_ = 	snop  }
0x2b: {  	[spmem:s1] =	stream.indirect.scatter.add.f32 [tilespmem:s10], [sflag:$0x2], $0x80, s11, s9, $0xb8;
	[tilespmem:$0x1A800] =	vst v63  }
0x2c: {  	_ =	swait.ge [sflag:s12], $0x2800  }
0x2d: {  	[sflag:s12] =	ssyncset.done $0x0  }
0x2e: {  	s31 =	simm.s32 $0x100;
	[sflag:s12] =	ssyncadd.s32 $0xFFFFD800  }
0x2f: {  	[spmem:s1] =	stream.indirect.scatter.add.f32 [tilespmem:s10], [sflag:$0x1], $0x80, s31, s9, $0xb8;
	[tilespmem:$0x1A800] =	vst v63  }
0x30: {  	_ =	swait.ge [sflag:s13], $0x2800  }
0x31: {  	[sflag:s13] =	ssyncset.done $0x0  }
0x32: {  	s16 =	simm.s32 $0xFFFF1000;
	s17 =	simm.s32 $0x180;
	[sflag:s13] =	ssyncadd.s32 $0xFFFFD800  }
.LBB2_4:
0x33: {  	[spmem:s1] =	stream.indirect.scatter.add.f32 [tilespmem:s10], [sflag:$0x2], $0x80, s17, s9, $0xb8;
	[tilespmem:$0x1A800] =	vst v63  }
0x34: {  	s17 =	smov.u32 s16  }
0x35: {  	p1 =	sne.s32 s16, $0xFFFFFC00;
	s16 =	sadd.s32 $0x400, s16;
	_ =	swait.ge [sflag:s12], $0x2800  }
0x36: {  	s17 =	sshra.s32 s17, $0x2;
	[sflag:s12] =	ssyncset.done $0x0  }
.Ltmp1:
0x37: {  	s18 =	sadd.s32 $0x3E00, s17;
	[sflag:s12] =	ssyncadd.s32 $0xFFFFD800;
	(pc) =	sbr.rel @p1 .LBB2_4-.Ltmp1, $4  }
0x38: {  	[spmem:s1] =	stream.indirect.scatter.add.f32 [tilespmem:s10], [sflag:$0x1], $0x80, s18, s9, $0xb8;
	[tilespmem:$0x1A800] =	vst v63  }
0x39: {  	_ =	swait.ge [sflag:s13], $0x2800  }
0x3a: {  	[sflag:s13] =	ssyncset.done $0x0  }
0x3b: {  	s17 =	sadd.s32 $0x3E80, s17;
	[sflag:s13] =	ssyncadd.s32 $0xFFFFD800  }
0x3c: {  	[spmem:s1] =	stream.indirect.scatter.add.f32 [tilespmem:s10], [sflag:$0x2], $0x80, s17, s9, $0xb8;
	[tilespmem:$0x1A800] =	vst v63  }
0x3d: {  	_ =	swait.ge [sflag:s12], $0x2800  }
0x3e: {  	[sflag:s12] =	ssyncset.done $0x0  }
0x3f: {  	[sflag:s12] =	ssyncadd.s32 $0xFFFFD800  }
0x40: {  	_ =	swait.ge [sflag:s13], $0x2800  }
0x41: {  	[sflag:s13] =	ssyncset.done $0x0  }
0x42: {  	[sflag:s13] =	ssyncadd.s32 $0xFFFFD800  }
0x43: {  	[spmem:s1] =	stream.indirect.scatter.add.f32 [tilespmem:s10], [sflag:$0x3], $0x80, s14, s9, $0xb8;
	[tilespmem:$0x1A800] =	vst v63  }
0x44: {  	_ =	swait.ge [sflag:s8], $0x2800  }
0x45: {  	s15 =	sadd.s32 $0x1, s15;
	[sflag:s8] =	ssyncset.done $0x0  }
0x46: {  	s16 =	simm.s32 @!p0 $0x1C03;
	p1 =	sne.s32 s15, s6;
	[sflag:s8] =	ssyncadd.s32 $0xFFFFD800  }
0x47: {  	[hbm:s5], [sflag:s16] =	dma.local @!p0 [spmem:s7], $0x28000  }
.Ltmp2:
0x48: {  	_ = 	snop;
	(pc) =	sbr.rel @p1 .LBB2_1-.Ltmp2, $4  }
0x49: {  	s16 =	simm.s32 @!p0 $0x3  }
0x4a: {  	_ =	swait.ge @!p0 [sflag:s16], $0x28000  }
0x4b: {  	[sflag:s16] =	ssyncset.done @!p0 $0x0  }
0x4c: {  	[sflag:s16] =	ssyncadd.s32 @!p0 $0xFFFD8000  }
0x4d: {  	_ =	sfence.sel $0x180000  }
0x4e: {  	[bflag:$0x0] =	sbarrier.arrive $0xFFFF  }
0x4f: {  	_ =	strace $0x90000047  }
0x50: {  	s0 =	sadd.s32 @!p0 $0x100000, s0;
	[bflag:$0x2] =	sbarrier.arrive $0xFFFF  }
0x51: {  	[sflag:s0] =	ssyncadd.tile.s32 @!p0 $0x1;
	_ =	shalt  }
.Lfunc_end2:
_tile_overlayer_lowered:
.L_overlay_start_2:
0x52: {  	(tag) =	ssettag $0x2  }
0x53: {  	s0 =	rddreg [dreg:$0x0];
	s2 =	stileid.u32  }
0x54: {  	s1 =	rddreg [dreg:$0x1];
	p0 =	sne.s32 s2, $0x0  }
0x55: {  	s3 =	rddreg [dreg:$0x2];
	[bflag:$0x3] =	sbarrier.arrive $0xFFFF;
	s2 =	simm.s32 @!p0 $0x1C03  }
0x56: {  	[timem:s3], [sflag:s2] =	dma.local @!p0 [hbm:s0], s1  }
0x57: {  	s0 =	simm.s32 @!p0 $0x3  }
0x58: {  	_ =	swait.ge @!p0 [sflag:s0], s1  }
0x59: {  	s1 =	ssub.s32 @!p0 $0x0, s1;
	[sflag:s0] =	ssyncset.done @!p0 $0x0  }
0x5a: {  	[sflag:s0] =	ssyncadd.s32 @!p0 s1  }
0x5b: {  	[bflag:$0x3] =	sbarrier.arrive $0xFFFF  }
0x5c: {  	_ =	shalt  }

// kernel: kernel.20.cloned.1.call-start
scs
__scs_entry_jumppad:
0x0: {  	(pc) =	sbr.rel $0x88, $3  }
0x1: {  	(tag) =	ssettag $0x0;
	lr =	simm.s32 $0x1  }
0x2: {  	[smem:$0x3F96] =	sst lr;
	_ =	strace $0xD0000000  }
0x3: {  	_ = 	snop  }
0x4: {  	_ = 	snop  }
0x5: {  	_ = 	snop  }
0x6: {  	_ = 	snop  }
0x7: {  	_ = 	snop  }
__scs_overlays_trampoline_lowered:
0x8: {  	[smem:$0x3FA5] =	sst s0  }
0x9: {  	[smem:$0x3FA6] =	sst s1  }
0xa: {  	[smem:$0x3FA7] =	sst s2  }
0xb: {  	[smem:$0x3FA8] =	sst s3  }
0xc: {  	[smem:$0x3FA9] =	sst s4  }
0xd: {  	[smem:$0x3FAA] =	sst s5  }
0xe: {  	[smem:$0x3FAB] =	sst s6  }
0xf: {  	[smem:$0x3FAC] =	sst s7  }
0x10: {  	[smem:$0x3FAD] =	sst s8  }
0x11: {  	[smem:$0x3FAE] =	sst s9;
	s0 =	simm.s32 @!p0 $0x0  }
0x12: {  	s1 =	sld [smem:$0x3F94];
	s0 =	simm.s32 @p0 $0x1  }
0x13: {  	[smem:$0x3FAF] =	sst s0;
	s0 =	simm.s32 @!p1 $0x0  }
0x14: {  	s2 =	sld [smem:$0x3F93];
	s0 =	simm.s32 @p1 $0x1  }
0x15: {  	[smem:$0x3FB0] =	sst s0;
	s0 =	simm.s32 @!p2 $0x0  }
0x16: {  	s3 =	sld [smem:$0x3FDB];
	s0 =	simm.s32 @p2 $0x1  }
0x17: {  	s4 =	simm.s32 $0x1BF5;
	[smem:$0x3FB2] =	sst s0  }
0x18: {  	s0 =	sld [smem:$0x3F95];
	_ =	swait.ge [sflag:s4], $0x0  }
0x19: {  	s7 =	sld [smem:$0x3F96]  }
0x1a: {  	s8 =	sadd.s32 $0xFFFFE003, lr  }
0x1b: {  	s9 =	sadd.s32 $0xFFFFFEF7, lr;
	s5 =	simm.s32 $0xFFFFFFFF;
	p2 =	slt.u32 s8, $0xFFFFF086  }
0x1c: {  	p1 =	slt.u32 s9, $0xF7A;
	s5 =	simm.s32 @!p2 $0x0  }
0x1d: {  	s5 =	simm.s32 @p1 $0x1;
	p0 =	seq.s32 s7, s2  }
0x1e: {  	s7 =	smul.u32 @!p0 $0xF7A, s2;
	p2 =	seq.s32 @!p0 s5, $0x0  }
0x1f: {  	s9 =	smul.u32 $0xF7A, s1;
	s8 =	simm.s32 @!p0 $0x1BF5;
	p2 =	por !p2, p0  }
0x20: {  	[sflag:s8] =	ssyncset.s32 @!p0 $0xFFFFF086;
	s6 =	sadd.s32 @!p0 s3, s7;
	s7 =	simm.s32 @!p0 $0x108  }
0x21: {  	s3 =	sadd.s32 s3, s9;
	s6 =	sadd.s32 @!p0 $0x88, s6;
	s7 =	simm.s32 @p2 $0x1082  }
0x22: {  	[simem:s7], [sflag:s8] =	dma.local @!p0 [hbm:s6], $0xF7A  }
0x23: {  	s9 =	sor.u32 $0xD0000000, s2;
	s6 =	simm.s32 $0x108;
	_ =	swait.ge @!p0 [sflag:s8], $0x0  }
0x24: {  	s3 =	sadd.s32 $0x88, s3;
	s6 =	simm.s32 @!p1 $0x1082;
	[sflag:s4] =	ssyncset.s32 $0xFFFFF086  }
0x25: {  	[simem:s6], [sflag:s4] =	dma.local [hbm:s3], $0xF7A  }
0x26: {  	[smem:$0x3F96] =	sst s1;
	(tag) =	ssettag s2;
	_ =	strace s9  }
0x27: {  	s1 =	sld [smem:$0x3FA6]  }
0x28: {  	s2 =	sld [smem:$0x3FA7]  }
0x29: {  	s4 =	sld [smem:$0x3FA9]  }
0x2a: {  	p0 =	seq.s32 s5, $0x0;
	s5 =	sld [smem:$0x3FAA]  }
0x2b: {  	s6 =	sld [smem:$0x3FAB]  }
0x2c: {  	s7 =	sld [smem:$0x3FAC]  }
0x2d: {  	s3 =	simm.s32 $0x108;
	s8 =	sld [smem:$0x3FAD]  }
0x2e: {  	s3 =	simm.s32 @!p0 $0x1082;
	s9 =	sld [smem:$0x3FAE]  }
0x2f: {  	lr =	sadd.s32 s0, s3;
	s0 =	sld [smem:$0x3FA5]  }
0x30: {  	s3 =	sld [smem:$0x3FA8]  }
0x31: {  	[smem:$0x3FB1] =	sst s10  }
0x32: {  	s10 =	sld [smem:$0x3FAF];
	_ =	sdelay $0x3  }
0x33: {  	p0 =	seq.s32 s10, $0x1;
	s10 =	sld [smem:$0x3FB1];
	_ =	sdelay $0x3  }
0x34: {  	[smem:$0x3FB1] =	sst s10  }
0x35: {  	s10 =	sld [smem:$0x3FB0];
	_ =	sdelay $0x3  }
0x36: {  	p1 =	seq.s32 s10, $0x1;
	s10 =	sld [smem:$0x3FB1];
	_ =	sdelay $0x3  }
0x37: {  	[smem:$0x3FB1] =	sst s10  }
0x38: {  	s10 =	sld [smem:$0x3FB2]  }
0x39: {  	_ = 	snop;
	(pc) =	sbr.ind lr, $3  }
0x3a: {  	_ = 	snop  }
0x3b: {  	_ = 	snop  }
0x3c: {  	p2 =	seq.s32 s10, $0x1;
	s10 =	sld [smem:$0x3FB1]  }
0x3d: {  	_ =	shalt  }
0x3e: {  	_ =	shalt  }
0x3f: {  	_ =	shalt  }
0x40: {  	_ =	shalt  }
0x41: {  	_ =	shalt  }
0x42: {  	_ =	shalt  }
0x43: {  	_ =	shalt  }
0x44: {  	_ =	shalt  }
0x45: {  	_ =	shalt  }
0x46: {  	_ =	shalt  }
0x47: {  	_ =	shalt  }
0x48: {  	_ =	shalt  }
0x49: {  	_ =	shalt  }
0x4a: {  	_ =	shalt  }
0x4b: {  	_ =	shalt  }
0x4c: {  	_ =	shalt  }
0x4d: {  	_ =	shalt  }
0x4e: {  	_ =	shalt  }
0x4f: {  	_ =	shalt  }
0x50: {  	_ =	shalt  }
0x51: {  	_ =	shalt  }
0x52: {  	_ =	shalt  }
0x53: {  	_ =	shalt  }
0x54: {  	_ =	shalt  }
0x55: {  	_ =	shalt  }
0x56: {  	_ =	shalt  }
0x57: {  	_ =	shalt  }
0x58: {  	_ =	shalt  }
0x59: {  	_ =	shalt  }
0x5a: {  	_ =	shalt  }
0x5b: {  	_ =	shalt  }
0x5c: {  	_ =	shalt  }
0x5d: {  	_ =	shalt  }
0x5e: {  	_ =	shalt  }
0x5f: {  	_ =	shalt  }
0x60: {  	_ =	shalt  }
0x61: {  	_ =	shalt  }
0x62: {  	_ =	shalt  }
0x63: {  	_ =	shalt  }
0x64: {  	_ =	shalt  }
0x65: {  	_ =	shalt  }
0x66: {  	_ =	shalt  }
0x67: {  	_ =	shalt  }
0x68: {  	_ =	shalt  }
0x69: {  	_ =	shalt  }
0x6a: {  	_ =	shalt  }
0x6b: {  	_ =	shalt  }
0x6c: {  	_ =	shalt  }
0x6d: {  	_ =	shalt  }
0x6e: {  	_ =	shalt  }
0x6f: {  	_ =	shalt  }
0x70: {  	_ =	shalt  }
0x71: {  	_ =	shalt  }
0x72: {  	_ =	shalt  }
0x73: {  	_ =	shalt  }
0x74: {  	_ =	shalt  }
0x75: {  	_ =	shalt  }
0x76: {  	_ =	shalt  }
0x77: {  	_ =	shalt  }
0x78: {  	_ =	shalt  }
0x79: {  	_ =	shalt  }
0x7a: {  	_ =	shalt  }
0x7b: {  	_ =	shalt  }
0x7c: {  	_ =	shalt  }
0x7d: {  	_ =	shalt  }
0x7e: {  	_ =	shalt  }
0x7f: {  	_ =	shalt  }
0x80: {  	_ =	shalt  }
0x81: {  	_ =	shalt  }
0x82: {  	_ =	shalt  }
0x83: {  	_ =	shalt  }
0x84: {  	_ =	shalt  }
0x85: {  	_ =	shalt  }
0x86: {  	_ =	shalt  }
0x87: {  	_ =	shalt  }
.Lfunc_end0:
.L_simem_size_0:
called_computation.1_lowered:
.L_overlay_start_0:
0x88: {  	s2 =	sld [smem:$0x3FD9]  }
0x89: {  	s3 =	sld [smem:$0x3FFE];
	_ =	sdelay $0x1  }
0x8a: {  	s1 =	srdreg.scid  }
0x8b: {  	s0 =	sand.u32 $0x1, s1  }
0x8c: {  	s17 =	sshll.u32 s0, $0xA;
	s2 =	sadd.s32 s3, s2  }
0x8d: {  	s2 =	sadd.s32 s2, s17  }
0x8e: {  	[smem:$0x3FBD] =	sst s2  }
0x8f: {  	_ = 	snop  }
0x90: {  	s2 =	sld [smem:$0x3FD0];
	(tm) =	ssettm $0x1  }
0x91: {  	s18 =	sld [smem:$0x3FFB];
	_ =	sdelay $0x3  }
0x92: {  	_ =	strace s18  }
0x93: {  	s3 =	sld [smem:$0x3FFC];
	_ =	sdelay $0x3  }
0x94: {  	_ =	strace s3  }
0x95: {  	s3 =	sld [smem:$0x3FFD];
	_ =	sdelay $0x3  }
0x96: {  	_ =	strace s3  }
0x97: {  	_ =	strace $0x8FFFFFFF  }
0x98: {  	s19 =	sld [smem:$0x3FDB];
	_ =	sdelay $0x1  }
0x99: {  	s4 =	simm.s32 $_scs_section_size  }
0x9a: {  	s5 =	simm.s32 $_size__tile_overlayer_lowered;
	s6 =	simm.s32 $_tile_overlayer_lowered  }
0x9b: {  	s22 =	simm.s32 $0x1BFF;
	s21 =	sshll.u32 s6, $0x1;
	s3 =	sadd.s32 s4, s19  }
0x9c: {  	s7 =	simm.s32 $0x0;
	s20 =	sshll.u32 s5, $0x1;
	s5 =	sadd.s32 s21, s3  }
0x9d: {  	[timem:s7], [sflag:s22] =	dma.local [hbm:s5], s20  }
0x9e: {  	_ =	swait.ge [sflag:s22], s20  }
0x9f: {  	s4 =	ssub.s32 $0x0, s20;
	[sflag:s22] =	ssyncset.done $0x0  }
0xa0: {  	[sflag:s22] =	ssyncadd.s32 s4;
	_ =	sdelay $0x1  }
0xa1: {  	s23 =	simm.s32 $0x1B8B  }
0xa2: {  	_ =	swait.ge [sflag:s23], $0x1  }
0xa3: {  	[sflag:s23] =	ssyncset.done $0x0  }
0xa4: {  	s25 =	simm.s32 $0x1B8E;
	s24 =	sld [smem:$0x3FFE];
	[sflag:s23] =	ssyncadd.s32 $0xFFFFFFFF  }
0xa5: {  	s26 =	simm.s32 $execute0_lowered;
	[smem:$0x3FD2] =	sst s25  }
0xa6: {  	s5 =	sshll.u32 s26, $0x1;
	_ =	strace $0x80000049;
	[dreg:$0x1] =	wrdreg $0xFFFFFFFF  }
0xa7: {  	s28 =	simm.s32 $_size_execute0_lowered;
	s3 =	sadd.s32 s3, s5;
	[dreg:$0x0] =	wrdreg $0x0  }
0xa8: {  	s5 =	sshll.u32 s28, $0x1;
	[dreg:$0x2] =	wrdreg s3  }
0xa9: {  	[dreg:$0x3] =	wrdreg s5  }
0xaa: {  	[dreg:$0x4] =	wrdreg $0xC0  }
0xab: {  	_ =	task [dreg:s7], $0x5FFFF  }
0xac: {  	[dreg:$0x1] =	wrdreg $0xFFFFFFFF  }
0xad: {  	[dreg:$0x0] =	wrdreg $0x60  }
0xae: {  	[dreg:$0x2] =	wrdreg s24  }
0xaf: {  	[dreg:$0x3] =	wrdreg s2  }
0xb0: {  	[dreg:$0x4] =	wrdreg $0xB7800  }
0xb1: {  	[dreg:$0x5] =	wrdreg $0x9  }
0xb2: {  	_ =	task.clear_ibuf [dreg:s7], $0x6FFFF;
	_ =	strace $0x90000049  }
0xb3: {  	s29 =	simm.s32 $0x9;
	_ =	strace $0x8000004B  }
0xb4: {  	_ =	swait.ge [sflag:s29], $0x1  }
0xb5: {  	[sflag:s29] =	ssyncadd.s32 $0xFFFFFFFF  }
0xb6: {  	_ =	strace $0x9000004B  }
0xb7: {  	_ =	sfence  }
0xb8: {  	s30 =	sld [smem:$0x0];
	_ =	sdelay $0x2  }
0xb9: {  	s31 =	sshll.u32 s1, $0xD;
	s1 =	sshrl.u32 s1, $0x2  }
0xba: {  	s3 =	sand.u32 $0x4000, s31;
	s1 =	sadd.s32 s1, s30  }
0xbb: {  	s0 =	sor.u32 s3, s0;
	s1 =	sshll.u32 s1, $0x11  }
0xbc: {  	s0 =	sor.u32 s1, s0  }
0xbd: {  	s0 =	sadd.s32 $0x8F2B, s0  }
0xbe: {  	[sflag:s0] =	ssyncadd.remote.s32 $0x1  }
0xbf: {  	_ =	sfence.sel $0xFFFF  }
0xc0: {  	[dreg:$0x0] =	wrdreg $0xFFFFFFFF;
	(pc) =	sbr.abs _section_cstart, $3  }
0xc1: {  	[dreg:$0x1] =	wrdreg $0xFFFFFFFF  }
0xc2: {  	_ =	task.clear_ibuf [dreg:s7], $0x2FFFF;
	_ =	strace $0x9FFFFFFF  }
0xc3: {  	(tm) =	ssettm $0x7FFFFFFF  }
tec
execute0_lowered:
.L_overlay_start_1:
0x0: {  	(tag) =	ssettag $0x1  }
0x1: {  	s5 =	rddreg [dreg:$0x0]  }
0x2: {  	s0 =	srdreg.scid;
	s6 =	rddreg [dreg:$0x1]  }
0x3: {  	s1 =	rddreg [dreg:$0x2];
	s9 =	stileid.u32;
	s2 =	simm.s32 $0x0  }
0x4: {  	s13 =	simm.s32 $0x6780;
	s14 =	simm.s32 $0x8F80;
	s15 =	simm.s32 $0x1  }
0x5: {  	s16 =	simm.s32 $0x2;
	s17 =	simm.s32 $0x3;
	s18 =	simm.s32 $0x4  }
0x6: {  	s19 =	simm.s32 $0x6480;
	s20 =	simm.s32 $0x6500;
	s21 =	simm.s32 $0x26C0  }
0x7: {  	s22 =	simm.s32 $0x6580;
	s7 =	sand.u32 $0x1, s0;
	s0 =	rddreg [dreg:$0x3]  }
0x8: {  	s23 =	simm.s32 $0x0;
	[smem:$0x7FF] =	sst s2;
	p0 =	sne.s32 s9, $0x0  }
0x9: {  	s3 =	sshll.u32 s7, $0x4;
	_ =	strace $0x8000004A;
	s10 =	smul.u32 $0x28000, s7  }
0xa: {  	s7 =	ssub.s32 $0x2, s7;
	s8 =	sor.u32 s9, s3;
	s3 =	sadd.s32 $0x38C00, s5  }
0xb: {  	s31 =	sshrl.u32 s7, $0x1;
	s9 =	sshrl.u32 @!p0 s1, $0x3;
	s4 =	smul.u32 $0x4E2, s8  }
0xc: {  	s10 =	sadd.s32 s10, s5;
	s8 =	sshll.u32 s8, $0xB;
	s12 =	ssub.s32 s7, s31  }
0xd: {  	s6 =	sadd.s32 s6, s8;
	s7 =	sadd.s32 $0x87000, s10;
	s8 =	smax.u32 s12, $0x1  }
0xe: {  	s10 =	simm.s32 $0x5;
	s12 =	simm.s32 $0x50;
	s11 =	sadd.s32 s4, s5  }
0xf: {  	s4 =	sadd.s32 $0x10C00, s5;
	s5 =	sadd.s32 $0x6E00, s11;
	s11 =	simm.s32 $0x2780  }
.LBB2_1:
0x10: {  	s24 =	simm.s32 @!p0 $0x1C05  }
0x11: {  	[spmem:s9], [sflag:s24] =	dma.local @!p0 [hbm:s4], $0x28000  }
0x12: {  	s24 =	simm.s32 @!p0 $0x5  }
0x13: {  	_ =	swait.ge @!p0 [sflag:s24], $0x28000  }
0x14: {  	[sflag:s24] =	ssyncset.done @!p0 $0x0  }
0x15: {  	[sflag:s24] =	ssyncadd.s32 @!p0 $0xFFFD8000  }
0x16: {  	[tilespmem:s2], [sflag:$0x5] =	stream.linear.gather [hbm4b:s5+s2], $0x2710, $0x38;
	[tilespmem:$0x1F780] =	vst v63  }
0x17: {  	_ =	swait.ge [sflag:s10], $0x2710  }
0x18: {  	[sflag:s10] =	ssyncset.done $0x0  }
0x19: {  	[sflag:s10] =	ssyncadd.s32 $0xFFFFD8F0  }
0x1a: {  	[tilespmem:s11], [sflag:$0x5] =	stream.linear.gather [hbm4b:s6+s2], $0x3E80, $0x38;
	[tilespmem:$0x1F780] =	vst v63  }
0x1b: {  	_ =	swait.ge [sflag:s10], $0x3E80  }
0x1c: {  	[sflag:s10] =	ssyncset.done $0x0  }
0x1d: {  	[sflag:s10] =	ssyncadd.s32 $0xFFFFC180  }
0x1e: {  	[bflag:$0x0] =	sbarrier.arrive $0xFFFF  }
0x1f: {  	[tilespmem:s13], [sflag:$0x1] =	stream.indirect.gather [hbm4b:s3+s12], $0x80, s2, s12, $0xb8;
	[tilespmem:$0x1F780] =	vst v63  }
0x20: {  	_ = 	snop  }
0x21: {  	[tilespmem:s14], [sflag:$0x2] =	stream.indirect.gather [hbm4b:s3+s12], $0x80, s12, s12, $0xb8;
	[tilespmem:$0x1F780] =	vst v63  }
0x22: {  	_ =	swait.ge [sflag:s15], $0x2800  }
0x23: {  	[sflag:s15] =	ssyncset.done $0x0  }
0x24: {  	s29 =	simm.s32 $0x2780;
	[sflag:s15] =	ssyncadd.s32 $0xFFFFD800  }
0x25: {  	[spmem:s1] =	stream.indirect.scatter.add.f32 [tilespmem:s13], [sflag:$0x3], $0x80, s29, s12, $0xb8;
	[tilespmem:$0x1F780] =	vst v63  }
0x26: {  	_ =	swait.ge [sflag:s16], $0x2800  }
0x27: {  	[sflag:s16] =	ssyncset.done $0x0  }
0x28: {  	s30 =	simm.s32 $0x2800;
	[sflag:s16] =	ssyncadd.s32 $0xFFFFD800  }
0x29: {  	[spmem:s1] =	stream.indirect.scatter.add.f32 [tilespmem:s14], [sflag:$0x4], $0x80, s30, s12, $0xb8;
	[tilespmem:$0x1F780] =	vst v63  }
0x2a: {  	_ =	swait.ge [sflag:s17], $0x2800  }
0x2b: {  	[sflag:s17] =	ssyncset.done $0x0  }
0x2c: {  	s31 =	simm.s32 $0xA0;
	[sflag:s17] =	ssyncadd.s32 $0xFFFFD800  }
0x2d: {  	[tilespmem:s13], [sflag:$0x1] =	stream.indirect.gather [hbm4b:s3+s12], $0x80, s31, s12, $0xb8;
	[tilespmem:$0x1F780] =	vst v63  }
0x2e: {  	_ =	swait.ge [sflag:s18], $0x2800  }
0x2f: {  	s25 =	simm.s32 $0x400;
	[sflag:s18] =	ssyncset.done $0x0  }
0x30: {  	s26 =	simm.s32 $0x190;
	s24 =	simm.s32 $0xF0;
	[sflag:s18] =	ssyncadd.s32 $0xFFFFD800  }
.LBB2_2:
0x31: {  	[tilespmem:s14], [sflag:$0x2] =	stream.indirect.gather [hbm4b:s3+s12], $0x80, s24, s12, $0xb8;
	[tilespmem:$0x1F780] =	vst v63  }
0x32: {  	s28 =	smov.u32 s25;
	s24 =	smov.u32 s26  }
0x33: {  	p1 =	sne.s32 s25, $0xF000;
	s25 =	sadd.s32 $0x400, s25;
	_ =	swait.ge [sflag:s15], $0x2800  }
0x34: {  	s28 =	sshra.s32 s28, $0x2;
	[sflag:s15] =	ssyncset.done $0x0  }
0x35: {  	s29 =	sadd.s32 $0x2780, s28;
	[sflag:s15] =	ssyncadd.s32 $0xFFFFD800  }
0x36: {  	[spmem:s1] =	stream.indirect.scatter.add.f32 [tilespmem:s13], [sflag:$0x3], $0x80, s29, s12, $0xb8;
	[tilespmem:$0x1F780] =	vst v63  }
0x37: {  	_ =	swait.ge [sflag:s16], $0x2800  }
0x38: {  	[sflag:s16] =	ssyncset.done $0x0  }
0x39: {  	s28 =	sadd.s32 $0x2800, s28;
	[sflag:s16] =	ssyncadd.s32 $0xFFFFD800  }
0x3a: {  	[spmem:s1] =	stream.indirect.scatter.add.f32 [tilespmem:s14], [sflag:$0x4], $0x80, s28, s12, $0xb8;
	[tilespmem:$0x1F780] =	vst v63  }
0x3b: {  	_ =	swait.ge [sflag:s17], $0x2800  }
0x3c: {  	[sflag:s17] =	ssyncset.done $0x0  }
.Ltmp0:
0x3d: {  	s28 =	sadd.s32 $0xFFFFFFB0, s26;
	[sflag:s17] =	ssyncadd.s32 $0xFFFFD800;
	(pc) =	sbr.rel @p1 .LBB2_2-.Ltmp0, $4  }
0x3e: {  	[tilespmem:s13], [sflag:$0x1] =	stream.indirect.gather [hbm4b:s3+s12], $0x80, s28, s12, $0xb8;
	[tilespmem:$0x1F780] =	vst v63  }
0x3f: {  	_ =	swait.ge [sflag:s18], $0x2800  }
0x40: {  	[sflag:s18] =	ssyncset.done $0x0  }
0x41: {  	s26 =	sadd.s32 $0xA0, s26;
	[sflag:s18] =	ssyncadd.s32 $0xFFFFD800  }
0x42: {  	[tilespmem:s14], [sflag:$0x2] =	stream.indirect.gather [hbm4b:s3+s12], $0x80, s24, s12, $0xb8;
	[tilespmem:$0x1F780] =	vst v63  }
0x43: {  	_ =	swait.ge [sflag:s15], $0x2800  }
0x44: {  	[sflag:s15] =	ssyncset.done $0x0  }
0x45: {  	[sflag:s15] =	ssyncadd.s32 $0xFFFFD800  }
0x46: {  	[spmem:s1] =	stream.indirect.scatter.add.f32 [tilespmem:s13], [sflag:$0x5], $0x80, s19, s12, $0xb8;
	[tilespmem:$0x1F780] =	vst v63  }
0x47: {  	_ =	swait.ge [sflag:s10], $0x2800  }
0x48: {  	[sflag:s10] =	ssyncset.done $0x0  }
0x49: {  	[sflag:s10] =	ssyncadd.s32 $0xFFFFD800  }
0x4a: {  	_ =	swait.ge [sflag:s16], $0x2800  }
0x4b: {  	[sflag:s16] =	ssyncset.done $0x0  }
0x4c: {  	[sflag:s16] =	ssyncadd.s32 $0xFFFFD800  }
0x4d: {  	[spmem:s1] =	stream.indirect.scatter.add.f32 [tilespmem:s14], [sflag:$0x5], $0x80, s20, s12, $0xb8;
	[tilespmem:$0x1F780] =	vst v63  }
0x4e: {  	_ =	swait.ge [sflag:s10], $0x2800  }
0x4f: {  	[sflag:s10] =	ssyncset.done $0x0  }
0x50: {  	[sflag:s10] =	ssyncadd.s32 $0xFFFFD800  }
0x51: {  	[tilespmem:s13], [sflag:$0x1] =	stream.indirect.gather [hbm4b:s3+s12], $0x80, s21, s12, $0xb8;
	[tilespmem:$0x1F780] =	vst v63  }
0x52: {  	_ =	swait.ge [sflag:s15], $0x2800  }
0x53: {  	[sflag:s15] =	ssyncset.done $0x0  }
0x54: {  	[sflag:s15] =	ssyncadd.s32 $0xFFFFD800  }
0x55: {  	[spmem:s1] =	stream.indirect.scatter.add.f32 [tilespmem:s13], [sflag:$0x5], $0x80, s22, s12, $0xb8;
	[tilespmem:$0x1F780] =	vst v63  }
0x56: {  	_ =	swait.ge [sflag:s10], $0x2800  }
0x57: {  	[sflag:s10] =	ssyncset.done $0x0  }
0x58: {  	s23 =	sadd.s32 $0x1, s23;
	[sflag:s10] =	ssyncadd.s32 $0xFFFFD800  }
0x59: {  	s24 =	simm.s32 @!p0 $0x1C05;
	p1 =	sne.s32 s23, s8;
	[bflag:$0x0] =	sbarrier.arrive $0xFFFF  }
0x5a: {  	[hbm:s7], [sflag:s24] =	dma.local @!p0 [spmem:s9], $0x28000  }
.Ltmp1:
0x5b: {  	_ = 	snop;
	(pc) =	sbr.rel @p1 .LBB2_1-.Ltmp1, $4  }
0x5c: {  	s24 =	simm.s32 @!p0 $0x5  }
0x5d: {  	_ =	swait.ge @!p0 [sflag:s24], $0x28000  }
0x5e: {  	[sflag:s24] =	ssyncset.done @!p0 $0x0  }
0x5f: {  	[sflag:s24] =	ssyncadd.s32 @!p0 $0xFFFD8000  }
0x60: {  	_ =	sfence.sel $0x180000  }
0x61: {  	[bflag:$0x0] =	sbarrier.arrive $0xFFFF  }
0x62: {  	_ =	strace $0x9000004A  }
0x63: {  	s0 =	sadd.s32 @!p0 $0x100000, s0;
	[bflag:$0x2] =	sbarrier.arrive $0xFFFF  }
0x64: {  	[sflag:s0] =	ssyncadd.tile.s32 @!p0 $0x1;
	_ =	shalt  }
.Lfunc_end2:
_tile_overlayer_lowered:
.L_overlay_start_2:
0x65: {  	(tag) =	ssettag $0x2  }
0x66: {  	s0 =	rddreg [dreg:$0x0];
	s2 =	stileid.u32  }
0x67: {  	s1 =	rddreg [dreg:$0x1];
	p0 =	sne.s32 s2, $0x0  }
0x68: {  	s3 =	rddreg [dreg:$0x2];
	[bflag:$0x3] =	sbarrier.arrive $0xFFFF;
	s2 =	simm.s32 @!p0 $0x1C05  }
0x69: {  	[timem:s3], [sflag:s2] =	dma.local @!p0 [hbm:s0], s1  }
0x6a: {  	s0 =	simm.s32 @!p0 $0x5  }
0x6b: {  	_ =	swait.ge @!p0 [sflag:s0], s1  }
0x6c: {  	s1 =	ssub.s32 @!p0 $0x0, s1;
	[sflag:s0] =	ssyncset.done @!p0 $0x0  }
0x6d: {  	[sflag:s0] =	ssyncadd.s32 @!p0 s1  }
0x6e: {  	[bflag:$0x3] =	sbarrier.arrive $0xFFFF  }
0x6f: {  	_ =	shalt  }

// kernel: kernel.23.cloned.1.call-start
scs
__scs_entry_jumppad:
0x0: {  	(pc) =	sbr.rel $0x88, $3  }
0x1: {  	(tag) =	ssettag $0x0;
	lr =	simm.s32 $0x1  }
0x2: {  	[smem:$0x3F96] =	sst lr;
	_ =	strace $0xD0000000  }
0x3: {  	_ = 	snop  }
0x4: {  	_ = 	snop  }
0x5: {  	_ = 	snop  }
0x6: {  	_ = 	snop  }
0x7: {  	_ = 	snop  }
__scs_overlays_trampoline_lowered:
0x8: {  	[smem:$0x3FA5] =	sst s0  }
0x9: {  	[smem:$0x3FA6] =	sst s1  }
0xa: {  	[smem:$0x3FA7] =	sst s2  }
0xb: {  	[smem:$0x3FA8] =	sst s3  }
0xc: {  	[smem:$0x3FA9] =	sst s4  }
0xd: {  	[smem:$0x3FAA] =	sst s5  }
0xe: {  	[smem:$0x3FAB] =	sst s6  }
0xf: {  	[smem:$0x3FAC] =	sst s7  }
0x10: {  	[smem:$0x3FAD] =	sst s8  }
0x11: {  	[smem:$0x3FAE] =	sst s9;
	s0 =	simm.s32 @!p0 $0x0  }
0x12: {  	s1 =	sld [smem:$0x3F94];
	s0 =	simm.s32 @p0 $0x1  }
0x13: {  	[smem:$0x3FAF] =	sst s0;
	s0 =	simm.s32 @!p1 $0x0  }
0x14: {  	s2 =	sld [smem:$0x3F93];
	s0 =	simm.s32 @p1 $0x1  }
0x15: {  	[smem:$0x3FB0] =	sst s0;
	s0 =	simm.s32 @!p2 $0x0  }
0x16: {  	s3 =	sld [smem:$0x3FDB];
	s0 =	simm.s32 @p2 $0x1  }
0x17: {  	s4 =	simm.s32 $0x1BF5;
	[smem:$0x3FB2] =	sst s0  }
0x18: {  	s0 =	sld [smem:$0x3F95];
	_ =	swait.ge [sflag:s4], $0x0  }
0x19: {  	s7 =	sld [smem:$0x3F96]  }
0x1a: {  	s8 =	sadd.s32 $0xFFFFE003, lr  }
0x1b: {  	s9 =	sadd.s32 $0xFFFFFEF7, lr;
	s5 =	simm.s32 $0xFFFFFFFF;
	p2 =	slt.u32 s8, $0xFFFFF086  }
0x1c: {  	p1 =	slt.u32 s9, $0xF7A;
	s5 =	simm.s32 @!p2 $0x0  }
0x1d: {  	s5 =	simm.s32 @p1 $0x1;
	p0 =	seq.s32 s7, s2  }
0x1e: {  	s7 =	smul.u32 @!p0 $0xF7A, s2;
	p2 =	seq.s32 @!p0 s5, $0x0  }
0x1f: {  	s9 =	smul.u32 $0xF7A, s1;
	s8 =	simm.s32 @!p0 $0x1BF5;
	p2 =	por !p2, p0  }
0x20: {  	[sflag:s8] =	ssyncset.s32 @!p0 $0xFFFFF086;
	s6 =	sadd.s32 @!p0 s3, s7;
	s7 =	simm.s32 @!p0 $0x108  }
0x21: {  	s3 =	sadd.s32 s3, s9;
	s6 =	sadd.s32 @!p0 $0x88, s6;
	s7 =	simm.s32 @p2 $0x1082  }
0x22: {  	[simem:s7], [sflag:s8] =	dma.local @!p0 [hbm:s6], $0xF7A  }
0x23: {  	s9 =	sor.u32 $0xD0000000, s2;
	s6 =	simm.s32 $0x108;
	_ =	swait.ge @!p0 [sflag:s8], $0x0  }
0x24: {  	s3 =	sadd.s32 $0x88, s3;
	s6 =	simm.s32 @!p1 $0x1082;
	[sflag:s4] =	ssyncset.s32 $0xFFFFF086  }
0x25: {  	[simem:s6], [sflag:s4] =	dma.local [hbm:s3], $0xF7A  }
0x26: {  	[smem:$0x3F96] =	sst s1;
	(tag) =	ssettag s2;
	_ =	strace s9  }
0x27: {  	s1 =	sld [smem:$0x3FA6]  }
0x28: {  	s2 =	sld [smem:$0x3FA7]  }
0x29: {  	s4 =	sld [smem:$0x3FA9]  }
0x2a: {  	p0 =	seq.s32 s5, $0x0;
	s5 =	sld [smem:$0x3FAA]  }
0x2b: {  	s6 =	sld [smem:$0x3FAB]  }
0x2c: {  	s7 =	sld [smem:$0x3FAC]  }
0x2d: {  	s3 =	simm.s32 $0x108;
	s8 =	sld [smem:$0x3FAD]  }
0x2e: {  	s3 =	simm.s32 @!p0 $0x1082;
	s9 =	sld [smem:$0x3FAE]  }
0x2f: {  	lr =	sadd.s32 s0, s3;
	s0 =	sld [smem:$0x3FA5]  }
0x30: {  	s3 =	sld [smem:$0x3FA8]  }
0x31: {  	[smem:$0x3FB1] =	sst s10  }
0x32: {  	s10 =	sld [smem:$0x3FAF];
	_ =	sdelay $0x3  }
0x33: {  	p0 =	seq.s32 s10, $0x1;
	s10 =	sld [smem:$0x3FB1];
	_ =	sdelay $0x3  }
0x34: {  	[smem:$0x3FB1] =	sst s10  }
0x35: {  	s10 =	sld [smem:$0x3FB0];
	_ =	sdelay $0x3  }
0x36: {  	p1 =	seq.s32 s10, $0x1;
	s10 =	sld [smem:$0x3FB1];
	_ =	sdelay $0x3  }
0x37: {  	[smem:$0x3FB1] =	sst s10  }
0x38: {  	s10 =	sld [smem:$0x3FB2]  }
0x39: {  	_ = 	snop;
	(pc) =	sbr.ind lr, $3  }
0x3a: {  	_ = 	snop  }
0x3b: {  	_ = 	snop  }
0x3c: {  	p2 =	seq.s32 s10, $0x1;
	s10 =	sld [smem:$0x3FB1]  }
0x3d: {  	_ =	shalt  }
0x3e: {  	_ =	shalt  }
0x3f: {  	_ =	shalt  }
0x40: {  	_ =	shalt  }
0x41: {  	_ =	shalt  }
0x42: {  	_ =	shalt  }
0x43: {  	_ =	shalt  }
0x44: {  	_ =	shalt  }
0x45: {  	_ =	shalt  }
0x46: {  	_ =	shalt  }
0x47: {  	_ =	shalt  }
0x48: {  	_ =	shalt  }
0x49: {  	_ =	shalt  }
0x4a: {  	_ =	shalt  }
0x4b: {  	_ =	shalt  }
0x4c: {  	_ =	shalt  }
0x4d: {  	_ =	shalt  }
0x4e: {  	_ =	shalt  }
0x4f: {  	_ =	shalt  }
0x50: {  	_ =	shalt  }
0x51: {  	_ =	shalt  }
0x52: {  	_ =	shalt  }
0x53: {  	_ =	shalt  }
0x54: {  	_ =	shalt  }
0x55: {  	_ =	shalt  }
0x56: {  	_ =	shalt  }
0x57: {  	_ =	shalt  }
0x58: {  	_ =	shalt  }
0x59: {  	_ =	shalt  }
0x5a: {  	_ =	shalt  }
0x5b: {  	_ =	shalt  }
0x5c: {  	_ =	shalt  }
0x5d: {  	_ =	shalt  }
0x5e: {  	_ =	shalt  }
0x5f: {  	_ =	shalt  }
0x60: {  	_ =	shalt  }
0x61: {  	_ =	shalt  }
0x62: {  	_ =	shalt  }
0x63: {  	_ =	shalt  }
0x64: {  	_ =	shalt  }
0x65: {  	_ =	shalt  }
0x66: {  	_ =	shalt  }
0x67: {  	_ =	shalt  }
0x68: {  	_ =	shalt  }
0x69: {  	_ =	shalt  }
0x6a: {  	_ =	shalt  }
0x6b: {  	_ =	shalt  }
0x6c: {  	_ =	shalt  }
0x6d: {  	_ =	shalt  }
0x6e: {  	_ =	shalt  }
0x6f: {  	_ =	shalt  }
0x70: {  	_ =	shalt  }
0x71: {  	_ =	shalt  }
0x72: {  	_ =	shalt  }
0x73: {  	_ =	shalt  }
0x74: {  	_ =	shalt  }
0x75: {  	_ =	shalt  }
0x76: {  	_ =	shalt  }
0x77: {  	_ =	shalt  }
0x78: {  	_ =	shalt  }
0x79: {  	_ =	shalt  }
0x7a: {  	_ =	shalt  }
0x7b: {  	_ =	shalt  }
0x7c: {  	_ =	shalt  }
0x7d: {  	_ =	shalt  }
0x7e: {  	_ =	shalt  }
0x7f: {  	_ =	shalt  }
0x80: {  	_ =	shalt  }
0x81: {  	_ =	shalt  }
0x82: {  	_ =	shalt  }
0x83: {  	_ =	shalt  }
0x84: {  	_ =	shalt  }
0x85: {  	_ =	shalt  }
0x86: {  	_ =	shalt  }
0x87: {  	_ =	shalt  }
.Lfunc_end0:
.L_simem_size_0:
called_computation.2_lowered:
.L_overlay_start_0:
0x88: {  	s2 =	sld [smem:$0x3FD9]  }
0x89: {  	s3 =	sld [smem:$0x3FFE];
	_ =	sdelay $0x1  }
0x8a: {  	s1 =	srdreg.scid  }
0x8b: {  	s0 =	sand.u32 $0x1, s1  }
0x8c: {  	s17 =	sshll.u32 s0, $0xA;
	s2 =	sadd.s32 s3, s2  }
0x8d: {  	s2 =	sadd.s32 s2, s17  }
0x8e: {  	[smem:$0x3FBD] =	sst s2  }
0x8f: {  	_ = 	snop  }
0x90: {  	s2 =	sld [smem:$0x3FD0];
	(tm) =	ssettm $0x1  }
0x91: {  	s18 =	sld [smem:$0x3FFB];
	_ =	sdelay $0x3  }
0x92: {  	_ =	strace s18  }
0x93: {  	s3 =	sld [smem:$0x3FFC];
	_ =	sdelay $0x3  }
0x94: {  	_ =	strace s3  }
0x95: {  	s3 =	sld [smem:$0x3FFD];
	_ =	sdelay $0x3  }
0x96: {  	_ =	strace s3  }
0x97: {  	_ =	strace $0x8FFFFFFF  }
0x98: {  	s19 =	sld [smem:$0x3FDB];
	_ =	sdelay $0x1  }
0x99: {  	s4 =	simm.s32 $_scs_section_size  }
0x9a: {  	s5 =	simm.s32 $_size__tile_overlayer_lowered;
	s6 =	simm.s32 $_tile_overlayer_lowered  }
0x9b: {  	s22 =	simm.s32 $0x1BFF;
	s21 =	sshll.u32 s6, $0x1;
	s3 =	sadd.s32 s4, s19  }
0x9c: {  	s7 =	simm.s32 $0x0;
	s20 =	sshll.u32 s5, $0x1;
	s5 =	sadd.s32 s21, s3  }
0x9d: {  	[timem:s7], [sflag:s22] =	dma.local [hbm:s5], s20  }
0x9e: {  	_ =	swait.ge [sflag:s22], s20  }
0x9f: {  	s4 =	ssub.s32 $0x0, s20;
	[sflag:s22] =	ssyncset.done $0x0  }
0xa0: {  	[sflag:s22] =	ssyncadd.s32 s4;
	_ =	sdelay $0x1  }
0xa1: {  	s23 =	simm.s32 $0x1B8B  }
0xa2: {  	_ =	swait.ge [sflag:s23], $0x1  }
0xa3: {  	[sflag:s23] =	ssyncset.done $0x0  }
0xa4: {  	s25 =	simm.s32 $0x1B8E;
	s24 =	sld [smem:$0x3FFE];
	[sflag:s23] =	ssyncadd.s32 $0xFFFFFFFF  }
0xa5: {  	s26 =	simm.s32 $execute0_lowered;
	[smem:$0x3FD2] =	sst s25  }
0xa6: {  	s5 =	sshll.u32 s26, $0x1;
	_ =	strace $0x8000004C;
	[dreg:$0x1] =	wrdreg $0xFFFFFFFF  }
0xa7: {  	s28 =	simm.s32 $_size_execute0_lowered;
	s3 =	sadd.s32 s3, s5;
	[dreg:$0x0] =	wrdreg $0x0  }
0xa8: {  	s5 =	sshll.u32 s28, $0x1;
	[dreg:$0x2] =	wrdreg s3  }
0xa9: {  	[dreg:$0x3] =	wrdreg s5  }
0xaa: {  	[dreg:$0x4] =	wrdreg $0xC0  }
0xab: {  	_ =	task [dreg:s7], $0x5FFFF  }
0xac: {  	[dreg:$0x1] =	wrdreg $0xFFFFFFFF  }
0xad: {  	[dreg:$0x0] =	wrdreg $0x60  }
0xae: {  	[dreg:$0x2] =	wrdreg s24  }
0xaf: {  	[dreg:$0x3] =	wrdreg s2  }
0xb0: {  	[dreg:$0x4] =	wrdreg $0xB7800  }
0xb1: {  	[dreg:$0x5] =	wrdreg $0x9  }
0xb2: {  	_ =	task.clear_ibuf [dreg:s7], $0x6FFFF;
	_ =	strace $0x9000004C  }
0xb3: {  	s29 =	simm.s32 $0x9;
	_ =	strace $0x8000004E  }
0xb4: {  	_ =	swait.ge [sflag:s29], $0x1  }
0xb5: {  	[sflag:s29] =	ssyncadd.s32 $0xFFFFFFFF  }
0xb6: {  	_ =	strace $0x9000004E  }
0xb7: {  	_ =	sfence  }
0xb8: {  	s30 =	sld [smem:$0x0];
	_ =	sdelay $0x2  }
0xb9: {  	s31 =	sshll.u32 s1, $0xD;
	s1 =	sshrl.u32 s1, $0x2  }
0xba: {  	s3 =	sand.u32 $0x4000, s31;
	s1 =	sadd.s32 s1, s30  }
0xbb: {  	s0 =	sor.u32 s3, s0;
	s1 =	sshll.u32 s1, $0x11  }
0xbc: {  	s0 =	sor.u32 s1, s0  }
0xbd: {  	s0 =	sadd.s32 $0x8F2B, s0  }
0xbe: {  	[sflag:s0] =	ssyncadd.remote.s32 $0x1  }
0xbf: {  	_ =	sfence.sel $0xFFFF  }
0xc0: {  	[dreg:$0x0] =	wrdreg $0xFFFFFFFF;
	(pc) =	sbr.abs _section_cstart, $3  }
0xc1: {  	[dreg:$0x1] =	wrdreg $0xFFFFFFFF  }
0xc2: {  	_ =	task.clear_ibuf [dreg:s7], $0x2FFFF;
	_ =	strace $0x9FFFFFFF  }
0xc3: {  	(tm) =	ssettm $0x7FFFFFFF  }
tec
execute0_lowered:
.L_overlay_start_1:
0x0: {  	(tag) =	ssettag $0x1  }
0x1: {  	s5 =	rddreg [dreg:$0x0]  }
0x2: {  	s0 =	srdreg.scid;
	s6 =	rddreg [dreg:$0x1]  }
0x3: {  	s1 =	rddreg [dreg:$0x2];
	s9 =	stileid.u32;
	s2 =	simm.s32 $0x0  }
0x4: {  	s13 =	simm.s32 $0x6780;
	s14 =	simm.s32 $0x8F80;
	s15 =	simm.s32 $0x1  }
0x5: {  	s16 =	simm.s32 $0x2;
	s17 =	simm.s32 $0x3;
	s18 =	simm.s32 $0x4  }
0x6: {  	s19 =	simm.s32 $0x6480;
	s20 =	simm.s32 $0x6500;
	s21 =	simm.s32 $0x26C0  }
0x7: {  	s22 =	simm.s32 $0x6580;
	s7 =	sand.u32 $0x1, s0;
	s0 =	rddreg [dreg:$0x3]  }
0x8: {  	s23 =	simm.s32 $0x0;
	[smem:$0x7FF] =	sst s2;
	p0 =	sne.s32 s9, $0x0  }
0x9: {  	s3 =	sshll.u32 s7, $0x4;
	_ =	strace $0x8000004D;
	s10 =	smul.u32 $0x28000, s7  }
0xa: {  	s7 =	ssub.s32 $0x2, s7;
	s8 =	sor.u32 s9, s3;
	s3 =	sadd.s32 $0x38C00, s5  }
0xb: {  	s31 =	sshrl.u32 s7, $0x1;
	s9 =	sshrl.u32 @!p0 s1, $0x3;
	s4 =	smul.u32 $0x4E2, s8  }
0xc: {  	s10 =	sadd.s32 s10, s5;
	s8 =	sshll.u32 s8, $0xB;
	s12 =	ssub.s32 s7, s31  }
0xd: {  	s6 =	sadd.s32 s6, s8;
	s7 =	sadd.s32 $0x87000, s10;
	s8 =	smax.u32 s12, $0x1  }
0xe: {  	s10 =	simm.s32 $0x5;
	s12 =	simm.s32 $0x50;
	s11 =	sadd.s32 s4, s5  }
0xf: {  	s4 =	sadd.s32 $0x10C00, s5;
	s5 =	sadd.s32 $0x6E00, s11;
	s11 =	simm.s32 $0x2780  }
.LBB2_1:
0x10: {  	s24 =	simm.s32 @!p0 $0x1C05  }
0x11: {  	[spmem:s9], [sflag:s24] =	dma.local @!p0 [hbm:s4], $0x28000  }
0x12: {  	s24 =	simm.s32 @!p0 $0x5  }
0x13: {  	_ =	swait.ge @!p0 [sflag:s24], $0x28000  }
0x14: {  	[sflag:s24] =	ssyncset.done @!p0 $0x0  }
0x15: {  	[sflag:s24] =	ssyncadd.s32 @!p0 $0xFFFD8000  }
0x16: {  	[tilespmem:s2], [sflag:$0x5] =	stream.linear.gather [hbm4b:s5+s2], $0x2710, $0x38;
	[tilespmem:$0x1F780] =	vst v63  }
0x17: {  	_ =	swait.ge [sflag:s10], $0x2710  }
0x18: {  	[sflag:s10] =	ssyncset.done $0x0  }
0x19: {  	[sflag:s10] =	ssyncadd.s32 $0xFFFFD8F0  }
0x1a: {  	[tilespmem:s11], [sflag:$0x5] =	stream.linear.gather [hbm4b:s6+s2], $0x3E80, $0x38;
	[tilespmem:$0x1F780] =	vst v63  }
0x1b: {  	_ =	swait.ge [sflag:s10], $0x3E80  }
0x1c: {  	[sflag:s10] =	ssyncset.done $0x0  }
0x1d: {  	[sflag:s10] =	ssyncadd.s32 $0xFFFFC180  }
0x1e: {  	[bflag:$0x0] =	sbarrier.arrive $0xFFFF  }
0x1f: {  	[tilespmem:s13], [sflag:$0x1] =	stream.indirect.gather [hbm4b:s3+s12], $0x80, s2, s12, $0xb8;
	[tilespmem:$0x1F780] =	vst v63  }
0x20: {  	_ = 	snop  }
0x21: {  	[tilespmem:s14], [sflag:$0x2] =	stream.indirect.gather [hbm4b:s3+s12], $0x80, s12, s12, $0xb8;
	[tilespmem:$0x1F780] =	vst v63  }
0x22: {  	_ =	swait.ge [sflag:s15], $0x2800  }
0x23: {  	[sflag:s15] =	ssyncset.done $0x0  }
0x24: {  	s29 =	simm.s32 $0x2780;
	[sflag:s15] =	ssyncadd.s32 $0xFFFFD800  }
0x25: {  	[spmem:s1] =	stream.indirect.scatter.add.f32 [tilespmem:s13], [sflag:$0x3], $0x80, s29, s12, $0xb8;
	[tilespmem:$0x1F780] =	vst v63  }
0x26: {  	_ =	swait.ge [sflag:s16], $0x2800  }
0x27: {  	[sflag:s16] =	ssyncset.done $0x0  }
0x28: {  	s30 =	simm.s32 $0x2800;
	[sflag:s16] =	ssyncadd.s32 $0xFFFFD800  }
0x29: {  	[spmem:s1] =	stream.indirect.scatter.add.f32 [tilespmem:s14], [sflag:$0x4], $0x80, s30, s12, $0xb8;
	[tilespmem:$0x1F780] =	vst v63  }
0x2a: {  	_ =	swait.ge [sflag:s17], $0x2800  }
0x2b: {  	[sflag:s17] =	ssyncset.done $0x0  }
0x2c: {  	s31 =	simm.s32 $0xA0;
	[sflag:s17] =	ssyncadd.s32 $0xFFFFD800  }
0x2d: {  	[tilespmem:s13], [sflag:$0x1] =	stream.indirect.gather [hbm4b:s3+s12], $0x80, s31, s12, $0xb8;
	[tilespmem:$0x1F780] =	vst v63  }
0x2e: {  	_ =	swait.ge [sflag:s18], $0x2800  }
0x2f: {  	s25 =	simm.s32 $0x400;
	[sflag:s18] =	ssyncset.done $0x0  }
0x30: {  	s26 =	simm.s32 $0x190;
	s24 =	simm.s32 $0xF0;
	[sflag:s18] =	ssyncadd.s32 $0xFFFFD800  }
.LBB2_2:
0x31: {  	[tilespmem:s14], [sflag:$0x2] =	stream.indirect.gather [hbm4b:s3+s12], $0x80, s24, s12, $0xb8;
	[tilespmem:$0x1F780] =	vst v63  }
0x32: {  	s28 =	smov.u32 s25;
	s24 =	smov.u32 s26  }
0x33: {  	p1 =	sne.s32 s25, $0xF000;
	s25 =	sadd.s32 $0x400, s25;
	_ =	swait.ge [sflag:s15], $0x2800  }
0x34: {  	s28 =	sshra.s32 s28, $0x2;
	[sflag:s15] =	ssyncset.done $0x0  }
0x35: {  	s29 =	sadd.s32 $0x2780, s28;
	[sflag:s15] =	ssyncadd.s32 $0xFFFFD800  }
0x36: {  	[spmem:s1] =	stream.indirect.scatter.add.f32 [tilespmem:s13], [sflag:$0x3], $0x80, s29, s12, $0xb8;
	[tilespmem:$0x1F780] =	vst v63  }
0x37: {  	_ =	swait.ge [sflag:s16], $0x2800  }
0x38: {  	[sflag:s16] =	ssyncset.done $0x0  }
0x39: {  	s28 =	sadd.s32 $0x2800, s28;
	[sflag:s16] =	ssyncadd.s32 $0xFFFFD800  }
0x3a: {  	[spmem:s1] =	stream.indirect.scatter.add.f32 [tilespmem:s14], [sflag:$0x4], $0x80, s28, s12, $0xb8;
	[tilespmem:$0x1F780] =	vst v63  }
0x3b: {  	_ =	swait.ge [sflag:s17], $0x2800  }
0x3c: {  	[sflag:s17] =	ssyncset.done $0x0  }
.Ltmp0:
0x3d: {  	s28 =	sadd.s32 $0xFFFFFFB0, s26;
	[sflag:s17] =	ssyncadd.s32 $0xFFFFD800;
	(pc) =	sbr.rel @p1 .LBB2_2-.Ltmp0, $4  }
0x3e: {  	[tilespmem:s13], [sflag:$0x1] =	stream.indirect.gather [hbm4b:s3+s12], $0x80, s28, s12, $0xb8;
	[tilespmem:$0x1F780] =	vst v63  }
0x3f: {  	_ =	swait.ge [sflag:s18], $0x2800  }
0x40: {  	[sflag:s18] =	ssyncset.done $0x0  }
0x41: {  	s26 =	sadd.s32 $0xA0, s26;
	[sflag:s18] =	ssyncadd.s32 $0xFFFFD800  }
0x42: {  	[tilespmem:s14], [sflag:$0x2] =	stream.indirect.gather [hbm4b:s3+s12], $0x80, s24, s12, $0xb8;
	[tilespmem:$0x1F780] =	vst v63  }
0x43: {  	_ =	swait.ge [sflag:s15], $0x2800  }
0x44: {  	[sflag:s15] =	ssyncset.done $0x0  }
0x45: {  	[sflag:s15] =	ssyncadd.s32 $0xFFFFD800  }
0x46: {  	[spmem:s1] =	stream.indirect.scatter.add.f32 [tilespmem:s13], [sflag:$0x5], $0x80, s19, s12, $0xb8;
	[tilespmem:$0x1F780] =	vst v63  }
0x47: {  	_ =	swait.ge [sflag:s10], $0x2800  }
0x48: {  	[sflag:s10] =	ssyncset.done $0x0  }
0x49: {  	[sflag:s10] =	ssyncadd.s32 $0xFFFFD800  }
0x4a: {  	_ =	swait.ge [sflag:s16], $0x2800  }
0x4b: {  	[sflag:s16] =	ssyncset.done $0x0  }
0x4c: {  	[sflag:s16] =	ssyncadd.s32 $0xFFFFD800  }
0x4d: {  	[spmem:s1] =	stream.indirect.scatter.add.f32 [tilespmem:s14], [sflag:$0x5], $0x80, s20, s12, $0xb8;
	[tilespmem:$0x1F780] =	vst v63  }
0x4e: {  	_ =	swait.ge [sflag:s10], $0x2800  }
0x4f: {  	[sflag:s10] =	ssyncset.done $0x0  }
0x50: {  	[sflag:s10] =	ssyncadd.s32 $0xFFFFD800  }
0x51: {  	[tilespmem:s13], [sflag:$0x1] =	stream.indirect.gather [hbm4b:s3+s12], $0x80, s21, s12, $0xb8;
	[tilespmem:$0x1F780] =	vst v63  }
0x52: {  	_ =	swait.ge [sflag:s15], $0x2800  }
0x53: {  	[sflag:s15] =	ssyncset.done $0x0  }
0x54: {  	[sflag:s15] =	ssyncadd.s32 $0xFFFFD800  }
0x55: {  	[spmem:s1] =	stream.indirect.scatter.add.f32 [tilespmem:s13], [sflag:$0x5], $0x80, s22, s12, $0xb8;
	[tilespmem:$0x1F780] =	vst v63  }
0x56: {  	_ =	swait.ge [sflag:s10], $0x2800  }
0x57: {  	[sflag:s10] =	ssyncset.done $0x0  }
0x58: {  	s23 =	sadd.s32 $0x1, s23;
	[sflag:s10] =	ssyncadd.s32 $0xFFFFD800  }
0x59: {  	s24 =	simm.s32 @!p0 $0x1C05;
	p1 =	sne.s32 s23, s8;
	[bflag:$0x0] =	sbarrier.arrive $0xFFFF  }
0x5a: {  	[hbm:s7], [sflag:s24] =	dma.local @!p0 [spmem:s9], $0x28000  }
.Ltmp1:
0x5b: {  	_ = 	snop;
	(pc) =	sbr.rel @p1 .LBB2_1-.Ltmp1, $4  }
0x5c: {  	s24 =	simm.s32 @!p0 $0x5  }
0x5d: {  	_ =	swait.ge @!p0 [sflag:s24], $0x28000  }
0x5e: {  	[sflag:s24] =	ssyncset.done @!p0 $0x0  }
0x5f: {  	[sflag:s24] =	ssyncadd.s32 @!p0 $0xFFFD8000  }
0x60: {  	_ =	sfence.sel $0x180000  }
0x61: {  	[bflag:$0x0] =	sbarrier.arrive $0xFFFF  }
0x62: {  	_ =	strace $0x9000004D  }
0x63: {  	s0 =	sadd.s32 @!p0 $0x100000, s0;
	[bflag:$0x2] =	sbarrier.arrive $0xFFFF  }
0x64: {  	[sflag:s0] =	ssyncadd.tile.s32 @!p0 $0x1;
	_ =	shalt  }
.Lfunc_end2:
_tile_overlayer_lowered:
.L_overlay_start_2:
0x65: {  	(tag) =	ssettag $0x2  }
0x66: {  	s0 =	rddreg [dreg:$0x0];
	s2 =	stileid.u32  }
0x67: {  	s1 =	rddreg [dreg:$0x1];
	p0 =	sne.s32 s2, $0x0  }
0x68: {  	s3 =	rddreg [dreg:$0x2];
	[bflag:$0x3] =	sbarrier.arrive $0xFFFF;
	s2 =	simm.s32 @!p0 $0x1C05  }
0x69: {  	[timem:s3], [sflag:s2] =	dma.local @!p0 [hbm:s0], s1  }
0x6a: {  	s0 =	simm.s32 @!p0 $0x5  }
0x6b: {  	_ =	swait.ge @!p0 [sflag:s0], s1  }
0x6c: {  	s1 =	ssub.s32 @!p0 $0x0, s1;
	[sflag:s0] =	ssyncset.done @!p0 $0x0  }
0x6d: {  	[sflag:s0] =	ssyncadd.s32 @!p0 s1  }
0x6e: {  	[bflag:$0x3] =	sbarrier.arrive $0xFFFF  }
0x6f: {  	_ =	shalt  }

// kernel: kernel.26.cloned.1.call-start
scs
__scs_entry_jumppad:
0x0: {  	(pc) =	sbr.rel $0x88, $3  }
0x1: {  	(tag) =	ssettag $0x0;
	lr =	simm.s32 $0x1  }
0x2: {  	[smem:$0x3F96] =	sst lr;
	_ =	strace $0xD0000000  }
0x3: {  	_ = 	snop  }
0x4: {  	_ = 	snop  }
0x5: {  	_ = 	snop  }
0x6: {  	_ = 	snop  }
0x7: {  	_ = 	snop  }
__scs_overlays_trampoline_lowered:
0x8: {  	[smem:$0x3FA5] =	sst s0  }
0x9: {  	[smem:$0x3FA6] =	sst s1  }
0xa: {  	[smem:$0x3FA7] =	sst s2  }
0xb: {  	[smem:$0x3FA8] =	sst s3  }
0xc: {  	[smem:$0x3FA9] =	sst s4  }
0xd: {  	[smem:$0x3FAA] =	sst s5  }
0xe: {  	[smem:$0x3FAB] =	sst s6  }
0xf: {  	[smem:$0x3FAC] =	sst s7  }
0x10: {  	[smem:$0x3FAD] =	sst s8  }
0x11: {  	[smem:$0x3FAE] =	sst s9;
	s0 =	simm.s32 @!p0 $0x0  }
0x12: {  	s1 =	sld [smem:$0x3F94];
	s0 =	simm.s32 @p0 $0x1  }
0x13: {  	[smem:$0x3FAF] =	sst s0;
	s0 =	simm.s32 @!p1 $0x0  }
0x14: {  	s2 =	sld [smem:$0x3F93];
	s0 =	simm.s32 @p1 $0x1  }
0x15: {  	[smem:$0x3FB0] =	sst s0;
	s0 =	simm.s32 @!p2 $0x0  }
0x16: {  	s3 =	sld [smem:$0x3FDB];
	s0 =	simm.s32 @p2 $0x1  }
0x17: {  	s4 =	simm.s32 $0x1BF5;
	[smem:$0x3FB2] =	sst s0  }
0x18: {  	s0 =	sld [smem:$0x3F95];
	_ =	swait.ge [sflag:s4], $0x0  }
0x19: {  	s7 =	sld [smem:$0x3F96]  }
0x1a: {  	s8 =	sadd.s32 $0xFFFFE003, lr  }
0x1b: {  	s9 =	sadd.s32 $0xFFFFFEF7, lr;
	s5 =	simm.s32 $0xFFFFFFFF;
	p2 =	slt.u32 s8, $0xFFFFF086  }
0x1c: {  	p1 =	slt.u32 s9, $0xF7A;
	s5 =	simm.s32 @!p2 $0x0  }
0x1d: {  	s5 =	simm.s32 @p1 $0x1;
	p0 =	seq.s32 s7, s2  }
0x1e: {  	s7 =	smul.u32 @!p0 $0xF7A, s2;
	p2 =	seq.s32 @!p0 s5, $0x0  }
0x1f: {  	s9 =	smul.u32 $0xF7A, s1;
	s8 =	simm.s32 @!p0 $0x1BF5;
	p2 =	por !p2, p0  }
0x20: {  	[sflag:s8] =	ssyncset.s32 @!p0 $0xFFFFF086;
	s6 =	sadd.s32 @!p0 s3, s7;
	s7 =	simm.s32 @!p0 $0x108  }
0x21: {  	s3 =	sadd.s32 s3, s9;
	s6 =	sadd.s32 @!p0 $0x88, s6;
	s7 =	simm.s32 @p2 $0x1082  }
0x22: {  	[simem:s7], [sflag:s8] =	dma.local @!p0 [hbm:s6], $0xF7A  }
0x23: {  	s9 =	sor.u32 $0xD0000000, s2;
	s6 =	simm.s32 $0x108;
	_ =	swait.ge @!p0 [sflag:s8], $0x0  }
0x24: {  	s3 =	sadd.s32 $0x88, s3;
	s6 =	simm.s32 @!p1 $0x1082;
	[sflag:s4] =	ssyncset.s32 $0xFFFFF086  }
0x25: {  	[simem:s6], [sflag:s4] =	dma.local [hbm:s3], $0xF7A  }
0x26: {  	[smem:$0x3F96] =	sst s1;
	(tag) =	ssettag s2;
	_ =	strace s9  }
0x27: {  	s1 =	sld [smem:$0x3FA6]  }
0x28: {  	s2 =	sld [smem:$0x3FA7]  }
0x29: {  	s4 =	sld [smem:$0x3FA9]  }
0x2a: {  	p0 =	seq.s32 s5, $0x0;
	s5 =	sld [smem:$0x3FAA]  }
0x2b: {  	s6 =	sld [smem:$0x3FAB]  }
0x2c: {  	s7 =	sld [smem:$0x3FAC]  }
0x2d: {  	s3 =	simm.s32 $0x108;
	s8 =	sld [smem:$0x3FAD]  }
0x2e: {  	s3 =	simm.s32 @!p0 $0x1082;
	s9 =	sld [smem:$0x3FAE]  }
0x2f: {  	lr =	sadd.s32 s0, s3;
	s0 =	sld [smem:$0x3FA5]  }
0x30: {  	s3 =	sld [smem:$0x3FA8]  }
0x31: {  	[smem:$0x3FB1] =	sst s10  }
0x32: {  	s10 =	sld [smem:$0x3FAF];
	_ =	sdelay $0x3  }
0x33: {  	p0 =	seq.s32 s10, $0x1;
	s10 =	sld [smem:$0x3FB1];
	_ =	sdelay $0x3  }
0x34: {  	[smem:$0x3FB1] =	sst s10  }
0x35: {  	s10 =	sld [smem:$0x3FB0];
	_ =	sdelay $0x3  }
0x36: {  	p1 =	seq.s32 s10, $0x1;
	s10 =	sld [smem:$0x3FB1];
	_ =	sdelay $0x3  }
0x37: {  	[smem:$0x3FB1] =	sst s10  }
0x38: {  	s10 =	sld [smem:$0x3FB2]  }
0x39: {  	_ = 	snop;
	(pc) =	sbr.ind lr, $3  }
0x3a: {  	_ = 	snop  }
0x3b: {  	_ = 	snop  }
0x3c: {  	p2 =	seq.s32 s10, $0x1;
	s10 =	sld [smem:$0x3FB1]  }
0x3d: {  	_ =	shalt  }
0x3e: {  	_ =	shalt  }
0x3f: {  	_ =	shalt  }
0x40: {  	_ =	shalt  }
0x41: {  	_ =	shalt  }
0x42: {  	_ =	shalt  }
0x43: {  	_ =	shalt  }
0x44: {  	_ =	shalt  }
0x45: {  	_ =	shalt  }
0x46: {  	_ =	shalt  }
0x47: {  	_ =	shalt  }
0x48: {  	_ =	shalt  }
0x49: {  	_ =	shalt  }
0x4a: {  	_ =	shalt  }
0x4b: {  	_ =	shalt  }
0x4c: {  	_ =	shalt  }
0x4d: {  	_ =	shalt  }
0x4e: {  	_ =	shalt  }
0x4f: {  	_ =	shalt  }
0x50: {  	_ =	shalt  }
0x51: {  	_ =	shalt  }
0x52: {  	_ =	shalt  }
0x53: {  	_ =	shalt  }
0x54: {  	_ =	shalt  }
0x55: {  	_ =	shalt  }
0x56: {  	_ =	shalt  }
0x57: {  	_ =	shalt  }
0x58: {  	_ =	shalt  }
0x59: {  	_ =	shalt  }
0x5a: {  	_ =	shalt  }
0x5b: {  	_ =	shalt  }
0x5c: {  	_ =	shalt  }
0x5d: {  	_ =	shalt  }
0x5e: {  	_ =	shalt  }
0x5f: {  	_ =	shalt  }
0x60: {  	_ =	shalt  }
0x61: {  	_ =	shalt  }
0x62: {  	_ =	shalt  }
0x63: {  	_ =	shalt  }
0x64: {  	_ =	shalt  }
0x65: {  	_ =	shalt  }
0x66: {  	_ =	shalt  }
0x67: {  	_ =	shalt  }
0x68: {  	_ =	shalt  }
0x69: {  	_ =	shalt  }
0x6a: {  	_ =	shalt  }
0x6b: {  	_ =	shalt  }
0x6c: {  	_ =	shalt  }
0x6d: {  	_ =	shalt  }
0x6e: {  	_ =	shalt  }
0x6f: {  	_ =	shalt  }
0x70: {  	_ =	shalt  }
0x71: {  	_ =	shalt  }
0x72: {  	_ =	shalt  }
0x73: {  	_ =	shalt  }
0x74: {  	_ =	shalt  }
0x75: {  	_ =	shalt  }
0x76: {  	_ =	shalt  }
0x77: {  	_ =	shalt  }
0x78: {  	_ =	shalt  }
0x79: {  	_ =	shalt  }
0x7a: {  	_ =	shalt  }
0x7b: {  	_ =	shalt  }
0x7c: {  	_ =	shalt  }
0x7d: {  	_ =	shalt  }
0x7e: {  	_ =	shalt  }
0x7f: {  	_ =	shalt  }
0x80: {  	_ =	shalt  }
0x81: {  	_ =	shalt  }
0x82: {  	_ =	shalt  }
0x83: {  	_ =	shalt  }
0x84: {  	_ =	shalt  }
0x85: {  	_ =	shalt  }
0x86: {  	_ =	shalt  }
0x87: {  	_ =	shalt  }
.Lfunc_end0:
.L_simem_size_0:
called_computation.3_lowered:
.L_overlay_start_0:
0x88: {  	s2 =	sld [smem:$0x3FD9]  }
0x89: {  	s3 =	sld [smem:$0x3FFE];
	_ =	sdelay $0x1  }
0x8a: {  	s1 =	srdreg.scid  }
0x8b: {  	s0 =	sand.u32 $0x1, s1  }
0x8c: {  	s17 =	sshll.u32 s0, $0xA;
	s2 =	sadd.s32 s3, s2  }
0x8d: {  	s2 =	sadd.s32 s2, s17  }
0x8e: {  	[smem:$0x3FBD] =	sst s2  }
0x8f: {  	_ = 	snop  }
0x90: {  	s2 =	sld [smem:$0x3FD0];
	(tm) =	ssettm $0x1  }
0x91: {  	s18 =	sld [smem:$0x3FFB];
	_ =	sdelay $0x3  }
0x92: {  	_ =	strace s18  }
0x93: {  	s3 =	sld [smem:$0x3FFC];
	_ =	sdelay $0x3  }
0x94: {  	_ =	strace s3  }
0x95: {  	s3 =	sld [smem:$0x3FFD];
	_ =	sdelay $0x3  }
0x96: {  	_ =	strace s3  }
0x97: {  	_ =	strace $0x8FFFFFFF  }
0x98: {  	s19 =	sld [smem:$0x3FDB];
	_ =	sdelay $0x1  }
0x99: {  	s4 =	simm.s32 $_scs_section_size  }
0x9a: {  	s5 =	simm.s32 $_size__tile_overlayer_lowered;
	s6 =	simm.s32 $_tile_overlayer_lowered  }
0x9b: {  	s22 =	simm.s32 $0x1BFF;
	s21 =	sshll.u32 s6, $0x1;
	s3 =	sadd.s32 s4, s19  }
0x9c: {  	s7 =	simm.s32 $0x0;
	s20 =	sshll.u32 s5, $0x1;
	s5 =	sadd.s32 s21, s3  }
0x9d: {  	[timem:s7], [sflag:s22] =	dma.local [hbm:s5], s20  }
0x9e: {  	_ =	swait.ge [sflag:s22], s20  }
0x9f: {  	s4 =	ssub.s32 $0x0, s20;
	[sflag:s22] =	ssyncset.done $0x0  }
0xa0: {  	[sflag:s22] =	ssyncadd.s32 s4;
	_ =	sdelay $0x1  }
0xa1: {  	s23 =	simm.s32 $0x1B8B  }
0xa2: {  	_ =	swait.ge [sflag:s23], $0x1  }
0xa3: {  	[sflag:s23] =	ssyncset.done $0x0  }
0xa4: {  	s25 =	simm.s32 $0x1B8E;
	s24 =	sld [smem:$0x3FFE];
	[sflag:s23] =	ssyncadd.s32 $0xFFFFFFFF  }
0xa5: {  	s26 =	simm.s32 $execute0_lowered;
	[smem:$0x3FD2] =	sst s25  }
0xa6: {  	s5 =	sshll.u32 s26, $0x1;
	_ =	strace $0x8000004F;
	[dreg:$0x1] =	wrdreg $0xFFFFFFFF  }
0xa7: {  	s28 =	simm.s32 $_size_execute0_lowered;
	s3 =	sadd.s32 s3, s5;
	[dreg:$0x0] =	wrdreg $0x0  }
0xa8: {  	s5 =	sshll.u32 s28, $0x1;
	[dreg:$0x2] =	wrdreg s3  }
0xa9: {  	[dreg:$0x3] =	wrdreg s5  }
0xaa: {  	[dreg:$0x4] =	wrdreg $0xC0  }
0xab: {  	_ =	task [dreg:s7], $0x5FFFF  }
0xac: {  	[dreg:$0x1] =	wrdreg $0xFFFFFFFF  }
0xad: {  	[dreg:$0x0] =	wrdreg $0x60  }
0xae: {  	[dreg:$0x2] =	wrdreg s24  }
0xaf: {  	[dreg:$0x3] =	wrdreg s2  }
0xb0: {  	[dreg:$0x4] =	wrdreg $0xB7800  }
0xb1: {  	[dreg:$0x5] =	wrdreg $0x9  }
0xb2: {  	_ =	task.clear_ibuf [dreg:s7], $0x6FFFF;
	_ =	strace $0x9000004F  }
0xb3: {  	s29 =	simm.s32 $0x9;
	_ =	strace $0x80000051  }
0xb4: {  	_ =	swait.ge [sflag:s29], $0x1  }
0xb5: {  	[sflag:s29] =	ssyncadd.s32 $0xFFFFFFFF  }
0xb6: {  	_ =	strace $0x90000051  }
0xb7: {  	_ =	sfence  }
0xb8: {  	s30 =	sld [smem:$0x0];
	_ =	sdelay $0x2  }
0xb9: {  	s31 =	sshll.u32 s1, $0xD;
	s1 =	sshrl.u32 s1, $0x2  }
0xba: {  	s3 =	sand.u32 $0x4000, s31;
	s1 =	sadd.s32 s1, s30  }
0xbb: {  	s0 =	sor.u32 s3, s0;
	s1 =	sshll.u32 s1, $0x11  }
0xbc: {  	s0 =	sor.u32 s1, s0  }
0xbd: {  	s0 =	sadd.s32 $0x8F2B, s0  }
0xbe: {  	[sflag:s0] =	ssyncadd.remote.s32 $0x1  }
0xbf: {  	_ =	sfence.sel $0xFFFF  }
0xc0: {  	[dreg:$0x0] =	wrdreg $0xFFFFFFFF;
	(pc) =	sbr.abs _section_cstart, $3  }
0xc1: {  	[dreg:$0x1] =	wrdreg $0xFFFFFFFF  }
0xc2: {  	_ =	task.clear_ibuf [dreg:s7], $0x2FFFF;
	_ =	strace $0x9FFFFFFF  }
0xc3: {  	(tm) =	ssettm $0x7FFFFFFF  }
tec
execute0_lowered:
.L_overlay_start_1:
0x0: {  	(tag) =	ssettag $0x1  }
0x1: {  	s5 =	rddreg [dreg:$0x0]  }
0x2: {  	s0 =	srdreg.scid;
	s6 =	rddreg [dreg:$0x1]  }
0x3: {  	s1 =	rddreg [dreg:$0x2];
	s9 =	stileid.u32;
	s2 =	simm.s32 $0x0  }
0x4: {  	s13 =	simm.s32 $0x6780;
	s14 =	simm.s32 $0x8F80;
	s15 =	simm.s32 $0x1  }
0x5: {  	s16 =	simm.s32 $0x2;
	s17 =	simm.s32 $0x3;
	s18 =	simm.s32 $0x4  }
0x6: {  	s19 =	simm.s32 $0x6480;
	s20 =	simm.s32 $0x6500;
	s21 =	simm.s32 $0x26C0  }
0x7: {  	s22 =	simm.s32 $0x6580;
	s7 =	sand.u32 $0x1, s0;
	s0 =	rddreg [dreg:$0x3]  }
0x8: {  	s23 =	simm.s32 $0x0;
	[smem:$0x7FF] =	sst s2;
	p0 =	sne.s32 s9, $0x0  }
0x9: {  	s3 =	sshll.u32 s7, $0x4;
	_ =	strace $0x80000050;
	s10 =	smul.u32 $0x28000, s7  }
0xa: {  	s7 =	ssub.s32 $0x2, s7;
	s8 =	sor.u32 s9, s3;
	s3 =	sadd.s32 $0x38C00, s5  }
0xb: {  	s31 =	sshrl.u32 s7, $0x1;
	s9 =	sshrl.u32 @!p0 s1, $0x3;
	s4 =	smul.u32 $0x4E2, s8  }
0xc: {  	s10 =	sadd.s32 s10, s5;
	s8 =	sshll.u32 s8, $0xB;
	s12 =	ssub.s32 s7, s31  }
0xd: {  	s6 =	sadd.s32 s6, s8;
	s7 =	sadd.s32 $0x87000, s10;
	s8 =	smax.u32 s12, $0x1  }
0xe: {  	s10 =	simm.s32 $0x5;
	s12 =	simm.s32 $0x50;
	s11 =	sadd.s32 s4, s5  }
0xf: {  	s4 =	sadd.s32 $0x10C00, s5;
	s5 =	sadd.s32 $0x6E00, s11;
	s11 =	simm.s32 $0x2780  }
.LBB2_1:
0x10: {  	s24 =	simm.s32 @!p0 $0x1C05  }
0x11: {  	[spmem:s9], [sflag:s24] =	dma.local @!p0 [hbm:s4], $0x28000  }
0x12: {  	s24 =	simm.s32 @!p0 $0x5  }
0x13: {  	_ =	swait.ge @!p0 [sflag:s24], $0x28000  }
0x14: {  	[sflag:s24] =	ssyncset.done @!p0 $0x0  }
0x15: {  	[sflag:s24] =	ssyncadd.s32 @!p0 $0xFFFD8000  }
0x16: {  	[tilespmem:s2], [sflag:$0x5] =	stream.linear.gather [hbm4b:s5+s2], $0x2710, $0x38;
	[tilespmem:$0x1F780] =	vst v63  }
0x17: {  	_ =	swait.ge [sflag:s10], $0x2710  }
0x18: {  	[sflag:s10] =	ssyncset.done $0x0  }
0x19: {  	[sflag:s10] =	ssyncadd.s32 $0xFFFFD8F0  }
0x1a: {  	[tilespmem:s11], [sflag:$0x5] =	stream.linear.gather [hbm4b:s6+s2], $0x3E80, $0x38;
	[tilespmem:$0x1F780] =	vst v63  }
0x1b: {  	_ =	swait.ge [sflag:s10], $0x3E80  }
0x1c: {  	[sflag:s10] =	ssyncset.done $0x0  }
0x1d: {  	[sflag:s10] =	ssyncadd.s32 $0xFFFFC180  }
0x1e: {  	[bflag:$0x0] =	sbarrier.arrive $0xFFFF  }
0x1f: {  	[tilespmem:s13], [sflag:$0x1] =	stream.indirect.gather [hbm4b:s3+s12], $0x80, s2, s12, $0xb8;
	[tilespmem:$0x1F780] =	vst v63  }
0x20: {  	_ = 	snop  }
0x21: {  	[tilespmem:s14], [sflag:$0x2] =	stream.indirect.gather [hbm4b:s3+s12], $0x80, s12, s12, $0xb8;
	[tilespmem:$0x1F780] =	vst v63  }
0x22: {  	_ =	swait.ge [sflag:s15], $0x2800  }
0x23: {  	[sflag:s15] =	ssyncset.done $0x0  }
0x24: {  	s29 =	simm.s32 $0x2780;
	[sflag:s15] =	ssyncadd.s32 $0xFFFFD800  }
0x25: {  	[spmem:s1] =	stream.indirect.scatter.add.f32 [tilespmem:s13], [sflag:$0x3], $0x80, s29, s12, $0xb8;
	[tilespmem:$0x1F780] =	vst v63  }
0x26: {  	_ =	swait.ge [sflag:s16], $0x2800  }
0x27: {  	[sflag:s16] =	ssyncset.done $0x0  }
0x28: {  	s30 =	simm.s32 $0x2800;
	[sflag:s16] =	ssyncadd.s32 $0xFFFFD800  }
0x29: {  	[spmem:s1] =	stream.indirect.scatter.add.f32 [tilespmem:s14], [sflag:$0x4], $0x80, s30, s12, $0xb8;
	[tilespmem:$0x1F780] =	vst v63  }
0x2a: {  	_ =	swait.ge [sflag:s17], $0x2800  }
0x2b: {  	[sflag:s17] =	ssyncset.done $0x0  }
0x2c: {  	s31 =	simm.s32 $0xA0;
	[sflag:s17] =	ssyncadd.s32 $0xFFFFD800  }
0x2d: {  	[tilespmem:s13], [sflag:$0x1] =	stream.indirect.gather [hbm4b:s3+s12], $0x80, s31, s12, $0xb8;
	[tilespmem:$0x1F780] =	vst v63  }
0x2e: {  	_ =	swait.ge [sflag:s18], $0x2800  }
0x2f: {  	s25 =	simm.s32 $0x400;
	[sflag:s18] =	ssyncset.done $0x0  }
0x30: {  	s26 =	simm.s32 $0x190;
	s24 =	simm.s32 $0xF0;
	[sflag:s18] =	ssyncadd.s32 $0xFFFFD800  }
.LBB2_2:
0x31: {  	[tilespmem:s14], [sflag:$0x2] =	stream.indirect.gather [hbm4b:s3+s12], $0x80, s24, s12, $0xb8;
	[tilespmem:$0x1F780] =	vst v63  }
0x32: {  	s28 =	smov.u32 s25;
	s24 =	smov.u32 s26  }
0x33: {  	p1 =	sne.s32 s25, $0xF000;
	s25 =	sadd.s32 $0x400, s25;
	_ =	swait.ge [sflag:s15], $0x2800  }
0x34: {  	s28 =	sshra.s32 s28, $0x2;
	[sflag:s15] =	ssyncset.done $0x0  }
0x35: {  	s29 =	sadd.s32 $0x2780, s28;
	[sflag:s15] =	ssyncadd.s32 $0xFFFFD800  }
0x36: {  	[spmem:s1] =	stream.indirect.scatter.add.f32 [tilespmem:s13], [sflag:$0x3], $0x80, s29, s12, $0xb8;
	[tilespmem:$0x1F780] =	vst v63  }
0x37: {  	_ =	swait.ge [sflag:s16], $0x2800  }
0x38: {  	[sflag:s16] =	ssyncset.done $0x0  }
0x39: {  	s28 =	sadd.s32 $0x2800, s28;
	[sflag:s16] =	ssyncadd.s32 $0xFFFFD800  }
0x3a: {  	[spmem:s1] =	stream.indirect.scatter.add.f32 [tilespmem:s14], [sflag:$0x4], $0x80, s28, s12, $0xb8;
	[tilespmem:$0x1F780] =	vst v63  }
0x3b: {  	_ =	swait.ge [sflag:s17], $0x2800  }
0x3c: {  	[sflag:s17] =	ssyncset.done $0x0  }
.Ltmp0:
0x3d: {  	s28 =	sadd.s32 $0xFFFFFFB0, s26;
	[sflag:s17] =	ssyncadd.s32 $0xFFFFD800;
	(pc) =	sbr.rel @p1 .LBB2_2-.Ltmp0, $4  }
0x3e: {  	[tilespmem:s13], [sflag:$0x1] =	stream.indirect.gather [hbm4b:s3+s12], $0x80, s28, s12, $0xb8;
	[tilespmem:$0x1F780] =	vst v63  }
0x3f: {  	_ =	swait.ge [sflag:s18], $0x2800  }
0x40: {  	[sflag:s18] =	ssyncset.done $0x0  }
0x41: {  	s26 =	sadd.s32 $0xA0, s26;
	[sflag:s18] =	ssyncadd.s32 $0xFFFFD800  }
0x42: {  	[tilespmem:s14], [sflag:$0x2] =	stream.indirect.gather [hbm4b:s3+s12], $0x80, s24, s12, $0xb8;
	[tilespmem:$0x1F780] =	vst v63  }
0x43: {  	_ =	swait.ge [sflag:s15], $0x2800  }
0x44: {  	[sflag:s15] =	ssyncset.done $0x0  }
0x45: {  	[sflag:s15] =	ssyncadd.s32 $0xFFFFD800  }
0x46: {  	[spmem:s1] =	stream.indirect.scatter.add.f32 [tilespmem:s13], [sflag:$0x5], $0x80, s19, s12, $0xb8;
	[tilespmem:$0x1F780] =	vst v63  }
0x47: {  	_ =	swait.ge [sflag:s10], $0x2800  }
0x48: {  	[sflag:s10] =	ssyncset.done $0x0  }
0x49: {  	[sflag:s10] =	ssyncadd.s32 $0xFFFFD800  }
0x4a: {  	_ =	swait.ge [sflag:s16], $0x2800  }
0x4b: {  	[sflag:s16] =	ssyncset.done $0x0  }
0x4c: {  	[sflag:s16] =	ssyncadd.s32 $0xFFFFD800  }
0x4d: {  	[spmem:s1] =	stream.indirect.scatter.add.f32 [tilespmem:s14], [sflag:$0x5], $0x80, s20, s12, $0xb8;
	[tilespmem:$0x1F780] =	vst v63  }
0x4e: {  	_ =	swait.ge [sflag:s10], $0x2800  }
0x4f: {  	[sflag:s10] =	ssyncset.done $0x0  }
0x50: {  	[sflag:s10] =	ssyncadd.s32 $0xFFFFD800  }
0x51: {  	[tilespmem:s13], [sflag:$0x1] =	stream.indirect.gather [hbm4b:s3+s12], $0x80, s21, s12, $0xb8;
	[tilespmem:$0x1F780] =	vst v63  }
0x52: {  	_ =	swait.ge [sflag:s15], $0x2800  }
0x53: {  	[sflag:s15] =	ssyncset.done $0x0  }
0x54: {  	[sflag:s15] =	ssyncadd.s32 $0xFFFFD800  }
0x55: {  	[spmem:s1] =	stream.indirect.scatter.add.f32 [tilespmem:s13], [sflag:$0x5], $0x80, s22, s12, $0xb8;
	[tilespmem:$0x1F780] =	vst v63  }
0x56: {  	_ =	swait.ge [sflag:s10], $0x2800  }
0x57: {  	[sflag:s10] =	ssyncset.done $0x0  }
0x58: {  	s23 =	sadd.s32 $0x1, s23;
	[sflag:s10] =	ssyncadd.s32 $0xFFFFD800  }
0x59: {  	s24 =	simm.s32 @!p0 $0x1C05;
	p1 =	sne.s32 s23, s8;
	[bflag:$0x0] =	sbarrier.arrive $0xFFFF  }
0x5a: {  	[hbm:s7], [sflag:s24] =	dma.local @!p0 [spmem:s9], $0x28000  }
.Ltmp1:
0x5b: {  	_ = 	snop;
	(pc) =	sbr.rel @p1 .LBB2_1-.Ltmp1, $4  }
0x5c: {  	s24 =	simm.s32 @!p0 $0x5  }
0x5d: {  	_ =	swait.ge @!p0 [sflag:s24], $0x28000  }
0x5e: {  	[sflag:s24] =	ssyncset.done @!p0 $0x0  }
0x5f: {  	[sflag:s24] =	ssyncadd.s32 @!p0 $0xFFFD8000  }
0x60: {  	_ =	sfence.sel $0x180000  }
0x61: {  	[bflag:$0x0] =	sbarrier.arrive $0xFFFF  }
0x62: {  	_ =	strace $0x90000050  }
0x63: {  	s0 =	sadd.s32 @!p0 $0x100000, s0;
	[bflag:$0x2] =	sbarrier.arrive $0xFFFF  }
0x64: {  	[sflag:s0] =	ssyncadd.tile.s32 @!p0 $0x1;
	_ =	shalt  }
.Lfunc_end2:
_tile_overlayer_lowered:
.L_overlay_start_2:
0x65: {  	(tag) =	ssettag $0x2  }
0x66: {  	s0 =	rddreg [dreg:$0x0];
	s2 =	stileid.u32  }
0x67: {  	s1 =	rddreg [dreg:$0x1];
	p0 =	sne.s32 s2, $0x0  }
0x68: {  	s3 =	rddreg [dreg:$0x2];
	[bflag:$0x3] =	sbarrier.arrive $0xFFFF;
	s2 =	simm.s32 @!p0 $0x1C05  }
0x69: {  	[timem:s3], [sflag:s2] =	dma.local @!p0 [hbm:s0], s1  }
0x6a: {  	s0 =	simm.s32 @!p0 $0x5  }
0x6b: {  	_ =	swait.ge @!p0 [sflag:s0], s1  }
0x6c: {  	s1 =	ssub.s32 @!p0 $0x0, s1;
	[sflag:s0] =	ssyncset.done @!p0 $0x0  }
0x6d: {  	[sflag:s0] =	ssyncadd.s32 @!p0 s1  }
0x6e: {  	[bflag:$0x3] =	sbarrier.arrive $0xFFFF  }
0x6f: {  	_ =	shalt  }

// kernel: kernel.29.cloned.1.call-start
scs
__scs_entry_jumppad:
0x0: {  	(pc) =	sbr.rel $0x88, $3  }
0x1: {  	(tag) =	ssettag $0x0;
	lr =	simm.s32 $0x1  }
0x2: {  	[smem:$0x3F96] =	sst lr;
	_ =	strace $0xD0000000  }
0x3: {  	_ = 	snop  }
0x4: {  	_ = 	snop  }
0x5: {  	_ = 	snop  }
0x6: {  	_ = 	snop  }
0x7: {  	_ = 	snop  }
__scs_overlays_trampoline_lowered:
0x8: {  	[smem:$0x3FA5] =	sst s0  }
0x9: {  	[smem:$0x3FA6] =	sst s1  }
0xa: {  	[smem:$0x3FA7] =	sst s2  }
0xb: {  	[smem:$0x3FA8] =	sst s3  }
0xc: {  	[smem:$0x3FA9] =	sst s4  }
0xd: {  	[smem:$0x3FAA] =	sst s5  }
0xe: {  	[smem:$0x3FAB] =	sst s6  }
0xf: {  	[smem:$0x3FAC] =	sst s7  }
0x10: {  	[smem:$0x3FAD] =	sst s8  }
0x11: {  	[smem:$0x3FAE] =	sst s9;
	s0 =	simm.s32 @!p0 $0x0  }
0x12: {  	s1 =	sld [smem:$0x3F94];
	s0 =	simm.s32 @p0 $0x1  }
0x13: {  	[smem:$0x3FAF] =	sst s0;
	s0 =	simm.s32 @!p1 $0x0  }
0x14: {  	s2 =	sld [smem:$0x3F93];
	s0 =	simm.s32 @p1 $0x1  }
0x15: {  	[smem:$0x3FB0] =	sst s0;
	s0 =	simm.s32 @!p2 $0x0  }
0x16: {  	s3 =	sld [smem:$0x3FDB];
	s0 =	simm.s32 @p2 $0x1  }
0x17: {  	s4 =	simm.s32 $0x1BF5;
	[smem:$0x3FB2] =	sst s0  }
0x18: {  	s0 =	sld [smem:$0x3F95];
	_ =	swait.ge [sflag:s4], $0x0  }
0x19: {  	s7 =	sld [smem:$0x3F96]  }
0x1a: {  	s8 =	sadd.s32 $0xFFFFE003, lr  }
0x1b: {  	s9 =	sadd.s32 $0xFFFFFEF7, lr;
	s5 =	simm.s32 $0xFFFFFFFF;
	p2 =	slt.u32 s8, $0xFFFFF086  }
0x1c: {  	p1 =	slt.u32 s9, $0xF7A;
	s5 =	simm.s32 @!p2 $0x0  }
0x1d: {  	s5 =	simm.s32 @p1 $0x1;
	p0 =	seq.s32 s7, s2  }
0x1e: {  	s7 =	smul.u32 @!p0 $0xF7A, s2;
	p2 =	seq.s32 @!p0 s5, $0x0  }
0x1f: {  	s9 =	smul.u32 $0xF7A, s1;
	s8 =	simm.s32 @!p0 $0x1BF5;
	p2 =	por !p2, p0  }
0x20: {  	[sflag:s8] =	ssyncset.s32 @!p0 $0xFFFFF086;
	s6 =	sadd.s32 @!p0 s3, s7;
	s7 =	simm.s32 @!p0 $0x108  }
0x21: {  	s3 =	sadd.s32 s3, s9;
	s6 =	sadd.s32 @!p0 $0x88, s6;
	s7 =	simm.s32 @p2 $0x1082  }
0x22: {  	[simem:s7], [sflag:s8] =	dma.local @!p0 [hbm:s6], $0xF7A  }
0x23: {  	s9 =	sor.u32 $0xD0000000, s2;
	s6 =	simm.s32 $0x108;
	_ =	swait.ge @!p0 [sflag:s8], $0x0  }
0x24: {  	s3 =	sadd.s32 $0x88, s3;
	s6 =	simm.s32 @!p1 $0x1082;
	[sflag:s4] =	ssyncset.s32 $0xFFFFF086  }
0x25: {  	[simem:s6], [sflag:s4] =	dma.local [hbm:s3], $0xF7A  }
0x26: {  	[smem:$0x3F96] =	sst s1;
	(tag) =	ssettag s2;
	_ =	strace s9  }
0x27: {  	s1 =	sld [smem:$0x3FA6]  }
0x28: {  	s2 =	sld [smem:$0x3FA7]  }
0x29: {  	s4 =	sld [smem:$0x3FA9]  }
0x2a: {  	p0 =	seq.s32 s5, $0x0;
	s5 =	sld [smem:$0x3FAA]  }
0x2b: {  	s6 =	sld [smem:$0x3FAB]  }
0x2c: {  	s7 =	sld [smem:$0x3FAC]  }
0x2d: {  	s3 =	simm.s32 $0x108;
	s8 =	sld [smem:$0x3FAD]  }
0x2e: {  	s3 =	simm.s32 @!p0 $0x1082;
	s9 =	sld [smem:$0x3FAE]  }
0x2f: {  	lr =	sadd.s32 s0, s3;
	s0 =	sld [smem:$0x3FA5]  }
0x30: {  	s3 =	sld [smem:$0x3FA8]  }
0x31: {  	[smem:$0x3FB1] =	sst s10  }
0x32: {  	s10 =	sld [smem:$0x3FAF];
	_ =	sdelay $0x3  }
0x33: {  	p0 =	seq.s32 s10, $0x1;
	s10 =	sld [smem:$0x3FB1];
	_ =	sdelay $0x3  }
0x34: {  	[smem:$0x3FB1] =	sst s10  }
0x35: {  	s10 =	sld [smem:$0x3FB0];
	_ =	sdelay $0x3  }
0x36: {  	p1 =	seq.s32 s10, $0x1;
	s10 =	sld [smem:$0x3FB1];
	_ =	sdelay $0x3  }
0x37: {  	[smem:$0x3FB1] =	sst s10  }
0x38: {  	s10 =	sld [smem:$0x3FB2]  }
0x39: {  	_ = 	snop;
	(pc) =	sbr.ind lr, $3  }
0x3a: {  	_ = 	snop  }
0x3b: {  	_ = 	snop  }
0x3c: {  	p2 =	seq.s32 s10, $0x1;
	s10 =	sld [smem:$0x3FB1]  }
0x3d: {  	_ =	shalt  }
0x3e: {  	_ =	shalt  }
0x3f: {  	_ =	shalt  }
0x40: {  	_ =	shalt  }
0x41: {  	_ =	shalt  }
0x42: {  	_ =	shalt  }
0x43: {  	_ =	shalt  }
0x44: {  	_ =	shalt  }
0x45: {  	_ =	shalt  }
0x46: {  	_ =	shalt  }
0x47: {  	_ =	shalt  }
0x48: {  	_ =	shalt  }
0x49: {  	_ =	shalt  }
0x4a: {  	_ =	shalt  }
0x4b: {  	_ =	shalt  }
0x4c: {  	_ =	shalt  }
0x4d: {  	_ =	shalt  }
0x4e: {  	_ =	shalt  }
0x4f: {  	_ =	shalt  }
0x50: {  	_ =	shalt  }
0x51: {  	_ =	shalt  }
0x52: {  	_ =	shalt  }
0x53: {  	_ =	shalt  }
0x54: {  	_ =	shalt  }
0x55: {  	_ =	shalt  }
0x56: {  	_ =	shalt  }
0x57: {  	_ =	shalt  }
0x58: {  	_ =	shalt  }
0x59: {  	_ =	shalt  }
0x5a: {  	_ =	shalt  }
0x5b: {  	_ =	shalt  }
0x5c: {  	_ =	shalt  }
0x5d: {  	_ =	shalt  }
0x5e: {  	_ =	shalt  }
0x5f: {  	_ =	shalt  }
0x60: {  	_ =	shalt  }
0x61: {  	_ =	shalt  }
0x62: {  	_ =	shalt  }
0x63: {  	_ =	shalt  }
0x64: {  	_ =	shalt  }
0x65: {  	_ =	shalt  }
0x66: {  	_ =	shalt  }
0x67: {  	_ =	shalt  }
0x68: {  	_ =	shalt  }
0x69: {  	_ =	shalt  }
0x6a: {  	_ =	shalt  }
0x6b: {  	_ =	shalt  }
0x6c: {  	_ =	shalt  }
0x6d: {  	_ =	shalt  }
0x6e: {  	_ =	shalt  }
0x6f: {  	_ =	shalt  }
0x70: {  	_ =	shalt  }
0x71: {  	_ =	shalt  }
0x72: {  	_ =	shalt  }
0x73: {  	_ =	shalt  }
0x74: {  	_ =	shalt  }
0x75: {  	_ =	shalt  }
0x76: {  	_ =	shalt  }
0x77: {  	_ =	shalt  }
0x78: {  	_ =	shalt  }
0x79: {  	_ =	shalt  }
0x7a: {  	_ =	shalt  }
0x7b: {  	_ =	shalt  }
0x7c: {  	_ =	shalt  }
0x7d: {  	_ =	shalt  }
0x7e: {  	_ =	shalt  }
0x7f: {  	_ =	shalt  }
0x80: {  	_ =	shalt  }
0x81: {  	_ =	shalt  }
0x82: {  	_ =	shalt  }
0x83: {  	_ =	shalt  }
0x84: {  	_ =	shalt  }
0x85: {  	_ =	shalt  }
0x86: {  	_ =	shalt  }
0x87: {  	_ =	shalt  }
.Lfunc_end0:
.L_simem_size_0:
called_computation.4_lowered:
.L_overlay_start_0:
0x88: {  	s2 =	sld [smem:$0x3FD9]  }
0x89: {  	s3 =	sld [smem:$0x3FFE];
	_ =	sdelay $0x1  }
0x8a: {  	s1 =	srdreg.scid  }
0x8b: {  	s0 =	sand.u32 $0x1, s1  }
0x8c: {  	s17 =	sshll.u32 s0, $0xA;
	s2 =	sadd.s32 s3, s2  }
0x8d: {  	s2 =	sadd.s32 s2, s17  }
0x8e: {  	[smem:$0x3FBD] =	sst s2  }
0x8f: {  	_ = 	snop  }
0x90: {  	s2 =	sld [smem:$0x3FD0];
	(tm) =	ssettm $0x1  }
0x91: {  	s18 =	sld [smem:$0x3FFB];
	_ =	sdelay $0x3  }
0x92: {  	_ =	strace s18  }
0x93: {  	s3 =	sld [smem:$0x3FFC];
	_ =	sdelay $0x3  }
0x94: {  	_ =	strace s3  }
0x95: {  	s3 =	sld [smem:$0x3FFD];
	_ =	sdelay $0x3  }
0x96: {  	_ =	strace s3  }
0x97: {  	_ =	strace $0x8FFFFFFF  }
0x98: {  	s19 =	sld [smem:$0x3FDB];
	_ =	sdelay $0x1  }
0x99: {  	s4 =	simm.s32 $_scs_section_size  }
0x9a: {  	s5 =	simm.s32 $_size__tile_overlayer_lowered;
	s6 =	simm.s32 $_tile_overlayer_lowered  }
0x9b: {  	s22 =	simm.s32 $0x1BFF;
	s21 =	sshll.u32 s6, $0x1;
	s3 =	sadd.s32 s4, s19  }
0x9c: {  	s7 =	simm.s32 $0x0;
	s20 =	sshll.u32 s5, $0x1;
	s5 =	sadd.s32 s21, s3  }
0x9d: {  	[timem:s7], [sflag:s22] =	dma.local [hbm:s5], s20  }
0x9e: {  	_ =	swait.ge [sflag:s22], s20  }
0x9f: {  	s4 =	ssub.s32 $0x0, s20;
	[sflag:s22] =	ssyncset.done $0x0  }
0xa0: {  	[sflag:s22] =	ssyncadd.s32 s4;
	_ =	sdelay $0x1  }
0xa1: {  	s23 =	simm.s32 $0x1B8B  }
0xa2: {  	_ =	swait.ge [sflag:s23], $0x1  }
0xa3: {  	[sflag:s23] =	ssyncset.done $0x0  }
0xa4: {  	s25 =	simm.s32 $0x1B8E;
	s24 =	sld [smem:$0x3FFE];
	[sflag:s23] =	ssyncadd.s32 $0xFFFFFFFF  }
0xa5: {  	s26 =	simm.s32 $execute0_lowered;
	[smem:$0x3FD2] =	sst s25  }
0xa6: {  	s5 =	sshll.u32 s26, $0x1;
	_ =	strace $0x80000052;
	[dreg:$0x1] =	wrdreg $0xFFFFFFFF  }
0xa7: {  	s28 =	simm.s32 $_size_execute0_lowered;
	s3 =	sadd.s32 s3, s5;
	[dreg:$0x0] =	wrdreg $0x0  }
0xa8: {  	s5 =	sshll.u32 s28, $0x1;
	[dreg:$0x2] =	wrdreg s3  }
0xa9: {  	[dreg:$0x3] =	wrdreg s5  }
0xaa: {  	[dreg:$0x4] =	wrdreg $0xC0  }
0xab: {  	_ =	task [dreg:s7], $0x5FFFF  }
0xac: {  	[dreg:$0x1] =	wrdreg $0xFFFFFFFF  }
0xad: {  	[dreg:$0x0] =	wrdreg $0x60  }
0xae: {  	[dreg:$0x2] =	wrdreg s24  }
0xaf: {  	[dreg:$0x3] =	wrdreg s2  }
0xb0: {  	[dreg:$0x4] =	wrdreg $0xB7800  }
0xb1: {  	[dreg:$0x5] =	wrdreg $0x9  }
0xb2: {  	_ =	task.clear_ibuf [dreg:s7], $0x6FFFF;
	_ =	strace $0x90000052  }
0xb3: {  	s29 =	simm.s32 $0x9;
	_ =	strace $0x80000054  }
0xb4: {  	_ =	swait.ge [sflag:s29], $0x1  }
0xb5: {  	[sflag:s29] =	ssyncadd.s32 $0xFFFFFFFF  }
0xb6: {  	_ =	strace $0x90000054  }
0xb7: {  	_ =	sfence  }
0xb8: {  	s30 =	sld [smem:$0x0];
	_ =	sdelay $0x2  }
0xb9: {  	s31 =	sshll.u32 s1, $0xD;
	s1 =	sshrl.u32 s1, $0x2  }
0xba: {  	s3 =	sand.u32 $0x4000, s31;
	s1 =	sadd.s32 s1, s30  }
0xbb: {  	s0 =	sor.u32 s3, s0;
	s1 =	sshll.u32 s1, $0x11  }
0xbc: {  	s0 =	sor.u32 s1, s0  }
0xbd: {  	s0 =	sadd.s32 $0x8F2B, s0  }
0xbe: {  	[sflag:s0] =	ssyncadd.remote.s32 $0x1  }
0xbf: {  	_ =	sfence.sel $0xFFFF  }
0xc0: {  	[dreg:$0x0] =	wrdreg $0xFFFFFFFF;
	(pc) =	sbr.abs _section_cstart, $3  }
0xc1: {  	[dreg:$0x1] =	wrdreg $0xFFFFFFFF  }
0xc2: {  	_ =	task.clear_ibuf [dreg:s7], $0x2FFFF;
	_ =	strace $0x9FFFFFFF  }
0xc3: {  	(tm) =	ssettm $0x7FFFFFFF  }
tec
execute0_lowered:
.L_overlay_start_1:
0x0: {  	(tag) =	ssettag $0x1  }
0x1: {  	s5 =	rddreg [dreg:$0x0]  }
0x2: {  	s0 =	srdreg.scid;
	s6 =	rddreg [dreg:$0x1]  }
0x3: {  	s1 =	rddreg [dreg:$0x2];
	s9 =	stileid.u32;
	s2 =	simm.s32 $0x0  }
0x4: {  	s13 =	simm.s32 $0x6780;
	s14 =	simm.s32 $0x8F80;
	s15 =	simm.s32 $0x1  }
0x5: {  	s16 =	simm.s32 $0x2;
	s17 =	simm.s32 $0x3;
	s18 =	simm.s32 $0x4  }
0x6: {  	s19 =	simm.s32 $0x6480;
	s20 =	simm.s32 $0x6500;
	s21 =	simm.s32 $0x26C0  }
0x7: {  	s22 =	simm.s32 $0x6580;
	s7 =	sand.u32 $0x1, s0;
	s0 =	rddreg [dreg:$0x3]  }
0x8: {  	s23 =	simm.s32 $0x0;
	[smem:$0x7FF] =	sst s2;
	p0 =	sne.s32 s9, $0x0  }
0x9: {  	s3 =	sshll.u32 s7, $0x4;
	_ =	strace $0x80000053;
	s10 =	smul.u32 $0x28000, s7  }
0xa: {  	s7 =	ssub.s32 $0x2, s7;
	s8 =	sor.u32 s9, s3;
	s3 =	sadd.s32 $0x38C00, s5  }
0xb: {  	s31 =	sshrl.u32 s7, $0x1;
	s9 =	sshrl.u32 @!p0 s1, $0x3;
	s4 =	smul.u32 $0x4E2, s8  }
0xc: {  	s10 =	sadd.s32 s10, s5;
	s8 =	sshll.u32 s8, $0xB;
	s12 =	ssub.s32 s7, s31  }
0xd: {  	s6 =	sadd.s32 s6, s8;
	s7 =	sadd.s32 $0x87000, s10;
	s8 =	smax.u32 s12, $0x1  }
0xe: {  	s10 =	simm.s32 $0x5;
	s12 =	simm.s32 $0x50;
	s11 =	sadd.s32 s4, s5  }
0xf: {  	s4 =	sadd.s32 $0x10C00, s5;
	s5 =	sadd.s32 $0x6E00, s11;
	s11 =	simm.s32 $0x2780  }
.LBB2_1:
0x10: {  	s24 =	simm.s32 @!p0 $0x1C05  }
0x11: {  	[spmem:s9], [sflag:s24] =	dma.local @!p0 [hbm:s4], $0x28000  }
0x12: {  	s24 =	simm.s32 @!p0 $0x5  }
0x13: {  	_ =	swait.ge @!p0 [sflag:s24], $0x28000  }
0x14: {  	[sflag:s24] =	ssyncset.done @!p0 $0x0  }
0x15: {  	[sflag:s24] =	ssyncadd.s32 @!p0 $0xFFFD8000  }
0x16: {  	[tilespmem:s2], [sflag:$0x5] =	stream.linear.gather [hbm4b:s5+s2], $0x2710, $0x38;
	[tilespmem:$0x1F780] =	vst v63  }
0x17: {  	_ =	swait.ge [sflag:s10], $0x2710  }
0x18: {  	[sflag:s10] =	ssyncset.done $0x0  }
0x19: {  	[sflag:s10] =	ssyncadd.s32 $0xFFFFD8F0  }
0x1a: {  	[tilespmem:s11], [sflag:$0x5] =	stream.linear.gather [hbm4b:s6+s2], $0x3E80, $0x38;
	[tilespmem:$0x1F780] =	vst v63  }
0x1b: {  	_ =	swait.ge [sflag:s10], $0x3E80  }
0x1c: {  	[sflag:s10] =	ssyncset.done $0x0  }
0x1d: {  	[sflag:s10] =	ssyncadd.s32 $0xFFFFC180  }
0x1e: {  	[bflag:$0x0] =	sbarrier.arrive $0xFFFF  }
0x1f: {  	[tilespmem:s13], [sflag:$0x1] =	stream.indirect.gather [hbm4b:s3+s12], $0x80, s2, s12, $0xb8;
	[tilespmem:$0x1F780] =	vst v63  }
0x20: {  	_ = 	snop  }
0x21: {  	[tilespmem:s14], [sflag:$0x2] =	stream.indirect.gather [hbm4b:s3+s12], $0x80, s12, s12, $0xb8;
	[tilespmem:$0x1F780] =	vst v63  }
0x22: {  	_ =	swait.ge [sflag:s15], $0x2800  }
0x23: {  	[sflag:s15] =	ssyncset.done $0x0  }
0x24: {  	s29 =	simm.s32 $0x2780;
	[sflag:s15] =	ssyncadd.s32 $0xFFFFD800  }
0x25: {  	[spmem:s1] =	stream.indirect.scatter.add.f32 [tilespmem:s13], [sflag:$0x3], $0x80, s29, s12, $0xb8;
	[tilespmem:$0x1F780] =	vst v63  }
0x26: {  	_ =	swait.ge [sflag:s16], $0x2800  }
0x27: {  	[sflag:s16] =	ssyncset.done $0x0  }
0x28: {  	s30 =	simm.s32 $0x2800;
	[sflag:s16] =	ssyncadd.s32 $0xFFFFD800  }
0x29: {  	[spmem:s1] =	stream.indirect.scatter.add.f32 [tilespmem:s14], [sflag:$0x4], $0x80, s30, s12, $0xb8;
	[tilespmem:$0x1F780] =	vst v63  }
0x2a: {  	_ =	swait.ge [sflag:s17], $0x2800  }
0x2b: {  	[sflag:s17] =	ssyncset.done $0x0  }
0x2c: {  	s31 =	simm.s32 $0xA0;
	[sflag:s17] =	ssyncadd.s32 $0xFFFFD800  }
0x2d: {  	[tilespmem:s13], [sflag:$0x1] =	stream.indirect.gather [hbm4b:s3+s12], $0x80, s31, s12, $0xb8;
	[tilespmem:$0x1F780] =	vst v63  }
0x2e: {  	_ =	swait.ge [sflag:s18], $0x2800  }
0x2f: {  	s25 =	simm.s32 $0x400;
	[sflag:s18] =	ssyncset.done $0x0  }
0x30: {  	s26 =	simm.s32 $0x190;
	s24 =	simm.s32 $0xF0;
	[sflag:s18] =	ssyncadd.s32 $0xFFFFD800  }
.LBB2_2:
0x31: {  	[tilespmem:s14], [sflag:$0x2] =	stream.indirect.gather [hbm4b:s3+s12], $0x80, s24, s12, $0xb8;
	[tilespmem:$0x1F780] =	vst v63  }
0x32: {  	s28 =	smov.u32 s25;
	s24 =	smov.u32 s26  }
0x33: {  	p1 =	sne.s32 s25, $0xF000;
	s25 =	sadd.s32 $0x400, s25;
	_ =	swait.ge [sflag:s15], $0x2800  }
0x34: {  	s28 =	sshra.s32 s28, $0x2;
	[sflag:s15] =	ssyncset.done $0x0  }
0x35: {  	s29 =	sadd.s32 $0x2780, s28;
	[sflag:s15] =	ssyncadd.s32 $0xFFFFD800  }
0x36: {  	[spmem:s1] =	stream.indirect.scatter.add.f32 [tilespmem:s13], [sflag:$0x3], $0x80, s29, s12, $0xb8;
	[tilespmem:$0x1F780] =	vst v63  }
0x37: {  	_ =	swait.ge [sflag:s16], $0x2800  }
0x38: {  	[sflag:s16] =	ssyncset.done $0x0  }
0x39: {  	s28 =	sadd.s32 $0x2800, s28;
	[sflag:s16] =	ssyncadd.s32 $0xFFFFD800  }
0x3a: {  	[spmem:s1] =	stream.indirect.scatter.add.f32 [tilespmem:s14], [sflag:$0x4], $0x80, s28, s12, $0xb8;
	[tilespmem:$0x1F780] =	vst v63  }
0x3b: {  	_ =	swait.ge [sflag:s17], $0x2800  }
0x3c: {  	[sflag:s17] =	ssyncset.done $0x0  }
.Ltmp0:
0x3d: {  	s28 =	sadd.s32 $0xFFFFFFB0, s26;
	[sflag:s17] =	ssyncadd.s32 $0xFFFFD800;
	(pc) =	sbr.rel @p1 .LBB2_2-.Ltmp0, $4  }
0x3e: {  	[tilespmem:s13], [sflag:$0x1] =	stream.indirect.gather [hbm4b:s3+s12], $0x80, s28, s12, $0xb8;
	[tilespmem:$0x1F780] =	vst v63  }
0x3f: {  	_ =	swait.ge [sflag:s18], $0x2800  }
0x40: {  	[sflag:s18] =	ssyncset.done $0x0  }
0x41: {  	s26 =	sadd.s32 $0xA0, s26;
	[sflag:s18] =	ssyncadd.s32 $0xFFFFD800  }
0x42: {  	[tilespmem:s14], [sflag:$0x2] =	stream.indirect.gather [hbm4b:s3+s12], $0x80, s24, s12, $0xb8;
	[tilespmem:$0x1F780] =	vst v63  }
0x43: {  	_ =	swait.ge [sflag:s15], $0x2800  }
0x44: {  	[sflag:s15] =	ssyncset.done $0x0  }
0x45: {  	[sflag:s15] =	ssyncadd.s32 $0xFFFFD800  }
0x46: {  	[spmem:s1] =	stream.indirect.scatter.add.f32 [tilespmem:s13], [sflag:$0x5], $0x80, s19, s12, $0xb8;
	[tilespmem:$0x1F780] =	vst v63  }
0x47: {  	_ =	swait.ge [sflag:s10], $0x2800  }
0x48: {  	[sflag:s10] =	ssyncset.done $0x0  }
0x49: {  	[sflag:s10] =	ssyncadd.s32 $0xFFFFD800  }
0x4a: {  	_ =	swait.ge [sflag:s16], $0x2800  }
0x4b: {  	[sflag:s16] =	ssyncset.done $0x0  }
0x4c: {  	[sflag:s16] =	ssyncadd.s32 $0xFFFFD800  }
0x4d: {  	[spmem:s1] =	stream.indirect.scatter.add.f32 [tilespmem:s14], [sflag:$0x5], $0x80, s20, s12, $0xb8;
	[tilespmem:$0x1F780] =	vst v63  }
0x4e: {  	_ =	swait.ge [sflag:s10], $0x2800  }
0x4f: {  	[sflag:s10] =	ssyncset.done $0x0  }
0x50: {  	[sflag:s10] =	ssyncadd.s32 $0xFFFFD800  }
0x51: {  	[tilespmem:s13], [sflag:$0x1] =	stream.indirect.gather [hbm4b:s3+s12], $0x80, s21, s12, $0xb8;
	[tilespmem:$0x1F780] =	vst v63  }
0x52: {  	_ =	swait.ge [sflag:s15], $0x2800  }
0x53: {  	[sflag:s15] =	ssyncset.done $0x0  }
0x54: {  	[sflag:s15] =	ssyncadd.s32 $0xFFFFD800  }
0x55: {  	[spmem:s1] =	stream.indirect.scatter.add.f32 [tilespmem:s13], [sflag:$0x5], $0x80, s22, s12, $0xb8;
	[tilespmem:$0x1F780] =	vst v63  }
0x56: {  	_ =	swait.ge [sflag:s10], $0x2800  }
0x57: {  	[sflag:s10] =	ssyncset.done $0x0  }
0x58: {  	s23 =	sadd.s32 $0x1, s23;
	[sflag:s10] =	ssyncadd.s32 $0xFFFFD800  }
0x59: {  	s24 =	simm.s32 @!p0 $0x1C05;
	p1 =	sne.s32 s23, s8;
	[bflag:$0x0] =	sbarrier.arrive $0xFFFF  }
0x5a: {  	[hbm:s7], [sflag:s24] =	dma.local @!p0 [spmem:s9], $0x28000  }
.Ltmp1:
0x5b: {  	_ = 	snop;
	(pc) =	sbr.rel @p1 .LBB2_1-.Ltmp1, $4  }
0x5c: {  	s24 =	simm.s32 @!p0 $0x5  }
0x5d: {  	_ =	swait.ge @!p0 [sflag:s24], $0x28000  }
0x5e: {  	[sflag:s24] =	ssyncset.done @!p0 $0x0  }
0x5f: {  	[sflag:s24] =	ssyncadd.s32 @!p0 $0xFFFD8000  }
0x60: {  	_ =	sfence.sel $0x180000  }
0x61: {  	[bflag:$0x0] =	sbarrier.arrive $0xFFFF  }
0x62: {  	_ =	strace $0x90000053  }
0x63: {  	s0 =	sadd.s32 @!p0 $0x100000, s0;
	[bflag:$0x2] =	sbarrier.arrive $0xFFFF  }
0x64: {  	[sflag:s0] =	ssyncadd.tile.s32 @!p0 $0x1;
	_ =	shalt  }
.Lfunc_end2:
_tile_overlayer_lowered:
.L_overlay_start_2:
0x65: {  	(tag) =	ssettag $0x2  }
0x66: {  	s0 =	rddreg [dreg:$0x0];
	s2 =	stileid.u32  }
0x67: {  	s1 =	rddreg [dreg:$0x1];
	p0 =	sne.s32 s2, $0x0  }
0x68: {  	s3 =	rddreg [dreg:$0x2];
	[bflag:$0x3] =	sbarrier.arrive $0xFFFF;
	s2 =	simm.s32 @!p0 $0x1C05  }
0x69: {  	[timem:s3], [sflag:s2] =	dma.local @!p0 [hbm:s0], s1  }
0x6a: {  	s0 =	simm.s32 @!p0 $0x5  }
0x6b: {  	_ =	swait.ge @!p0 [sflag:s0], s1  }
0x6c: {  	s1 =	ssub.s32 @!p0 $0x0, s1;
	[sflag:s0] =	ssyncset.done @!p0 $0x0  }
0x6d: {  	[sflag:s0] =	ssyncadd.s32 @!p0 s1  }
0x6e: {  	[bflag:$0x3] =	sbarrier.arrive $0xFFFF  }
0x6f: {  	_ =	shalt  }

// kernel: kernel.32.cloned.1.call-start
scs
__scs_entry_jumppad:
0x0: {  	(pc) =	sbr.rel $0x88, $3  }
0x1: {  	(tag) =	ssettag $0x0;
	lr =	simm.s32 $0x1  }
0x2: {  	[smem:$0x3F96] =	sst lr;
	_ =	strace $0xD0000000  }
0x3: {  	_ = 	snop  }
0x4: {  	_ = 	snop  }
0x5: {  	_ = 	snop  }
0x6: {  	_ = 	snop  }
0x7: {  	_ = 	snop  }
__scs_overlays_trampoline_lowered:
0x8: {  	[smem:$0x3FA5] =	sst s0  }
0x9: {  	[smem:$0x3FA6] =	sst s1  }
0xa: {  	[smem:$0x3FA7] =	sst s2  }
0xb: {  	[smem:$0x3FA8] =	sst s3  }
0xc: {  	[smem:$0x3FA9] =	sst s4  }
0xd: {  	[smem:$0x3FAA] =	sst s5  }
0xe: {  	[smem:$0x3FAB] =	sst s6  }
0xf: {  	[smem:$0x3FAC] =	sst s7  }
0x10: {  	[smem:$0x3FAD] =	sst s8  }
0x11: {  	[smem:$0x3FAE] =	sst s9;
	s0 =	simm.s32 @!p0 $0x0  }
0x12: {  	s1 =	sld [smem:$0x3F94];
	s0 =	simm.s32 @p0 $0x1  }
0x13: {  	[smem:$0x3FAF] =	sst s0;
	s0 =	simm.s32 @!p1 $0x0  }
0x14: {  	s2 =	sld [smem:$0x3F93];
	s0 =	simm.s32 @p1 $0x1  }
0x15: {  	[smem:$0x3FB0] =	sst s0;
	s0 =	simm.s32 @!p2 $0x0  }
0x16: {  	s3 =	sld [smem:$0x3FDB];
	s0 =	simm.s32 @p2 $0x1  }
0x17: {  	s4 =	simm.s32 $0x1BF5;
	[smem:$0x3FB2] =	sst s0  }
0x18: {  	s0 =	sld [smem:$0x3F95];
	_ =	swait.ge [sflag:s4], $0x0  }
0x19: {  	s7 =	sld [smem:$0x3F96]  }
0x1a: {  	s8 =	sadd.s32 $0xFFFFE003, lr  }
0x1b: {  	s9 =	sadd.s32 $0xFFFFFEF7, lr;
	s5 =	simm.s32 $0xFFFFFFFF;
	p2 =	slt.u32 s8, $0xFFFFF086  }
0x1c: {  	p1 =	slt.u32 s9, $0xF7A;
	s5 =	simm.s32 @!p2 $0x0  }
0x1d: {  	s5 =	simm.s32 @p1 $0x1;
	p0 =	seq.s32 s7, s2  }
0x1e: {  	s7 =	smul.u32 @!p0 $0xF7A, s2;
	p2 =	seq.s32 @!p0 s5, $0x0  }
0x1f: {  	s9 =	smul.u32 $0xF7A, s1;
	s8 =	simm.s32 @!p0 $0x1BF5;
	p2 =	por !p2, p0  }
0x20: {  	[sflag:s8] =	ssyncset.s32 @!p0 $0xFFFFF086;
	s6 =	sadd.s32 @!p0 s3, s7;
	s7 =	simm.s32 @!p0 $0x108  }
0x21: {  	s3 =	sadd.s32 s3, s9;
	s6 =	sadd.s32 @!p0 $0x88, s6;
	s7 =	simm.s32 @p2 $0x1082  }
0x22: {  	[simem:s7], [sflag:s8] =	dma.local @!p0 [hbm:s6], $0xF7A  }
0x23: {  	s9 =	sor.u32 $0xD0000000, s2;
	s6 =	simm.s32 $0x108;
	_ =	swait.ge @!p0 [sflag:s8], $0x0  }
0x24: {  	s3 =	sadd.s32 $0x88, s3;
	s6 =	simm.s32 @!p1 $0x1082;
	[sflag:s4] =	ssyncset.s32 $0xFFFFF086  }
0x25: {  	[simem:s6], [sflag:s4] =	dma.local [hbm:s3], $0xF7A  }
0x26: {  	[smem:$0x3F96] =	sst s1;
	(tag) =	ssettag s2;
	_ =	strace s9  }
0x27: {  	s1 =	sld [smem:$0x3FA6]  }
0x28: {  	s2 =	sld [smem:$0x3FA7]  }
0x29: {  	s4 =	sld [smem:$0x3FA9]  }
0x2a: {  	p0 =	seq.s32 s5, $0x0;
	s5 =	sld [smem:$0x3FAA]  }
0x2b: {  	s6 =	sld [smem:$0x3FAB]  }
0x2c: {  	s7 =	sld [smem:$0x3FAC]  }
0x2d: {  	s3 =	simm.s32 $0x108;
	s8 =	sld [smem:$0x3FAD]  }
0x2e: {  	s3 =	simm.s32 @!p0 $0x1082;
	s9 =	sld [smem:$0x3FAE]  }
0x2f: {  	lr =	sadd.s32 s0, s3;
	s0 =	sld [smem:$0x3FA5]  }
0x30: {  	s3 =	sld [smem:$0x3FA8]  }
0x31: {  	[smem:$0x3FB1] =	sst s10  }
0x32: {  	s10 =	sld [smem:$0x3FAF];
	_ =	sdelay $0x3  }
0x33: {  	p0 =	seq.s32 s10, $0x1;
	s10 =	sld [smem:$0x3FB1];
	_ =	sdelay $0x3  }
0x34: {  	[smem:$0x3FB1] =	sst s10  }
0x35: {  	s10 =	sld [smem:$0x3FB0];
	_ =	sdelay $0x3  }
0x36: {  	p1 =	seq.s32 s10, $0x1;
	s10 =	sld [smem:$0x3FB1];
	_ =	sdelay $0x3  }
0x37: {  	[smem:$0x3FB1] =	sst s10  }
0x38: {  	s10 =	sld [smem:$0x3FB2]  }
0x39: {  	_ = 	snop;
	(pc) =	sbr.ind lr, $3  }
0x3a: {  	_ = 	snop  }
0x3b: {  	_ = 	snop  }
0x3c: {  	p2 =	seq.s32 s10, $0x1;
	s10 =	sld [smem:$0x3FB1]  }
0x3d: {  	_ =	shalt  }
0x3e: {  	_ =	shalt  }
0x3f: {  	_ =	shalt  }
0x40: {  	_ =	shalt  }
0x41: {  	_ =	shalt  }
0x42: {  	_ =	shalt  }
0x43: {  	_ =	shalt  }
0x44: {  	_ =	shalt  }
0x45: {  	_ =	shalt  }
0x46: {  	_ =	shalt  }
0x47: {  	_ =	shalt  }
0x48: {  	_ =	shalt  }
0x49: {  	_ =	shalt  }
0x4a: {  	_ =	shalt  }
0x4b: {  	_ =	shalt  }
0x4c: {  	_ =	shalt  }
0x4d: {  	_ =	shalt  }
0x4e: {  	_ =	shalt  }
0x4f: {  	_ =	shalt  }
0x50: {  	_ =	shalt  }
0x51: {  	_ =	shalt  }
0x52: {  	_ =	shalt  }
0x53: {  	_ =	shalt  }
0x54: {  	_ =	shalt  }
0x55: {  	_ =	shalt  }
0x56: {  	_ =	shalt  }
0x57: {  	_ =	shalt  }
0x58: {  	_ =	shalt  }
0x59: {  	_ =	shalt  }
0x5a: {  	_ =	shalt  }
0x5b: {  	_ =	shalt  }
0x5c: {  	_ =	shalt  }
0x5d: {  	_ =	shalt  }
0x5e: {  	_ =	shalt  }
0x5f: {  	_ =	shalt  }
0x60: {  	_ =	shalt  }
0x61: {  	_ =	shalt  }
0x62: {  	_ =	shalt  }
0x63: {  	_ =	shalt  }
0x64: {  	_ =	shalt  }
0x65: {  	_ =	shalt  }
0x66: {  	_ =	shalt  }
0x67: {  	_ =	shalt  }
0x68: {  	_ =	shalt  }
0x69: {  	_ =	shalt  }
0x6a: {  	_ =	shalt  }
0x6b: {  	_ =	shalt  }
0x6c: {  	_ =	shalt  }
0x6d: {  	_ =	shalt  }
0x6e: {  	_ =	shalt  }
0x6f: {  	_ =	shalt  }
0x70: {  	_ =	shalt  }
0x71: {  	_ =	shalt  }
0x72: {  	_ =	shalt  }
0x73: {  	_ =	shalt  }
0x74: {  	_ =	shalt  }
0x75: {  	_ =	shalt  }
0x76: {  	_ =	shalt  }
0x77: {  	_ =	shalt  }
0x78: {  	_ =	shalt  }
0x79: {  	_ =	shalt  }
0x7a: {  	_ =	shalt  }
0x7b: {  	_ =	shalt  }
0x7c: {  	_ =	shalt  }
0x7d: {  	_ =	shalt  }
0x7e: {  	_ =	shalt  }
0x7f: {  	_ =	shalt  }
0x80: {  	_ =	shalt  }
0x81: {  	_ =	shalt  }
0x82: {  	_ =	shalt  }
0x83: {  	_ =	shalt  }
0x84: {  	_ =	shalt  }
0x85: {  	_ =	shalt  }
0x86: {  	_ =	shalt  }
0x87: {  	_ =	shalt  }
.Lfunc_end0:
.L_simem_size_0:
called_computation.5_lowered:
.L_overlay_start_0:
0x88: {  	s2 =	sld [smem:$0x3FD9]  }
0x89: {  	s3 =	sld [smem:$0x3FFE];
	_ =	sdelay $0x1  }
0x8a: {  	s1 =	srdreg.scid  }
0x8b: {  	s0 =	sand.u32 $0x1, s1  }
0x8c: {  	s17 =	sshll.u32 s0, $0xA;
	s2 =	sadd.s32 s3, s2  }
0x8d: {  	s2 =	sadd.s32 s2, s17  }
0x8e: {  	[smem:$0x3FBD] =	sst s2  }
0x8f: {  	_ = 	snop  }
0x90: {  	s2 =	sld [smem:$0x3FD0];
	(tm) =	ssettm $0x1  }
0x91: {  	s18 =	sld [smem:$0x3FFB];
	_ =	sdelay $0x3  }
0x92: {  	_ =	strace s18  }
0x93: {  	s3 =	sld [smem:$0x3FFC];
	_ =	sdelay $0x3  }
0x94: {  	_ =	strace s3  }
0x95: {  	s3 =	sld [smem:$0x3FFD];
	_ =	sdelay $0x3  }
0x96: {  	_ =	strace s3  }
0x97: {  	_ =	strace $0x8FFFFFFF  }
0x98: {  	s19 =	sld [smem:$0x3FDB];
	_ =	sdelay $0x1  }
0x99: {  	s4 =	simm.s32 $_scs_section_size  }
0x9a: {  	s5 =	simm.s32 $_size__tile_overlayer_lowered;
	s6 =	simm.s32 $_tile_overlayer_lowered  }
0x9b: {  	s22 =	simm.s32 $0x1BFF;
	s21 =	sshll.u32 s6, $0x1;
	s3 =	sadd.s32 s4, s19  }
0x9c: {  	s7 =	simm.s32 $0x0;
	s20 =	sshll.u32 s5, $0x1;
	s5 =	sadd.s32 s21, s3  }
0x9d: {  	[timem:s7], [sflag:s22] =	dma.local [hbm:s5], s20  }
0x9e: {  	_ =	swait.ge [sflag:s22], s20  }
0x9f: {  	s4 =	ssub.s32 $0x0, s20;
	[sflag:s22] =	ssyncset.done $0x0  }
0xa0: {  	[sflag:s22] =	ssyncadd.s32 s4;
	_ =	sdelay $0x1  }
0xa1: {  	s23 =	simm.s32 $0x1B8B  }
0xa2: {  	_ =	swait.ge [sflag:s23], $0x1  }
0xa3: {  	[sflag:s23] =	ssyncset.done $0x0  }
0xa4: {  	s25 =	simm.s32 $0x1B8E;
	s24 =	sld [smem:$0x3FFE];
	[sflag:s23] =	ssyncadd.s32 $0xFFFFFFFF  }
0xa5: {  	s26 =	simm.s32 $execute0_lowered;
	[smem:$0x3FD2] =	sst s25  }
0xa6: {  	s5 =	sshll.u32 s26, $0x1;
	_ =	strace $0x80000055;
	[dreg:$0x1] =	wrdreg $0xFFFFFFFF  }
0xa7: {  	s28 =	simm.s32 $_size_execute0_lowered;
	s3 =	sadd.s32 s3, s5;
	[dreg:$0x0] =	wrdreg $0x0  }
0xa8: {  	s5 =	sshll.u32 s28, $0x1;
	[dreg:$0x2] =	wrdreg s3  }
0xa9: {  	[dreg:$0x3] =	wrdreg s5  }
0xaa: {  	[dreg:$0x4] =	wrdreg $0xC0  }
0xab: {  	_ =	task [dreg:s7], $0x5FFFF  }
0xac: {  	[dreg:$0x1] =	wrdreg $0xFFFFFFFF  }
0xad: {  	[dreg:$0x0] =	wrdreg $0x60  }
0xae: {  	[dreg:$0x2] =	wrdreg s24  }
0xaf: {  	[dreg:$0x3] =	wrdreg s2  }
0xb0: {  	[dreg:$0x4] =	wrdreg $0xB7800  }
0xb1: {  	[dreg:$0x5] =	wrdreg $0x9  }
0xb2: {  	_ =	task.clear_ibuf [dreg:s7], $0x6FFFF;
	_ =	strace $0x90000055  }
0xb3: {  	s29 =	simm.s32 $0x9;
	_ =	strace $0x80000057  }
0xb4: {  	_ =	swait.ge [sflag:s29], $0x1  }
0xb5: {  	[sflag:s29] =	ssyncadd.s32 $0xFFFFFFFF  }
0xb6: {  	_ =	strace $0x90000057  }
0xb7: {  	_ =	sfence  }
0xb8: {  	s30 =	sld [smem:$0x0];
	_ =	sdelay $0x2  }
0xb9: {  	s31 =	sshll.u32 s1, $0xD;
	s1 =	sshrl.u32 s1, $0x2  }
0xba: {  	s3 =	sand.u32 $0x4000, s31;
	s1 =	sadd.s32 s1, s30  }
0xbb: {  	s0 =	sor.u32 s3, s0;
	s1 =	sshll.u32 s1, $0x11  }
0xbc: {  	s0 =	sor.u32 s1, s0  }
0xbd: {  	s0 =	sadd.s32 $0x8F2B, s0  }
0xbe: {  	[sflag:s0] =	ssyncadd.remote.s32 $0x1  }
0xbf: {  	_ =	sfence.sel $0xFFFF  }
0xc0: {  	[dreg:$0x0] =	wrdreg $0xFFFFFFFF;
	(pc) =	sbr.abs _section_cstart, $3  }
0xc1: {  	[dreg:$0x1] =	wrdreg $0xFFFFFFFF  }
0xc2: {  	_ =	task.clear_ibuf [dreg:s7], $0x2FFFF;
	_ =	strace $0x9FFFFFFF  }
0xc3: {  	(tm) =	ssettm $0x7FFFFFFF  }
tec
execute0_lowered:
.L_overlay_start_1:
0x0: {  	(tag) =	ssettag $0x1  }
0x1: {  	s5 =	rddreg [dreg:$0x0]  }
0x2: {  	s0 =	srdreg.scid;
	s6 =	rddreg [dreg:$0x1]  }
0x3: {  	s1 =	rddreg [dreg:$0x2];
	s9 =	stileid.u32;
	s2 =	simm.s32 $0x0  }
0x4: {  	s13 =	simm.s32 $0x6780;
	s14 =	simm.s32 $0x8F80;
	s15 =	simm.s32 $0x1  }
0x5: {  	s16 =	simm.s32 $0x2;
	s17 =	simm.s32 $0x3;
	s18 =	simm.s32 $0x4  }
0x6: {  	s19 =	simm.s32 $0x6480;
	s20 =	simm.s32 $0x6500;
	s21 =	simm.s32 $0x26C0  }
0x7: {  	s22 =	simm.s32 $0x6580;
	s7 =	sand.u32 $0x1, s0;
	s0 =	rddreg [dreg:$0x3]  }
0x8: {  	s23 =	simm.s32 $0x0;
	[smem:$0x7FF] =	sst s2;
	p0 =	sne.s32 s9, $0x0  }
0x9: {  	s3 =	sshll.u32 s7, $0x4;
	_ =	strace $0x80000056;
	s10 =	smul.u32 $0x28000, s7  }
0xa: {  	s7 =	ssub.s32 $0x2, s7;
	s8 =	sor.u32 s9, s3;
	s3 =	sadd.s32 $0x38C00, s5  }
0xb: {  	s31 =	sshrl.u32 s7, $0x1;
	s9 =	sshrl.u32 @!p0 s1, $0x3;
	s4 =	smul.u32 $0x4E2, s8  }
0xc: {  	s10 =	sadd.s32 s10, s5;
	s8 =	sshll.u32 s8, $0xB;
	s12 =	ssub.s32 s7, s31  }
0xd: {  	s6 =	sadd.s32 s6, s8;
	s7 =	sadd.s32 $0x87000, s10;
	s8 =	smax.u32 s12, $0x1  }
0xe: {  	s10 =	simm.s32 $0x5;
	s12 =	simm.s32 $0x50;
	s11 =	sadd.s32 s4, s5  }
0xf: {  	s4 =	sadd.s32 $0x10C00, s5;
	s5 =	sadd.s32 $0x6E00, s11;
	s11 =	simm.s32 $0x2780  }
.LBB2_1:
0x10: {  	s24 =	simm.s32 @!p0 $0x1C05  }
0x11: {  	[spmem:s9], [sflag:s24] =	dma.local @!p0 [hbm:s4], $0x28000  }
0x12: {  	s24 =	simm.s32 @!p0 $0x5  }
0x13: {  	_ =	swait.ge @!p0 [sflag:s24], $0x28000  }
0x14: {  	[sflag:s24] =	ssyncset.done @!p0 $0x0  }
0x15: {  	[sflag:s24] =	ssyncadd.s32 @!p0 $0xFFFD8000  }
0x16: {  	[tilespmem:s2], [sflag:$0x5] =	stream.linear.gather [hbm4b:s5+s2], $0x2710, $0x38;
	[tilespmem:$0x1F780] =	vst v63  }
0x17: {  	_ =	swait.ge [sflag:s10], $0x2710  }
0x18: {  	[sflag:s10] =	ssyncset.done $0x0  }
0x19: {  	[sflag:s10] =	ssyncadd.s32 $0xFFFFD8F0  }
0x1a: {  	[tilespmem:s11], [sflag:$0x5] =	stream.linear.gather [hbm4b:s6+s2], $0x3E80, $0x38;
	[tilespmem:$0x1F780] =	vst v63  }
0x1b: {  	_ =	swait.ge [sflag:s10], $0x3E80  }
0x1c: {  	[sflag:s10] =	ssyncset.done $0x0  }
0x1d: {  	[sflag:s10] =	ssyncadd.s32 $0xFFFFC180  }
0x1e: {  	[bflag:$0x0] =	sbarrier.arrive $0xFFFF  }
0x1f: {  	[tilespmem:s13], [sflag:$0x1] =	stream.indirect.gather [hbm4b:s3+s12], $0x80, s2, s12, $0xb8;
	[tilespmem:$0x1F780] =	vst v63  }
0x20: {  	_ = 	snop  }
0x21: {  	[tilespmem:s14], [sflag:$0x2] =	stream.indirect.gather [hbm4b:s3+s12], $0x80, s12, s12, $0xb8;
	[tilespmem:$0x1F780] =	vst v63  }
0x22: {  	_ =	swait.ge [sflag:s15], $0x2800  }
0x23: {  	[sflag:s15] =	ssyncset.done $0x0  }
0x24: {  	s29 =	simm.s32 $0x2780;
	[sflag:s15] =	ssyncadd.s32 $0xFFFFD800  }
0x25: {  	[spmem:s1] =	stream.indirect.scatter.add.f32 [tilespmem:s13], [sflag:$0x3], $0x80, s29, s12, $0xb8;
	[tilespmem:$0x1F780] =	vst v63  }
0x26: {  	_ =	swait.ge [sflag:s16], $0x2800  }
0x27: {  	[sflag:s16] =	ssyncset.done $0x0  }
0x28: {  	s30 =	simm.s32 $0x2800;
	[sflag:s16] =	ssyncadd.s32 $0xFFFFD800  }
0x29: {  	[spmem:s1] =	stream.indirect.scatter.add.f32 [tilespmem:s14], [sflag:$0x4], $0x80, s30, s12, $0xb8;
	[tilespmem:$0x1F780] =	vst v63  }
0x2a: {  	_ =	swait.ge [sflag:s17], $0x2800  }
0x2b: {  	[sflag:s17] =	ssyncset.done $0x0  }
0x2c: {  	s31 =	simm.s32 $0xA0;
	[sflag:s17] =	ssyncadd.s32 $0xFFFFD800  }
0x2d: {  	[tilespmem:s13], [sflag:$0x1] =	stream.indirect.gather [hbm4b:s3+s12], $0x80, s31, s12, $0xb8;
	[tilespmem:$0x1F780] =	vst v63  }
0x2e: {  	_ =	swait.ge [sflag:s18], $0x2800  }
0x2f: {  	s25 =	simm.s32 $0x400;
	[sflag:s18] =	ssyncset.done $0x0  }
0x30: {  	s26 =	simm.s32 $0x190;
	s24 =	simm.s32 $0xF0;
	[sflag:s18] =	ssyncadd.s32 $0xFFFFD800  }
.LBB2_2:
0x31: {  	[tilespmem:s14], [sflag:$0x2] =	stream.indirect.gather [hbm4b:s3+s12], $0x80, s24, s12, $0xb8;
	[tilespmem:$0x1F780] =	vst v63  }
0x32: {  	s28 =	smov.u32 s25;
	s24 =	smov.u32 s26  }
0x33: {  	p1 =	sne.s32 s25, $0xF000;
	s25 =	sadd.s32 $0x400, s25;
	_ =	swait.ge [sflag:s15], $0x2800  }
0x34: {  	s28 =	sshra.s32 s28, $0x2;
	[sflag:s15] =	ssyncset.done $0x0  }
0x35: {  	s29 =	sadd.s32 $0x2780, s28;
	[sflag:s15] =	ssyncadd.s32 $0xFFFFD800  }
0x36: {  	[spmem:s1] =	stream.indirect.scatter.add.f32 [tilespmem:s13], [sflag:$0x3], $0x80, s29, s12, $0xb8;
	[tilespmem:$0x1F780] =	vst v63  }
0x37: {  	_ =	swait.ge [sflag:s16], $0x2800  }
0x38: {  	[sflag:s16] =	ssyncset.done $0x0  }
0x39: {  	s28 =	sadd.s32 $0x2800, s28;
	[sflag:s16] =	ssyncadd.s32 $0xFFFFD800  }
0x3a: {  	[spmem:s1] =	stream.indirect.scatter.add.f32 [tilespmem:s14], [sflag:$0x4], $0x80, s28, s12, $0xb8;
	[tilespmem:$0x1F780] =	vst v63  }
0x3b: {  	_ =	swait.ge [sflag:s17], $0x2800  }
0x3c: {  	[sflag:s17] =	ssyncset.done $0x0  }
.Ltmp0:
0x3d: {  	s28 =	sadd.s32 $0xFFFFFFB0, s26;
	[sflag:s17] =	ssyncadd.s32 $0xFFFFD800;
	(pc) =	sbr.rel @p1 .LBB2_2-.Ltmp0, $4  }
0x3e: {  	[tilespmem:s13], [sflag:$0x1] =	stream.indirect.gather [hbm4b:s3+s12], $0x80, s28, s12, $0xb8;
	[tilespmem:$0x1F780] =	vst v63  }
0x3f: {  	_ =	swait.ge [sflag:s18], $0x2800  }
0x40: {  	[sflag:s18] =	ssyncset.done $0x0  }
0x41: {  	s26 =	sadd.s32 $0xA0, s26;
	[sflag:s18] =	ssyncadd.s32 $0xFFFFD800  }
0x42: {  	[tilespmem:s14], [sflag:$0x2] =	stream.indirect.gather [hbm4b:s3+s12], $0x80, s24, s12, $0xb8;
	[tilespmem:$0x1F780] =	vst v63  }
0x43: {  	_ =	swait.ge [sflag:s15], $0x2800  }
0x44: {  	[sflag:s15] =	ssyncset.done $0x0  }
0x45: {  	[sflag:s15] =	ssyncadd.s32 $0xFFFFD800  }
0x46: {  	[spmem:s1] =	stream.indirect.scatter.add.f32 [tilespmem:s13], [sflag:$0x5], $0x80, s19, s12, $0xb8;
	[tilespmem:$0x1F780] =	vst v63  }
0x47: {  	_ =	swait.ge [sflag:s10], $0x2800  }
0x48: {  	[sflag:s10] =	ssyncset.done $0x0  }
0x49: {  	[sflag:s10] =	ssyncadd.s32 $0xFFFFD800  }
0x4a: {  	_ =	swait.ge [sflag:s16], $0x2800  }
0x4b: {  	[sflag:s16] =	ssyncset.done $0x0  }
0x4c: {  	[sflag:s16] =	ssyncadd.s32 $0xFFFFD800  }
0x4d: {  	[spmem:s1] =	stream.indirect.scatter.add.f32 [tilespmem:s14], [sflag:$0x5], $0x80, s20, s12, $0xb8;
	[tilespmem:$0x1F780] =	vst v63  }
0x4e: {  	_ =	swait.ge [sflag:s10], $0x2800  }
0x4f: {  	[sflag:s10] =	ssyncset.done $0x0  }
0x50: {  	[sflag:s10] =	ssyncadd.s32 $0xFFFFD800  }
0x51: {  	[tilespmem:s13], [sflag:$0x1] =	stream.indirect.gather [hbm4b:s3+s12], $0x80, s21, s12, $0xb8;
	[tilespmem:$0x1F780] =	vst v63  }
0x52: {  	_ =	swait.ge [sflag:s15], $0x2800  }
0x53: {  	[sflag:s15] =	ssyncset.done $0x0  }
0x54: {  	[sflag:s15] =	ssyncadd.s32 $0xFFFFD800  }
0x55: {  	[spmem:s1] =	stream.indirect.scatter.add.f32 [tilespmem:s13], [sflag:$0x5], $0x80, s22, s12, $0xb8;
	[tilespmem:$0x1F780] =	vst v63  }
0x56: {  	_ =	swait.ge [sflag:s10], $0x2800  }
0x57: {  	[sflag:s10] =	ssyncset.done $0x0  }
0x58: {  	s23 =	sadd.s32 $0x1, s23;
	[sflag:s10] =	ssyncadd.s32 $0xFFFFD800  }
0x59: {  	s24 =	simm.s32 @!p0 $0x1C05;
	p1 =	sne.s32 s23, s8;
	[bflag:$0x0] =	sbarrier.arrive $0xFFFF  }
0x5a: {  	[hbm:s7], [sflag:s24] =	dma.local @!p0 [spmem:s9], $0x28000  }
.Ltmp1:
0x5b: {  	_ = 	snop;
	(pc) =	sbr.rel @p1 .LBB2_1-.Ltmp1, $4  }
0x5c: {  	s24 =	simm.s32 @!p0 $0x5  }
0x5d: {  	_ =	swait.ge @!p0 [sflag:s24], $0x28000  }
0x5e: {  	[sflag:s24] =	ssyncset.done @!p0 $0x0  }
0x5f: {  	[sflag:s24] =	ssyncadd.s32 @!p0 $0xFFFD8000  }
0x60: {  	_ =	sfence.sel $0x180000  }
0x61: {  	[bflag:$0x0] =	sbarrier.arrive $0xFFFF  }
0x62: {  	_ =	strace $0x90000056  }
0x63: {  	s0 =	sadd.s32 @!p0 $0x100000, s0;
	[bflag:$0x2] =	sbarrier.arrive $0xFFFF  }
0x64: {  	[sflag:s0] =	ssyncadd.tile.s32 @!p0 $0x1;
	_ =	shalt  }
.Lfunc_end2:
_tile_overlayer_lowered:
.L_overlay_start_2:
0x65: {  	(tag) =	ssettag $0x2  }
0x66: {  	s0 =	rddreg [dreg:$0x0];
	s2 =	stileid.u32  }
0x67: {  	s1 =	rddreg [dreg:$0x1];
	p0 =	sne.s32 s2, $0x0  }
0x68: {  	s3 =	rddreg [dreg:$0x2];
	[bflag:$0x3] =	sbarrier.arrive $0xFFFF;
	s2 =	simm.s32 @!p0 $0x1C05  }
0x69: {  	[timem:s3], [sflag:s2] =	dma.local @!p0 [hbm:s0], s1  }
0x6a: {  	s0 =	simm.s32 @!p0 $0x5  }
0x6b: {  	_ =	swait.ge @!p0 [sflag:s0], s1  }
0x6c: {  	s1 =	ssub.s32 @!p0 $0x0, s1;
	[sflag:s0] =	ssyncset.done @!p0 $0x0  }
0x6d: {  	[sflag:s0] =	ssyncadd.s32 @!p0 s1  }
0x6e: {  	[bflag:$0x3] =	sbarrier.arrive $0xFFFF  }
0x6f: {  	_ =	shalt  }

// kernel: kernel.35.cloned.1.call-start
scs
__scs_entry_jumppad:
0x0: {  	(pc) =	sbr.rel $0x88, $3  }
0x1: {  	(tag) =	ssettag $0x0;
	lr =	simm.s32 $0x1  }
0x2: {  	[smem:$0x3F96] =	sst lr;
	_ =	strace $0xD0000000  }
0x3: {  	_ = 	snop  }
0x4: {  	_ = 	snop  }
0x5: {  	_ = 	snop  }
0x6: {  	_ = 	snop  }
0x7: {  	_ = 	snop  }
__scs_overlays_trampoline_lowered:
0x8: {  	[smem:$0x3FA5] =	sst s0  }
0x9: {  	[smem:$0x3FA6] =	sst s1  }
0xa: {  	[smem:$0x3FA7] =	sst s2  }
0xb: {  	[smem:$0x3FA8] =	sst s3  }
0xc: {  	[smem:$0x3FA9] =	sst s4  }
0xd: {  	[smem:$0x3FAA] =	sst s5  }
0xe: {  	[smem:$0x3FAB] =	sst s6  }
0xf: {  	[smem:$0x3FAC] =	sst s7  }
0x10: {  	[smem:$0x3FAD] =	sst s8  }
0x11: {  	[smem:$0x3FAE] =	sst s9;
	s0 =	simm.s32 @!p0 $0x0  }
0x12: {  	s1 =	sld [smem:$0x3F94];
	s0 =	simm.s32 @p0 $0x1  }
0x13: {  	[smem:$0x3FAF] =	sst s0;
	s0 =	simm.s32 @!p1 $0x0  }
0x14: {  	s2 =	sld [smem:$0x3F93];
	s0 =	simm.s32 @p1 $0x1  }
0x15: {  	[smem:$0x3FB0] =	sst s0;
	s0 =	simm.s32 @!p2 $0x0  }
0x16: {  	s3 =	sld [smem:$0x3FDB];
	s0 =	simm.s32 @p2 $0x1  }
0x17: {  	s4 =	simm.s32 $0x1BF5;
	[smem:$0x3FB2] =	sst s0  }
0x18: {  	s0 =	sld [smem:$0x3F95];
	_ =	swait.ge [sflag:s4], $0x0  }
0x19: {  	s7 =	sld [smem:$0x3F96]  }
0x1a: {  	s8 =	sadd.s32 $0xFFFFE003, lr  }
0x1b: {  	s9 =	sadd.s32 $0xFFFFFEF7, lr;
	s5 =	simm.s32 $0xFFFFFFFF;
	p2 =	slt.u32 s8, $0xFFFFF086  }
0x1c: {  	p1 =	slt.u32 s9, $0xF7A;
	s5 =	simm.s32 @!p2 $0x0  }
0x1d: {  	s5 =	simm.s32 @p1 $0x1;
	p0 =	seq.s32 s7, s2  }
0x1e: {  	s7 =	smul.u32 @!p0 $0xF7A, s2;
	p2 =	seq.s32 @!p0 s5, $0x0  }
0x1f: {  	s9 =	smul.u32 $0xF7A, s1;
	s8 =	simm.s32 @!p0 $0x1BF5;
	p2 =	por !p2, p0  }
0x20: {  	[sflag:s8] =	ssyncset.s32 @!p0 $0xFFFFF086;
	s6 =	sadd.s32 @!p0 s3, s7;
	s7 =	simm.s32 @!p0 $0x108  }
0x21: {  	s3 =	sadd.s32 s3, s9;
	s6 =	sadd.s32 @!p0 $0x88, s6;
	s7 =	simm.s32 @p2 $0x1082  }
0x22: {  	[simem:s7], [sflag:s8] =	dma.local @!p0 [hbm:s6], $0xF7A  }
0x23: {  	s9 =	sor.u32 $0xD0000000, s2;
	s6 =	simm.s32 $0x108;
	_ =	swait.ge @!p0 [sflag:s8], $0x0  }
0x24: {  	s3 =	sadd.s32 $0x88, s3;
	s6 =	simm.s32 @!p1 $0x1082;
	[sflag:s4] =	ssyncset.s32 $0xFFFFF086  }
0x25: {  	[simem:s6], [sflag:s4] =	dma.local [hbm:s3], $0xF7A  }
0x26: {  	[smem:$0x3F96] =	sst s1;
	(tag) =	ssettag s2;
	_ =	strace s9  }
0x27: {  	s1 =	sld [smem:$0x3FA6]  }
0x28: {  	s2 =	sld [smem:$0x3FA7]  }
0x29: {  	s4 =	sld [smem:$0x3FA9]  }
0x2a: {  	p0 =	seq.s32 s5, $0x0;
	s5 =	sld [smem:$0x3FAA]  }
0x2b: {  	s6 =	sld [smem:$0x3FAB]  }
0x2c: {  	s7 =	sld [smem:$0x3FAC]  }
0x2d: {  	s3 =	simm.s32 $0x108;
	s8 =	sld [smem:$0x3FAD]  }
0x2e: {  	s3 =	simm.s32 @!p0 $0x1082;
	s9 =	sld [smem:$0x3FAE]  }
0x2f: {  	lr =	sadd.s32 s0, s3;
	s0 =	sld [smem:$0x3FA5]  }
0x30: {  	s3 =	sld [smem:$0x3FA8]  }
0x31: {  	[smem:$0x3FB1] =	sst s10  }
0x32: {  	s10 =	sld [smem:$0x3FAF];
	_ =	sdelay $0x3  }
0x33: {  	p0 =	seq.s32 s10, $0x1;
	s10 =	sld [smem:$0x3FB1];
	_ =	sdelay $0x3  }
0x34: {  	[smem:$0x3FB1] =	sst s10  }
0x35: {  	s10 =	sld [smem:$0x3FB0];
	_ =	sdelay $0x3  }
0x36: {  	p1 =	seq.s32 s10, $0x1;
	s10 =	sld [smem:$0x3FB1];
	_ =	sdelay $0x3  }
0x37: {  	[smem:$0x3FB1] =	sst s10  }
0x38: {  	s10 =	sld [smem:$0x3FB2]  }
0x39: {  	_ = 	snop;
	(pc) =	sbr.ind lr, $3  }
0x3a: {  	_ = 	snop  }
0x3b: {  	_ = 	snop  }
0x3c: {  	p2 =	seq.s32 s10, $0x1;
	s10 =	sld [smem:$0x3FB1]  }
0x3d: {  	_ =	shalt  }
0x3e: {  	_ =	shalt  }
0x3f: {  	_ =	shalt  }
0x40: {  	_ =	shalt  }
0x41: {  	_ =	shalt  }
0x42: {  	_ =	shalt  }
0x43: {  	_ =	shalt  }
0x44: {  	_ =	shalt  }
0x45: {  	_ =	shalt  }
0x46: {  	_ =	shalt  }
0x47: {  	_ =	shalt  }
0x48: {  	_ =	shalt  }
0x49: {  	_ =	shalt  }
0x4a: {  	_ =	shalt  }
0x4b: {  	_ =	shalt  }
0x4c: {  	_ =	shalt  }
0x4d: {  	_ =	shalt  }
0x4e: {  	_ =	shalt  }
0x4f: {  	_ =	shalt  }
0x50: {  	_ =	shalt  }
0x51: {  	_ =	shalt  }
0x52: {  	_ =	shalt  }
0x53: {  	_ =	shalt  }
0x54: {  	_ =	shalt  }
0x55: {  	_ =	shalt  }
0x56: {  	_ =	shalt  }
0x57: {  	_ =	shalt  }
0x58: {  	_ =	shalt  }
0x59: {  	_ =	shalt  }
0x5a: {  	_ =	shalt  }
0x5b: {  	_ =	shalt  }
0x5c: {  	_ =	shalt  }
0x5d: {  	_ =	shalt  }
0x5e: {  	_ =	shalt  }
0x5f: {  	_ =	shalt  }
0x60: {  	_ =	shalt  }
0x61: {  	_ =	shalt  }
0x62: {  	_ =	shalt  }
0x63: {  	_ =	shalt  }
0x64: {  	_ =	shalt  }
0x65: {  	_ =	shalt  }
0x66: {  	_ =	shalt  }
0x67: {  	_ =	shalt  }
0x68: {  	_ =	shalt  }
0x69: {  	_ =	shalt  }
0x6a: {  	_ =	shalt  }
0x6b: {  	_ =	shalt  }
0x6c: {  	_ =	shalt  }
0x6d: {  	_ =	shalt  }
0x6e: {  	_ =	shalt  }
0x6f: {  	_ =	shalt  }
0x70: {  	_ =	shalt  }
0x71: {  	_ =	shalt  }
0x72: {  	_ =	shalt  }
0x73: {  	_ =	shalt  }
0x74: {  	_ =	shalt  }
0x75: {  	_ =	shalt  }
0x76: {  	_ =	shalt  }
0x77: {  	_ =	shalt  }
0x78: {  	_ =	shalt  }
0x79: {  	_ =	shalt  }
0x7a: {  	_ =	shalt  }
0x7b: {  	_ =	shalt  }
0x7c: {  	_ =	shalt  }
0x7d: {  	_ =	shalt  }
0x7e: {  	_ =	shalt  }
0x7f: {  	_ =	shalt  }
0x80: {  	_ =	shalt  }
0x81: {  	_ =	shalt  }
0x82: {  	_ =	shalt  }
0x83: {  	_ =	shalt  }
0x84: {  	_ =	shalt  }
0x85: {  	_ =	shalt  }
0x86: {  	_ =	shalt  }
0x87: {  	_ =	shalt  }
.Lfunc_end0:
.L_simem_size_0:
called_computation.6_lowered:
.L_overlay_start_0:
0x88: {  	s2 =	sld [smem:$0x3FD9]  }
0x89: {  	s3 =	sld [smem:$0x3FFE];
	_ =	sdelay $0x1  }
0x8a: {  	s1 =	srdreg.scid  }
0x8b: {  	s0 =	sand.u32 $0x1, s1  }
0x8c: {  	s17 =	sshll.u32 s0, $0xA;
	s2 =	sadd.s32 s3, s2  }
0x8d: {  	s2 =	sadd.s32 s2, s17  }
0x8e: {  	[smem:$0x3FBD] =	sst s2  }
0x8f: {  	_ = 	snop  }
0x90: {  	s2 =	sld [smem:$0x3FD0];
	(tm) =	ssettm $0x1  }
0x91: {  	s18 =	sld [smem:$0x3FFB];
	_ =	sdelay $0x3  }
0x92: {  	_ =	strace s18  }
0x93: {  	s3 =	sld [smem:$0x3FFC];
	_ =	sdelay $0x3  }
0x94: {  	_ =	strace s3  }
0x95: {  	s3 =	sld [smem:$0x3FFD];
	_ =	sdelay $0x3  }
0x96: {  	_ =	strace s3  }
0x97: {  	_ =	strace $0x8FFFFFFF  }
0x98: {  	s19 =	sld [smem:$0x3FDB];
	_ =	sdelay $0x1  }
0x99: {  	s4 =	simm.s32 $_scs_section_size  }
0x9a: {  	s5 =	simm.s32 $_size__tile_overlayer_lowered;
	s6 =	simm.s32 $_tile_overlayer_lowered  }
0x9b: {  	s22 =	simm.s32 $0x1BFF;
	s21 =	sshll.u32 s6, $0x1;
	s3 =	sadd.s32 s4, s19  }
0x9c: {  	s7 =	simm.s32 $0x0;
	s20 =	sshll.u32 s5, $0x1;
	s5 =	sadd.s32 s21, s3  }
0x9d: {  	[timem:s7], [sflag:s22] =	dma.local [hbm:s5], s20  }
0x9e: {  	_ =	swait.ge [sflag:s22], s20  }
0x9f: {  	s4 =	ssub.s32 $0x0, s20;
	[sflag:s22] =	ssyncset.done $0x0  }
0xa0: {  	[sflag:s22] =	ssyncadd.s32 s4;
	_ =	sdelay $0x1  }
0xa1: {  	s23 =	simm.s32 $0x1B8B  }
0xa2: {  	_ =	swait.ge [sflag:s23], $0x1  }
0xa3: {  	[sflag:s23] =	ssyncset.done $0x0  }
0xa4: {  	s25 =	simm.s32 $0x1B8E;
	s24 =	sld [smem:$0x3FFE];
	[sflag:s23] =	ssyncadd.s32 $0xFFFFFFFF  }
0xa5: {  	s26 =	simm.s32 $execute0_lowered;
	[smem:$0x3FD2] =	sst s25  }
0xa6: {  	s5 =	sshll.u32 s26, $0x1;
	_ =	strace $0x80000058;
	[dreg:$0x1] =	wrdreg $0xFFFFFFFF  }
0xa7: {  	s28 =	simm.s32 $_size_execute0_lowered;
	s3 =	sadd.s32 s3, s5;
	[dreg:$0x0] =	wrdreg $0x0  }
0xa8: {  	s5 =	sshll.u32 s28, $0x1;
	[dreg:$0x2] =	wrdreg s3  }
0xa9: {  	[dreg:$0x3] =	wrdreg s5  }
0xaa: {  	[dreg:$0x4] =	wrdreg $0xC0  }
0xab: {  	_ =	task [dreg:s7], $0x5FFFF  }
0xac: {  	[dreg:$0x1] =	wrdreg $0xFFFFFFFF  }
0xad: {  	[dreg:$0x0] =	wrdreg $0x60  }
0xae: {  	[dreg:$0x2] =	wrdreg s24  }
0xaf: {  	[dreg:$0x3] =	wrdreg s2  }
0xb0: {  	[dreg:$0x4] =	wrdreg $0xB7800  }
0xb1: {  	[dreg:$0x5] =	wrdreg $0x9  }
0xb2: {  	_ =	task.clear_ibuf [dreg:s7], $0x6FFFF;
	_ =	strace $0x90000058  }
0xb3: {  	s29 =	simm.s32 $0x9;
	_ =	strace $0x8000005A  }
0xb4: {  	_ =	swait.ge [sflag:s29], $0x1  }
0xb5: {  	[sflag:s29] =	ssyncadd.s32 $0xFFFFFFFF  }
0xb6: {  	_ =	strace $0x9000005A  }
0xb7: {  	_ =	sfence  }
0xb8: {  	s30 =	sld [smem:$0x0];
	_ =	sdelay $0x2  }
0xb9: {  	s31 =	sshll.u32 s1, $0xD;
	s1 =	sshrl.u32 s1, $0x2  }
0xba: {  	s3 =	sand.u32 $0x4000, s31;
	s1 =	sadd.s32 s1, s30  }
0xbb: {  	s0 =	sor.u32 s3, s0;
	s1 =	sshll.u32 s1, $0x11  }
0xbc: {  	s0 =	sor.u32 s1, s0  }
0xbd: {  	s0 =	sadd.s32 $0x8F2B, s0  }
0xbe: {  	[sflag:s0] =	ssyncadd.remote.s32 $0x1  }
0xbf: {  	_ =	sfence.sel $0xFFFF  }
0xc0: {  	[dreg:$0x0] =	wrdreg $0xFFFFFFFF;
	(pc) =	sbr.abs _section_cstart, $3  }
0xc1: {  	[dreg:$0x1] =	wrdreg $0xFFFFFFFF  }
0xc2: {  	_ =	task.clear_ibuf [dreg:s7], $0x2FFFF;
	_ =	strace $0x9FFFFFFF  }
0xc3: {  	(tm) =	ssettm $0x7FFFFFFF  }
tec
execute0_lowered:
.L_overlay_start_1:
0x0: {  	(tag) =	ssettag $0x1  }
0x1: {  	s5 =	rddreg [dreg:$0x0]  }
0x2: {  	s0 =	srdreg.scid;
	s6 =	rddreg [dreg:$0x1]  }
0x3: {  	s1 =	rddreg [dreg:$0x2];
	s9 =	stileid.u32;
	s2 =	simm.s32 $0x0  }
0x4: {  	s13 =	simm.s32 $0x6780;
	s14 =	simm.s32 $0x8F80;
	s15 =	simm.s32 $0x1  }
0x5: {  	s16 =	simm.s32 $0x2;
	s17 =	simm.s32 $0x3;
	s18 =	simm.s32 $0x4  }
0x6: {  	s19 =	simm.s32 $0x6480;
	s20 =	simm.s32 $0x6500;
	s21 =	simm.s32 $0x26C0  }
0x7: {  	s22 =	simm.s32 $0x6580;
	s7 =	sand.u32 $0x1, s0;
	s0 =	rddreg [dreg:$0x3]  }
0x8: {  	s23 =	simm.s32 $0x0;
	[smem:$0x7FF] =	sst s2;
	p0 =	sne.s32 s9, $0x0  }
0x9: {  	s3 =	sshll.u32 s7, $0x4;
	_ =	strace $0x80000059;
	s10 =	smul.u32 $0x28000, s7  }
0xa: {  	s7 =	ssub.s32 $0x2, s7;
	s8 =	sor.u32 s9, s3;
	s3 =	sadd.s32 $0x38C00, s5  }
0xb: {  	s31 =	sshrl.u32 s7, $0x1;
	s9 =	sshrl.u32 @!p0 s1, $0x3;
	s4 =	smul.u32 $0x4E2, s8  }
0xc: {  	s10 =	sadd.s32 s10, s5;
	s8 =	sshll.u32 s8, $0xB;
	s12 =	ssub.s32 s7, s31  }
0xd: {  	s6 =	sadd.s32 s6, s8;
	s7 =	sadd.s32 $0x5FE00, s10;
	s8 =	smax.u32 s12, $0x1  }
0xe: {  	s10 =	simm.s32 $0x5;
	s12 =	simm.s32 $0x50;
	s11 =	sadd.s32 s4, s5  }
0xf: {  	s4 =	sadd.s32 $0x10C00, s5;
	s5 =	sadd.s32 $0x6E00, s11;
	s11 =	simm.s32 $0x2780  }
.LBB2_1:
0x10: {  	s24 =	simm.s32 @!p0 $0x1C05  }
0x11: {  	[spmem:s9], [sflag:s24] =	dma.local @!p0 [hbm:s4], $0x28000  }
0x12: {  	s24 =	simm.s32 @!p0 $0x5  }
0x13: {  	_ =	swait.ge @!p0 [sflag:s24], $0x28000  }
0x14: {  	[sflag:s24] =	ssyncset.done @!p0 $0x0  }
0x15: {  	[sflag:s24] =	ssyncadd.s32 @!p0 $0xFFFD8000  }
0x16: {  	[tilespmem:s2], [sflag:$0x5] =	stream.linear.gather [hbm4b:s5+s2], $0x2710, $0x38;
	[tilespmem:$0x1F780] =	vst v63  }
0x17: {  	_ =	swait.ge [sflag:s10], $0x2710  }
0x18: {  	[sflag:s10] =	ssyncset.done $0x0  }
0x19: {  	[sflag:s10] =	ssyncadd.s32 $0xFFFFD8F0  }
0x1a: {  	[tilespmem:s11], [sflag:$0x5] =	stream.linear.gather [hbm4b:s6+s2], $0x3E80, $0x38;
	[tilespmem:$0x1F780] =	vst v63  }
0x1b: {  	_ =	swait.ge [sflag:s10], $0x3E80  }
0x1c: {  	[sflag:s10] =	ssyncset.done $0x0  }
0x1d: {  	[sflag:s10] =	ssyncadd.s32 $0xFFFFC180  }
0x1e: {  	[bflag:$0x0] =	sbarrier.arrive $0xFFFF  }
0x1f: {  	[tilespmem:s13], [sflag:$0x1] =	stream.indirect.gather [hbm4b:s3+s12], $0x80, s2, s12, $0xb8;
	[tilespmem:$0x1F780] =	vst v63  }
0x20: {  	_ = 	snop  }
0x21: {  	[tilespmem:s14], [sflag:$0x2] =	stream.indirect.gather [hbm4b:s3+s12], $0x80, s12, s12, $0xb8;
	[tilespmem:$0x1F780] =	vst v63  }
0x22: {  	_ =	swait.ge [sflag:s15], $0x2800  }
0x23: {  	[sflag:s15] =	ssyncset.done $0x0  }
0x24: {  	s29 =	simm.s32 $0x2780;
	[sflag:s15] =	ssyncadd.s32 $0xFFFFD800  }
0x25: {  	[spmem:s1] =	stream.indirect.scatter.add.f32 [tilespmem:s13], [sflag:$0x3], $0x80, s29, s12, $0xb8;
	[tilespmem:$0x1F780] =	vst v63  }
0x26: {  	_ =	swait.ge [sflag:s16], $0x2800  }
0x27: {  	[sflag:s16] =	ssyncset.done $0x0  }
0x28: {  	s30 =	simm.s32 $0x2800;
	[sflag:s16] =	ssyncadd.s32 $0xFFFFD800  }
0x29: {  	[spmem:s1] =	stream.indirect.scatter.add.f32 [tilespmem:s14], [sflag:$0x4], $0x80, s30, s12, $0xb8;
	[tilespmem:$0x1F780] =	vst v63  }
0x2a: {  	_ =	swait.ge [sflag:s17], $0x2800  }
0x2b: {  	[sflag:s17] =	ssyncset.done $0x0  }
0x2c: {  	s31 =	simm.s32 $0xA0;
	[sflag:s17] =	ssyncadd.s32 $0xFFFFD800  }
0x2d: {  	[tilespmem:s13], [sflag:$0x1] =	stream.indirect.gather [hbm4b:s3+s12], $0x80, s31, s12, $0xb8;
	[tilespmem:$0x1F780] =	vst v63  }
0x2e: {  	_ =	swait.ge [sflag:s18], $0x2800  }
0x2f: {  	s25 =	simm.s32 $0x400;
	[sflag:s18] =	ssyncset.done $0x0  }
0x30: {  	s26 =	simm.s32 $0x190;
	s24 =	simm.s32 $0xF0;
	[sflag:s18] =	ssyncadd.s32 $0xFFFFD800  }
.LBB2_2:
0x31: {  	[tilespmem:s14], [sflag:$0x2] =	stream.indirect.gather [hbm4b:s3+s12], $0x80, s24, s12, $0xb8;
	[tilespmem:$0x1F780] =	vst v63  }
0x32: {  	s28 =	smov.u32 s25;
	s24 =	smov.u32 s26  }
0x33: {  	p1 =	sne.s32 s25, $0xF000;
	s25 =	sadd.s32 $0x400, s25;
	_ =	swait.ge [sflag:s15], $0x2800  }
0x34: {  	s28 =	sshra.s32 s28, $0x2;
	[sflag:s15] =	ssyncset.done $0x0  }
0x35: {  	s29 =	sadd.s32 $0x2780, s28;
	[sflag:s15] =	ssyncadd.s32 $0xFFFFD800  }
0x36: {  	[spmem:s1] =	stream.indirect.scatter.add.f32 [tilespmem:s13], [sflag:$0x3], $0x80, s29, s12, $0xb8;
	[tilespmem:$0x1F780] =	vst v63  }
0x37: {  	_ =	swait.ge [sflag:s16], $0x2800  }
0x38: {  	[sflag:s16] =	ssyncset.done $0x0  }
0x39: {  	s28 =	sadd.s32 $0x2800, s28;
	[sflag:s16] =	ssyncadd.s32 $0xFFFFD800  }
0x3a: {  	[spmem:s1] =	stream.indirect.scatter.add.f32 [tilespmem:s14], [sflag:$0x4], $0x80, s28, s12, $0xb8;
	[tilespmem:$0x1F780] =	vst v63  }
0x3b: {  	_ =	swait.ge [sflag:s17], $0x2800  }
0x3c: {  	[sflag:s17] =	ssyncset.done $0x0  }
.Ltmp0:
0x3d: {  	s28 =	sadd.s32 $0xFFFFFFB0, s26;
	[sflag:s17] =	ssyncadd.s32 $0xFFFFD800;
	(pc) =	sbr.rel @p1 .LBB2_2-.Ltmp0, $4  }
0x3e: {  	[tilespmem:s13], [sflag:$0x1] =	stream.indirect.gather [hbm4b:s3+s12], $0x80, s28, s12, $0xb8;
	[tilespmem:$0x1F780] =	vst v63  }
0x3f: {  	_ =	swait.ge [sflag:s18], $0x2800  }
0x40: {  	[sflag:s18] =	ssyncset.done $0x0  }
0x41: {  	s26 =	sadd.s32 $0xA0, s26;
	[sflag:s18] =	ssyncadd.s32 $0xFFFFD800  }
0x42: {  	[tilespmem:s14], [sflag:$0x2] =	stream.indirect.gather [hbm4b:s3+s12], $0x80, s24, s12, $0xb8;
	[tilespmem:$0x1F780] =	vst v63  }
0x43: {  	_ =	swait.ge [sflag:s15], $0x2800  }
0x44: {  	[sflag:s15] =	ssyncset.done $0x0  }
0x45: {  	[sflag:s15] =	ssyncadd.s32 $0xFFFFD800  }
0x46: {  	[spmem:s1] =	stream.indirect.scatter.add.f32 [tilespmem:s13], [sflag:$0x5], $0x80, s19, s12, $0xb8;
	[tilespmem:$0x1F780] =	vst v63  }
0x47: {  	_ =	swait.ge [sflag:s10], $0x2800  }
0x48: {  	[sflag:s10] =	ssyncset.done $0x0  }
0x49: {  	[sflag:s10] =	ssyncadd.s32 $0xFFFFD800  }
0x4a: {  	_ =	swait.ge [sflag:s16], $0x2800  }
0x4b: {  	[sflag:s16] =	ssyncset.done $0x0  }
0x4c: {  	[sflag:s16] =	ssyncadd.s32 $0xFFFFD800  }
0x4d: {  	[spmem:s1] =	stream.indirect.scatter.add.f32 [tilespmem:s14], [sflag:$0x5], $0x80, s20, s12, $0xb8;
	[tilespmem:$0x1F780] =	vst v63  }
0x4e: {  	_ =	swait.ge [sflag:s10], $0x2800  }
0x4f: {  	[sflag:s10] =	ssyncset.done $0x0  }
0x50: {  	[sflag:s10] =	ssyncadd.s32 $0xFFFFD800  }
0x51: {  	[tilespmem:s13], [sflag:$0x1] =	stream.indirect.gather [hbm4b:s3+s12], $0x80, s21, s12, $0xb8;
	[tilespmem:$0x1F780] =	vst v63  }
0x52: {  	_ =	swait.ge [sflag:s15], $0x2800  }
0x53: {  	[sflag:s15] =	ssyncset.done $0x0  }
0x54: {  	[sflag:s15] =	ssyncadd.s32 $0xFFFFD800  }
0x55: {  	[spmem:s1] =	stream.indirect.scatter.add.f32 [tilespmem:s13], [sflag:$0x5], $0x80, s22, s12, $0xb8;
	[tilespmem:$0x1F780] =	vst v63  }
0x56: {  	_ =	swait.ge [sflag:s10], $0x2800  }
0x57: {  	[sflag:s10] =	ssyncset.done $0x0  }
0x58: {  	s23 =	sadd.s32 $0x1, s23;
	[sflag:s10] =	ssyncadd.s32 $0xFFFFD800  }
0x59: {  	s24 =	simm.s32 @!p0 $0x1C05;
	p1 =	sne.s32 s23, s8;
	[bflag:$0x0] =	sbarrier.arrive $0xFFFF  }
0x5a: {  	[hbm:s7], [sflag:s24] =	dma.local @!p0 [spmem:s9], $0x28000  }
.Ltmp1:
0x5b: {  	_ = 	snop;
	(pc) =	sbr.rel @p1 .LBB2_1-.Ltmp1, $4  }
0x5c: {  	s24 =	simm.s32 @!p0 $0x5  }
0x5d: {  	_ =	swait.ge @!p0 [sflag:s24], $0x28000  }
0x5e: {  	[sflag:s24] =	ssyncset.done @!p0 $0x0  }
0x5f: {  	[sflag:s24] =	ssyncadd.s32 @!p0 $0xFFFD8000  }
0x60: {  	_ =	sfence.sel $0x180000  }
0x61: {  	[bflag:$0x0] =	sbarrier.arrive $0xFFFF  }
0x62: {  	_ =	strace $0x90000059  }
0x63: {  	s0 =	sadd.s32 @!p0 $0x100000, s0;
	[bflag:$0x2] =	sbarrier.arrive $0xFFFF  }
0x64: {  	[sflag:s0] =	ssyncadd.tile.s32 @!p0 $0x1;
	_ =	shalt  }
.Lfunc_end2:
_tile_overlayer_lowered:
.L_overlay_start_2:
0x65: {  	(tag) =	ssettag $0x2  }
0x66: {  	s0 =	rddreg [dreg:$0x0];
	s2 =	stileid.u32  }
0x67: {  	s1 =	rddreg [dreg:$0x1];
	p0 =	sne.s32 s2, $0x0  }
0x68: {  	s3 =	rddreg [dreg:$0x2];
	[bflag:$0x3] =	sbarrier.arrive $0xFFFF;
	s2 =	simm.s32 @!p0 $0x1C05  }
0x69: {  	[timem:s3], [sflag:s2] =	dma.local @!p0 [hbm:s0], s1  }
0x6a: {  	s0 =	simm.s32 @!p0 $0x5  }
0x6b: {  	_ =	swait.ge @!p0 [sflag:s0], s1  }
0x6c: {  	s1 =	ssub.s32 @!p0 $0x0, s1;
	[sflag:s0] =	ssyncset.done @!p0 $0x0  }
0x6d: {  	[sflag:s0] =	ssyncadd.s32 @!p0 s1  }
0x6e: {  	[bflag:$0x3] =	sbarrier.arrive $0xFFFF  }
0x6f: {  	_ =	shalt  }

// kernel: kernel.38.cloned.1.call-start
scs
__scs_entry_jumppad:
0x0: {  	(pc) =	sbr.rel $0x88, $3  }
0x1: {  	(tag) =	ssettag $0x0;
	lr =	simm.s32 $0x1  }
0x2: {  	[smem:$0x3F96] =	sst lr;
	_ =	strace $0xD0000000  }
0x3: {  	_ = 	snop  }
0x4: {  	_ = 	snop  }
0x5: {  	_ = 	snop  }
0x6: {  	_ = 	snop  }
0x7: {  	_ = 	snop  }
__scs_overlays_trampoline_lowered:
0x8: {  	[smem:$0x3FA5] =	sst s0  }
0x9: {  	[smem:$0x3FA6] =	sst s1  }
0xa: {  	[smem:$0x3FA7] =	sst s2  }
0xb: {  	[smem:$0x3FA8] =	sst s3  }
0xc: {  	[smem:$0x3FA9] =	sst s4  }
0xd: {  	[smem:$0x3FAA] =	sst s5  }
0xe: {  	[smem:$0x3FAB] =	sst s6  }
0xf: {  	[smem:$0x3FAC] =	sst s7  }
0x10: {  	[smem:$0x3FAD] =	sst s8  }
0x11: {  	[smem:$0x3FAE] =	sst s9;
	s0 =	simm.s32 @!p0 $0x0  }
0x12: {  	s1 =	sld [smem:$0x3F94];
	s0 =	simm.s32 @p0 $0x1  }
0x13: {  	[smem:$0x3FAF] =	sst s0;
	s0 =	simm.s32 @!p1 $0x0  }
0x14: {  	s2 =	sld [smem:$0x3F93];
	s0 =	simm.s32 @p1 $0x1  }
0x15: {  	[smem:$0x3FB0] =	sst s0;
	s0 =	simm.s32 @!p2 $0x0  }
0x16: {  	s3 =	sld [smem:$0x3FDB];
	s0 =	simm.s32 @p2 $0x1  }
0x17: {  	s4 =	simm.s32 $0x1BF5;
	[smem:$0x3FB2] =	sst s0  }
0x18: {  	s0 =	sld [smem:$0x3F95];
	_ =	swait.ge [sflag:s4], $0x0  }
0x19: {  	s7 =	sld [smem:$0x3F96]  }
0x1a: {  	s8 =	sadd.s32 $0xFFFFE003, lr  }
0x1b: {  	s9 =	sadd.s32 $0xFFFFFEF7, lr;
	s5 =	simm.s32 $0xFFFFFFFF;
	p2 =	slt.u32 s8, $0xFFFFF086  }
0x1c: {  	p1 =	slt.u32 s9, $0xF7A;
	s5 =	simm.s32 @!p2 $0x0  }
0x1d: {  	s5 =	simm.s32 @p1 $0x1;
	p0 =	seq.s32 s7, s2  }
0x1e: {  	s7 =	smul.u32 @!p0 $0xF7A, s2;
	p2 =	seq.s32 @!p0 s5, $0x0  }
0x1f: {  	s9 =	smul.u32 $0xF7A, s1;
	s8 =	simm.s32 @!p0 $0x1BF5;
	p2 =	por !p2, p0  }
0x20: {  	[sflag:s8] =	ssyncset.s32 @!p0 $0xFFFFF086;
	s6 =	sadd.s32 @!p0 s3, s7;
	s7 =	simm.s32 @!p0 $0x108  }
0x21: {  	s3 =	sadd.s32 s3, s9;
	s6 =	sadd.s32 @!p0 $0x88, s6;
	s7 =	simm.s32 @p2 $0x1082  }
0x22: {  	[simem:s7], [sflag:s8] =	dma.local @!p0 [hbm:s6], $0xF7A  }
0x23: {  	s9 =	sor.u32 $0xD0000000, s2;
	s6 =	simm.s32 $0x108;
	_ =	swait.ge @!p0 [sflag:s8], $0x0  }
0x24: {  	s3 =	sadd.s32 $0x88, s3;
	s6 =	simm.s32 @!p1 $0x1082;
	[sflag:s4] =	ssyncset.s32 $0xFFFFF086  }
0x25: {  	[simem:s6], [sflag:s4] =	dma.local [hbm:s3], $0xF7A  }
0x26: {  	[smem:$0x3F96] =	sst s1;
	(tag) =	ssettag s2;
	_ =	strace s9  }
0x27: {  	s1 =	sld [smem:$0x3FA6]  }
0x28: {  	s2 =	sld [smem:$0x3FA7]  }
0x29: {  	s4 =	sld [smem:$0x3FA9]  }
0x2a: {  	p0 =	seq.s32 s5, $0x0;
	s5 =	sld [smem:$0x3FAA]  }
0x2b: {  	s6 =	sld [smem:$0x3FAB]  }
0x2c: {  	s7 =	sld [smem:$0x3FAC]  }
0x2d: {  	s3 =	simm.s32 $0x108;
	s8 =	sld [smem:$0x3FAD]  }
0x2e: {  	s3 =	simm.s32 @!p0 $0x1082;
	s9 =	sld [smem:$0x3FAE]  }
0x2f: {  	lr =	sadd.s32 s0, s3;
	s0 =	sld [smem:$0x3FA5]  }
0x30: {  	s3 =	sld [smem:$0x3FA8]  }
0x31: {  	[smem:$0x3FB1] =	sst s10  }
0x32: {  	s10 =	sld [smem:$0x3FAF];
	_ =	sdelay $0x3  }
0x33: {  	p0 =	seq.s32 s10, $0x1;
	s10 =	sld [smem:$0x3FB1];
	_ =	sdelay $0x3  }
0x34: {  	[smem:$0x3FB1] =	sst s10  }
0x35: {  	s10 =	sld [smem:$0x3FB0];
	_ =	sdelay $0x3  }
0x36: {  	p1 =	seq.s32 s10, $0x1;
	s10 =	sld [smem:$0x3FB1];
	_ =	sdelay $0x3  }
0x37: {  	[smem:$0x3FB1] =	sst s10  }
0x38: {  	s10 =	sld [smem:$0x3FB2]  }
0x39: {  	_ = 	snop;
	(pc) =	sbr.ind lr, $3  }
0x3a: {  	_ = 	snop  }
0x3b: {  	_ = 	snop  }
0x3c: {  	p2 =	seq.s32 s10, $0x1;
	s10 =	sld [smem:$0x3FB1]  }
0x3d: {  	_ =	shalt  }
0x3e: {  	_ =	shalt  }
0x3f: {  	_ =	shalt  }
0x40: {  	_ =	shalt  }
0x41: {  	_ =	shalt  }
0x42: {  	_ =	shalt  }
0x43: {  	_ =	shalt  }
0x44: {  	_ =	shalt  }
0x45: {  	_ =	shalt  }
0x46: {  	_ =	shalt  }
0x47: {  	_ =	shalt  }
0x48: {  	_ =	shalt  }
0x49: {  	_ =	shalt  }
0x4a: {  	_ =	shalt  }
0x4b: {  	_ =	shalt  }
0x4c: {  	_ =	shalt  }
0x4d: {  	_ =	shalt  }
0x4e: {  	_ =	shalt  }
0x4f: {  	_ =	shalt  }
0x50: {  	_ =	shalt  }
0x51: {  	_ =	shalt  }
0x52: {  	_ =	shalt  }
0x53: {  	_ =	shalt  }
0x54: {  	_ =	shalt  }
0x55: {  	_ =	shalt  }
0x56: {  	_ =	shalt  }
0x57: {  	_ =	shalt  }
0x58: {  	_ =	shalt  }
0x59: {  	_ =	shalt  }
0x5a: {  	_ =	shalt  }
0x5b: {  	_ =	shalt  }
0x5c: {  	_ =	shalt  }
0x5d: {  	_ =	shalt  }
0x5e: {  	_ =	shalt  }
0x5f: {  	_ =	shalt  }
0x60: {  	_ =	shalt  }
0x61: {  	_ =	shalt  }
0x62: {  	_ =	shalt  }
0x63: {  	_ =	shalt  }
0x64: {  	_ =	shalt  }
0x65: {  	_ =	shalt  }
0x66: {  	_ =	shalt  }
0x67: {  	_ =	shalt  }
0x68: {  	_ =	shalt  }
0x69: {  	_ =	shalt  }
0x6a: {  	_ =	shalt  }
0x6b: {  	_ =	shalt  }
0x6c: {  	_ =	shalt  }
0x6d: {  	_ =	shalt  }
0x6e: {  	_ =	shalt  }
0x6f: {  	_ =	shalt  }
0x70: {  	_ =	shalt  }
0x71: {  	_ =	shalt  }
0x72: {  	_ =	shalt  }
0x73: {  	_ =	shalt  }
0x74: {  	_ =	shalt  }
0x75: {  	_ =	shalt  }
0x76: {  	_ =	shalt  }
0x77: {  	_ =	shalt  }
0x78: {  	_ =	shalt  }
0x79: {  	_ =	shalt  }
0x7a: {  	_ =	shalt  }
0x7b: {  	_ =	shalt  }
0x7c: {  	_ =	shalt  }
0x7d: {  	_ =	shalt  }
0x7e: {  	_ =	shalt  }
0x7f: {  	_ =	shalt  }
0x80: {  	_ =	shalt  }
0x81: {  	_ =	shalt  }
0x82: {  	_ =	shalt  }
0x83: {  	_ =	shalt  }
0x84: {  	_ =	shalt  }
0x85: {  	_ =	shalt  }
0x86: {  	_ =	shalt  }
0x87: {  	_ =	shalt  }
.Lfunc_end0:
.L_simem_size_0:
called_computation.7_lowered:
.L_overlay_start_0:
0x88: {  	s2 =	sld [smem:$0x3FD9]  }
0x89: {  	s3 =	sld [smem:$0x3FFE];
	_ =	sdelay $0x1  }
0x8a: {  	s1 =	srdreg.scid  }
0x8b: {  	s0 =	sand.u32 $0x1, s1  }
0x8c: {  	s16 =	sshll.u32 s0, $0xA;
	s2 =	sadd.s32 s3, s2  }
0x8d: {  	s2 =	sadd.s32 s2, s16  }
0x8e: {  	[smem:$0x3FBD] =	sst s2  }
0x8f: {  	_ = 	snop  }
0x90: {  	(tm) =	ssettm $0x1  }
0x91: {  	s17 =	sld [smem:$0x3FFB];
	_ =	sdelay $0x3  }
0x92: {  	_ =	strace s17  }
0x93: {  	s2 =	sld [smem:$0x3FFC];
	_ =	sdelay $0x3  }
0x94: {  	_ =	strace s2  }
0x95: {  	s2 =	sld [smem:$0x3FFD];
	_ =	sdelay $0x3  }
0x96: {  	_ =	strace s2  }
0x97: {  	_ =	strace $0x8FFFFFFF  }
0x98: {  	s18 =	sld [smem:$0x3FDB];
	_ =	sdelay $0x1  }
0x99: {  	s19 =	simm.s32 $_scs_section_size  }
0x9a: {  	s4 =	simm.s32 $_size__tile_overlayer_lowered;
	s5 =	simm.s32 $_tile_overlayer_lowered  }
0x9b: {  	s22 =	simm.s32 $0x1BFF;
	s21 =	sshll.u32 s5, $0x1;
	s2 =	sadd.s32 s19, s18  }
0x9c: {  	s6 =	simm.s32 $0x0;
	s20 =	sshll.u32 s4, $0x1;
	s4 =	sadd.s32 s21, s2  }
0x9d: {  	[timem:s6], [sflag:s22] =	dma.local [hbm:s4], s20  }
0x9e: {  	_ =	swait.ge [sflag:s22], s20  }
0x9f: {  	s3 =	ssub.s32 $0x0, s20;
	[sflag:s22] =	ssyncset.done $0x0  }
0xa0: {  	[sflag:s22] =	ssyncadd.s32 s3;
	_ =	sdelay $0x1  }
0xa1: {  	s23 =	simm.s32 $0x1B8B  }
0xa2: {  	_ =	swait.ge [sflag:s23], $0x1  }
0xa3: {  	[sflag:s23] =	ssyncset.done $0x0  }
0xa4: {  	s25 =	simm.s32 $0x1B8E;
	s24 =	sld [smem:$0x3FFE];
	[sflag:s23] =	ssyncadd.s32 $0xFFFFFFFF  }
0xa5: {  	s26 =	simm.s32 $execute0_lowered;
	[smem:$0x3FD2] =	sst s25  }
0xa6: {  	s4 =	sshll.u32 s26, $0x1;
	_ =	strace $0x8000005B;
	[dreg:$0x1] =	wrdreg $0xFFFFFFFF  }
0xa7: {  	s28 =	simm.s32 $_size_execute0_lowered;
	s2 =	sadd.s32 s2, s4;
	[dreg:$0x0] =	wrdreg $0x0  }
0xa8: {  	s4 =	sshll.u32 s28, $0x1;
	[dreg:$0x2] =	wrdreg s2  }
0xa9: {  	[dreg:$0x3] =	wrdreg s4  }
0xaa: {  	[dreg:$0x4] =	wrdreg $0xC0  }
0xab: {  	_ =	task [dreg:s6], $0x5FFFF  }
0xac: {  	[dreg:$0x1] =	wrdreg $0xFFFFFFFF  }
0xad: {  	[dreg:$0x0] =	wrdreg $0x60  }
0xae: {  	[dreg:$0x2] =	wrdreg s24  }
0xaf: {  	[dreg:$0x3] =	wrdreg $0x9  }
0xb0: {  	_ =	task.clear_ibuf [dreg:s6], $0x4FFFF;
	_ =	strace $0x9000005B  }
0xb1: {  	s29 =	simm.s32 $0x9;
	_ =	strace $0x8000005D  }
0xb2: {  	_ =	swait.ge [sflag:s29], $0x1  }
0xb3: {  	[sflag:s29] =	ssyncadd.s32 $0xFFFFFFFF  }
0xb4: {  	_ =	strace $0x9000005D  }
0xb5: {  	_ =	sfence  }
0xb6: {  	s30 =	sld [smem:$0x0];
	_ =	sdelay $0x2  }
0xb7: {  	s31 =	sshll.u32 s1, $0xD;
	s1 =	sshrl.u32 s1, $0x2  }
0xb8: {  	s3 =	sand.u32 $0x4000, s31;
	s1 =	sadd.s32 s1, s30  }
0xb9: {  	s0 =	sor.u32 s3, s0;
	s1 =	sshll.u32 s1, $0x11  }
0xba: {  	s0 =	sor.u32 s1, s0  }
0xbb: {  	s0 =	sadd.s32 $0x8F2B, s0  }
0xbc: {  	[sflag:s0] =	ssyncadd.remote.s32 $0x1  }
0xbd: {  	_ =	sfence.sel $0xFFFF  }
0xbe: {  	[dreg:$0x0] =	wrdreg $0xFFFFFFFF;
	(pc) =	sbr.abs _section_cstart, $3  }
0xbf: {  	[dreg:$0x1] =	wrdreg $0xFFFFFFFF  }
0xc0: {  	_ =	task.clear_ibuf [dreg:s6], $0x2FFFF;
	_ =	strace $0x9FFFFFFF  }
0xc1: {  	(tm) =	ssettm $0x7FFFFFFF  }
tec
execute0_lowered:
.L_overlay_start_1:
0x0: {  	(tag) =	ssettag $0x1  }
0x1: {  	s0 =	rddreg [dreg:$0x0]  }
0x2: {  	s1 =	srdreg.scid;
	s2 =	simm.s32 $0x0;
	s5 =	stileid.u32  }
0x3: {  	s14 =	simm.s32 $0x5;
	s16 =	simm.s32 $0x50;
	s17 =	simm.s32 $0x8000  }
0x4: {  	s18 =	simm.s32 $0xA800;
	s20 =	simm.s32 $0xD000;
	s22 =	simm.s32 $0xF800  }
0x5: {  	s23 =	simm.s32 $0x1;
	s24 =	simm.s32 $0x2;
	s28 =	simm.s32 $0x4  }
0x6: {  	s29 =	simm.s32 $0x14800;
	s1 =	sand.u32 $0x1, s1;
	[smem:$0x7FF] =	sst s2  }
0x7: {  	s3 =	sadd.s32 $0x2EE00, s0;
	s4 =	sshll.u32 s1, $0x4;
	_ =	strace $0x8000005C  }
0x8: {  	s25 =	ssub.s32 $0x2, s1;
	s6 =	sor.u32 s5, s4;
	s4 =	sadd.s32 $0x6E00, s0  }
0x9: {  	s1 =	sshrl.u32 s25, $0x1;
	s5 =	sshll.u32 s6, $0xB;
	s7 =	smul.u32 $0x138800, s6  }
0xa: {  	s6 =	smul.u32 $0x2710, s6;
	s8 =	sadd.s32 s5, s0;
	s5 =	sadd.s32 $0xCFE00, s0  }
0xb: {  	s0 =	ssub.s32 s25, s1;
	s25 =	simm.s32 $0x12000;
	s7 =	sshrl.u32 s7, $0x3  }
0xc: {  	s26 =	sadd.s32 $0xBFE00, s8;
	s31 =	sadd.s32 $0xAFE00, s8;
	s9 =	sadd.s32 $0x50, s6  }
0xd: {  	s13 =	smax.u32 s0, $0x1;
	s0 =	simm.s32 $0x0;
	[dreg:$0x2] =	wrdreg s26  }
0xe: {  	s30 =	sadd.s32 s5, s7;
	[dreg:$0x3] =	wrdreg s31;
	s26 =	simm.s32 $0x3  }
0xf: {  	s10 =	sadd.s32 $0x26200, s30;
	s11 =	sadd.s32 $0x26700, s30;
	s12 =	sadd.s32 $0x26C00, s30  }
.LBB2_1:
0x10: {  	s1 =	rddreg [dreg:$0x2]  }
0x11: {  	[tilespmem:s2], [sflag:$0x5] =	stream.linear.gather [hbm4b:s1+s2], $0x3E80, $0x38;
	[tilespmem:$0x17000] =	vst v63  }
0x12: {  	_ =	swait.ge [sflag:s14], $0x3E80  }
0x13: {  	[sflag:s14] =	ssyncset.done $0x0  }
0x14: {  	s7 =	simm.s32 $0x4000;
	s21 =	rddreg [dreg:$0x3];
	[sflag:s14] =	ssyncadd.s32 $0xFFFFC180  }
0x15: {  	[tilespmem:s7], [sflag:$0x5] =	stream.linear.gather [hbm4b:s21+s2], $0x3E80, $0x38;
	[tilespmem:$0x17000] =	vst v63  }
0x16: {  	_ =	swait.ge [sflag:s14], $0x3E80  }
0x17: {  	[sflag:s14] =	ssyncset.done $0x0  }
0x18: {  	[sflag:s14] =	ssyncadd.s32 $0xFFFFC180  }
0x19: {  	[tilespmem:s17], [sflag:$0x1] =	stream.indirect.gather [hbm4b:s3+s16], $0x80, s2, s16, $0xb8;
	[tilespmem:$0x17000] =	vst v63  }
0x1a: {  	_ = 	snop  }
0x1b: {  	[tilespmem:s18], [sflag:$0x2] =	stream.indirect.gather [hbm4b:s4+s16], $0x80, s7, s16, $0xb8;
	[tilespmem:$0x17000] =	vst v63  }
0x1c: {  	s30 =	simm.s32 $0x80  }
0x1d: {  	[tilespmem:s20], [sflag:$0x3] =	stream.indirect.gather [hbm4b:s3+s16], $0x80, s30, s16, $0xb8;
	[tilespmem:$0x17000] =	vst v63  }
0x1e: {  	s31 =	simm.s32 $0x4080;
	s1 =	simm.s32 $0x0  }
0x1f: {  	[tilespmem:s22], [sflag:$0x4] =	stream.indirect.gather [hbm4b:s4+s16], $0x80, s31, s16, $0xb8;
	[tilespmem:$0x17000] =	vst v63  }
.LBB2_2:
0x20: {  	_ =	swait.ge [sflag:s23], $0x2800  }
0x21: {  	[sflag:s23] =	ssyncset.done $0x0  }
0x22: {  	[sflag:s23] =	ssyncadd.s32 $0xFFFFD800  }
0x23: {  	_ =	swait.ge [sflag:s24], $0x2800  }
0x24: {  	[sflag:s24] =	ssyncset.done $0x0  }
0x25: {  	s7 =	simm.s32 $0x8200;
	[sflag:s24] =	ssyncadd.s32 $0xFFFFD800  }
0x26: {  	s19 =	simm.s32 $0xAA00;
	v0 =	vld [tilespmem:s7+$0xFFFFFE00]  }
0x27: {  	v1 =	vld [tilespmem:s19+$0xFFFFFE00];
	_ =	sdelay $0x4  }
0x28: {  	v0 =	vadd.f32 v1, v0  }
0x29: {  	s21 =	simm.s32 $0x12200  }
0x2a: {  	[tilespmem:s21+$0xFFFFFE00] =	vst v0  }
0x2b: {  	v0 =	vld [tilespmem:s19+$0xFFFFFE80]  }
0x2c: {  	v1 =	vld [tilespmem:s7+$0xFFFFFE80];
	_ =	sdelay $0x4  }
0x2d: {  	v0 =	vadd.f32 v0, v1;
	_ =	sdelay $0x1  }
0x2e: {  	[tilespmem:s21+$0xFFFFFE80] =	vst v0  }
0x2f: {  	v0 =	vld [tilespmem:s7+$0xFFFFFF00]  }
0x30: {  	v1 =	vld [tilespmem:s19+$0xFFFFFF00];
	_ =	sdelay $0x4  }
0x31: {  	v0 =	vadd.f32 v1, v0;
	_ =	sdelay $0x1  }
0x32: {  	[tilespmem:s21+$0xFFFFFF00] =	vst v0  }
0x33: {  	v0 =	vld [tilespmem:s7+$0xFFFFFF80]  }
0x34: {  	v1 =	vld [tilespmem:s19+$0xFFFFFF80];
	_ =	sdelay $0x4  }
0x35: {  	v0 =	vadd.f32 v1, v0;
	_ =	sdelay $0x1  }
0x36: {  	[tilespmem:s21+$0xFFFFFF80] =	vst v0  }
0x37: {  	v0 =	vld [tilespmem:s7+$0x0]  }
0x38: {  	v1 =	vld [tilespmem:s19+$0x0];
	_ =	sdelay $0x4  }
0x39: {  	v0 =	vadd.f32 v1, v0;
	_ =	sdelay $0x1  }
0x3a: {  	[tilespmem:s21+$0x0] =	vst v0  }
0x3b: {  	v0 =	vld [tilespmem:s7+$0x80]  }
0x3c: {  	v1 =	vld [tilespmem:s19+$0x80];
	_ =	sdelay $0x4  }
0x3d: {  	v0 =	vadd.f32 v1, v0;
	_ =	sdelay $0x1  }
0x3e: {  	[tilespmem:s21+$0x80] =	vst v0  }
0x3f: {  	v0 =	vld [tilespmem:s7+$0x100]  }
0x40: {  	v1 =	vld [tilespmem:s19+$0x100];
	_ =	sdelay $0x4  }
0x41: {  	v0 =	vadd.f32 v1, v0;
	_ =	sdelay $0x1  }
0x42: {  	[tilespmem:s21+$0x100] =	vst v0  }
0x43: {  	s15 =	simm.s32 $0x0;
	s30 =	simm.s32 $0x12200;
	v0 =	vld [tilespmem:s7+$0x180];
	s7 =	simm.s32 $0x8600  }
.LBB2_3:
0x44: {  	s15 =	sadd.s32 $0x8, s15;
	v1 =	vld [tilespmem:s19+$0x180];
	s21 =	sadd.s32 $0x400, s21;
	s19 =	sadd.s32 $0x400, s19  }
0x45: {  	p0 =	slt.u32 s15, $0x48;
	_ =	sdelay $0x3  }
0x46: {  	v0 =	vadd.f32 v1, v0;
	_ =	sdelay $0x1  }
0x47: {  	[tilespmem:s30+$0x180] =	vst v0;
	s30 =	smov.u32 s21  }
0x48: {  	v0 =	vld [tilespmem:s7+$0xFFFFFE00]  }
0x49: {  	v1 =	vld [tilespmem:s19+$0xFFFFFE00];
	_ =	sdelay $0x4  }
0x4a: {  	v0 =	vadd.f32 v1, v0;
	_ =	sdelay $0x1  }
0x4b: {  	[tilespmem:s21+$0xFFFFFE00] =	vst v0  }
0x4c: {  	v0 =	vld [tilespmem:s19+$0xFFFFFE80]  }
0x4d: {  	v1 =	vld [tilespmem:s7+$0xFFFFFE80];
	_ =	sdelay $0x4  }
0x4e: {  	v0 =	vadd.f32 v0, v1;
	_ =	sdelay $0x1  }
0x4f: {  	[tilespmem:s21+$0xFFFFFE80] =	vst v0  }
0x50: {  	v0 =	vld [tilespmem:s7+$0xFFFFFF00]  }
0x51: {  	v1 =	vld [tilespmem:s19+$0xFFFFFF00];
	_ =	sdelay $0x4  }
0x52: {  	v0 =	vadd.f32 v1, v0;
	_ =	sdelay $0x1  }
0x53: {  	[tilespmem:s21+$0xFFFFFF00] =	vst v0  }
0x54: {  	v0 =	vld [tilespmem:s7+$0xFFFFFF80]  }
0x55: {  	v1 =	vld [tilespmem:s19+$0xFFFFFF80];
	_ =	sdelay $0x4  }
0x56: {  	v0 =	vadd.f32 v1, v0;
	_ =	sdelay $0x1  }
0x57: {  	[tilespmem:s21+$0xFFFFFF80] =	vst v0  }
0x58: {  	v0 =	vld [tilespmem:s7+$0x0]  }
0x59: {  	v1 =	vld [tilespmem:s19+$0x0];
	_ =	sdelay $0x4  }
0x5a: {  	v0 =	vadd.f32 v1, v0;
	_ =	sdelay $0x1  }
0x5b: {  	[tilespmem:s21+$0x0] =	vst v0  }
0x5c: {  	v0 =	vld [tilespmem:s7+$0x80]  }
0x5d: {  	v1 =	vld [tilespmem:s19+$0x80];
	_ =	sdelay $0x4  }
0x5e: {  	v0 =	vadd.f32 v1, v0;
	_ =	sdelay $0x1  }
0x5f: {  	[tilespmem:s21+$0x80] =	vst v0  }
0x60: {  	v0 =	vld [tilespmem:s7+$0x100]  }
0x61: {  	v1 =	vld [tilespmem:s19+$0x100];
	_ =	sdelay $0x3  }
.Ltmp0:
0x62: {  	(pc) =	sbr.rel @p0 .LBB2_3-.Ltmp0, $3  }
0x63: {  	v0 =	vadd.f32 v1, v0;
	_ =	sdelay $0x1  }
0x64: {  	[tilespmem:s21+$0x100] =	vst v0  }
0x65: {  	v0 =	vld [tilespmem:s7+$0x180];
	s7 =	sadd.s32 $0x400, s7  }
0x66: {  	v1 =	vld [tilespmem:s19+$0x180];
	_ =	sdelay $0x2  }
0x67: {  	s21 =	smul.u32 $0xA0, s1;
	_ =	sdelay $0x1  }
0x68: {  	s7 =	sadd.s32 s6, s21;
	v0 =	vadd.f32 v1, v0  }
0x69: {  	s7 =	sshll.u32 s7, $0x4  }
0x6a: {  	s7 =	sadd.s32 s5, s7;
	[tilespmem:s30+$0x180] =	vst v0  }
0x6b: {  	[hbm4b:s7+s2] =	stream.linear.scatter [tilespmem:s25], [sflag:$0x5], $0x2800, $0x38;
	[tilespmem:$0x17000] =	vst v63  }
0x6c: {  	_ =	swait.ge [sflag:s14], $0x2800  }
0x6d: {  	s19 =	sshll.u32 s1, $0x8;
	[sflag:s14] =	ssyncset.done $0x0  }
0x6e: {  	s8 =	sadd.s32 $0x100, s19;
	[sflag:s14] =	ssyncadd.s32 $0xFFFFD800  }
0x6f: {  	[tilespmem:s17], [sflag:$0x1] =	stream.indirect.gather [hbm4b:s3+s16], $0x80, s8, s16, $0xb8;
	[tilespmem:$0x17000] =	vst v63  }
0x70: {  	s15 =	sadd.s32 $0x4100, s19  }
0x71: {  	[tilespmem:s18], [sflag:$0x2] =	stream.indirect.gather [hbm4b:s4+s16], $0x80, s15, s16, $0xb8;
	[tilespmem:$0x17000] =	vst v63  }
0x72: {  	_ =	swait.ge [sflag:s26], $0x2800  }
0x73: {  	[sflag:s26] =	ssyncset.done $0x0  }
0x74: {  	[sflag:s26] =	ssyncadd.s32 $0xFFFFD800  }
0x75: {  	_ =	swait.ge [sflag:s28], $0x2800  }
0x76: {  	[sflag:s28] =	ssyncset.done $0x0  }
0x77: {  	s8 =	simm.s32 $0xD200;
	[sflag:s28] =	ssyncadd.s32 $0xFFFFD800  }
0x78: {  	s30 =	simm.s32 $0xFA00;
	v0 =	vld [tilespmem:s8+$0xFFFFFE00]  }
0x79: {  	v1 =	vld [tilespmem:s30+$0xFFFFFE00];
	_ =	sdelay $0x4  }
0x7a: {  	v0 =	vadd.f32 v1, v0  }
0x7b: {  	s31 =	simm.s32 $0x14A00  }
0x7c: {  	[tilespmem:s31+$0xFFFFFE00] =	vst v0  }
0x7d: {  	v0 =	vld [tilespmem:s30+$0xFFFFFE80]  }
0x7e: {  	v1 =	vld [tilespmem:s8+$0xFFFFFE80];
	_ =	sdelay $0x4  }
0x7f: {  	v0 =	vadd.f32 v0, v1;
	_ =	sdelay $0x1  }
0x80: {  	[tilespmem:s31+$0xFFFFFE80] =	vst v0  }
0x81: {  	v0 =	vld [tilespmem:s8+$0xFFFFFF00]  }
0x82: {  	v1 =	vld [tilespmem:s30+$0xFFFFFF00];
	_ =	sdelay $0x4  }
0x83: {  	v0 =	vadd.f32 v1, v0;
	_ =	sdelay $0x1  }
0x84: {  	[tilespmem:s31+$0xFFFFFF00] =	vst v0  }
0x85: {  	v0 =	vld [tilespmem:s8+$0xFFFFFF80]  }
0x86: {  	v1 =	vld [tilespmem:s30+$0xFFFFFF80];
	_ =	sdelay $0x4  }
0x87: {  	v0 =	vadd.f32 v1, v0;
	_ =	sdelay $0x1  }
0x88: {  	[tilespmem:s31+$0xFFFFFF80] =	vst v0  }
0x89: {  	v0 =	vld [tilespmem:s8+$0x0]  }
0x8a: {  	v1 =	vld [tilespmem:s30+$0x0];
	_ =	sdelay $0x4  }
0x8b: {  	v0 =	vadd.f32 v1, v0;
	_ =	sdelay $0x1  }
0x8c: {  	[tilespmem:s31+$0x0] =	vst v0  }
0x8d: {  	v0 =	vld [tilespmem:s8+$0x80]  }
0x8e: {  	v1 =	vld [tilespmem:s30+$0x80];
	_ =	sdelay $0x4  }
0x8f: {  	v0 =	vadd.f32 v1, v0;
	_ =	sdelay $0x1  }
0x90: {  	[tilespmem:s31+$0x80] =	vst v0  }
0x91: {  	v0 =	vld [tilespmem:s8+$0x100]  }
0x92: {  	v1 =	vld [tilespmem:s30+$0x100];
	_ =	sdelay $0x4  }
0x93: {  	v0 =	vadd.f32 v1, v0;
	_ =	sdelay $0x1  }
0x94: {  	[tilespmem:s31+$0x100] =	vst v0  }
0x95: {  	s7 =	simm.s32 $0x0;
	s15 =	simm.s32 $0x14A00;
	v0 =	vld [tilespmem:s8+$0x180];
	s8 =	simm.s32 $0xD600  }
.LBB2_5:
0x96: {  	s7 =	sadd.s32 $0x8, s7;
	v1 =	vld [tilespmem:s30+$0x180];
	s31 =	sadd.s32 $0x400, s31;
	s30 =	sadd.s32 $0x400, s30  }
0x97: {  	p0 =	slt.u32 s7, $0x48;
	_ =	sdelay $0x3  }
0x98: {  	v0 =	vadd.f32 v1, v0;
	_ =	sdelay $0x1  }
0x99: {  	[tilespmem:s15+$0x180] =	vst v0;
	s15 =	smov.u32 s31  }
0x9a: {  	v0 =	vld [tilespmem:s8+$0xFFFFFE00]  }
0x9b: {  	v1 =	vld [tilespmem:s30+$0xFFFFFE00];
	_ =	sdelay $0x4  }
0x9c: {  	v0 =	vadd.f32 v1, v0;
	_ =	sdelay $0x1  }
0x9d: {  	[tilespmem:s31+$0xFFFFFE00] =	vst v0  }
0x9e: {  	v0 =	vld [tilespmem:s30+$0xFFFFFE80]  }
0x9f: {  	v1 =	vld [tilespmem:s8+$0xFFFFFE80];
	_ =	sdelay $0x4  }
0xa0: {  	v0 =	vadd.f32 v0, v1;
	_ =	sdelay $0x1  }
0xa1: {  	[tilespmem:s31+$0xFFFFFE80] =	vst v0  }
0xa2: {  	v0 =	vld [tilespmem:s8+$0xFFFFFF00]  }
0xa3: {  	v1 =	vld [tilespmem:s30+$0xFFFFFF00];
	_ =	sdelay $0x4  }
0xa4: {  	v0 =	vadd.f32 v1, v0;
	_ =	sdelay $0x1  }
0xa5: {  	[tilespmem:s31+$0xFFFFFF00] =	vst v0  }
0xa6: {  	v0 =	vld [tilespmem:s8+$0xFFFFFF80]  }
0xa7: {  	v1 =	vld [tilespmem:s30+$0xFFFFFF80];
	_ =	sdelay $0x4  }
0xa8: {  	v0 =	vadd.f32 v1, v0;
	_ =	sdelay $0x1  }
0xa9: {  	[tilespmem:s31+$0xFFFFFF80] =	vst v0  }
0xaa: {  	v0 =	vld [tilespmem:s8+$0x0]  }
0xab: {  	v1 =	vld [tilespmem:s30+$0x0];
	_ =	sdelay $0x4  }
0xac: {  	v0 =	vadd.f32 v1, v0;
	_ =	sdelay $0x1  }
0xad: {  	[tilespmem:s31+$0x0] =	vst v0  }
0xae: {  	v0 =	vld [tilespmem:s8+$0x80]  }
0xaf: {  	v1 =	vld [tilespmem:s30+$0x80];
	_ =	sdelay $0x4  }
0xb0: {  	v0 =	vadd.f32 v1, v0;
	_ =	sdelay $0x1  }
0xb1: {  	[tilespmem:s31+$0x80] =	vst v0  }
0xb2: {  	v0 =	vld [tilespmem:s8+$0x100]  }
0xb3: {  	v1 =	vld [tilespmem:s30+$0x100];
	_ =	sdelay $0x3  }
.Ltmp1:
0xb4: {  	(pc) =	sbr.rel @p0 .LBB2_5-.Ltmp1, $3  }
0xb5: {  	v0 =	vadd.f32 v1, v0;
	_ =	sdelay $0x1  }
0xb6: {  	[tilespmem:s31+$0x100] =	vst v0  }
0xb7: {  	v0 =	vld [tilespmem:s8+$0x180];
	s8 =	sadd.s32 $0x400, s8  }
0xb8: {  	v1 =	vld [tilespmem:s30+$0x180];
	_ =	sdelay $0x4  }
0xb9: {  	s7 =	sadd.s32 s9, s21;
	v0 =	vadd.f32 v1, v0  }
0xba: {  	s7 =	sshll.u32 s7, $0x4  }
0xbb: {  	s1 =	sadd.s32 $0x1, s1;
	s7 =	sadd.s32 s5, s7;
	[tilespmem:s15+$0x180] =	vst v0  }
0xbc: {  	[hbm4b:s7+s2] =	stream.linear.scatter [tilespmem:s29], [sflag:$0x5], $0x2800, $0x38;
	[tilespmem:$0x17000] =	vst v63  }
0xbd: {  	p0 =	sne.s32 s1, $0x3D;
	_ =	swait.ge [sflag:s14], $0x2800  }
.Ltmp2:
0xbe: {  	[sflag:s14] =	ssyncset.done $0x0;
	(pc) =	sbr.rel @p0 .LBB2_2-.Ltmp2, $4  }
0xbf: {  	s30 =	sadd.s32 $0x180, s19;
	[sflag:s14] =	ssyncadd.s32 $0xFFFFD800  }
0xc0: {  	[tilespmem:s20], [sflag:$0x3] =	stream.indirect.gather [hbm4b:s3+s16], $0x80, s30, s16, $0xb8;
	[tilespmem:$0x17000] =	vst v63  }
0xc1: {  	s31 =	sadd.s32 $0x4180, s19  }
0xc2: {  	[tilespmem:s22], [sflag:$0x4] =	stream.indirect.gather [hbm4b:s4+s16], $0x80, s31, s16, $0xb8;
	[tilespmem:$0x17000] =	vst v63  }
0xc3: {  	_ =	swait.ge [sflag:s23], $0x2800  }
0xc4: {  	[sflag:s23] =	ssyncset.done $0x0  }
0xc5: {  	[sflag:s23] =	ssyncadd.s32 $0xFFFFD800  }
0xc6: {  	_ =	swait.ge [sflag:s24], $0x2800  }
0xc7: {  	[sflag:s24] =	ssyncset.done $0x0  }
0xc8: {  	s8 =	simm.s32 $0x8200;
	[sflag:s24] =	ssyncadd.s32 $0xFFFFD800  }
0xc9: {  	s1 =	simm.s32 $0xAA00;
	v0 =	vld [tilespmem:s8+$0xFFFFFE00]  }
0xca: {  	v1 =	vld [tilespmem:s1+$0xFFFFFE00];
	_ =	sdelay $0x4  }
0xcb: {  	v0 =	vadd.f32 v1, v0  }
0xcc: {  	s19 =	simm.s32 $0x12200  }
0xcd: {  	[tilespmem:s19+$0xFFFFFE00] =	vst v0  }
0xce: {  	v0 =	vld [tilespmem:s1+$0xFFFFFE80]  }
0xcf: {  	v1 =	vld [tilespmem:s8+$0xFFFFFE80];
	_ =	sdelay $0x4  }
0xd0: {  	v0 =	vadd.f32 v0, v1;
	_ =	sdelay $0x1  }
0xd1: {  	[tilespmem:s19+$0xFFFFFE80] =	vst v0  }
0xd2: {  	v0 =	vld [tilespmem:s8+$0xFFFFFF00]  }
0xd3: {  	v1 =	vld [tilespmem:s1+$0xFFFFFF00];
	_ =	sdelay $0x4  }
0xd4: {  	v0 =	vadd.f32 v1, v0;
	_ =	sdelay $0x1  }
0xd5: {  	[tilespmem:s19+$0xFFFFFF00] =	vst v0  }
0xd6: {  	v0 =	vld [tilespmem:s8+$0xFFFFFF80]  }
0xd7: {  	v1 =	vld [tilespmem:s1+$0xFFFFFF80];
	_ =	sdelay $0x4  }
0xd8: {  	v0 =	vadd.f32 v1, v0;
	_ =	sdelay $0x1  }
0xd9: {  	[tilespmem:s19+$0xFFFFFF80] =	vst v0  }
0xda: {  	v0 =	vld [tilespmem:s8+$0x0]  }
0xdb: {  	v1 =	vld [tilespmem:s1+$0x0];
	_ =	sdelay $0x4  }
0xdc: {  	v0 =	vadd.f32 v1, v0;
	_ =	sdelay $0x1  }
0xdd: {  	[tilespmem:s19+$0x0] =	vst v0  }
0xde: {  	v0 =	vld [tilespmem:s8+$0x80]  }
0xdf: {  	v1 =	vld [tilespmem:s1+$0x80];
	_ =	sdelay $0x4  }
0xe0: {  	v0 =	vadd.f32 v1, v0;
	_ =	sdelay $0x1  }
0xe1: {  	[tilespmem:s19+$0x80] =	vst v0  }
0xe2: {  	v0 =	vld [tilespmem:s8+$0x100]  }
0xe3: {  	v1 =	vld [tilespmem:s1+$0x100];
	_ =	sdelay $0x4  }
0xe4: {  	v0 =	vadd.f32 v1, v0;
	_ =	sdelay $0x1  }
0xe5: {  	[tilespmem:s19+$0x100] =	vst v0  }
0xe6: {  	s7 =	simm.s32 $0x0;
	s15 =	simm.s32 $0x12200;
	v0 =	vld [tilespmem:s8+$0x180];
	s8 =	simm.s32 $0x8600  }
.LBB2_8:
0xe7: {  	s7 =	sadd.s32 $0x8, s7;
	v1 =	vld [tilespmem:s1+$0x180];
	s19 =	sadd.s32 $0x400, s19;
	s1 =	sadd.s32 $0x400, s1  }
0xe8: {  	p0 =	slt.u32 s7, $0x48;
	_ =	sdelay $0x3  }
0xe9: {  	v0 =	vadd.f32 v1, v0;
	_ =	sdelay $0x1  }
0xea: {  	[tilespmem:s15+$0x180] =	vst v0;
	s15 =	smov.u32 s19  }
0xeb: {  	v0 =	vld [tilespmem:s8+$0xFFFFFE00]  }
0xec: {  	v1 =	vld [tilespmem:s1+$0xFFFFFE00];
	_ =	sdelay $0x4  }
0xed: {  	v0 =	vadd.f32 v1, v0;
	_ =	sdelay $0x1  }
0xee: {  	[tilespmem:s19+$0xFFFFFE00] =	vst v0  }
0xef: {  	v0 =	vld [tilespmem:s1+$0xFFFFFE80]  }
0xf0: {  	v1 =	vld [tilespmem:s8+$0xFFFFFE80];
	_ =	sdelay $0x4  }
0xf1: {  	v0 =	vadd.f32 v0, v1;
	_ =	sdelay $0x1  }
0xf2: {  	[tilespmem:s19+$0xFFFFFE80] =	vst v0  }
0xf3: {  	v0 =	vld [tilespmem:s8+$0xFFFFFF00]  }
0xf4: {  	v1 =	vld [tilespmem:s1+$0xFFFFFF00];
	_ =	sdelay $0x4  }
0xf5: {  	v0 =	vadd.f32 v1, v0;
	_ =	sdelay $0x1  }
0xf6: {  	[tilespmem:s19+$0xFFFFFF00] =	vst v0  }
0xf7: {  	v0 =	vld [tilespmem:s8+$0xFFFFFF80]  }
0xf8: {  	v1 =	vld [tilespmem:s1+$0xFFFFFF80];
	_ =	sdelay $0x4  }
0xf9: {  	v0 =	vadd.f32 v1, v0;
	_ =	sdelay $0x1  }
0xfa: {  	[tilespmem:s19+$0xFFFFFF80] =	vst v0  }
0xfb: {  	v0 =	vld [tilespmem:s8+$0x0]  }
0xfc: {  	v1 =	vld [tilespmem:s1+$0x0];
	_ =	sdelay $0x4  }
0xfd: {  	v0 =	vadd.f32 v1, v0;
	_ =	sdelay $0x1  }
0xfe: {  	[tilespmem:s19+$0x0] =	vst v0  }
0xff: {  	v0 =	vld [tilespmem:s8+$0x80]  }
0x100: {  	v1 =	vld [tilespmem:s1+$0x80];
	_ =	sdelay $0x4  }
0x101: {  	v0 =	vadd.f32 v1, v0;
	_ =	sdelay $0x1  }
0x102: {  	[tilespmem:s19+$0x80] =	vst v0  }
0x103: {  	v0 =	vld [tilespmem:s8+$0x100]  }
0x104: {  	v1 =	vld [tilespmem:s1+$0x100];
	_ =	sdelay $0x3  }
.Ltmp3:
0x105: {  	(pc) =	sbr.rel @p0 .LBB2_8-.Ltmp3, $3  }
0x106: {  	v0 =	vadd.f32 v1, v0;
	_ =	sdelay $0x1  }
0x107: {  	[tilespmem:s19+$0x100] =	vst v0  }
0x108: {  	v0 =	vld [tilespmem:s8+$0x180];
	s8 =	sadd.s32 $0x400, s8  }
0x109: {  	v1 =	vld [tilespmem:s1+$0x180];
	_ =	sdelay $0x4  }
0x10a: {  	v0 =	vadd.f32 v1, v0;
	_ =	sdelay $0x1  }
0x10b: {  	[tilespmem:s15+$0x180] =	vst v0  }
0x10c: {  	[hbm4b:s10+s2] =	stream.linear.scatter [tilespmem:s25], [sflag:$0x5], $0x2800, $0x38;
	[tilespmem:$0x17000] =	vst v63  }
0x10d: {  	_ =	swait.ge [sflag:s14], $0x2800  }
0x10e: {  	[sflag:s14] =	ssyncset.done $0x0  }
0x10f: {  	s30 =	simm.s32 $0x3E00;
	[sflag:s14] =	ssyncadd.s32 $0xFFFFD800  }
0x110: {  	[tilespmem:s17], [sflag:$0x1] =	stream.indirect.gather [hbm4b:s3+s16], $0x80, s30, s16, $0xb8;
	[tilespmem:$0x17000] =	vst v63  }
0x111: {  	s31 =	simm.s32 $0x7E00  }
0x112: {  	[tilespmem:s18], [sflag:$0x2] =	stream.indirect.gather [hbm4b:s4+s16], $0x80, s31, s16, $0xb8;
	[tilespmem:$0x17000] =	vst v63  }
0x113: {  	_ =	swait.ge [sflag:s26], $0x2800  }
0x114: {  	[sflag:s26] =	ssyncset.done $0x0  }
0x115: {  	[sflag:s26] =	ssyncadd.s32 $0xFFFFD800  }
0x116: {  	_ =	swait.ge [sflag:s28], $0x2800  }
0x117: {  	[sflag:s28] =	ssyncset.done $0x0  }
0x118: {  	s8 =	simm.s32 $0xD200;
	[sflag:s28] =	ssyncadd.s32 $0xFFFFD800  }
0x119: {  	s1 =	simm.s32 $0xFA00;
	v0 =	vld [tilespmem:s8+$0xFFFFFE00]  }
0x11a: {  	v1 =	vld [tilespmem:s1+$0xFFFFFE00];
	_ =	sdelay $0x4  }
0x11b: {  	v0 =	vadd.f32 v1, v0  }
0x11c: {  	s19 =	simm.s32 $0x14A00  }
0x11d: {  	[tilespmem:s19+$0xFFFFFE00] =	vst v0  }
0x11e: {  	v0 =	vld [tilespmem:s1+$0xFFFFFE80]  }
0x11f: {  	v1 =	vld [tilespmem:s8+$0xFFFFFE80];
	_ =	sdelay $0x4  }
0x120: {  	v0 =	vadd.f32 v0, v1;
	_ =	sdelay $0x1  }
0x121: {  	[tilespmem:s19+$0xFFFFFE80] =	vst v0  }
0x122: {  	v0 =	vld [tilespmem:s8+$0xFFFFFF00]  }
0x123: {  	v1 =	vld [tilespmem:s1+$0xFFFFFF00];
	_ =	sdelay $0x4  }
0x124: {  	v0 =	vadd.f32 v1, v0;
	_ =	sdelay $0x1  }
0x125: {  	[tilespmem:s19+$0xFFFFFF00] =	vst v0  }
0x126: {  	v0 =	vld [tilespmem:s8+$0xFFFFFF80]  }
0x127: {  	v1 =	vld [tilespmem:s1+$0xFFFFFF80];
	_ =	sdelay $0x4  }
0x128: {  	v0 =	vadd.f32 v1, v0;
	_ =	sdelay $0x1  }
0x129: {  	[tilespmem:s19+$0xFFFFFF80] =	vst v0  }
0x12a: {  	v0 =	vld [tilespmem:s8+$0x0]  }
0x12b: {  	v1 =	vld [tilespmem:s1+$0x0];
	_ =	sdelay $0x4  }
0x12c: {  	v0 =	vadd.f32 v1, v0;
	_ =	sdelay $0x1  }
0x12d: {  	[tilespmem:s19+$0x0] =	vst v0  }
0x12e: {  	v0 =	vld [tilespmem:s8+$0x80]  }
0x12f: {  	v1 =	vld [tilespmem:s1+$0x80];
	_ =	sdelay $0x4  }
0x130: {  	v0 =	vadd.f32 v1, v0;
	_ =	sdelay $0x1  }
0x131: {  	[tilespmem:s19+$0x80] =	vst v0  }
0x132: {  	v0 =	vld [tilespmem:s8+$0x100]  }
0x133: {  	v1 =	vld [tilespmem:s1+$0x100];
	_ =	sdelay $0x4  }
0x134: {  	v0 =	vadd.f32 v1, v0;
	_ =	sdelay $0x1  }
0x135: {  	[tilespmem:s19+$0x100] =	vst v0  }
0x136: {  	s7 =	simm.s32 $0x0;
	s15 =	simm.s32 $0x14A00;
	v0 =	vld [tilespmem:s8+$0x180];
	s8 =	simm.s32 $0xD600  }
.LBB2_10:
0x137: {  	s7 =	sadd.s32 $0x8, s7;
	v1 =	vld [tilespmem:s1+$0x180];
	s19 =	sadd.s32 $0x400, s19;
	s1 =	sadd.s32 $0x400, s1  }
0x138: {  	p0 =	slt.u32 s7, $0x48;
	_ =	sdelay $0x3  }
0x139: {  	v0 =	vadd.f32 v1, v0;
	_ =	sdelay $0x1  }
0x13a: {  	[tilespmem:s15+$0x180] =	vst v0;
	s15 =	smov.u32 s19  }
0x13b: {  	v0 =	vld [tilespmem:s8+$0xFFFFFE00]  }
0x13c: {  	v1 =	vld [tilespmem:s1+$0xFFFFFE00];
	_ =	sdelay $0x4  }
0x13d: {  	v0 =	vadd.f32 v1, v0;
	_ =	sdelay $0x1  }
0x13e: {  	[tilespmem:s19+$0xFFFFFE00] =	vst v0  }
0x13f: {  	v0 =	vld [tilespmem:s1+$0xFFFFFE80]  }
0x140: {  	v1 =	vld [tilespmem:s8+$0xFFFFFE80];
	_ =	sdelay $0x4  }
0x141: {  	v0 =	vadd.f32 v0, v1;
	_ =	sdelay $0x1  }
0x142: {  	[tilespmem:s19+$0xFFFFFE80] =	vst v0  }
0x143: {  	v0 =	vld [tilespmem:s8+$0xFFFFFF00]  }
0x144: {  	v1 =	vld [tilespmem:s1+$0xFFFFFF00];
	_ =	sdelay $0x4  }
0x145: {  	v0 =	vadd.f32 v1, v0;
	_ =	sdelay $0x1  }
0x146: {  	[tilespmem:s19+$0xFFFFFF00] =	vst v0  }
0x147: {  	v0 =	vld [tilespmem:s8+$0xFFFFFF80]  }
0x148: {  	v1 =	vld [tilespmem:s1+$0xFFFFFF80];
	_ =	sdelay $0x4  }
0x149: {  	v0 =	vadd.f32 v1, v0;
	_ =	sdelay $0x1  }
0x14a: {  	[tilespmem:s19+$0xFFFFFF80] =	vst v0  }
0x14b: {  	v0 =	vld [tilespmem:s8+$0x0]  }
0x14c: {  	v1 =	vld [tilespmem:s1+$0x0];
	_ =	sdelay $0x4  }
0x14d: {  	v0 =	vadd.f32 v1, v0;
	_ =	sdelay $0x1  }
0x14e: {  	[tilespmem:s19+$0x0] =	vst v0  }
0x14f: {  	v0 =	vld [tilespmem:s8+$0x80]  }
0x150: {  	v1 =	vld [tilespmem:s1+$0x80];
	_ =	sdelay $0x4  }
0x151: {  	v0 =	vadd.f32 v1, v0;
	_ =	sdelay $0x1  }
0x152: {  	[tilespmem:s19+$0x80] =	vst v0  }
0x153: {  	v0 =	vld [tilespmem:s8+$0x100]  }
0x154: {  	v1 =	vld [tilespmem:s1+$0x100];
	_ =	sdelay $0x3  }
.Ltmp4:
0x155: {  	(pc) =	sbr.rel @p0 .LBB2_10-.Ltmp4, $3  }
0x156: {  	v0 =	vadd.f32 v1, v0;
	_ =	sdelay $0x1  }
0x157: {  	[tilespmem:s19+$0x100] =	vst v0  }
0x158: {  	v0 =	vld [tilespmem:s8+$0x180];
	s8 =	sadd.s32 $0x400, s8  }
0x159: {  	v1 =	vld [tilespmem:s1+$0x180];
	_ =	sdelay $0x4  }
0x15a: {  	v0 =	vadd.f32 v1, v0;
	_ =	sdelay $0x1  }
0x15b: {  	[tilespmem:s15+$0x180] =	vst v0  }
0x15c: {  	[hbm4b:s11+s2] =	stream.linear.scatter [tilespmem:s29], [sflag:$0x5], $0x2800, $0x38;
	[tilespmem:$0x17000] =	vst v63  }
0x15d: {  	_ =	swait.ge [sflag:s14], $0x2800  }
0x15e: {  	[sflag:s14] =	ssyncset.done $0x0  }
0x15f: {  	[sflag:s14] =	ssyncadd.s32 $0xFFFFD800  }
0x160: {  	_ =	swait.ge [sflag:s23], $0x2800  }
0x161: {  	[sflag:s23] =	ssyncset.done $0x0  }
0x162: {  	[sflag:s23] =	ssyncadd.s32 $0xFFFFD800  }
0x163: {  	_ =	swait.ge [sflag:s24], $0x2800  }
0x164: {  	[sflag:s24] =	ssyncset.done $0x0  }
0x165: {  	s8 =	simm.s32 $0x8200;
	[sflag:s24] =	ssyncadd.s32 $0xFFFFD800  }
0x166: {  	s1 =	simm.s32 $0xAA00;
	v0 =	vld [tilespmem:s8+$0xFFFFFE00]  }
0x167: {  	v1 =	vld [tilespmem:s1+$0xFFFFFE00];
	_ =	sdelay $0x4  }
0x168: {  	v0 =	vadd.f32 v1, v0  }
0x169: {  	s19 =	simm.s32 $0x12200  }
0x16a: {  	[tilespmem:s19+$0xFFFFFE00] =	vst v0  }
0x16b: {  	v0 =	vld [tilespmem:s1+$0xFFFFFE80]  }
0x16c: {  	v1 =	vld [tilespmem:s8+$0xFFFFFE80];
	_ =	sdelay $0x4  }
0x16d: {  	v0 =	vadd.f32 v0, v1;
	_ =	sdelay $0x1  }
0x16e: {  	[tilespmem:s19+$0xFFFFFE80] =	vst v0  }
0x16f: {  	v0 =	vld [tilespmem:s8+$0xFFFFFF00]  }
0x170: {  	v1 =	vld [tilespmem:s1+$0xFFFFFF00];
	_ =	sdelay $0x4  }
0x171: {  	v0 =	vadd.f32 v1, v0;
	_ =	sdelay $0x1  }
0x172: {  	[tilespmem:s19+$0xFFFFFF00] =	vst v0  }
0x173: {  	v0 =	vld [tilespmem:s8+$0xFFFFFF80]  }
0x174: {  	v1 =	vld [tilespmem:s1+$0xFFFFFF80];
	_ =	sdelay $0x4  }
0x175: {  	v0 =	vadd.f32 v1, v0;
	_ =	sdelay $0x1  }
0x176: {  	[tilespmem:s19+$0xFFFFFF80] =	vst v0  }
0x177: {  	v0 =	vld [tilespmem:s8+$0x0]  }
0x178: {  	v1 =	vld [tilespmem:s1+$0x0];
	_ =	sdelay $0x4  }
0x179: {  	v0 =	vadd.f32 v1, v0;
	_ =	sdelay $0x1  }
0x17a: {  	[tilespmem:s19+$0x0] =	vst v0  }
0x17b: {  	v0 =	vld [tilespmem:s8+$0x80]  }
0x17c: {  	v1 =	vld [tilespmem:s1+$0x80];
	_ =	sdelay $0x4  }
0x17d: {  	v0 =	vadd.f32 v1, v0;
	_ =	sdelay $0x1  }
0x17e: {  	[tilespmem:s19+$0x80] =	vst v0  }
0x17f: {  	v0 =	vld [tilespmem:s8+$0x100]  }
0x180: {  	v1 =	vld [tilespmem:s1+$0x100];
	_ =	sdelay $0x4  }
0x181: {  	v0 =	vadd.f32 v1, v0;
	_ =	sdelay $0x1  }
0x182: {  	[tilespmem:s19+$0x100] =	vst v0  }
0x183: {  	s7 =	simm.s32 $0x0;
	s15 =	simm.s32 $0x12200;
	v0 =	vld [tilespmem:s8+$0x180];
	s8 =	simm.s32 $0x8600  }
.LBB2_12:
0x184: {  	s7 =	sadd.s32 $0x8, s7;
	v1 =	vld [tilespmem:s1+$0x180];
	s19 =	sadd.s32 $0x400, s19;
	s1 =	sadd.s32 $0x400, s1  }
0x185: {  	p0 =	slt.u32 s7, $0x48;
	_ =	sdelay $0x3  }
0x186: {  	v0 =	vadd.f32 v1, v0;
	_ =	sdelay $0x1  }
0x187: {  	[tilespmem:s15+$0x180] =	vst v0;
	s15 =	smov.u32 s19  }
0x188: {  	v0 =	vld [tilespmem:s8+$0xFFFFFE00]  }
0x189: {  	v1 =	vld [tilespmem:s1+$0xFFFFFE00];
	_ =	sdelay $0x4  }
0x18a: {  	v0 =	vadd.f32 v1, v0;
	_ =	sdelay $0x1  }
0x18b: {  	[tilespmem:s19+$0xFFFFFE00] =	vst v0  }
0x18c: {  	v0 =	vld [tilespmem:s1+$0xFFFFFE80]  }
0x18d: {  	v1 =	vld [tilespmem:s8+$0xFFFFFE80];
	_ =	sdelay $0x4  }
0x18e: {  	v0 =	vadd.f32 v0, v1;
	_ =	sdelay $0x1  }
0x18f: {  	[tilespmem:s19+$0xFFFFFE80] =	vst v0  }
0x190: {  	v0 =	vld [tilespmem:s8+$0xFFFFFF00]  }
0x191: {  	v1 =	vld [tilespmem:s1+$0xFFFFFF00];
	_ =	sdelay $0x4  }
0x192: {  	v0 =	vadd.f32 v1, v0;
	_ =	sdelay $0x1  }
0x193: {  	[tilespmem:s19+$0xFFFFFF00] =	vst v0  }
0x194: {  	v0 =	vld [tilespmem:s8+$0xFFFFFF80]  }
0x195: {  	v1 =	vld [tilespmem:s1+$0xFFFFFF80];
	_ =	sdelay $0x4  }
0x196: {  	v0 =	vadd.f32 v1, v0;
	_ =	sdelay $0x1  }
0x197: {  	[tilespmem:s19+$0xFFFFFF80] =	vst v0  }
0x198: {  	v0 =	vld [tilespmem:s8+$0x0]  }
0x199: {  	v1 =	vld [tilespmem:s1+$0x0];
	_ =	sdelay $0x4  }
0x19a: {  	v0 =	vadd.f32 v1, v0;
	_ =	sdelay $0x1  }
0x19b: {  	[tilespmem:s19+$0x0] =	vst v0  }
0x19c: {  	v0 =	vld [tilespmem:s8+$0x80]  }
0x19d: {  	v1 =	vld [tilespmem:s1+$0x80];
	_ =	sdelay $0x4  }
0x19e: {  	v0 =	vadd.f32 v1, v0;
	_ =	sdelay $0x1  }
0x19f: {  	[tilespmem:s19+$0x80] =	vst v0  }
0x1a0: {  	v0 =	vld [tilespmem:s8+$0x100]  }
0x1a1: {  	v1 =	vld [tilespmem:s1+$0x100];
	_ =	sdelay $0x3  }
.Ltmp5:
0x1a2: {  	(pc) =	sbr.rel @p0 .LBB2_12-.Ltmp5, $3  }
0x1a3: {  	v0 =	vadd.f32 v1, v0;
	_ =	sdelay $0x1  }
0x1a4: {  	[tilespmem:s19+$0x100] =	vst v0  }
0x1a5: {  	v0 =	vld [tilespmem:s8+$0x180];
	s8 =	sadd.s32 $0x400, s8  }
0x1a6: {  	v1 =	vld [tilespmem:s1+$0x180];
	_ =	sdelay $0x4  }
0x1a7: {  	s0 =	sadd.s32 $0x1, s0;
	v0 =	vadd.f32 v1, v0  }
0x1a8: {  	p0 =	sne.s32 s0, s13  }
.Ltmp6:
0x1a9: {  	[tilespmem:s15+$0x180] =	vst v0;
	(pc) =	sbr.rel @p0 .LBB2_1-.Ltmp6, $4  }
0x1aa: {  	[hbm4b:s12+s2] =	stream.linear.scatter [tilespmem:s25], [sflag:$0x5], $0x2800, $0x38;
	[tilespmem:$0x17000] =	vst v63  }
0x1ab: {  	_ =	swait.ge [sflag:s14], $0x2800  }
0x1ac: {  	[sflag:s14] =	ssyncset.done $0x0  }
0x1ad: {  	[sflag:s14] =	ssyncadd.s32 $0xFFFFD800  }
0x1ae: {  	_ =	sfence.sel $0x180000  }
0x1af: {  	[bflag:$0x0] =	sbarrier.arrive $0xFFFF  }
0x1b0: {  	_ =	strace $0x9000005C  }
0x1b1: {  	s0 =	stileid.u32;
	[bflag:$0x2] =	sbarrier.arrive $0xFFFF  }
0x1b2: {  	p0 =	sne.s32 s0, $0x0;
	s0 =	rddreg [dreg:$0x1]  }
0x1b3: {  	s0 =	sadd.s32 @!p0 $0x100000, s0  }
0x1b4: {  	[sflag:s0] =	ssyncadd.tile.s32 @!p0 $0x1;
	_ =	shalt  }
.Lfunc_end2:
_tile_overlayer_lowered:
.L_overlay_start_2:
0x1b5: {  	(tag) =	ssettag $0x2  }
0x1b6: {  	s0 =	rddreg [dreg:$0x0];
	s2 =	stileid.u32  }
0x1b7: {  	s1 =	rddreg [dreg:$0x1];
	p0 =	sne.s32 s2, $0x0  }
0x1b8: {  	s3 =	rddreg [dreg:$0x2];
	[bflag:$0x3] =	sbarrier.arrive $0xFFFF;
	s2 =	simm.s32 @!p0 $0x1C05  }
0x1b9: {  	[timem:s3], [sflag:s2] =	dma.local @!p0 [hbm:s0], s1  }
0x1ba: {  	s0 =	simm.s32 @!p0 $0x5  }
0x1bb: {  	_ =	swait.ge @!p0 [sflag:s0], s1  }
0x1bc: {  	s1 =	ssub.s32 @!p0 $0x0, s1;
	[sflag:s0] =	ssyncset.done @!p0 $0x0  }
0x1bd: {  	[sflag:s0] =	ssyncadd.s32 @!p0 s1  }
0x1be: {  	[bflag:$0x3] =	sbarrier.arrive $0xFFFF  }
0x1bf: {  	_ =	shalt  }

</sc_bundles>
